<compile_context>
chip_gen: v7x
topology: tpu7x:2x2x1
jax: 0.10.2.dev20260603
libtpu: 0.0.44.dev20260713+nightly
codegen_flags: <defaults>
</compile_context>

<pallas_src>
import functools

import jax
import jax.numpy as jnp
from jax import lax
from jax.experimental import pallas as pl
from jax.experimental.pallas import tpu as pltpu
from jax.experimental.pallas import tpu_sc as plsc

_N = 10000
_E = 320000
_DIN = 128
_DH = 64
_DP = 128
_NC = 2
_NS = 16
_NW = _NC * _NS
_EPW = _E // _NW
_CHUNK = 80
_NCHUNK = _EPW // _CHUNK
_SLAB = 624
_TAIL_BASE = _NS * _SLAB
_TAIL = _N - _TAIL_BASE
_CH = 320
_BR = 4
_NBLK = 10240 // (_BR * _CH)
_EPW_PAD = _NBLK * _BR * _CH
_NPAD = _EPW_PAD - _EPW
_NP = _N + 16
_SROWS = 48

@functools.cache
def _mesh():
    return plsc.VectorSubcoreMesh(
        core_axis_name="c", subcore_axis_name="s", num_cores=_NC, num_subcores=_NS
    )


def _deg_body(dst_hbm, out_hbm, dacc, dst_all, ones_v, zb):
    cid = lax.axis_index("c")
    sid = lax.axis_index("s")
    wid = sid * _NC + cid
    pltpu.sync_copy(dst_hbm.at[wid], dst_all)

    def _z(i, _):
        zb[pl.ds(i * 16, 16)] = jnp.zeros((16,), jnp.float32)
        return 0

    lax.fori_loop(0, _SLAB // 16, _z, 0)

    def _o(i, _):
        ones_v[pl.ds(i * 16, 16)] = jnp.ones((16,), jnp.float32)
        return 0

    lax.fori_loop(0, _CHUNK // 16, _o, 0)

    base = sid * _SLAB
    pltpu.sync_copy(zb, dacc.at[pl.ds(base, _SLAB)])

    @pl.when(sid == _NS - 1)
    def _():
        pltpu.sync_copy(zb.at[pl.ds(0, _TAIL)], dacc.at[pl.ds(_TAIL_BASE, _TAIL)])

    plsc.subcore_barrier()

    def _step(c, _):
        pltpu.sync_copy(ones_v, dacc.at[dst_all.at[c]], add=True)
        return 0

    lax.fori_loop(0, _NCHUNK, _step, 0)
    plsc.subcore_barrier()

    pltpu.sync_copy(dacc.at[pl.ds(base, _SLAB)], zb)
    pltpu.sync_copy(zb, out_hbm.at[pl.ds(cid * _N + base, _SLAB)])

    @pl.when(sid == _NS - 1)
    def _():
        pltpu.sync_copy(dacc.at[pl.ds(_TAIL_BASE, _TAIL)], zb.at[pl.ds(0, _TAIL)])
        pltpu.sync_copy(zb.at[pl.ds(0, _TAIL)],
                        out_hbm.at[pl.ds(cid * _N + _TAIL_BASE, _TAIL)])


@functools.cache
def _deg():
    return pl.kernel(
        _deg_body,
        out_type=jax.ShapeDtypeStruct((_NC * _N,), jnp.float32),
        mesh=_mesh(),
        scratch_types=[
            pltpu.VMEM_SHARED((_N,), jnp.float32),
            pltpu.VMEM((_NCHUNK, _CHUNK), jnp.int32),
            pltpu.VMEM((_CHUNK,), jnp.float32),
            pltpu.VMEM((_SLAB,), jnp.float32),
        ],
    )


def _agg_body(y_hbm, src_hbm, dst_hbm, out_hbm, y_sp, acc, src_blk,
              dst_blk, rows_a, rows_b, stage, sem_a, sem_b):
    cid = lax.axis_index("c")
    sid = lax.axis_index("s")
    wid = sid * _NC + cid

    def _z(r, _):
        for j in range(_DH // 16):
            rows_a[r, pl.ds(j * 16, 16)] = jnp.zeros((16,), jnp.float32)
        return 0

    lax.fori_loop(0, _CH, _z, 0)

    base = sid * _SLAB
    _REM = _SLAB % _CH
    for k in range(_SLAB // _CH):
        pltpu.sync_copy(rows_a, acc.at[pl.ds(base + k * _CH, _CH)])
    pltpu.sync_copy(rows_a.at[pl.ds(0, _REM)],
                    acc.at[pl.ds(base + _SLAB - _REM, _REM)])

    @pl.when(sid == _NS - 1)
    def _():
        pltpu.sync_copy(rows_a.at[pl.ds(0, _TAIL)], acc.at[pl.ds(_TAIL_BASE, _TAIL)])

    def _narrow(nrows):
        def _w(r, _):
            for j in range(_DH // 16):
                rows_b[r, pl.ds(j * 16, 16)] = stage[r, pl.ds(j * 16, 16)]
            return 0

        lax.fori_loop(0, nrows, _w, 0)

    def _stage_y(k, _):
        off = base + k * _SROWS
        pltpu.sync_copy(y_hbm.at[pl.ds(off, _SROWS)], stage)
        _narrow(_SROWS)
        pltpu.sync_copy(rows_b.at[pl.ds(0, _SROWS)], y_sp.at[pl.ds(off, _SROWS)])
        return 0

    lax.fori_loop(0, _SLAB // _SROWS, _stage_y, 0)

    @pl.when(sid == _NS - 1)
    def _():
        pltpu.sync_copy(y_hbm.at[pl.ds(_TAIL_BASE, _TAIL)], stage.at[pl.ds(0, _TAIL)])
        _narrow(_TAIL)
        pltpu.sync_copy(rows_b.at[pl.ds(0, _TAIL)], y_sp.at[pl.ds(_TAIL_BASE, _TAIL)])

    plsc.subcore_barrier()

    def _issue_g(r, buf, sem):
        pltpu.async_copy(y_sp.at[src_blk.at[r]], buf, sem)

    def _wait_g(buf, sem):
        pltpu.make_async_copy(y_sp.at[src_blk.at[0]], buf, sem).wait()

    def _blk(b, _):
        pltpu.sync_copy(src_hbm.at[wid, b], src_blk)
        pltpu.sync_copy(dst_hbm.at[wid, b], dst_blk)
        _issue_g(0, rows_a, sem_a)
        _issue_g(1, rows_b, sem_b)

        def _step(i, _):
            _wait_g(rows_a, sem_a)
            pltpu.sync_copy(rows_a, acc.at[dst_blk.at[2 * i]], add=True)

            @pl.when(i < _BR // 2 - 1)
            def _():
                _issue_g(2 * i + 2, rows_a, sem_a)

            _wait_g(rows_b, sem_b)
            pltpu.sync_copy(rows_b, acc.at[dst_blk.at[2 * i + 1]], add=True)

            @pl.when(i < _BR // 2 - 1)
            def _():
                _issue_g(2 * i + 3, rows_b, sem_b)

            return 0

        lax.fori_loop(0, _BR // 2, _step, 0)
        return 0

    lax.fori_loop(0, _NBLK, _blk, 0)
    plsc.subcore_barrier()

    def _widen(nrows):
        def _w(r, _):
            for j in range(_DH // 16):
                stage[r, pl.ds(j * 16, 16)] = rows_a[r, pl.ds(j * 16, 16)]
            return 0

        lax.fori_loop(0, nrows, _w, 0)

    def _co(k, _):
        off = base + k * _SROWS
        pltpu.sync_copy(acc.at[pl.ds(off, _SROWS)], rows_a.at[pl.ds(0, _SROWS)])
        _widen(_SROWS)
        pltpu.sync_copy(stage, out_hbm.at[cid, pl.ds(off, _SROWS)])
        return 0

    lax.fori_loop(0, _SLAB // _SROWS, _co, 0)

    @pl.when(sid == _NS - 1)
    def _():
        pltpu.sync_copy(acc.at[pl.ds(_TAIL_BASE, _TAIL)], rows_a.at[pl.ds(0, _TAIL)])
        _widen(_TAIL)
        pltpu.sync_copy(stage.at[pl.ds(0, _TAIL)],
                        out_hbm.at[cid, pl.ds(_TAIL_BASE, _TAIL)])


@functools.cache
def _agg():
    return pl.kernel(
        _agg_body,
        out_type=jax.ShapeDtypeStruct((_NC, _N, 128), jnp.float32),
        mesh=_mesh(),
        compiler_params=pltpu.CompilerParams(use_tc_tiling_on_sc=False),
        scratch_types=[
            pltpu.VMEM_SHARED((_NP, _DH), jnp.float32),
            pltpu.VMEM_SHARED((_NP, _DH), jnp.float32),
            pltpu.VMEM((_BR, _CH), jnp.int32),
            pltpu.VMEM((_BR, _CH), jnp.int32),
            pltpu.VMEM((_CH, _DH), jnp.float32),
            pltpu.VMEM((_CH, _DH), jnp.float32),
            pltpu.VMEM((_SROWS, _DP), jnp.float32),
            pltpu.SemaphoreType.DMA,
            pltpu.SemaphoreType.DMA,
        ],
    )


def _tc1_body(degp_ref, x_ref, w_ref, y_ref, dis_ref):
    deg = degp_ref[:, 0:1] + degp_ref[:, 1:2] + 1.0
    dis = 1.0 / jnp.sqrt(deg)
    y_ref[pl.ds(0, _N), :] = dis * jnp.dot(x_ref[...], w_ref[...],
                                           preferred_element_type=jnp.float32)
    y_ref[pl.ds(_N, _NP - _N), :] = jnp.zeros((_NP - _N, _DP), jnp.float32)
    dis_ref[...] = dis


_tc1 = pl.pallas_call(
    _tc1_body,
    out_shape=(
        jax.ShapeDtypeStruct((_NP, _DP), jnp.float32),
        jax.ShapeDtypeStruct((_N, 1), jnp.float32),
    ),
)


def _tc_mid_body(p_ref, y_ref, dis_ref, b_ref, w_ref, out_ref):
    s = p_ref[0] + p_ref[1] + y_ref[pl.ds(0, _N), :]
    h = jnp.maximum(dis_ref[...] * s[:, :_DH] + b_ref[...], 0.0)
    out_ref[pl.ds(0, _N), :] = dis_ref[...] * jnp.dot(
        h, w_ref[...], preferred_element_type=jnp.float32)
    out_ref[pl.ds(_N, _NP - _N), :] = jnp.zeros((_NP - _N, _DP), jnp.float32)


_tc_mid = pl.pallas_call(
    _tc_mid_body,
    out_shape=jax.ShapeDtypeStruct((_NP, _DP), jnp.float32),
)


def _tc_final_body(p_ref, y_ref, dis_ref, b_ref, wq_ref, bq_ref, q_ref):
    s = p_ref[0] + p_ref[1] + y_ref[pl.ds(0, _N), :]
    h = jnp.maximum(dis_ref[...] * s[:, :_DH] + b_ref[...], 0.0)
    q_ref[...] = jnp.dot(h, wq_ref[...],
                         preferred_element_type=jnp.float32) + bq_ref[...]


def _make_tc_final(a):
    return pl.pallas_call(
        _tc_final_body,
        out_shape=jax.ShapeDtypeStruct((_N, a), jnp.float32),
    )


def kernel(x, edge_index, W1, b1, W2, b2, W3, b3, Wq, bq):
    src3 = edge_index[0].reshape(_NW, _NCHUNK, _CHUNK)
    dst3 = edge_index[1].reshape(_NW, _NCHUNK, _CHUNK)

    padi = _N + (jnp.arange(_NPAD, dtype=jnp.int32) % (_NP - _N))
    padw = jnp.broadcast_to(padi, (_NW, _NPAD))
    src4 = jnp.concatenate([edge_index[0].reshape(_NW, _EPW), padw], axis=1)
    src4 = src4.reshape(_NW, _NBLK, _BR, _CH)
    dst4 = jnp.concatenate([edge_index[1].reshape(_NW, _EPW), padw], axis=1)
    dst4 = dst4.reshape(_NW, _NBLK, _BR, _CH)

    degp = _deg()(dst3)
    degp_t = jnp.transpose(degp.reshape(_NC, _N))

    pad = ((0, 0), (0, _DP - _DH))
    W1p, W2p, W3p = (jnp.pad(W, pad) for W in (W1, W2, W3))

    y1, dis = _tc1(degp_t, x, W1p)
    p = _agg()(y1, src4, dst4)
    y2 = _tc_mid(p, y1, dis, b1.reshape(1, _DH), W2p)
    p = _agg()(y2, src4, dst4)
    y3 = _tc_mid(p, y2, dis, b2.reshape(1, _DH), W3p)
    p = _agg()(y3, src4, dst4)
    q = _make_tc_final(Wq.shape[1])(p, y3, dis, b3.reshape(1, _DH), Wq,
                                    bq.reshape(1, Wq.shape[1]))
    return q

# --- scband reference (transcript-rebuilt; emitter-appended) ---
"""Pipeline reference for scband-mycelium-dqn-62113817035514 (READ-ONLY COPY).

The authoritative reference and input builder live on the scoring server;
editing this copy changes nothing except your own understanding.
"""

import jax, jax.numpy as jnp
import numpy as np

N = 10000
E = 320000
D_IN = 128
D_H = 64
A = 3


def setup_inputs(seed: int = 0) -> dict:
    key = jax.random.key(seed)
    ks = jax.random.split(key, 12)
    x = jax.random.normal(ks[0], (N, D_IN), dtype=jnp.float32)
    edge_index = jax.random.randint(ks[1], (2, E), 0, N, dtype=jnp.int32)
    def glorot(k, shape):
        lim = float(np.sqrt(6.0 / (shape[0] + shape[1])))
        return jax.random.uniform(k, shape, dtype=jnp.float32, minval=-lim, maxval=lim)
    W1 = glorot(ks[2], (D_IN, D_H)); b1 = jnp.zeros((D_H,), dtype=jnp.float32)
    W2 = glorot(ks[3], (D_H, D_H)); b2 = jnp.zeros((D_H,), dtype=jnp.float32)
    W3 = glorot(ks[4], (D_H, D_H)); b3 = jnp.zeros((D_H,), dtype=jnp.float32)
    Wq = glorot(ks[5], (D_H, A)); bq = jnp.zeros((A,), dtype=jnp.float32)
    return {"x": x, "edge_index": edge_index, "W1": W1, "b1": b1, "W2": W2, "b2": b2, "W3": W3, "b3": b3, "Wq": Wq, "bq": bq}


def gcn_conv(x, edge_index, W, b):
    # PyG GCNConv: add self-loops, symmetric normalization, then aggregate x @ W.
    n = x.shape[0]
    loop = jnp.arange(n, dtype=edge_index.dtype)
    src = jnp.concatenate([edge_index[0], loop])
    dst = jnp.concatenate([edge_index[1], loop])
    deg = jnp.zeros((n,), dtype=jnp.float32).at[dst].add(1.0)
    deg_inv_sqrt = jnp.where(deg > 0, 1.0 / jnp.sqrt(deg), 0.0)
    norm = deg_inv_sqrt[src] * deg_inv_sqrt[dst]
    xw = x @ W
    msgs = xw[src] * norm[:, None]
    out = jnp.zeros((n, W.shape[1]), dtype=jnp.float32).at[dst].add(msgs)
    return out + b


def reference(x, edge_index, W1, b1, W2, b2, W3, b3, Wq, bq):
    # Dropout is identity in eval mode; node_mask=None path.
    h = jax.nn.relu(gcn_conv(x, edge_index, W1, b1))
    h = jax.nn.relu(gcn_conv(h, edge_index, W2, b2))
    h = jax.nn.relu(gcn_conv(h, edge_index, W3, b3))
    # three Linear(hidden,1) heads concatenated == single [hidden,3] matmul
    q = h @ Wq + bq
    return q

if __name__ == "__main__":
    import jax
    _d = setup_inputs()
    print(jax.jit(kernel)(*tuple(_d.values())))

</pallas_src>

<mosaic_0001>
#map = affine_map<(d0, d1) -> (0, 0, 0)>
#map1 = affine_map<(d0, d1) -> (0)>
module attributes {stable_mosaic.version = 14 : i64} {
  func.func @_deg_body(%arg0: i32, %arg1: i32, %arg2: memref<32x125x80xi32, #tpu.memory_space<hbm>>, %arg3: memref<20000xf32, #tpu.memory_space<hbm>>, %arg4: memref<10000xf32, #tpu.memory_space<vmem_shared>>, %arg5: memref<125x80xi32, #tpu.memory_space<vmem>>, %arg6: memref<80xf32, #tpu.memory_space<vmem>>, %arg7: memref<624xf32, #tpu.memory_space<vmem>>) attributes {dimension_semantics = [#tpu.dimension_semantics<core_parallel>, #tpu.dimension_semantics<subcore_parallel>], iteration_bounds = array<i64: 2, 16>, scalar_prefetch = 0 : i64, scratch_operands = 4 : i64, tpu.core_type = #tpu.core_type<sc_vector_subcore>, window_params = [{transform_indices = #map}, {transform_indices = #map1}]} {
    %mul3A = arith.constant 2 : i32
    %mul3A_0 = arith.muli %arg1, %mul3A : i32
    %add3A = arith.addi %mul3A_0, %arg0 : i32
    "tpu.region"() ({
      %run_scoped3A = tpu.sem_alloc : memref<!tpu.dma_semaphore, #tpu.memory_space<semaphore_mem>>
      %dma_start3A = arith.constant 0 : i32
      %dma_start3A_34 = arith.constant 0 : i32
      %dma_start3A_35 = tpu.memref_slice %arg2[%add3A, %dma_start3A, %dma_start3A_34] : memref<32x125x80xi32, #tpu.memory_space<hbm>> -> memref<1x125x80xi32, #tpu.memory_space<hbm>>
      %dma_start3A_36 = tpu.memref_squeeze %dma_start3A_35 : memref<1x125x80xi32, #tpu.memory_space<hbm>> -> memref<125x80xi32, #tpu.memory_space<hbm>>
      %dma_start3A_37 = arith.constant 0 : i32
      %dma_start3A_38 = arith.constant 0 : i32
      %dma_start3A_39 = tpu.memref_slice %arg2[%add3A, %dma_start3A_37, %dma_start3A_38] : memref<32x125x80xi32, #tpu.memory_space<hbm>> -> memref<1x125x80xi32, #tpu.memory_space<hbm>>
      %dma_start3A_40 = tpu.memref_squeeze %dma_start3A_39 : memref<1x125x80xi32, #tpu.memory_space<hbm>> -> memref<125x80xi32, #tpu.memory_space<hbm>>
      tpu.enqueue_dma source(%dma_start3A_40 : memref<125x80xi32, #tpu.memory_space<hbm>>) target(%arg5 : memref<125x80xi32, #tpu.memory_space<vmem>>) target_semaphore(%run_scoped3A : memref<!tpu.dma_semaphore, #tpu.memory_space<semaphore_mem>>)
      %dma_wait3A = arith.constant 0 : i32
      %dma_wait3A_41 = arith.constant 0 : i32
      %dma_wait3A_42 = tpu.memref_slice %arg2[%add3A, %dma_wait3A, %dma_wait3A_41] : memref<32x125x80xi32, #tpu.memory_space<hbm>> -> memref<1x125x80xi32, #tpu.memory_space<hbm>>
      %dma_wait3A_43 = tpu.memref_squeeze %dma_wait3A_42 : memref<1x125x80xi32, #tpu.memory_space<hbm>> -> memref<125x80xi32, #tpu.memory_space<hbm>>
      %dma_wait3A_44 = arith.constant 0 : i32
      %dma_wait3A_45 = arith.constant 0 : i32
      %dma_wait3A_46 = tpu.memref_slice %arg2[%add3A, %dma_wait3A_44, %dma_wait3A_45] : memref<32x125x80xi32, #tpu.memory_space<hbm>> -> memref<1x125x80xi32, #tpu.memory_space<hbm>>
      %dma_wait3A_47 = tpu.memref_squeeze %dma_wait3A_46 : memref<1x125x80xi32, #tpu.memory_space<hbm>> -> memref<125x80xi32, #tpu.memory_space<hbm>>
      tpu.wait_dma2 semaphore(%run_scoped3A : memref<!tpu.dma_semaphore, #tpu.memory_space<semaphore_mem>>) src(%dma_wait3A_47 : memref<125x80xi32, #tpu.memory_space<hbm>>) dst(%arg5 : memref<125x80xi32, #tpu.memory_space<vmem>>)
      tpu.yield
    }) : () -> ()
    %scan3A = arith.constant 0 : i32
    %scan3A_1 = arith.constant 0 : i32
    %scan3A_2 = arith.constant 39 : i32
    %scan3A_3 = arith.addi %scan3A_1, %scan3A_2 : i32
    %scan3A_4 = arith.constant 1 : i32
    %scan3A_5 = scf.for %scan3A_34 = %scan3A_1 to %scan3A_3 step %scan3A_4 iter_args(%scan3A_35 = %scan3A) -> (i32)  : i32 {
      %broadcast_in_dim3A = arith.constant 0.000000e+00 : f32
      %broadcast_in_dim3A_36 = vector.broadcast %broadcast_in_dim3A : f32 to vector<16xf32>
      %mul3A_37 = arith.constant 16 : i32
      %mul3A_38 = arith.muli %scan3A_34, %mul3A_37 : i32
      %swap3A = arith.index_cast %mul3A_38 : i32 to index
      %swap3A_39 = tpu.vector_load %arg7[%swap3A] {strides = array<i32>} : memref<624xf32, #tpu.memory_space<vmem>>, vector<16xf32>,
      %swap3A_40 = vector.shape_cast %swap3A_39 : vector<16xf32> to vector<16xf32>
      %swap3A_41 = vector.shape_cast %broadcast_in_dim3A_36 : vector<16xf32> to vector<16xf32>
      tpu.vector_store %arg7[%swap3A], %swap3A_41 {strides = array<i32>} : memref<624xf32, #tpu.memory_space<vmem>>, vector<16xf32>,
      %scan3A_42 = arith.constant 0 : i32
      scf.yield %scan3A_42 : i32
    }
    %scan3A_6 = arith.constant 39 : i32
    %scan3A_7 = arith.constant 0 : i32
    %scan3A_8 = arith.constant 0 : i32
    %scan3A_9 = arith.constant 5 : i32
    %scan3A_10 = arith.addi %scan3A_8, %scan3A_9 : i32
    %scan3A_11 = arith.constant 1 : i32
    %scan3A_12 = scf.for %scan3A_34 = %scan3A_8 to %scan3A_10 step %scan3A_11 iter_args(%scan3A_35 = %scan3A_7) -> (i32)  : i32 {
      %broadcast_in_dim3A = arith.constant 1.000000e+00 : f32
      %broadcast_in_dim3A_36 = vector.broadcast %broadcast_in_dim3A : f32 to vector<16xf32>
      %mul3A_37 = arith.constant 16 : i32
      %mul3A_38 = arith.muli %scan3A_34, %mul3A_37 : i32
      %swap3A = arith.index_cast %mul3A_38 : i32 to index
      %swap3A_39 = tpu.vector_load %arg6[%swap3A] {strides = array<i32>} : memref<80xf32, #tpu.memory_space<vmem>>, vector<16xf32>,
      %swap3A_40 = vector.shape_cast %swap3A_39 : vector<16xf32> to vector<16xf32>
      %swap3A_41 = vector.shape_cast %broadcast_in_dim3A_36 : vector<16xf32> to vector<16xf32>
      tpu.vector_store %arg6[%swap3A], %swap3A_41 {strides = array<i32>} : memref<80xf32, #tpu.memory_space<vmem>>, vector<16xf32>,
      %scan3A_42 = arith.constant 0 : i32
      scf.yield %scan3A_42 : i32
    }
    %scan3A_13 = arith.constant 5 : i32
    %mul3A_14 = arith.constant 624 : i32
    %mul3A_15 = arith.muli %arg1, %mul3A_14 : i32
    "tpu.region"() ({
      %run_scoped3A = tpu.sem_alloc : memref<!tpu.dma_semaphore, #tpu.memory_space<semaphore_mem>>
      %dma_start3A = tpu.memref_slice %arg4[%mul3A_15] : memref<10000xf32, #tpu.memory_space<vmem_shared>> -> memref<624xf32, #tpu.memory_space<vmem_shared>>
      %dma_start3A_34 = tpu.memref_slice %arg4[%mul3A_15] : memref<10000xf32, #tpu.memory_space<vmem_shared>> -> memref<624xf32, #tpu.memory_space<vmem_shared>>
      tpu.enqueue_dma source(%arg7 : memref<624xf32, #tpu.memory_space<vmem>>) target(%dma_start3A_34 : memref<624xf32, #tpu.memory_space<vmem_shared>>) target_semaphore(%run_scoped3A : memref<!tpu.dma_semaphore, #tpu.memory_space<semaphore_mem>>)
      %dma_wait3A = tpu.memref_slice %arg4[%mul3A_15] : memref<10000xf32, #tpu.memory_space<vmem_shared>> -> memref<624xf32, #tpu.memory_space<vmem_shared>>
      %dma_wait3A_35 = tpu.memref_slice %arg4[%mul3A_15] : memref<10000xf32, #tpu.memory_space<vmem_shared>> -> memref<624xf32, #tpu.memory_space<vmem_shared>>
      tpu.wait_dma2 semaphore(%run_scoped3A : memref<!tpu.dma_semaphore, #tpu.memory_space<semaphore_mem>>) src(%arg7 : memref<624xf32, #tpu.memory_space<vmem>>) dst(%dma_wait3A_35 : memref<624xf32, #tpu.memory_space<vmem_shared>>)
      tpu.yield
    }) : () -> ()
    %eq3A = arith.constant 15 : i32
    %eq3A_16 = arith.cmpi eq, %arg1, %eq3A : i32
    %convert_element_type3A = arith.extui %eq3A_16 : i1 to i32
    %cond3A = arith.constant 0 : i32
    %cond3A_17 = arith.cmpi ne, %convert_element_type3A, %cond3A : i32
    scf.if %cond3A_17 {
      "tpu.region"() ({
        %run_scoped3A = tpu.sem_alloc : memref<!tpu.dma_semaphore, #tpu.memory_space<semaphore_mem>>
        %dma_start3A = arith.constant 0 : i32
        %dma_start3A_34 = tpu.memref_slice %arg7[%dma_start3A] : memref<624xf32, #tpu.memory_space<vmem>> -> memref<16xf32, #tpu.memory_space<vmem>>
        %dma_start3A_35 = arith.constant 9984 : i32
        %dma_start3A_36 = tpu.memref_slice %arg4[%dma_start3A_35] : memref<10000xf32, #tpu.memory_space<vmem_shared>> -> memref<16xf32, #tpu.memory_space<vmem_shared>>
        %dma_start3A_37 = arith.constant 9984 : i32
        %dma_start3A_38 = tpu.memref_slice %arg4[%dma_start3A_37] : memref<10000xf32, #tpu.memory_space<vmem_shared>> -> memref<16xf32, #tpu.memory_space<vmem_shared>>
        %dma_start3A_39 = arith.constant 0 : i32
        %dma_start3A_40 = tpu.memref_slice %arg7[%dma_start3A_39] : memref<624xf32, #tpu.memory_space<vmem>> -> memref<16xf32, #tpu.memory_space<vmem>>
        tpu.enqueue_dma source(%dma_start3A_40 : memref<16xf32, #tpu.memory_space<vmem>>) target(%dma_start3A_38 : memref<16xf32, #tpu.memory_space<vmem_shared>>) target_semaphore(%run_scoped3A : memref<!tpu.dma_semaphore, #tpu.memory_space<semaphore_mem>>)
        %dma_wait3A = arith.constant 0 : i32
        %dma_wait3A_41 = tpu.memref_slice %arg7[%dma_wait3A] : memref<624xf32, #tpu.memory_space<vmem>> -> memref<16xf32, #tpu.memory_space<vmem>>
        %dma_wait3A_42 = arith.constant 9984 : i32
        %dma_wait3A_43 = tpu.memref_slice %arg4[%dma_wait3A_42] : memref<10000xf32, #tpu.memory_space<vmem_shared>> -> memref<16xf32, #tpu.memory_space<vmem_shared>>
        %dma_wait3A_44 = arith.constant 9984 : i32
        %dma_wait3A_45 = tpu.memref_slice %arg4[%dma_wait3A_44] : memref<10000xf32, #tpu.memory_space<vmem_shared>> -> memref<16xf32, #tpu.memory_space<vmem_shared>>
        %dma_wait3A_46 = arith.constant 0 : i32
        %dma_wait3A_47 = tpu.memref_slice %arg7[%dma_wait3A_46] : memref<624xf32, #tpu.memory_space<vmem>> -> memref<16xf32, #tpu.memory_space<vmem>>
        tpu.wait_dma2 semaphore(%run_scoped3A : memref<!tpu.dma_semaphore, #tpu.memory_space<semaphore_mem>>) src(%dma_wait3A_47 : memref<16xf32, #tpu.memory_space<vmem>>) dst(%dma_wait3A_45 : memref<16xf32, #tpu.memory_space<vmem_shared>>)
        tpu.yield
      }) : () -> ()
    } else {
    }
    %barrier3A = arith.constant 0 : index
    tpu.barrier barrier_id(%barrier3A)
    %scan3A_18 = arith.constant 0 : i32
    %scan3A_19 = arith.constant 0 : i32
    %scan3A_20 = arith.constant 125 : i32
    %scan3A_21 = arith.addi %scan3A_19, %scan3A_20 : i32
    %scan3A_22 = arith.constant 1 : i32
    %scan3A_23 = scf.for %scan3A_34 = %scan3A_19 to %scan3A_21 step %scan3A_22 iter_args(%scan3A_35 = %scan3A_18) -> (i32)  : i32 {
      "tpu.region"() ({
        %run_scoped3A = tpu.sem_alloc : memref<!tpu.dma_semaphore, #tpu.memory_space<semaphore_mem>>
        %dma_start3A = arith.constant 0 : i32
        %dma_start3A_37 = tpu.memref_slice %arg5[%scan3A_34, %dma_start3A] : memref<125x80xi32, #tpu.memory_space<vmem>> -> memref<1x80xi32, #tpu.memory_space<vmem>>
        %dma_start3A_38 = tpu.memref_squeeze %dma_start3A_37 : memref<1x80xi32, #tpu.memory_space<vmem>> -> memref<80xi32, #tpu.memory_space<vmem>>
        %dma_start3A_39 = arith.constant 0 : i32
        %dma_start3A_40 = tpu.memref_slice %arg4[%dma_start3A_39] : memref<10000xf32, #tpu.memory_space<vmem_shared>> -> memref<10000xf32, #tpu.memory_space<vmem_shared>>
        tpu.enqueue_indirect_dma source(%arg6 : memref<80xf32, #tpu.memory_space<vmem>>) target(%dma_start3A_40 : memref<10000xf32, #tpu.memory_space<vmem_shared>>) offsets(%dma_start3A_38 : memref<80xi32, #tpu.memory_space<vmem>>) semaphore(%run_scoped3A : memref<!tpu.dma_semaphore, #tpu.memory_space<semaphore_mem>>) {add = true}
        %dma_wait3A = arith.constant 0 : i32
        %dma_wait3A_41 = tpu.memref_slice %arg5[%scan3A_34, %dma_wait3A] : memref<125x80xi32, #tpu.memory_space<vmem>> -> memref<1x80xi32, #tpu.memory_space<vmem>>
        %dma_wait3A_42 = tpu.memref_squeeze %dma_wait3A_41 : memref<1x80xi32, #tpu.memory_space<vmem>> -> memref<80xi32, #tpu.memory_space<vmem>>
        %dma_wait3A_43 = arith.constant 0 : i32
        %dma_wait3A_44 = tpu.memref_slice %arg4[%dma_wait3A_43] : memref<10000xf32, #tpu.memory_space<vmem_shared>> -> memref<10000xf32, #tpu.memory_space<vmem_shared>>
        tpu.wait_indirect_dma semaphore(%run_scoped3A : memref<!tpu.dma_semaphore, #tpu.memory_space<semaphore_mem>>) src(%arg6 : memref<80xf32, #tpu.memory_space<vmem>>) dst(%dma_wait3A_44 : memref<10000xf32, #tpu.memory_space<vmem_shared>>)
        tpu.yield
      }) : () -> ()
      %scan3A_36 = arith.constant 0 : i32
      scf.yield %scan3A_36 : i32
    }
    %scan3A_24 = arith.constant 125 : i32
    %barrier3A_25 = arith.constant 0 : index
    tpu.barrier barrier_id(%barrier3A_25)
    "tpu.region"() ({
      %run_scoped3A = tpu.sem_alloc : memref<!tpu.dma_semaphore, #tpu.memory_space<semaphore_mem>>
      %dma_start3A = tpu.memref_slice %arg4[%mul3A_15] : memref<10000xf32, #tpu.memory_space<vmem_shared>> -> memref<624xf32, #tpu.memory_space<vmem_shared>>
      %dma_start3A_34 = tpu.memref_slice %arg4[%mul3A_15] : memref<10000xf32, #tpu.memory_space<vmem_shared>> -> memref<624xf32, #tpu.memory_space<vmem_shared>>
      tpu.enqueue_dma source(%dma_start3A_34 : memref<624xf32, #tpu.memory_space<vmem_shared>>) target(%arg7 : memref<624xf32, #tpu.memory_space<vmem>>) target_semaphore(%run_scoped3A : memref<!tpu.dma_semaphore, #tpu.memory_space<semaphore_mem>>)
      %dma_wait3A = tpu.memref_slice %arg4[%mul3A_15] : memref<10000xf32, #tpu.memory_space<vmem_shared>> -> memref<624xf32, #tpu.memory_space<vmem_shared>>
      %dma_wait3A_35 = tpu.memref_slice %arg4[%mul3A_15] : memref<10000xf32, #tpu.memory_space<vmem_shared>> -> memref<624xf32, #tpu.memory_space<vmem_shared>>
      tpu.wait_dma2 semaphore(%run_scoped3A : memref<!tpu.dma_semaphore, #tpu.memory_space<semaphore_mem>>) src(%dma_wait3A_35 : memref<624xf32, #tpu.memory_space<vmem_shared>>) dst(%arg7 : memref<624xf32, #tpu.memory_space<vmem>>)
      tpu.yield
    }) : () -> ()
    %mul3A_26 = arith.constant 10000 : i32
    %mul3A_27 = arith.muli %arg0, %mul3A_26 : i32
    %add3A_28 = arith.addi %mul3A_27, %mul3A_15 : i32
    "tpu.region"() ({
      %run_scoped3A = tpu.sem_alloc : memref<!tpu.dma_semaphore, #tpu.memory_space<semaphore_mem>>
      %dma_start3A = tpu.memref_slice %arg3[%add3A_28] : memref<20000xf32, #tpu.memory_space<hbm>> -> memref<624xf32, #tpu.memory_space<hbm>>
      %dma_start3A_34 = tpu.memref_slice %arg3[%add3A_28] : memref<20000xf32, #tpu.memory_space<hbm>> -> memref<624xf32, #tpu.memory_space<hbm>>
      tpu.enqueue_dma source(%arg7 : memref<624xf32, #tpu.memory_space<vmem>>) target(%dma_start3A_34 : memref<624xf32, #tpu.memory_space<hbm>>) target_semaphore(%run_scoped3A : memref<!tpu.dma_semaphore, #tpu.memory_space<semaphore_mem>>)
      %dma_wait3A = tpu.memref_slice %arg3[%add3A_28] : memref<20000xf32, #tpu.memory_space<hbm>> -> memref<624xf32, #tpu.memory_space<hbm>>
      %dma_wait3A_35 = tpu.memref_slice %arg3[%add3A_28] : memref<20000xf32, #tpu.memory_space<hbm>> -> memref<624xf32, #tpu.memory_space<hbm>>
      tpu.wait_dma2 semaphore(%run_scoped3A : memref<!tpu.dma_semaphore, #tpu.memory_space<semaphore_mem>>) src(%arg7 : memref<624xf32, #tpu.memory_space<vmem>>) dst(%dma_wait3A_35 : memref<624xf32, #tpu.memory_space<hbm>>)
      tpu.yield
    }) : () -> ()
    %eq3A_29 = arith.constant 15 : i32
    %eq3A_30 = arith.cmpi eq, %arg1, %eq3A_29 : i32
    %convert_element_type3A_31 = arith.extui %eq3A_30 : i1 to i32
    %cond3A_32 = arith.constant 0 : i32
    %cond3A_33 = arith.cmpi ne, %convert_element_type3A_31, %cond3A_32 : i32
    scf.if %cond3A_33 {
      "tpu.region"() ({
        %run_scoped3A = tpu.sem_alloc : memref<!tpu.dma_semaphore, #tpu.memory_space<semaphore_mem>>
        %dma_start3A = arith.constant 0 : i32
        %dma_start3A_38 = tpu.memref_slice %arg7[%dma_start3A] : memref<624xf32, #tpu.memory_space<vmem>> -> memref<16xf32, #tpu.memory_space<vmem>>
        %dma_start3A_39 = arith.constant 9984 : i32
        %dma_start3A_40 = tpu.memref_slice %arg4[%dma_start3A_39] : memref<10000xf32, #tpu.memory_space<vmem_shared>> -> memref<16xf32, #tpu.memory_space<vmem_shared>>
        %dma_start3A_41 = arith.constant 0 : i32
        %dma_start3A_42 = tpu.memref_slice %arg7[%dma_start3A_41] : memref<624xf32, #tpu.memory_space<vmem>> -> memref<16xf32, #tpu.memory_space<vmem>>
        %dma_start3A_43 = arith.constant 9984 : i32
        %dma_start3A_44 = tpu.memref_slice %arg4[%dma_start3A_43] : memref<10000xf32, #tpu.memory_space<vmem_shared>> -> memref<16xf32, #tpu.memory_space<vmem_shared>>
        tpu.enqueue_dma source(%dma_start3A_44 : memref<16xf32, #tpu.memory_space<vmem_shared>>) target(%dma_start3A_42 : memref<16xf32, #tpu.memory_space<vmem>>) target_semaphore(%run_scoped3A : memref<!tpu.dma_semaphore, #tpu.memory_space<semaphore_mem>>)
        %dma_wait3A = arith.constant 0 : i32
        %dma_wait3A_45 = tpu.memref_slice %arg7[%dma_wait3A] : memref<624xf32, #tpu.memory_space<vmem>> -> memref<16xf32, #tpu.memory_space<vmem>>
        %dma_wait3A_46 = arith.constant 9984 : i32
        %dma_wait3A_47 = tpu.memref_slice %arg4[%dma_wait3A_46] : memref<10000xf32, #tpu.memory_space<vmem_shared>> -> memref<16xf32, #tpu.memory_space<vmem_shared>>
        %dma_wait3A_48 = arith.constant 0 : i32
        %dma_wait3A_49 = tpu.memref_slice %arg7[%dma_wait3A_48] : memref<624xf32, #tpu.memory_space<vmem>> -> memref<16xf32, #tpu.memory_space<vmem>>
        %dma_wait3A_50 = arith.constant 9984 : i32
        %dma_wait3A_51 = tpu.memref_slice %arg4[%dma_wait3A_50] : memref<10000xf32, #tpu.memory_space<vmem_shared>> -> memref<16xf32, #tpu.memory_space<vmem_shared>>
        tpu.wait_dma2 semaphore(%run_scoped3A : memref<!tpu.dma_semaphore, #tpu.memory_space<semaphore_mem>>) src(%dma_wait3A_51 : memref<16xf32, #tpu.memory_space<vmem_shared>>) dst(%dma_wait3A_49 : memref<16xf32, #tpu.memory_space<vmem>>)
        tpu.yield
      }) : () -> ()
      %mul3A_34 = arith.constant 10000 : i32
      %mul3A_35 = arith.muli %arg0, %mul3A_34 : i32
      %add3A_36 = arith.constant 9984 : i32
      %add3A_37 = arith.addi %mul3A_35, %add3A_36 : i32
      "tpu.region"() ({
        %run_scoped3A = tpu.sem_alloc : memref<!tpu.dma_semaphore, #tpu.memory_space<semaphore_mem>>
        %dma_start3A = arith.constant 0 : i32
        %dma_start3A_38 = tpu.memref_slice %arg7[%dma_start3A] : memref<624xf32, #tpu.memory_space<vmem>> -> memref<16xf32, #tpu.memory_space<vmem>>
        %dma_start3A_39 = tpu.memref_slice %arg3[%add3A_37] : memref<20000xf32, #tpu.memory_space<hbm>> -> memref<16xf32, #tpu.memory_space<hbm>>
        %dma_start3A_40 = tpu.memref_slice %arg3[%add3A_37] : memref<20000xf32, #tpu.memory_space<hbm>> -> memref<16xf32, #tpu.memory_space<hbm>>
        %dma_start3A_41 = arith.constant 0 : i32
        %dma_start3A_42 = tpu.memref_slice %arg7[%dma_start3A_41] : memref<624xf32, #tpu.memory_space<vmem>> -> memref<16xf32, #tpu.memory_space<vmem>>
        tpu.enqueue_dma source(%dma_start3A_42 : memref<16xf32, #tpu.memory_space<vmem>>) target(%dma_start3A_40 : memref<16xf32, #tpu.memory_space<hbm>>) target_semaphore(%run_scoped3A : memref<!tpu.dma_semaphore, #tpu.memory_space<semaphore_mem>>)
        %dma_wait3A = arith.constant 0 : i32
        %dma_wait3A_43 = tpu.memref_slice %arg7[%dma_wait3A] : memref<624xf32, #tpu.memory_space<vmem>> -> memref<16xf32, #tpu.memory_space<vmem>>
        %dma_wait3A_44 = tpu.memref_slice %arg3[%add3A_37] : memref<20000xf32, #tpu.memory_space<hbm>> -> memref<16xf32, #tpu.memory_space<hbm>>
        %dma_wait3A_45 = tpu.memref_slice %arg3[%add3A_37] : memref<20000xf32, #tpu.memory_space<hbm>> -> memref<16xf32, #tpu.memory_space<hbm>>
        %dma_wait3A_46 = arith.constant 0 : i32
        %dma_wait3A_47 = tpu.memref_slice %arg7[%dma_wait3A_46] : memref<624xf32, #tpu.memory_space<vmem>> -> memref<16xf32, #tpu.memory_space<vmem>>
        tpu.wait_dma2 semaphore(%run_scoped3A : memref<!tpu.dma_semaphore, #tpu.memory_space<semaphore_mem>>) src(%dma_wait3A_47 : memref<16xf32, #tpu.memory_space<vmem>>) dst(%dma_wait3A_45 : memref<16xf32, #tpu.memory_space<hbm>>)
        tpu.yield
      }) : () -> ()
    } else {
    }
    return
  }
}

#map = affine_map<(d0, d1) -> (0, 0)>
#map1 = affine_map<(d0, d1) -> (0, 0, 0, 0)>
#map2 = affine_map<(d0, d1) -> (0, 0, 0)>
module attributes {stable_mosaic.version = 14 : i64} {
  func.func @_agg_body(%arg0: i32, %arg1: i32, %arg2: memref<10016x128xf32, #tpu.memory_space<hbm>>, %arg3: memref<32x8x4x320xi32, #tpu.memory_space<hbm>>, %arg4: memref<32x8x4x320xi32, #tpu.memory_space<hbm>>, %arg5: memref<2x10000x128xf32, #tpu.memory_space<hbm>>, %arg6: memref<10016x64xf32, #tpu.memory_space<vmem_shared>>, %arg7: memref<10016x64xf32, #tpu.memory_space<vmem_shared>>, %arg8: memref<4x320xi32, #tpu.memory_space<vmem>>, %arg9: memref<4x320xi32, #tpu.memory_space<vmem>>, %arg10: memref<320x64xf32, #tpu.memory_space<vmem>>, %arg11: memref<320x64xf32, #tpu.memory_space<vmem>>, %arg12: memref<48x128xf32, #tpu.memory_space<vmem>>, %arg13: memref<!tpu.dma_semaphore, #tpu.memory_space<semaphore_mem>>, %arg14: memref<!tpu.dma_semaphore, #tpu.memory_space<semaphore_mem>>) attributes {dimension_semantics = [#tpu.dimension_semantics<core_parallel>, #tpu.dimension_semantics<subcore_parallel>], iteration_bounds = array<i64: 2, 16>, scalar_prefetch = 0 : i64, scratch_operands = 9 : i64, tpu.core_type = #tpu.core_type<sc_vector_subcore>, window_params = [{transform_indices = #map}, {transform_indices = #map1}, {transform_indices = #map1}, {transform_indices = #map2}]} {
    %mul3A = arith.constant 2 : i32
    %mul3A_0 = arith.muli %arg1, %mul3A : i32
    %add3A = arith.addi %mul3A_0, %arg0 : i32
    %scan3A = arith.constant 0 : i32
    %scan3A_1 = arith.constant 0 : i32
    %scan3A_2 = arith.constant 320 : i32
    %scan3A_3 = arith.addi %scan3A_1, %scan3A_2 : i32
    %scan3A_4 = arith.constant 1 : i32
    %scan3A_5 = scf.for %scan3A_48 = %scan3A_1 to %scan3A_3 step %scan3A_4 iter_args(%scan3A_49 = %scan3A) -> (i32)  : i32 {
      %broadcast_in_dim3A = arith.constant 0.000000e+00 : f32
      %broadcast_in_dim3A_50 = vector.broadcast %broadcast_in_dim3A : f32 to vector<16xf32>
      %swap3A = arith.index_cast %scan3A_48 : i32 to index
      %swap3A_51 = arith.constant 0 : index
      %swap3A_52 = tpu.vector_load %arg10[%swap3A, %swap3A_51] {strides = array<i32>} : memref<320x64xf32, #tpu.memory_space<vmem>>, vector<1x16xf32>,
      %swap3A_53 = vector.shape_cast %swap3A_52 : vector<1x16xf32> to vector<16xf32>
      %swap3A_54 = vector.shape_cast %broadcast_in_dim3A_50 : vector<16xf32> to vector<1x16xf32>
      tpu.vector_store %arg10[%swap3A, %swap3A_51], %swap3A_54 {strides = array<i32>} : memref<320x64xf32, #tpu.memory_space<vmem>>, vector<1x16xf32>,
      %broadcast_in_dim3A_55 = arith.constant 0.000000e+00 : f32
      %broadcast_in_dim3A_56 = vector.broadcast %broadcast_in_dim3A_55 : f32 to vector<16xf32>
      %swap3A_57 = arith.index_cast %scan3A_48 : i32 to index
      %swap3A_58 = arith.constant 16 : index
      %swap3A_59 = tpu.vector_load %arg10[%swap3A_57, %swap3A_58] {strides = array<i32>} : memref<320x64xf32, #tpu.memory_space<vmem>>, vector<1x16xf32>,
      %swap3A_60 = vector.shape_cast %swap3A_59 : vector<1x16xf32> to vector<16xf32>
      %swap3A_61 = vector.shape_cast %broadcast_in_dim3A_56 : vector<16xf32> to vector<1x16xf32>
      tpu.vector_store %arg10[%swap3A_57, %swap3A_58], %swap3A_61 {strides = array<i32>} : memref<320x64xf32, #tpu.memory_space<vmem>>, vector<1x16xf32>,
      %broadcast_in_dim3A_62 = arith.constant 0.000000e+00 : f32
      %broadcast_in_dim3A_63 = vector.broadcast %broadcast_in_dim3A_62 : f32 to vector<16xf32>
      %swap3A_64 = arith.index_cast %scan3A_48 : i32 to index
      %swap3A_65 = arith.constant 32 : index
      %swap3A_66 = tpu.vector_load %arg10[%swap3A_64, %swap3A_65] {strides = array<i32>} : memref<320x64xf32, #tpu.memory_space<vmem>>, vector<1x16xf32>,
      %swap3A_67 = vector.shape_cast %swap3A_66 : vector<1x16xf32> to vector<16xf32>
      %swap3A_68 = vector.shape_cast %broadcast_in_dim3A_63 : vector<16xf32> to vector<1x16xf32>
      tpu.vector_store %arg10[%swap3A_64, %swap3A_65], %swap3A_68 {strides = array<i32>} : memref<320x64xf32, #tpu.memory_space<vmem>>, vector<1x16xf32>,
      %broadcast_in_dim3A_69 = arith.constant 0.000000e+00 : f32
      %broadcast_in_dim3A_70 = vector.broadcast %broadcast_in_dim3A_69 : f32 to vector<16xf32>
      %swap3A_71 = arith.index_cast %scan3A_48 : i32 to index
      %swap3A_72 = arith.constant 48 : index
      %swap3A_73 = tpu.vector_load %arg10[%swap3A_71, %swap3A_72] {strides = array<i32>} : memref<320x64xf32, #tpu.memory_space<vmem>>, vector<1x16xf32>,
      %swap3A_74 = vector.shape_cast %swap3A_73 : vector<1x16xf32> to vector<16xf32>
      %swap3A_75 = vector.shape_cast %broadcast_in_dim3A_70 : vector<16xf32> to vector<1x16xf32>
      tpu.vector_store %arg10[%swap3A_71, %swap3A_72], %swap3A_75 {strides = array<i32>} : memref<320x64xf32, #tpu.memory_space<vmem>>, vector<1x16xf32>,
      %scan3A_76 = arith.constant 0 : i32
      scf.yield %scan3A_76 : i32
    }
    %scan3A_6 = arith.constant 320 : i32
    %mul3A_7 = arith.constant 624 : i32
    %mul3A_8 = arith.muli %arg1, %mul3A_7 : i32
    %add3A_9 = arith.constant 0 : i32
    %add3A_10 = arith.addi %mul3A_8, %add3A_9 : i32
    "tpu.region"() ({
      %run_scoped3A = tpu.sem_alloc : memref<!tpu.dma_semaphore, #tpu.memory_space<semaphore_mem>>
      %dma_start3A = arith.constant 0 : i32
      %dma_start3A_48 = tpu.memref_slice %arg7[%add3A_10, %dma_start3A] : memref<10016x64xf32, #tpu.memory_space<vmem_shared>> -> memref<320x64xf32, #tpu.memory_space<vmem_shared>>
      %dma_start3A_49 = arith.constant 0 : i32
      %dma_start3A_50 = tpu.memref_slice %arg7[%add3A_10, %dma_start3A_49] : memref<10016x64xf32, #tpu.memory_space<vmem_shared>> -> memref<320x64xf32, #tpu.memory_space<vmem_shared>>
      tpu.enqueue_dma source(%arg10 : memref<320x64xf32, #tpu.memory_space<vmem>>) target(%dma_start3A_50 : memref<320x64xf32, #tpu.memory_space<vmem_shared>>) target_semaphore(%run_scoped3A : memref<!tpu.dma_semaphore, #tpu.memory_space<semaphore_mem>>)
      %dma_wait3A = arith.constant 0 : i32
      %dma_wait3A_51 = tpu.memref_slice %arg7[%add3A_10, %dma_wait3A] : memref<10016x64xf32, #tpu.memory_space<vmem_shared>> -> memref<320x64xf32, #tpu.memory_space<vmem_shared>>
      %dma_wait3A_52 = arith.constant 0 : i32
      %dma_wait3A_53 = tpu.memref_slice %arg7[%add3A_10, %dma_wait3A_52] : memref<10016x64xf32, #tpu.memory_space<vmem_shared>> -> memref<320x64xf32, #tpu.memory_space<vmem_shared>>
      tpu.wait_dma2 semaphore(%run_scoped3A : memref<!tpu.dma_semaphore, #tpu.memory_space<semaphore_mem>>) src(%arg10 : memref<320x64xf32, #tpu.memory_space<vmem>>) dst(%dma_wait3A_53 : memref<320x64xf32, #tpu.memory_space<vmem_shared>>)
      tpu.yield
    }) : () -> ()
    %add3A_11 = arith.constant 624 : i32
    %add3A_12 = arith.addi %mul3A_8, %add3A_11 : i32
    %sub3A = arith.constant 304 : i32
    %sub3A_13 = arith.subi %add3A_12, %sub3A : i32
    "tpu.region"() ({
      %run_scoped3A = tpu.sem_alloc : memref<!tpu.dma_semaphore, #tpu.memory_space<semaphore_mem>>
      %dma_start3A = arith.constant 0 : i32
      %dma_start3A_48 = arith.constant 0 : i32
      %dma_start3A_49 = tpu.memref_slice %arg10[%dma_start3A, %dma_start3A_48] : memref<320x64xf32, #tpu.memory_space<vmem>> -> memref<304x64xf32, #tpu.memory_space<vmem>>
      %dma_start3A_50 = arith.constant 0 : i32
      %dma_start3A_51 = tpu.memref_slice %arg7[%sub3A_13, %dma_start3A_50] : memref<10016x64xf32, #tpu.memory_space<vmem_shared>> -> memref<304x64xf32, #tpu.memory_space<vmem_shared>>
      %dma_start3A_52 = arith.constant 0 : i32
      %dma_start3A_53 = tpu.memref_slice %arg7[%sub3A_13, %dma_start3A_52] : memref<10016x64xf32, #tpu.memory_space<vmem_shared>> -> memref<304x64xf32, #tpu.memory_space<vmem_shared>>
      %dma_start3A_54 = arith.constant 0 : i32
      %dma_start3A_55 = arith.constant 0 : i32
      %dma_start3A_56 = tpu.memref_slice %arg10[%dma_start3A_54, %dma_start3A_55] : memref<320x64xf32, #tpu.memory_space<vmem>> -> memref<304x64xf32, #tpu.memory_space<vmem>>
      tpu.enqueue_dma source(%dma_start3A_56 : memref<304x64xf32, #tpu.memory_space<vmem>>) target(%dma_start3A_53 : memref<304x64xf32, #tpu.memory_space<vmem_shared>>) target_semaphore(%run_scoped3A : memref<!tpu.dma_semaphore, #tpu.memory_space<semaphore_mem>>)
      %dma_wait3A = arith.constant 0 : i32
      %dma_wait3A_57 = arith.constant 0 : i32
      %dma_wait3A_58 = tpu.memref_slice %arg10[%dma_wait3A, %dma_wait3A_57] : memref<320x64xf32, #tpu.memory_space<vmem>> -> memref<304x64xf32, #tpu.memory_space<vmem>>
      %dma_wait3A_59 = arith.constant 0 : i32
      %dma_wait3A_60 = tpu.memref_slice %arg7[%sub3A_13, %dma_wait3A_59] : memref<10016x64xf32, #tpu.memory_space<vmem_shared>> -> memref<304x64xf32, #tpu.memory_space<vmem_shared>>
      %dma_wait3A_61 = arith.constant 0 : i32
      %dma_wait3A_62 = tpu.memref_slice %arg7[%sub3A_13, %dma_wait3A_61] : memref<10016x64xf32, #tpu.memory_space<vmem_shared>> -> memref<304x64xf32, #tpu.memory_space<vmem_shared>>
      %dma_wait3A_63 = arith.constant 0 : i32
      %dma_wait3A_64 = arith.constant 0 : i32
      %dma_wait3A_65 = tpu.memref_slice %arg10[%dma_wait3A_63, %dma_wait3A_64] : memref<320x64xf32, #tpu.memory_space<vmem>> -> memref<304x64xf32, #tpu.memory_space<vmem>>
      tpu.wait_dma2 semaphore(%run_scoped3A : memref<!tpu.dma_semaphore, #tpu.memory_space<semaphore_mem>>) src(%dma_wait3A_65 : memref<304x64xf32, #tpu.memory_space<vmem>>) dst(%dma_wait3A_62 : memref<304x64xf32, #tpu.memory_space<vmem_shared>>)
      tpu.yield
    }) : () -> ()
    %eq3A = arith.constant 15 : i32
    %eq3A_14 = arith.cmpi eq, %arg1, %eq3A : i32
    %convert_element_type3A = arith.extui %eq3A_14 : i1 to i32
    %cond3A = arith.constant 0 : i32
    %cond3A_15 = arith.cmpi ne, %convert_element_type3A, %cond3A : i32
    scf.if %cond3A_15 {
      "tpu.region"() ({
        %run_scoped3A = tpu.sem_alloc : memref<!tpu.dma_semaphore, #tpu.memory_space<semaphore_mem>>
        %dma_start3A = arith.constant 0 : i32
        %dma_start3A_48 = arith.constant 0 : i32
        %dma_start3A_49 = tpu.memref_slice %arg10[%dma_start3A, %dma_start3A_48] : memref<320x64xf32, #tpu.memory_space<vmem>> -> memref<16x64xf32, #tpu.memory_space<vmem>>
        %dma_start3A_50 = arith.constant 9984 : i32
        %dma_start3A_51 = arith.constant 0 : i32
        %dma_start3A_52 = tpu.memref_slice %arg7[%dma_start3A_50, %dma_start3A_51] : memref<10016x64xf32, #tpu.memory_space<vmem_shared>> -> memref<16x64xf32, #tpu.memory_space<vmem_shared>>
        %dma_start3A_53 = arith.constant 9984 : i32
        %dma_start3A_54 = arith.constant 0 : i32
        %dma_start3A_55 = tpu.memref_slice %arg7[%dma_start3A_53, %dma_start3A_54] : memref<10016x64xf32, #tpu.memory_space<vmem_shared>> -> memref<16x64xf32, #tpu.memory_space<vmem_shared>>
        %dma_start3A_56 = arith.constant 0 : i32
        %dma_start3A_57 = arith.constant 0 : i32
        %dma_start3A_58 = tpu.memref_slice %arg10[%dma_start3A_56, %dma_start3A_57] : memref<320x64xf32, #tpu.memory_space<vmem>> -> memref<16x64xf32, #tpu.memory_space<vmem>>
        tpu.enqueue_dma source(%dma_start3A_58 : memref<16x64xf32, #tpu.memory_space<vmem>>) target(%dma_start3A_55 : memref<16x64xf32, #tpu.memory_space<vmem_shared>>) target_semaphore(%run_scoped3A : memref<!tpu.dma_semaphore, #tpu.memory_space<semaphore_mem>>)
        %dma_wait3A = arith.constant 0 : i32
        %dma_wait3A_59 = arith.constant 0 : i32
        %dma_wait3A_60 = tpu.memref_slice %arg10[%dma_wait3A, %dma_wait3A_59] : memref<320x64xf32, #tpu.memory_space<vmem>> -> memref<16x64xf32, #tpu.memory_space<vmem>>
        %dma_wait3A_61 = arith.constant 9984 : i32
        %dma_wait3A_62 = arith.constant 0 : i32
        %dma_wait3A_63 = tpu.memref_slice %arg7[%dma_wait3A_61, %dma_wait3A_62] : memref<10016x64xf32, #tpu.memory_space<vmem_shared>> -> memref<16x64xf32, #tpu.memory_space<vmem_shared>>
        %dma_wait3A_64 = arith.constant 9984 : i32
        %dma_wait3A_65 = arith.constant 0 : i32
        %dma_wait3A_66 = tpu.memref_slice %arg7[%dma_wait3A_64, %dma_wait3A_65] : memref<10016x64xf32, #tpu.memory_space<vmem_shared>> -> memref<16x64xf32, #tpu.memory_space<vmem_shared>>
        %dma_wait3A_67 = arith.constant 0 : i32
        %dma_wait3A_68 = arith.constant 0 : i32
        %dma_wait3A_69 = tpu.memref_slice %arg10[%dma_wait3A_67, %dma_wait3A_68] : memref<320x64xf32, #tpu.memory_space<vmem>> -> memref<16x64xf32, #tpu.memory_space<vmem>>
        tpu.wait_dma2 semaphore(%run_scoped3A : memref<!tpu.dma_semaphore, #tpu.memory_space<semaphore_mem>>) src(%dma_wait3A_69 : memref<16x64xf32, #tpu.memory_space<vmem>>) dst(%dma_wait3A_66 : memref<16x64xf32, #tpu.memory_space<vmem_shared>>)
        tpu.yield
      }) : () -> ()
    } else {
    }
    %scan3A_16 = arith.constant 0 : i32
    %scan3A_17 = arith.constant 0 : i32
    %scan3A_18 = arith.constant 13 : i32
    %scan3A_19 = arith.addi %scan3A_17, %scan3A_18 : i32
    %scan3A_20 = arith.constant 1 : i32
    %scan3A_21 = scf.for %scan3A_48 = %scan3A_17 to %scan3A_19 step %scan3A_20 iter_args(%scan3A_49 = %scan3A_16) -> (i32)  : i32 {
      %mul3A_50 = arith.constant 48 : i32
      %mul3A_51 = arith.muli %scan3A_48, %mul3A_50 : i32
      %add3A_52 = arith.addi %mul3A_8, %mul3A_51 : i32
      "tpu.region"() ({
        %run_scoped3A = tpu.sem_alloc : memref<!tpu.dma_semaphore, #tpu.memory_space<semaphore_mem>>
        %dma_start3A = arith.constant 0 : i32
        %dma_start3A_61 = tpu.memref_slice %arg2[%add3A_52, %dma_start3A] : memref<10016x128xf32, #tpu.memory_space<hbm>> -> memref<48x128xf32, #tpu.memory_space<hbm>>
        %dma_start3A_62 = arith.constant 0 : i32
        %dma_start3A_63 = tpu.memref_slice %arg2[%add3A_52, %dma_start3A_62] : memref<10016x128xf32, #tpu.memory_space<hbm>> -> memref<48x128xf32, #tpu.memory_space<hbm>>
        tpu.enqueue_dma source(%dma_start3A_63 : memref<48x128xf32, #tpu.memory_space<hbm>>) target(%arg12 : memref<48x128xf32, #tpu.memory_space<vmem>>) target_semaphore(%run_scoped3A : memref<!tpu.dma_semaphore, #tpu.memory_space<semaphore_mem>>)
        %dma_wait3A = arith.constant 0 : i32
        %dma_wait3A_64 = tpu.memref_slice %arg2[%add3A_52, %dma_wait3A] : memref<10016x128xf32, #tpu.memory_space<hbm>> -> memref<48x128xf32, #tpu.memory_space<hbm>>
        %dma_wait3A_65 = arith.constant 0 : i32
        %dma_wait3A_66 = tpu.memref_slice %arg2[%add3A_52, %dma_wait3A_65] : memref<10016x128xf32, #tpu.memory_space<hbm>> -> memref<48x128xf32, #tpu.memory_space<hbm>>
        tpu.wait_dma2 semaphore(%run_scoped3A : memref<!tpu.dma_semaphore, #tpu.memory_space<semaphore_mem>>) src(%dma_wait3A_66 : memref<48x128xf32, #tpu.memory_space<hbm>>) dst(%arg12 : memref<48x128xf32, #tpu.memory_space<vmem>>)
        tpu.yield
      }) : () -> ()
      %scan3A_53 = arith.constant 0 : i32
      %scan3A_54 = arith.constant 0 : i32
      %scan3A_55 = arith.constant 48 : i32
      %scan3A_56 = arith.addi %scan3A_54, %scan3A_55 : i32
      %scan3A_57 = arith.constant 1 : i32
      %scan3A_58 = scf.for %scan3A_61 = %scan3A_54 to %scan3A_56 step %scan3A_57 iter_args(%scan3A_62 = %scan3A_53) -> (i32)  : i32 {
        %get3A = arith.index_cast %scan3A_61 : i32 to index
        %get3A_63 = arith.constant 0 : index
        %get3A_64 = tpu.vector_load %arg12[%get3A, %get3A_63] {strides = array<i32>} : memref<48x128xf32, #tpu.memory_space<vmem>>, vector<1x16xf32>,
        %get3A_65 = vector.shape_cast %get3A_64 : vector<1x16xf32> to vector<16xf32>
        %swap3A = arith.index_cast %scan3A_61 : i32 to index
        %swap3A_66 = arith.constant 0 : index
        %swap3A_67 = tpu.vector_load %arg11[%swap3A, %swap3A_66] {strides = array<i32>} : memref<320x64xf32, #tpu.memory_space<vmem>>, vector<1x16xf32>,
        %swap3A_68 = vector.shape_cast %swap3A_67 : vector<1x16xf32> to vector<16xf32>
        %swap3A_69 = vector.shape_cast %get3A_65 : vector<16xf32> to vector<1x16xf32>
        tpu.vector_store %arg11[%swap3A, %swap3A_66], %swap3A_69 {strides = array<i32>} : memref<320x64xf32, #tpu.memory_space<vmem>>, vector<1x16xf32>,
        %get3A_70 = arith.index_cast %scan3A_61 : i32 to index
        %get3A_71 = arith.constant 16 : index
        %get3A_72 = tpu.vector_load %arg12[%get3A_70, %get3A_71] {strides = array<i32>} : memref<48x128xf32, #tpu.memory_space<vmem>>, vector<1x16xf32>,
        %get3A_73 = vector.shape_cast %get3A_72 : vector<1x16xf32> to vector<16xf32>
        %swap3A_74 = arith.index_cast %scan3A_61 : i32 to index
        %swap3A_75 = arith.constant 16 : index
        %swap3A_76 = tpu.vector_load %arg11[%swap3A_74, %swap3A_75] {strides = array<i32>} : memref<320x64xf32, #tpu.memory_space<vmem>>, vector<1x16xf32>,
        %swap3A_77 = vector.shape_cast %swap3A_76 : vector<1x16xf32> to vector<16xf32>
        %swap3A_78 = vector.shape_cast %get3A_73 : vector<16xf32> to vector<1x16xf32>
        tpu.vector_store %arg11[%swap3A_74, %swap3A_75], %swap3A_78 {strides = array<i32>} : memref<320x64xf32, #tpu.memory_space<vmem>>, vector<1x16xf32>,
        %get3A_79 = arith.index_cast %scan3A_61 : i32 to index
        %get3A_80 = arith.constant 32 : index
        %get3A_81 = tpu.vector_load %arg12[%get3A_79, %get3A_80] {strides = array<i32>} : memref<48x128xf32, #tpu.memory_space<vmem>>, vector<1x16xf32>,
        %get3A_82 = vector.shape_cast %get3A_81 : vector<1x16xf32> to vector<16xf32>
        %swap3A_83 = arith.index_cast %scan3A_61 : i32 to index
        %swap3A_84 = arith.constant 32 : index
        %swap3A_85 = tpu.vector_load %arg11[%swap3A_83, %swap3A_84] {strides = array<i32>} : memref<320x64xf32, #tpu.memory_space<vmem>>, vector<1x16xf32>,
        %swap3A_86 = vector.shape_cast %swap3A_85 : vector<1x16xf32> to vector<16xf32>
        %swap3A_87 = vector.shape_cast %get3A_82 : vector<16xf32> to vector<1x16xf32>
        tpu.vector_store %arg11[%swap3A_83, %swap3A_84], %swap3A_87 {strides = array<i32>} : memref<320x64xf32, #tpu.memory_space<vmem>>, vector<1x16xf32>,
        %get3A_88 = arith.index_cast %scan3A_61 : i32 to index
        %get3A_89 = arith.constant 48 : index
        %get3A_90 = tpu.vector_load %arg12[%get3A_88, %get3A_89] {strides = array<i32>} : memref<48x128xf32, #tpu.memory_space<vmem>>, vector<1x16xf32>,
        %get3A_91 = vector.shape_cast %get3A_90 : vector<1x16xf32> to vector<16xf32>
        %swap3A_92 = arith.index_cast %scan3A_61 : i32 to index
        %swap3A_93 = arith.constant 48 : index
        %swap3A_94 = tpu.vector_load %arg11[%swap3A_92, %swap3A_93] {strides = array<i32>} : memref<320x64xf32, #tpu.memory_space<vmem>>, vector<1x16xf32>,
        %swap3A_95 = vector.shape_cast %swap3A_94 : vector<1x16xf32> to vector<16xf32>
        %swap3A_96 = vector.shape_cast %get3A_91 : vector<16xf32> to vector<1x16xf32>
        tpu.vector_store %arg11[%swap3A_92, %swap3A_93], %swap3A_96 {strides = array<i32>} : memref<320x64xf32, #tpu.memory_space<vmem>>, vector<1x16xf32>,
        %scan3A_97 = arith.constant 0 : i32
        scf.yield %scan3A_97 : i32
      }
      %scan3A_59 = arith.constant 48 : i32
      "tpu.region"() ({
        %run_scoped3A = tpu.sem_alloc : memref<!tpu.dma_semaphore, #tpu.memory_space<semaphore_mem>>
        %dma_start3A = arith.constant 0 : i32
        %dma_start3A_61 = arith.constant 0 : i32
        %dma_start3A_62 = tpu.memref_slice %arg11[%dma_start3A, %dma_start3A_61] : memref<320x64xf32, #tpu.memory_space<vmem>> -> memref<48x64xf32, #tpu.memory_space<vmem>>
        %dma_start3A_63 = arith.constant 0 : i32
        %dma_start3A_64 = tpu.memref_slice %arg6[%add3A_52, %dma_start3A_63] : memref<10016x64xf32, #tpu.memory_space<vmem_shared>> -> memref<48x64xf32, #tpu.memory_space<vmem_shared>>
        %dma_start3A_65 = arith.constant 0 : i32
        %dma_start3A_66 = tpu.memref_slice %arg6[%add3A_52, %dma_start3A_65] : memref<10016x64xf32, #tpu.memory_space<vmem_shared>> -> memref<48x64xf32, #tpu.memory_space<vmem_shared>>
        %dma_start3A_67 = arith.constant 0 : i32
        %dma_start3A_68 = arith.constant 0 : i32
        %dma_start3A_69 = tpu.memref_slice %arg11[%dma_start3A_67, %dma_start3A_68] : memref<320x64xf32, #tpu.memory_space<vmem>> -> memref<48x64xf32, #tpu.memory_space<vmem>>
        tpu.enqueue_dma source(%dma_start3A_69 : memref<48x64xf32, #tpu.memory_space<vmem>>) target(%dma_start3A_66 : memref<48x64xf32, #tpu.memory_space<vmem_shared>>) target_semaphore(%run_scoped3A : memref<!tpu.dma_semaphore, #tpu.memory_space<semaphore_mem>>)
        %dma_wait3A = arith.constant 0 : i32
        %dma_wait3A_70 = arith.constant 0 : i32
        %dma_wait3A_71 = tpu.memref_slice %arg11[%dma_wait3A, %dma_wait3A_70] : memref<320x64xf32, #tpu.memory_space<vmem>> -> memref<48x64xf32, #tpu.memory_space<vmem>>
        %dma_wait3A_72 = arith.constant 0 : i32
        %dma_wait3A_73 = tpu.memref_slice %arg6[%add3A_52, %dma_wait3A_72] : memref<10016x64xf32, #tpu.memory_space<vmem_shared>> -> memref<48x64xf32, #tpu.memory_space<vmem_shared>>
        %dma_wait3A_74 = arith.constant 0 : i32
        %dma_wait3A_75 = tpu.memref_slice %arg6[%add3A_52, %dma_wait3A_74] : memref<10016x64xf32, #tpu.memory_space<vmem_shared>> -> memref<48x64xf32, #tpu.memory_space<vmem_shared>>
        %dma_wait3A_76 = arith.constant 0 : i32
        %dma_wait3A_77 = arith.constant 0 : i32
        %dma_wait3A_78 = tpu.memref_slice %arg11[%dma_wait3A_76, %dma_wait3A_77] : memref<320x64xf32, #tpu.memory_space<vmem>> -> memref<48x64xf32, #tpu.memory_space<vmem>>
        tpu.wait_dma2 semaphore(%run_scoped3A : memref<!tpu.dma_semaphore, #tpu.memory_space<semaphore_mem>>) src(%dma_wait3A_78 : memref<48x64xf32, #tpu.memory_space<vmem>>) dst(%dma_wait3A_75 : memref<48x64xf32, #tpu.memory_space<vmem_shared>>)
        tpu.yield
      }) : () -> ()
      %scan3A_60 = arith.constant 0 : i32
      scf.yield %scan3A_60 : i32
    }
    %scan3A_22 = arith.constant 13 : i32
    %eq3A_23 = arith.constant 15 : i32
    %eq3A_24 = arith.cmpi eq, %arg1, %eq3A_23 : i32
    %convert_element_type3A_25 = arith.extui %eq3A_24 : i1 to i32
    %cond3A_26 = arith.constant 0 : i32
    %cond3A_27 = arith.cmpi ne, %convert_element_type3A_25, %cond3A_26 : i32
    scf.if %cond3A_27 {
      "tpu.region"() ({
        %run_scoped3A = tpu.sem_alloc : memref<!tpu.dma_semaphore, #tpu.memory_space<semaphore_mem>>
        %dma_start3A = arith.constant 0 : i32
        %dma_start3A_55 = arith.constant 0 : i32
        %dma_start3A_56 = tpu.memref_slice %arg12[%dma_start3A, %dma_start3A_55] : memref<48x128xf32, #tpu.memory_space<vmem>> -> memref<16x128xf32, #tpu.memory_space<vmem>>
        %dma_start3A_57 = arith.constant 9984 : i32
        %dma_start3A_58 = arith.constant 0 : i32
        %dma_start3A_59 = tpu.memref_slice %arg2[%dma_start3A_57, %dma_start3A_58] : memref<10016x128xf32, #tpu.memory_space<hbm>> -> memref<16x128xf32, #tpu.memory_space<hbm>>
        %dma_start3A_60 = arith.constant 0 : i32
        %dma_start3A_61 = arith.constant 0 : i32
        %dma_start3A_62 = tpu.memref_slice %arg12[%dma_start3A_60, %dma_start3A_61] : memref<48x128xf32, #tpu.memory_space<vmem>> -> memref<16x128xf32, #tpu.memory_space<vmem>>
        %dma_start3A_63 = arith.constant 9984 : i32
        %dma_start3A_64 = arith.constant 0 : i32
        %dma_start3A_65 = tpu.memref_slice %arg2[%dma_start3A_63, %dma_start3A_64] : memref<10016x128xf32, #tpu.memory_space<hbm>> -> memref<16x128xf32, #tpu.memory_space<hbm>>
        tpu.enqueue_dma source(%dma_start3A_65 : memref<16x128xf32, #tpu.memory_space<hbm>>) target(%dma_start3A_62 : memref<16x128xf32, #tpu.memory_space<vmem>>) target_semaphore(%run_scoped3A : memref<!tpu.dma_semaphore, #tpu.memory_space<semaphore_mem>>)
        %dma_wait3A = arith.constant 0 : i32
        %dma_wait3A_66 = arith.constant 0 : i32
        %dma_wait3A_67 = tpu.memref_slice %arg12[%dma_wait3A, %dma_wait3A_66] : memref<48x128xf32, #tpu.memory_space<vmem>> -> memref<16x128xf32, #tpu.memory_space<vmem>>
        %dma_wait3A_68 = arith.constant 9984 : i32
        %dma_wait3A_69 = arith.constant 0 : i32
        %dma_wait3A_70 = tpu.memref_slice %arg2[%dma_wait3A_68, %dma_wait3A_69] : memref<10016x128xf32, #tpu.memory_space<hbm>> -> memref<16x128xf32, #tpu.memory_space<hbm>>
        %dma_wait3A_71 = arith.constant 0 : i32
        %dma_wait3A_72 = arith.constant 0 : i32
        %dma_wait3A_73 = tpu.memref_slice %arg12[%dma_wait3A_71, %dma_wait3A_72] : memref<48x128xf32, #tpu.memory_space<vmem>> -> memref<16x128xf32, #tpu.memory_space<vmem>>
        %dma_wait3A_74 = arith.constant 9984 : i32
        %dma_wait3A_75 = arith.constant 0 : i32
        %dma_wait3A_76 = tpu.memref_slice %arg2[%dma_wait3A_74, %dma_wait3A_75] : memref<10016x128xf32, #tpu.memory_space<hbm>> -> memref<16x128xf32, #tpu.memory_space<hbm>>
        tpu.wait_dma2 semaphore(%run_scoped3A : memref<!tpu.dma_semaphore, #tpu.memory_space<semaphore_mem>>) src(%dma_wait3A_76 : memref<16x128xf32, #tpu.memory_space<hbm>>) dst(%dma_wait3A_73 : memref<16x128xf32, #tpu.memory_space<vmem>>)
        tpu.yield
      }) : () -> ()
      %scan3A_48 = arith.constant 0 : i32
      %scan3A_49 = arith.constant 0 : i32
      %scan3A_50 = arith.constant 16 : i32
      %scan3A_51 = arith.addi %scan3A_49, %scan3A_50 : i32
      %scan3A_52 = arith.constant 1 : i32
      %scan3A_53 = scf.for %scan3A_55 = %scan3A_49 to %scan3A_51 step %scan3A_52 iter_args(%scan3A_56 = %scan3A_48) -> (i32)  : i32 {
        %get3A = arith.index_cast %scan3A_55 : i32 to index
        %get3A_57 = arith.constant 0 : index
        %get3A_58 = tpu.vector_load %arg12[%get3A, %get3A_57] {strides = array<i32>} : memref<48x128xf32, #tpu.memory_space<vmem>>, vector<1x16xf32>,
        %get3A_59 = vector.shape_cast %get3A_58 : vector<1x16xf32> to vector<16xf32>
        %swap3A = arith.index_cast %scan3A_55 : i32 to index
        %swap3A_60 = arith.constant 0 : index
        %swap3A_61 = tpu.vector_load %arg11[%swap3A, %swap3A_60] {strides = array<i32>} : memref<320x64xf32, #tpu.memory_space<vmem>>, vector<1x16xf32>,
        %swap3A_62 = vector.shape_cast %swap3A_61 : vector<1x16xf32> to vector<16xf32>
        %swap3A_63 = vector.shape_cast %get3A_59 : vector<16xf32> to vector<1x16xf32>
        tpu.vector_store %arg11[%swap3A, %swap3A_60], %swap3A_63 {strides = array<i32>} : memref<320x64xf32, #tpu.memory_space<vmem>>, vector<1x16xf32>,
        %get3A_64 = arith.index_cast %scan3A_55 : i32 to index
        %get3A_65 = arith.constant 16 : index
        %get3A_66 = tpu.vector_load %arg12[%get3A_64, %get3A_65] {strides = array<i32>} : memref<48x128xf32, #tpu.memory_space<vmem>>, vector<1x16xf32>,
        %get3A_67 = vector.shape_cast %get3A_66 : vector<1x16xf32> to vector<16xf32>
        %swap3A_68 = arith.index_cast %scan3A_55 : i32 to index
        %swap3A_69 = arith.constant 16 : index
        %swap3A_70 = tpu.vector_load %arg11[%swap3A_68, %swap3A_69] {strides = array<i32>} : memref<320x64xf32, #tpu.memory_space<vmem>>, vector<1x16xf32>,
        %swap3A_71 = vector.shape_cast %swap3A_70 : vector<1x16xf32> to vector<16xf32>
        %swap3A_72 = vector.shape_cast %get3A_67 : vector<16xf32> to vector<1x16xf32>
        tpu.vector_store %arg11[%swap3A_68, %swap3A_69], %swap3A_72 {strides = array<i32>} : memref<320x64xf32, #tpu.memory_space<vmem>>, vector<1x16xf32>,
        %get3A_73 = arith.index_cast %scan3A_55 : i32 to index
        %get3A_74 = arith.constant 32 : index
        %get3A_75 = tpu.vector_load %arg12[%get3A_73, %get3A_74] {strides = array<i32>} : memref<48x128xf32, #tpu.memory_space<vmem>>, vector<1x16xf32>,
        %get3A_76 = vector.shape_cast %get3A_75 : vector<1x16xf32> to vector<16xf32>
        %swap3A_77 = arith.index_cast %scan3A_55 : i32 to index
        %swap3A_78 = arith.constant 32 : index
        %swap3A_79 = tpu.vector_load %arg11[%swap3A_77, %swap3A_78] {strides = array<i32>} : memref<320x64xf32, #tpu.memory_space<vmem>>, vector<1x16xf32>,
        %swap3A_80 = vector.shape_cast %swap3A_79 : vector<1x16xf32> to vector<16xf32>
        %swap3A_81 = vector.shape_cast %get3A_76 : vector<16xf32> to vector<1x16xf32>
        tpu.vector_store %arg11[%swap3A_77, %swap3A_78], %swap3A_81 {strides = array<i32>} : memref<320x64xf32, #tpu.memory_space<vmem>>, vector<1x16xf32>,
        %get3A_82 = arith.index_cast %scan3A_55 : i32 to index
        %get3A_83 = arith.constant 48 : index
        %get3A_84 = tpu.vector_load %arg12[%get3A_82, %get3A_83] {strides = array<i32>} : memref<48x128xf32, #tpu.memory_space<vmem>>, vector<1x16xf32>,
        %get3A_85 = vector.shape_cast %get3A_84 : vector<1x16xf32> to vector<16xf32>
        %swap3A_86 = arith.index_cast %scan3A_55 : i32 to index
        %swap3A_87 = arith.constant 48 : index
        %swap3A_88 = tpu.vector_load %arg11[%swap3A_86, %swap3A_87] {strides = array<i32>} : memref<320x64xf32, #tpu.memory_space<vmem>>, vector<1x16xf32>,
        %swap3A_89 = vector.shape_cast %swap3A_88 : vector<1x16xf32> to vector<16xf32>
        %swap3A_90 = vector.shape_cast %get3A_85 : vector<16xf32> to vector<1x16xf32>
        tpu.vector_store %arg11[%swap3A_86, %swap3A_87], %swap3A_90 {strides = array<i32>} : memref<320x64xf32, #tpu.memory_space<vmem>>, vector<1x16xf32>,
        %scan3A_91 = arith.constant 0 : i32
        scf.yield %scan3A_91 : i32
      }
      %scan3A_54 = arith.constant 16 : i32
      "tpu.region"() ({
        %run_scoped3A = tpu.sem_alloc : memref<!tpu.dma_semaphore, #tpu.memory_space<semaphore_mem>>
        %dma_start3A = arith.constant 0 : i32
        %dma_start3A_55 = arith.constant 0 : i32
        %dma_start3A_56 = tpu.memref_slice %arg11[%dma_start3A, %dma_start3A_55] : memref<320x64xf32, #tpu.memory_space<vmem>> -> memref<16x64xf32, #tpu.memory_space<vmem>>
        %dma_start3A_57 = arith.constant 9984 : i32
        %dma_start3A_58 = arith.constant 0 : i32
        %dma_start3A_59 = tpu.memref_slice %arg6[%dma_start3A_57, %dma_start3A_58] : memref<10016x64xf32, #tpu.memory_space<vmem_shared>> -> memref<16x64xf32, #tpu.memory_space<vmem_shared>>
        %dma_start3A_60 = arith.constant 9984 : i32
        %dma_start3A_61 = arith.constant 0 : i32
        %dma_start3A_62 = tpu.memref_slice %arg6[%dma_start3A_60, %dma_start3A_61] : memref<10016x64xf32, #tpu.memory_space<vmem_shared>> -> memref<16x64xf32, #tpu.memory_space<vmem_shared>>
        %dma_start3A_63 = arith.constant 0 : i32
        %dma_start3A_64 = arith.constant 0 : i32
        %dma_start3A_65 = tpu.memref_slice %arg11[%dma_start3A_63, %dma_start3A_64] : memref<320x64xf32, #tpu.memory_space<vmem>> -> memref<16x64xf32, #tpu.memory_space<vmem>>
        tpu.enqueue_dma source(%dma_start3A_65 : memref<16x64xf32, #tpu.memory_space<vmem>>) target(%dma_start3A_62 : memref<16x64xf32, #tpu.memory_space<vmem_shared>>) target_semaphore(%run_scoped3A : memref<!tpu.dma_semaphore, #tpu.memory_space<semaphore_mem>>)
        %dma_wait3A = arith.constant 0 : i32
        %dma_wait3A_66 = arith.constant 0 : i32
        %dma_wait3A_67 = tpu.memref_slice %arg11[%dma_wait3A, %dma_wait3A_66] : memref<320x64xf32, #tpu.memory_space<vmem>> -> memref<16x64xf32, #tpu.memory_space<vmem>>
        %dma_wait3A_68 = arith.constant 9984 : i32
        %dma_wait3A_69 = arith.constant 0 : i32
        %dma_wait3A_70 = tpu.memref_slice %arg6[%dma_wait3A_68, %dma_wait3A_69] : memref<10016x64xf32, #tpu.memory_space<vmem_shared>> -> memref<16x64xf32, #tpu.memory_space<vmem_shared>>
        %dma_wait3A_71 = arith.constant 9984 : i32
        %dma_wait3A_72 = arith.constant 0 : i32
        %dma_wait3A_73 = tpu.memref_slice %arg6[%dma_wait3A_71, %dma_wait3A_72] : memref<10016x64xf32, #tpu.memory_space<vmem_shared>> -> memref<16x64xf32, #tpu.memory_space<vmem_shared>>
        %dma_wait3A_74 = arith.constant 0 : i32
        %dma_wait3A_75 = arith.constant 0 : i32
        %dma_wait3A_76 = tpu.memref_slice %arg11[%dma_wait3A_74, %dma_wait3A_75] : memref<320x64xf32, #tpu.memory_space<vmem>> -> memref<16x64xf32, #tpu.memory_space<vmem>>
        tpu.wait_dma2 semaphore(%run_scoped3A : memref<!tpu.dma_semaphore, #tpu.memory_space<semaphore_mem>>) src(%dma_wait3A_76 : memref<16x64xf32, #tpu.memory_space<vmem>>) dst(%dma_wait3A_73 : memref<16x64xf32, #tpu.memory_space<vmem_shared>>)
        tpu.yield
      }) : () -> ()
    } else {
    }
    %barrier3A = arith.constant 0 : index
    tpu.barrier barrier_id(%barrier3A)
    %scan3A_28 = arith.constant 0 : i32
    %scan3A_29 = arith.constant 0 : i32
    %scan3A_30 = arith.constant 8 : i32
    %scan3A_31 = arith.addi %scan3A_29, %scan3A_30 : i32
    %scan3A_32 = arith.constant 1 : i32
    %scan3A_33 = scf.for %scan3A_48 = %scan3A_29 to %scan3A_31 step %scan3A_32 iter_args(%scan3A_49 = %scan3A_28) -> (i32)  : i32 {
      "tpu.region"() ({
        %run_scoped3A = tpu.sem_alloc : memref<!tpu.dma_semaphore, #tpu.memory_space<semaphore_mem>>
        %dma_start3A_71 = arith.constant 0 : i32
        %dma_start3A_72 = arith.constant 0 : i32
        %dma_start3A_73 = tpu.memref_slice %arg3[%add3A, %scan3A_48, %dma_start3A_71, %dma_start3A_72] : memref<32x8x4x320xi32, #tpu.memory_space<hbm>> -> memref<1x1x4x320xi32, #tpu.memory_space<hbm>>
        %dma_start3A_74 = tpu.memref_squeeze %dma_start3A_73 : memref<1x1x4x320xi32, #tpu.memory_space<hbm>> -> memref<4x320xi32, #tpu.memory_space<hbm>>
        %dma_start3A_75 = arith.constant 0 : i32
        %dma_start3A_76 = arith.constant 0 : i32
        %dma_start3A_77 = tpu.memref_slice %arg3[%add3A, %scan3A_48, %dma_start3A_75, %dma_start3A_76] : memref<32x8x4x320xi32, #tpu.memory_space<hbm>> -> memref<1x1x4x320xi32, #tpu.memory_space<hbm>>
        %dma_start3A_78 = tpu.memref_squeeze %dma_start3A_77 : memref<1x1x4x320xi32, #tpu.memory_space<hbm>> -> memref<4x320xi32, #tpu.memory_space<hbm>>
        tpu.enqueue_dma source(%dma_start3A_78 : memref<4x320xi32, #tpu.memory_space<hbm>>) target(%arg8 : memref<4x320xi32, #tpu.memory_space<vmem>>) target_semaphore(%run_scoped3A : memref<!tpu.dma_semaphore, #tpu.memory_space<semaphore_mem>>)
        %dma_wait3A = arith.constant 0 : i32
        %dma_wait3A_79 = arith.constant 0 : i32
        %dma_wait3A_80 = tpu.memref_slice %arg3[%add3A, %scan3A_48, %dma_wait3A, %dma_wait3A_79] : memref<32x8x4x320xi32, #tpu.memory_space<hbm>> -> memref<1x1x4x320xi32, #tpu.memory_space<hbm>>
        %dma_wait3A_81 = tpu.memref_squeeze %dma_wait3A_80 : memref<1x1x4x320xi32, #tpu.memory_space<hbm>> -> memref<4x320xi32, #tpu.memory_space<hbm>>
        %dma_wait3A_82 = arith.constant 0 : i32
        %dma_wait3A_83 = arith.constant 0 : i32
        %dma_wait3A_84 = tpu.memref_slice %arg3[%add3A, %scan3A_48, %dma_wait3A_82, %dma_wait3A_83] : memref<32x8x4x320xi32, #tpu.memory_space<hbm>> -> memref<1x1x4x320xi32, #tpu.memory_space<hbm>>
        %dma_wait3A_85 = tpu.memref_squeeze %dma_wait3A_84 : memref<1x1x4x320xi32, #tpu.memory_space<hbm>> -> memref<4x320xi32, #tpu.memory_space<hbm>>
        tpu.wait_dma2 semaphore(%run_scoped3A : memref<!tpu.dma_semaphore, #tpu.memory_space<semaphore_mem>>) src(%dma_wait3A_85 : memref<4x320xi32, #tpu.memory_space<hbm>>) dst(%arg8 : memref<4x320xi32, #tpu.memory_space<vmem>>)
        tpu.yield
      }) : () -> ()
      "tpu.region"() ({
        %run_scoped3A = tpu.sem_alloc : memref<!tpu.dma_semaphore, #tpu.memory_space<semaphore_mem>>
        %dma_start3A_71 = arith.constant 0 : i32
        %dma_start3A_72 = arith.constant 0 : i32
        %dma_start3A_73 = tpu.memref_slice %arg4[%add3A, %scan3A_48, %dma_start3A_71, %dma_start3A_72] : memref<32x8x4x320xi32, #tpu.memory_space<hbm>> -> memref<1x1x4x320xi32, #tpu.memory_space<hbm>>
        %dma_start3A_74 = tpu.memref_squeeze %dma_start3A_73 : memref<1x1x4x320xi32, #tpu.memory_space<hbm>> -> memref<4x320xi32, #tpu.memory_space<hbm>>
        %dma_start3A_75 = arith.constant 0 : i32
        %dma_start3A_76 = arith.constant 0 : i32
        %dma_start3A_77 = tpu.memref_slice %arg4[%add3A, %scan3A_48, %dma_start3A_75, %dma_start3A_76] : memref<32x8x4x320xi32, #tpu.memory_space<hbm>> -> memref<1x1x4x320xi32, #tpu.memory_space<hbm>>
        %dma_start3A_78 = tpu.memref_squeeze %dma_start3A_77 : memref<1x1x4x320xi32, #tpu.memory_space<hbm>> -> memref<4x320xi32, #tpu.memory_space<hbm>>
        tpu.enqueue_dma source(%dma_start3A_78 : memref<4x320xi32, #tpu.memory_space<hbm>>) target(%arg9 : memref<4x320xi32, #tpu.memory_space<vmem>>) target_semaphore(%run_scoped3A : memref<!tpu.dma_semaphore, #tpu.memory_space<semaphore_mem>>)
        %dma_wait3A = arith.constant 0 : i32
        %dma_wait3A_79 = arith.constant 0 : i32
        %dma_wait3A_80 = tpu.memref_slice %arg4[%add3A, %scan3A_48, %dma_wait3A, %dma_wait3A_79] : memref<32x8x4x320xi32, #tpu.memory_space<hbm>> -> memref<1x1x4x320xi32, #tpu.memory_space<hbm>>
        %dma_wait3A_81 = tpu.memref_squeeze %dma_wait3A_80 : memref<1x1x4x320xi32, #tpu.memory_space<hbm>> -> memref<4x320xi32, #tpu.memory_space<hbm>>
        %dma_wait3A_82 = arith.constant 0 : i32
        %dma_wait3A_83 = arith.constant 0 : i32
        %dma_wait3A_84 = tpu.memref_slice %arg4[%add3A, %scan3A_48, %dma_wait3A_82, %dma_wait3A_83] : memref<32x8x4x320xi32, #tpu.memory_space<hbm>> -> memref<1x1x4x320xi32, #tpu.memory_space<hbm>>
        %dma_wait3A_85 = tpu.memref_squeeze %dma_wait3A_84 : memref<1x1x4x320xi32, #tpu.memory_space<hbm>> -> memref<4x320xi32, #tpu.memory_space<hbm>>
        tpu.wait_dma2 semaphore(%run_scoped3A : memref<!tpu.dma_semaphore, #tpu.memory_space<semaphore_mem>>) src(%dma_wait3A_85 : memref<4x320xi32, #tpu.memory_space<hbm>>) dst(%arg9 : memref<4x320xi32, #tpu.memory_space<vmem>>)
        tpu.yield
      }) : () -> ()
      %dma_start3A = arith.constant 0 : i32
      %dma_start3A_50 = arith.constant 0 : i32
      %dma_start3A_51 = tpu.memref_slice %arg8[%dma_start3A, %dma_start3A_50] : memref<4x320xi32, #tpu.memory_space<vmem>> -> memref<1x320xi32, #tpu.memory_space<vmem>>
      %dma_start3A_52 = tpu.memref_squeeze %dma_start3A_51 : memref<1x320xi32, #tpu.memory_space<vmem>> -> memref<320xi32, #tpu.memory_space<vmem>>
      %dma_start3A_53 = arith.constant 0 : i32
      %dma_start3A_54 = arith.constant 0 : i32
      %dma_start3A_55 = tpu.memref_slice %arg6[%dma_start3A_53, %dma_start3A_54] : memref<10016x64xf32, #tpu.memory_space<vmem_shared>> -> memref<10016x64xf32, #tpu.memory_space<vmem_shared>>
      tpu.enqueue_indirect_dma source(%dma_start3A_55 : memref<10016x64xf32, #tpu.memory_space<vmem_shared>>) target(%arg10 : memref<320x64xf32, #tpu.memory_space<vmem>>) offsets(%dma_start3A_52 : memref<320xi32, #tpu.memory_space<vmem>>) semaphore(%arg13 : memref<!tpu.dma_semaphore, #tpu.memory_space<semaphore_mem>>)
      %dma_start3A_56 = arith.constant 1 : i32
      %dma_start3A_57 = arith.constant 0 : i32
      %dma_start3A_58 = tpu.memref_slice %arg8[%dma_start3A_56, %dma_start3A_57] : memref<4x320xi32, #tpu.memory_space<vmem>> -> memref<1x320xi32, #tpu.memory_space<vmem>>
      %dma_start3A_59 = tpu.memref_squeeze %dma_start3A_58 : memref<1x320xi32, #tpu.memory_space<vmem>> -> memref<320xi32, #tpu.memory_space<vmem>>
      %dma_start3A_60 = arith.constant 0 : i32
      %dma_start3A_61 = arith.constant 0 : i32
      %dma_start3A_62 = tpu.memref_slice %arg6[%dma_start3A_60, %dma_start3A_61] : memref<10016x64xf32, #tpu.memory_space<vmem_shared>> -> memref<10016x64xf32, #tpu.memory_space<vmem_shared>>
      tpu.enqueue_indirect_dma source(%dma_start3A_62 : memref<10016x64xf32, #tpu.memory_space<vmem_shared>>) target(%arg11 : memref<320x64xf32, #tpu.memory_space<vmem>>) offsets(%dma_start3A_59 : memref<320xi32, #tpu.memory_space<vmem>>) semaphore(%arg14 : memref<!tpu.dma_semaphore, #tpu.memory_space<semaphore_mem>>)
      %scan3A_63 = arith.constant 0 : i32
      %scan3A_64 = arith.constant 0 : i32
      %scan3A_65 = arith.constant 2 : i32
      %scan3A_66 = arith.addi %scan3A_64, %scan3A_65 : i32
      %scan3A_67 = arith.constant 1 : i32
      %scan3A_68 = scf.for %scan3A_71 = %scan3A_64 to %scan3A_66 step %scan3A_67 iter_args(%scan3A_72 = %scan3A_63) -> (i32)  : i32 {
        %dma_wait3A = arith.constant 0 : i32
        %dma_wait3A_73 = arith.constant 0 : i32
        %dma_wait3A_74 = tpu.memref_slice %arg8[%dma_wait3A, %dma_wait3A_73] : memref<4x320xi32, #tpu.memory_space<vmem>> -> memref<1x320xi32, #tpu.memory_space<vmem>>
        %dma_wait3A_75 = tpu.memref_squeeze %dma_wait3A_74 : memref<1x320xi32, #tpu.memory_space<vmem>> -> memref<320xi32, #tpu.memory_space<vmem>>
        %dma_wait3A_76 = arith.constant 0 : i32
        %dma_wait3A_77 = arith.constant 0 : i32
        %dma_wait3A_78 = tpu.memref_slice %arg6[%dma_wait3A_76, %dma_wait3A_77] : memref<10016x64xf32, #tpu.memory_space<vmem_shared>> -> memref<10016x64xf32, #tpu.memory_space<vmem_shared>>
        tpu.wait_indirect_dma semaphore(%arg13 : memref<!tpu.dma_semaphore, #tpu.memory_space<semaphore_mem>>) src(%dma_wait3A_78 : memref<10016x64xf32, #tpu.memory_space<vmem_shared>>) dst(%arg10 : memref<320x64xf32, #tpu.memory_space<vmem>>)
        %mul3A_79 = arith.constant 2 : i32
        %mul3A_80 = arith.muli %mul3A_79, %scan3A_71 : i32
        "tpu.region"() ({
          %run_scoped3A = tpu.sem_alloc : memref<!tpu.dma_semaphore, #tpu.memory_space<semaphore_mem>>
          %dma_start3A_102 = arith.constant 0 : i32
          %dma_start3A_103 = tpu.memref_slice %arg9[%mul3A_80, %dma_start3A_102] : memref<4x320xi32, #tpu.memory_space<vmem>> -> memref<1x320xi32, #tpu.memory_space<vmem>>
          %dma_start3A_104 = tpu.memref_squeeze %dma_start3A_103 : memref<1x320xi32, #tpu.memory_space<vmem>> -> memref<320xi32, #tpu.memory_space<vmem>>
          %dma_start3A_105 = arith.constant 0 : i32
          %dma_start3A_106 = arith.constant 0 : i32
          %dma_start3A_107 = tpu.memref_slice %arg7[%dma_start3A_105, %dma_start3A_106] : memref<10016x64xf32, #tpu.memory_space<vmem_shared>> -> memref<10016x64xf32, #tpu.memory_space<vmem_shared>>
          tpu.enqueue_indirect_dma source(%arg10 : memref<320x64xf32, #tpu.memory_space<vmem>>) target(%dma_start3A_107 : memref<10016x64xf32, #tpu.memory_space<vmem_shared>>) offsets(%dma_start3A_104 : memref<320xi32, #tpu.memory_space<vmem>>) semaphore(%run_scoped3A : memref<!tpu.dma_semaphore, #tpu.memory_space<semaphore_mem>>) {add = true}
          %dma_wait3A_108 = arith.constant 0 : i32
          %dma_wait3A_109 = tpu.memref_slice %arg9[%mul3A_80, %dma_wait3A_108] : memref<4x320xi32, #tpu.memory_space<vmem>> -> memref<1x320xi32, #tpu.memory_space<vmem>>
          %dma_wait3A_110 = tpu.memref_squeeze %dma_wait3A_109 : memref<1x320xi32, #tpu.memory_space<vmem>> -> memref<320xi32, #tpu.memory_space<vmem>>
          %dma_wait3A_111 = arith.constant 0 : i32
          %dma_wait3A_112 = arith.constant 0 : i32
          %dma_wait3A_113 = tpu.memref_slice %arg7[%dma_wait3A_111, %dma_wait3A_112] : memref<10016x64xf32, #tpu.memory_space<vmem_shared>> -> memref<10016x64xf32, #tpu.memory_space<vmem_shared>>
          tpu.wait_indirect_dma semaphore(%run_scoped3A : memref<!tpu.dma_semaphore, #tpu.memory_space<semaphore_mem>>) src(%arg10 : memref<320x64xf32, #tpu.memory_space<vmem>>) dst(%dma_wait3A_113 : memref<10016x64xf32, #tpu.memory_space<vmem_shared>>)
          tpu.yield
        }) : () -> ()
        %lt3A = arith.constant 1 : i32
        %lt3A_81 = arith.cmpi slt, %scan3A_71, %lt3A : i32
        %convert_element_type3A_82 = arith.extui %lt3A_81 : i1 to i32
        %cond3A_83 = arith.constant 0 : i32
        %cond3A_84 = arith.cmpi ne, %convert_element_type3A_82, %cond3A_83 : i32
        scf.if %cond3A_84 {
          %mul3A_102 = arith.constant 2 : i32
          %mul3A_103 = arith.muli %mul3A_102, %scan3A_71 : i32
          %add3A_104 = arith.constant 2 : i32
          %add3A_105 = arith.addi %mul3A_103, %add3A_104 : i32
          %dma_start3A_106 = arith.constant 0 : i32
          %dma_start3A_107 = tpu.memref_slice %arg8[%add3A_105, %dma_start3A_106] : memref<4x320xi32, #tpu.memory_space<vmem>> -> memref<1x320xi32, #tpu.memory_space<vmem>>
          %dma_start3A_108 = tpu.memref_squeeze %dma_start3A_107 : memref<1x320xi32, #tpu.memory_space<vmem>> -> memref<320xi32, #tpu.memory_space<vmem>>
          %dma_start3A_109 = arith.constant 0 : i32
          %dma_start3A_110 = arith.constant 0 : i32
          %dma_start3A_111 = tpu.memref_slice %arg6[%dma_start3A_109, %dma_start3A_110] : memref<10016x64xf32, #tpu.memory_space<vmem_shared>> -> memref<10016x64xf32, #tpu.memory_space<vmem_shared>>
          tpu.enqueue_indirect_dma source(%dma_start3A_111 : memref<10016x64xf32, #tpu.memory_space<vmem_shared>>) target(%arg10 : memref<320x64xf32, #tpu.memory_space<vmem>>) offsets(%dma_start3A_108 : memref<320xi32, #tpu.memory_space<vmem>>) semaphore(%arg13 : memref<!tpu.dma_semaphore, #tpu.memory_space<semaphore_mem>>)
        } else {
        }
        %dma_wait3A_85 = arith.constant 0 : i32
        %dma_wait3A_86 = arith.constant 0 : i32
        %dma_wait3A_87 = tpu.memref_slice %arg8[%dma_wait3A_85, %dma_wait3A_86] : memref<4x320xi32, #tpu.memory_space<vmem>> -> memref<1x320xi32, #tpu.memory_space<vmem>>
        %dma_wait3A_88 = tpu.memref_squeeze %dma_wait3A_87 : memref<1x320xi32, #tpu.memory_space<vmem>> -> memref<320xi32, #tpu.memory_space<vmem>>
        %dma_wait3A_89 = arith.constant 0 : i32
        %dma_wait3A_90 = arith.constant 0 : i32
        %dma_wait3A_91 = tpu.memref_slice %arg6[%dma_wait3A_89, %dma_wait3A_90] : memref<10016x64xf32, #tpu.memory_space<vmem_shared>> -> memref<10016x64xf32, #tpu.memory_space<vmem_shared>>
        tpu.wait_indirect_dma semaphore(%arg14 : memref<!tpu.dma_semaphore, #tpu.memory_space<semaphore_mem>>) src(%dma_wait3A_91 : memref<10016x64xf32, #tpu.memory_space<vmem_shared>>) dst(%arg11 : memref<320x64xf32, #tpu.memory_space<vmem>>)
        %mul3A_92 = arith.constant 2 : i32
        %mul3A_93 = arith.muli %mul3A_92, %scan3A_71 : i32
        %add3A_94 = arith.constant 1 : i32
        %add3A_95 = arith.addi %mul3A_93, %add3A_94 : i32
        "tpu.region"() ({
          %run_scoped3A = tpu.sem_alloc : memref<!tpu.dma_semaphore, #tpu.memory_space<semaphore_mem>>
          %dma_start3A_102 = arith.constant 0 : i32
          %dma_start3A_103 = tpu.memref_slice %arg9[%add3A_95, %dma_start3A_102] : memref<4x320xi32, #tpu.memory_space<vmem>> -> memref<1x320xi32, #tpu.memory_space<vmem>>
          %dma_start3A_104 = tpu.memref_squeeze %dma_start3A_103 : memref<1x320xi32, #tpu.memory_space<vmem>> -> memref<320xi32, #tpu.memory_space<vmem>>
          %dma_start3A_105 = arith.constant 0 : i32
          %dma_start3A_106 = arith.constant 0 : i32
          %dma_start3A_107 = tpu.memref_slice %arg7[%dma_start3A_105, %dma_start3A_106] : memref<10016x64xf32, #tpu.memory_space<vmem_shared>> -> memref<10016x64xf32, #tpu.memory_space<vmem_shared>>
          tpu.enqueue_indirect_dma source(%arg11 : memref<320x64xf32, #tpu.memory_space<vmem>>) target(%dma_start3A_107 : memref<10016x64xf32, #tpu.memory_space<vmem_shared>>) offsets(%dma_start3A_104 : memref<320xi32, #tpu.memory_space<vmem>>) semaphore(%run_scoped3A : memref<!tpu.dma_semaphore, #tpu.memory_space<semaphore_mem>>) {add = true}
          %dma_wait3A_108 = arith.constant 0 : i32
          %dma_wait3A_109 = tpu.memref_slice %arg9[%add3A_95, %dma_wait3A_108] : memref<4x320xi32, #tpu.memory_space<vmem>> -> memref<1x320xi32, #tpu.memory_space<vmem>>
          %dma_wait3A_110 = tpu.memref_squeeze %dma_wait3A_109 : memref<1x320xi32, #tpu.memory_space<vmem>> -> memref<320xi32, #tpu.memory_space<vmem>>
          %dma_wait3A_111 = arith.constant 0 : i32
          %dma_wait3A_112 = arith.constant 0 : i32
          %dma_wait3A_113 = tpu.memref_slice %arg7[%dma_wait3A_111, %dma_wait3A_112] : memref<10016x64xf32, #tpu.memory_space<vmem_shared>> -> memref<10016x64xf32, #tpu.memory_space<vmem_shared>>
          tpu.wait_indirect_dma semaphore(%run_scoped3A : memref<!tpu.dma_semaphore, #tpu.memory_space<semaphore_mem>>) src(%arg11 : memref<320x64xf32, #tpu.memory_space<vmem>>) dst(%dma_wait3A_113 : memref<10016x64xf32, #tpu.memory_space<vmem_shared>>)
          tpu.yield
        }) : () -> ()
        %lt3A_96 = arith.constant 1 : i32
        %lt3A_97 = arith.cmpi slt, %scan3A_71, %lt3A_96 : i32
        %convert_element_type3A_98 = arith.extui %lt3A_97 : i1 to i32
        %cond3A_99 = arith.constant 0 : i32
        %cond3A_100 = arith.cmpi ne, %convert_element_type3A_98, %cond3A_99 : i32
        scf.if %cond3A_100 {
          %mul3A_102 = arith.constant 2 : i32
          %mul3A_103 = arith.muli %mul3A_102, %scan3A_71 : i32
          %add3A_104 = arith.constant 3 : i32
          %add3A_105 = arith.addi %mul3A_103, %add3A_104 : i32
          %dma_start3A_106 = arith.constant 0 : i32
          %dma_start3A_107 = tpu.memref_slice %arg8[%add3A_105, %dma_start3A_106] : memref<4x320xi32, #tpu.memory_space<vmem>> -> memref<1x320xi32, #tpu.memory_space<vmem>>
          %dma_start3A_108 = tpu.memref_squeeze %dma_start3A_107 : memref<1x320xi32, #tpu.memory_space<vmem>> -> memref<320xi32, #tpu.memory_space<vmem>>
          %dma_start3A_109 = arith.constant 0 : i32
          %dma_start3A_110 = arith.constant 0 : i32
          %dma_start3A_111 = tpu.memref_slice %arg6[%dma_start3A_109, %dma_start3A_110] : memref<10016x64xf32, #tpu.memory_space<vmem_shared>> -> memref<10016x64xf32, #tpu.memory_space<vmem_shared>>
          tpu.enqueue_indirect_dma source(%dma_start3A_111 : memref<10016x64xf32, #tpu.memory_space<vmem_shared>>) target(%arg11 : memref<320x64xf32, #tpu.memory_space<vmem>>) offsets(%dma_start3A_108 : memref<320xi32, #tpu.memory_space<vmem>>) semaphore(%arg14 : memref<!tpu.dma_semaphore, #tpu.memory_space<semaphore_mem>>)
        } else {
        }
        %scan3A_101 = arith.constant 0 : i32
        scf.yield %scan3A_101 : i32
      }
      %scan3A_69 = arith.constant 2 : i32
      %scan3A_70 = arith.constant 0 : i32
      scf.yield %scan3A_70 : i32
    }
    %scan3A_34 = arith.constant 8 : i32
    %barrier3A_35 = arith.constant 0 : index
    tpu.barrier barrier_id(%barrier3A_35)
    %scan3A_36 = arith.constant 0 : i32
    %scan3A_37 = arith.constant 0 : i32
    %scan3A_38 = arith.constant 13 : i32
    %scan3A_39 = arith.addi %scan3A_37, %scan3A_38 : i32
    %scan3A_40 = arith.constant 1 : i32
    %scan3A_41 = scf.for %scan3A_48 = %scan3A_37 to %scan3A_39 step %scan3A_40 iter_args(%scan3A_49 = %scan3A_36) -> (i32)  : i32 {
      %mul3A_50 = arith.constant 48 : i32
      %mul3A_51 = arith.muli %scan3A_48, %mul3A_50 : i32
      %add3A_52 = arith.addi %mul3A_8, %mul3A_51 : i32
      "tpu.region"() ({
        %run_scoped3A = tpu.sem_alloc : memref<!tpu.dma_semaphore, #tpu.memory_space<semaphore_mem>>
        %dma_start3A = arith.constant 0 : i32
        %dma_start3A_61 = arith.constant 0 : i32
        %dma_start3A_62 = tpu.memref_slice %arg10[%dma_start3A, %dma_start3A_61] : memref<320x64xf32, #tpu.memory_space<vmem>> -> memref<48x64xf32, #tpu.memory_space<vmem>>
        %dma_start3A_63 = arith.constant 0 : i32
        %dma_start3A_64 = tpu.memref_slice %arg7[%add3A_52, %dma_start3A_63] : memref<10016x64xf32, #tpu.memory_space<vmem_shared>> -> memref<48x64xf32, #tpu.memory_space<vmem_shared>>
        %dma_start3A_65 = arith.constant 0 : i32
        %dma_start3A_66 = arith.constant 0 : i32
        %dma_start3A_67 = tpu.memref_slice %arg10[%dma_start3A_65, %dma_start3A_66] : memref<320x64xf32, #tpu.memory_space<vmem>> -> memref<48x64xf32, #tpu.memory_space<vmem>>
        %dma_start3A_68 = arith.constant 0 : i32
        %dma_start3A_69 = tpu.memref_slice %arg7[%add3A_52, %dma_start3A_68] : memref<10016x64xf32, #tpu.memory_space<vmem_shared>> -> memref<48x64xf32, #tpu.memory_space<vmem_shared>>
        tpu.enqueue_dma source(%dma_start3A_69 : memref<48x64xf32, #tpu.memory_space<vmem_shared>>) target(%dma_start3A_67 : memref<48x64xf32, #tpu.memory_space<vmem>>) target_semaphore(%run_scoped3A : memref<!tpu.dma_semaphore, #tpu.memory_space<semaphore_mem>>)
        %dma_wait3A = arith.constant 0 : i32
        %dma_wait3A_70 = arith.constant 0 : i32
        %dma_wait3A_71 = tpu.memref_slice %arg10[%dma_wait3A, %dma_wait3A_70] : memref<320x64xf32, #tpu.memory_space<vmem>> -> memref<48x64xf32, #tpu.memory_space<vmem>>
        %dma_wait3A_72 = arith.constant 0 : i32
        %dma_wait3A_73 = tpu.memref_slice %arg7[%add3A_52, %dma_wait3A_72] : memref<10016x64xf32, #tpu.memory_space<vmem_shared>> -> memref<48x64xf32, #tpu.memory_space<vmem_shared>>
        %dma_wait3A_74 = arith.constant 0 : i32
        %dma_wait3A_75 = arith.constant 0 : i32
        %dma_wait3A_76 = tpu.memref_slice %arg10[%dma_wait3A_74, %dma_wait3A_75] : memref<320x64xf32, #tpu.memory_space<vmem>> -> memref<48x64xf32, #tpu.memory_space<vmem>>
        %dma_wait3A_77 = arith.constant 0 : i32
        %dma_wait3A_78 = tpu.memref_slice %arg7[%add3A_52, %dma_wait3A_77] : memref<10016x64xf32, #tpu.memory_space<vmem_shared>> -> memref<48x64xf32, #tpu.memory_space<vmem_shared>>
        tpu.wait_dma2 semaphore(%run_scoped3A : memref<!tpu.dma_semaphore, #tpu.memory_space<semaphore_mem>>) src(%dma_wait3A_78 : memref<48x64xf32, #tpu.memory_space<vmem_shared>>) dst(%dma_wait3A_76 : memref<48x64xf32, #tpu.memory_space<vmem>>)
        tpu.yield
      }) : () -> ()
      %scan3A_53 = arith.constant 0 : i32
      %scan3A_54 = arith.constant 0 : i32
      %scan3A_55 = arith.constant 48 : i32
      %scan3A_56 = arith.addi %scan3A_54, %scan3A_55 : i32
      %scan3A_57 = arith.constant 1 : i32
      %scan3A_58 = scf.for %scan3A_61 = %scan3A_54 to %scan3A_56 step %scan3A_57 iter_args(%scan3A_62 = %scan3A_53) -> (i32)  : i32 {
        %get3A = arith.index_cast %scan3A_61 : i32 to index
        %get3A_63 = arith.constant 0 : index
        %get3A_64 = tpu.vector_load %arg10[%get3A, %get3A_63] {strides = array<i32>} : memref<320x64xf32, #tpu.memory_space<vmem>>, vector<1x16xf32>,
        %get3A_65 = vector.shape_cast %get3A_64 : vector<1x16xf32> to vector<16xf32>
        %swap3A = arith.index_cast %scan3A_61 : i32 to index
        %swap3A_66 = arith.constant 0 : index
        %swap3A_67 = tpu.vector_load %arg12[%swap3A, %swap3A_66] {strides = array<i32>} : memref<48x128xf32, #tpu.memory_space<vmem>>, vector<1x16xf32>,
        %swap3A_68 = vector.shape_cast %swap3A_67 : vector<1x16xf32> to vector<16xf32>
        %swap3A_69 = vector.shape_cast %get3A_65 : vector<16xf32> to vector<1x16xf32>
        tpu.vector_store %arg12[%swap3A, %swap3A_66], %swap3A_69 {strides = array<i32>} : memref<48x128xf32, #tpu.memory_space<vmem>>, vector<1x16xf32>,
        %get3A_70 = arith.index_cast %scan3A_61 : i32 to index
        %get3A_71 = arith.constant 16 : index
        %get3A_72 = tpu.vector_load %arg10[%get3A_70, %get3A_71] {strides = array<i32>} : memref<320x64xf32, #tpu.memory_space<vmem>>, vector<1x16xf32>,
        %get3A_73 = vector.shape_cast %get3A_72 : vector<1x16xf32> to vector<16xf32>
        %swap3A_74 = arith.index_cast %scan3A_61 : i32 to index
        %swap3A_75 = arith.constant 16 : index
        %swap3A_76 = tpu.vector_load %arg12[%swap3A_74, %swap3A_75] {strides = array<i32>} : memref<48x128xf32, #tpu.memory_space<vmem>>, vector<1x16xf32>,
        %swap3A_77 = vector.shape_cast %swap3A_76 : vector<1x16xf32> to vector<16xf32>
        %swap3A_78 = vector.shape_cast %get3A_73 : vector<16xf32> to vector<1x16xf32>
        tpu.vector_store %arg12[%swap3A_74, %swap3A_75], %swap3A_78 {strides = array<i32>} : memref<48x128xf32, #tpu.memory_space<vmem>>, vector<1x16xf32>,
        %get3A_79 = arith.index_cast %scan3A_61 : i32 to index
        %get3A_80 = arith.constant 32 : index
        %get3A_81 = tpu.vector_load %arg10[%get3A_79, %get3A_80] {strides = array<i32>} : memref<320x64xf32, #tpu.memory_space<vmem>>, vector<1x16xf32>,
        %get3A_82 = vector.shape_cast %get3A_81 : vector<1x16xf32> to vector<16xf32>
        %swap3A_83 = arith.index_cast %scan3A_61 : i32 to index
        %swap3A_84 = arith.constant 32 : index
        %swap3A_85 = tpu.vector_load %arg12[%swap3A_83, %swap3A_84] {strides = array<i32>} : memref<48x128xf32, #tpu.memory_space<vmem>>, vector<1x16xf32>,
        %swap3A_86 = vector.shape_cast %swap3A_85 : vector<1x16xf32> to vector<16xf32>
        %swap3A_87 = vector.shape_cast %get3A_82 : vector<16xf32> to vector<1x16xf32>
        tpu.vector_store %arg12[%swap3A_83, %swap3A_84], %swap3A_87 {strides = array<i32>} : memref<48x128xf32, #tpu.memory_space<vmem>>, vector<1x16xf32>,
        %get3A_88 = arith.index_cast %scan3A_61 : i32 to index
        %get3A_89 = arith.constant 48 : index
        %get3A_90 = tpu.vector_load %arg10[%get3A_88, %get3A_89] {strides = array<i32>} : memref<320x64xf32, #tpu.memory_space<vmem>>, vector<1x16xf32>,
        %get3A_91 = vector.shape_cast %get3A_90 : vector<1x16xf32> to vector<16xf32>
        %swap3A_92 = arith.index_cast %scan3A_61 : i32 to index
        %swap3A_93 = arith.constant 48 : index
        %swap3A_94 = tpu.vector_load %arg12[%swap3A_92, %swap3A_93] {strides = array<i32>} : memref<48x128xf32, #tpu.memory_space<vmem>>, vector<1x16xf32>,
        %swap3A_95 = vector.shape_cast %swap3A_94 : vector<1x16xf32> to vector<16xf32>
        %swap3A_96 = vector.shape_cast %get3A_91 : vector<16xf32> to vector<1x16xf32>
        tpu.vector_store %arg12[%swap3A_92, %swap3A_93], %swap3A_96 {strides = array<i32>} : memref<48x128xf32, #tpu.memory_space<vmem>>, vector<1x16xf32>,
        %scan3A_97 = arith.constant 0 : i32
        scf.yield %scan3A_97 : i32
      }
      %scan3A_59 = arith.constant 48 : i32
      "tpu.region"() ({
        %run_scoped3A = tpu.sem_alloc : memref<!tpu.dma_semaphore, #tpu.memory_space<semaphore_mem>>
        %dma_start3A = arith.constant 0 : i32
        %dma_start3A_61 = tpu.memref_slice %arg5[%arg0, %add3A_52, %dma_start3A] : memref<2x10000x128xf32, #tpu.memory_space<hbm>> -> memref<1x48x128xf32, #tpu.memory_space<hbm>>
        %dma_start3A_62 = tpu.memref_squeeze %dma_start3A_61 : memref<1x48x128xf32, #tpu.memory_space<hbm>> -> memref<48x128xf32, #tpu.memory_space<hbm>>
        %dma_start3A_63 = arith.constant 0 : i32
        %dma_start3A_64 = tpu.memref_slice %arg5[%arg0, %add3A_52, %dma_start3A_63] : memref<2x10000x128xf32, #tpu.memory_space<hbm>> -> memref<1x48x128xf32, #tpu.memory_space<hbm>>
        %dma_start3A_65 = tpu.memref_squeeze %dma_start3A_64 : memref<1x48x128xf32, #tpu.memory_space<hbm>> -> memref<48x128xf32, #tpu.memory_space<hbm>>
        tpu.enqueue_dma source(%arg12 : memref<48x128xf32, #tpu.memory_space<vmem>>) target(%dma_start3A_65 : memref<48x128xf32, #tpu.memory_space<hbm>>) target_semaphore(%run_scoped3A : memref<!tpu.dma_semaphore, #tpu.memory_space<semaphore_mem>>)
        %dma_wait3A = arith.constant 0 : i32
        %dma_wait3A_66 = tpu.memref_slice %arg5[%arg0, %add3A_52, %dma_wait3A] : memref<2x10000x128xf32, #tpu.memory_space<hbm>> -> memref<1x48x128xf32, #tpu.memory_space<hbm>>
        %dma_wait3A_67 = tpu.memref_squeeze %dma_wait3A_66 : memref<1x48x128xf32, #tpu.memory_space<hbm>> -> memref<48x128xf32, #tpu.memory_space<hbm>>
        %dma_wait3A_68 = arith.constant 0 : i32
        %dma_wait3A_69 = tpu.memref_slice %arg5[%arg0, %add3A_52, %dma_wait3A_68] : memref<2x10000x128xf32, #tpu.memory_space<hbm>> -> memref<1x48x128xf32, #tpu.memory_space<hbm>>
        %dma_wait3A_70 = tpu.memref_squeeze %dma_wait3A_69 : memref<1x48x128xf32, #tpu.memory_space<hbm>> -> memref<48x128xf32, #tpu.memory_space<hbm>>
        tpu.wait_dma2 semaphore(%run_scoped3A : memref<!tpu.dma_semaphore, #tpu.memory_space<semaphore_mem>>) src(%arg12 : memref<48x128xf32, #tpu.memory_space<vmem>>) dst(%dma_wait3A_70 : memref<48x128xf32, #tpu.memory_space<hbm>>)
        tpu.yield
      }) : () -> ()
      %scan3A_60 = arith.constant 0 : i32
      scf.yield %scan3A_60 : i32
    }
    %scan3A_42 = arith.constant 13 : i32
    %eq3A_43 = arith.constant 15 : i32
    %eq3A_44 = arith.cmpi eq, %arg1, %eq3A_43 : i32
    %convert_element_type3A_45 = arith.extui %eq3A_44 : i1 to i32
    %cond3A_46 = arith.constant 0 : i32
    %cond3A_47 = arith.cmpi ne, %convert_element_type3A_45, %cond3A_46 : i32
    scf.if %cond3A_47 {
      "tpu.region"() ({
        %run_scoped3A = tpu.sem_alloc : memref<!tpu.dma_semaphore, #tpu.memory_space<semaphore_mem>>
        %dma_start3A = arith.constant 0 : i32
        %dma_start3A_55 = arith.constant 0 : i32
        %dma_start3A_56 = tpu.memref_slice %arg10[%dma_start3A, %dma_start3A_55] : memref<320x64xf32, #tpu.memory_space<vmem>> -> memref<16x64xf32, #tpu.memory_space<vmem>>
        %dma_start3A_57 = arith.constant 9984 : i32
        %dma_start3A_58 = arith.constant 0 : i32
        %dma_start3A_59 = tpu.memref_slice %arg7[%dma_start3A_57, %dma_start3A_58] : memref<10016x64xf32, #tpu.memory_space<vmem_shared>> -> memref<16x64xf32, #tpu.memory_space<vmem_shared>>
        %dma_start3A_60 = arith.constant 0 : i32
        %dma_start3A_61 = arith.constant 0 : i32
        %dma_start3A_62 = tpu.memref_slice %arg10[%dma_start3A_60, %dma_start3A_61] : memref<320x64xf32, #tpu.memory_space<vmem>> -> memref<16x64xf32, #tpu.memory_space<vmem>>
        %dma_start3A_63 = arith.constant 9984 : i32
        %dma_start3A_64 = arith.constant 0 : i32
        %dma_start3A_65 = tpu.memref_slice %arg7[%dma_start3A_63, %dma_start3A_64] : memref<10016x64xf32, #tpu.memory_space<vmem_shared>> -> memref<16x64xf32, #tpu.memory_space<vmem_shared>>
        tpu.enqueue_dma source(%dma_start3A_65 : memref<16x64xf32, #tpu.memory_space<vmem_shared>>) target(%dma_start3A_62 : memref<16x64xf32, #tpu.memory_space<vmem>>) target_semaphore(%run_scoped3A : memref<!tpu.dma_semaphore, #tpu.memory_space<semaphore_mem>>)
        %dma_wait3A = arith.constant 0 : i32
        %dma_wait3A_66 = arith.constant 0 : i32
        %dma_wait3A_67 = tpu.memref_slice %arg10[%dma_wait3A, %dma_wait3A_66] : memref<320x64xf32, #tpu.memory_space<vmem>> -> memref<16x64xf32, #tpu.memory_space<vmem>>
        %dma_wait3A_68 = arith.constant 9984 : i32
        %dma_wait3A_69 = arith.constant 0 : i32
        %dma_wait3A_70 = tpu.memref_slice %arg7[%dma_wait3A_68, %dma_wait3A_69] : memref<10016x64xf32, #tpu.memory_space<vmem_shared>> -> memref<16x64xf32, #tpu.memory_space<vmem_shared>>
        %dma_wait3A_71 = arith.constant 0 : i32
        %dma_wait3A_72 = arith.constant 0 : i32
        %dma_wait3A_73 = tpu.memref_slice %arg10[%dma_wait3A_71, %dma_wait3A_72] : memref<320x64xf32, #tpu.memory_space<vmem>> -> memref<16x64xf32, #tpu.memory_space<vmem>>
        %dma_wait3A_74 = arith.constant 9984 : i32
        %dma_wait3A_75 = arith.constant 0 : i32
        %dma_wait3A_76 = tpu.memref_slice %arg7[%dma_wait3A_74, %dma_wait3A_75] : memref<10016x64xf32, #tpu.memory_space<vmem_shared>> -> memref<16x64xf32, #tpu.memory_space<vmem_shared>>
        tpu.wait_dma2 semaphore(%run_scoped3A : memref<!tpu.dma_semaphore, #tpu.memory_space<semaphore_mem>>) src(%dma_wait3A_76 : memref<16x64xf32, #tpu.memory_space<vmem_shared>>) dst(%dma_wait3A_73 : memref<16x64xf32, #tpu.memory_space<vmem>>)
        tpu.yield
      }) : () -> ()
      %scan3A_48 = arith.constant 0 : i32
      %scan3A_49 = arith.constant 0 : i32
      %scan3A_50 = arith.constant 16 : i32
      %scan3A_51 = arith.addi %scan3A_49, %scan3A_50 : i32
      %scan3A_52 = arith.constant 1 : i32
      %scan3A_53 = scf.for %scan3A_55 = %scan3A_49 to %scan3A_51 step %scan3A_52 iter_args(%scan3A_56 = %scan3A_48) -> (i32)  : i32 {
        %get3A = arith.index_cast %scan3A_55 : i32 to index
        %get3A_57 = arith.constant 0 : index
        %get3A_58 = tpu.vector_load %arg10[%get3A, %get3A_57] {strides = array<i32>} : memref<320x64xf32, #tpu.memory_space<vmem>>, vector<1x16xf32>,
        %get3A_59 = vector.shape_cast %get3A_58 : vector<1x16xf32> to vector<16xf32>
        %swap3A = arith.index_cast %scan3A_55 : i32 to index
        %swap3A_60 = arith.constant 0 : index
        %swap3A_61 = tpu.vector_load %arg12[%swap3A, %swap3A_60] {strides = array<i32>} : memref<48x128xf32, #tpu.memory_space<vmem>>, vector<1x16xf32>,
        %swap3A_62 = vector.shape_cast %swap3A_61 : vector<1x16xf32> to vector<16xf32>
        %swap3A_63 = vector.shape_cast %get3A_59 : vector<16xf32> to vector<1x16xf32>
        tpu.vector_store %arg12[%swap3A, %swap3A_60], %swap3A_63 {strides = array<i32>} : memref<48x128xf32, #tpu.memory_space<vmem>>, vector<1x16xf32>,
        %get3A_64 = arith.index_cast %scan3A_55 : i32 to index
        %get3A_65 = arith.constant 16 : index
        %get3A_66 = tpu.vector_load %arg10[%get3A_64, %get3A_65] {strides = array<i32>} : memref<320x64xf32, #tpu.memory_space<vmem>>, vector<1x16xf32>,
        %get3A_67 = vector.shape_cast %get3A_66 : vector<1x16xf32> to vector<16xf32>
        %swap3A_68 = arith.index_cast %scan3A_55 : i32 to index
        %swap3A_69 = arith.constant 16 : index
        %swap3A_70 = tpu.vector_load %arg12[%swap3A_68, %swap3A_69] {strides = array<i32>} : memref<48x128xf32, #tpu.memory_space<vmem>>, vector<1x16xf32>,
        %swap3A_71 = vector.shape_cast %swap3A_70 : vector<1x16xf32> to vector<16xf32>
        %swap3A_72 = vector.shape_cast %get3A_67 : vector<16xf32> to vector<1x16xf32>
        tpu.vector_store %arg12[%swap3A_68, %swap3A_69], %swap3A_72 {strides = array<i32>} : memref<48x128xf32, #tpu.memory_space<vmem>>, vector<1x16xf32>,
        %get3A_73 = arith.index_cast %scan3A_55 : i32 to index
        %get3A_74 = arith.constant 32 : index
        %get3A_75 = tpu.vector_load %arg10[%get3A_73, %get3A_74] {strides = array<i32>} : memref<320x64xf32, #tpu.memory_space<vmem>>, vector<1x16xf32>,
        %get3A_76 = vector.shape_cast %get3A_75 : vector<1x16xf32> to vector<16xf32>
        %swap3A_77 = arith.index_cast %scan3A_55 : i32 to index
        %swap3A_78 = arith.constant 32 : index
        %swap3A_79 = tpu.vector_load %arg12[%swap3A_77, %swap3A_78] {strides = array<i32>} : memref<48x128xf32, #tpu.memory_space<vmem>>, vector<1x16xf32>,
        %swap3A_80 = vector.shape_cast %swap3A_79 : vector<1x16xf32> to vector<16xf32>
        %swap3A_81 = vector.shape_cast %get3A_76 : vector<16xf32> to vector<1x16xf32>
        tpu.vector_store %arg12[%swap3A_77, %swap3A_78], %swap3A_81 {strides = array<i32>} : memref<48x128xf32, #tpu.memory_space<vmem>>, vector<1x16xf32>,
        %get3A_82 = arith.index_cast %scan3A_55 : i32 to index
        %get3A_83 = arith.constant 48 : index
        %get3A_84 = tpu.vector_load %arg10[%get3A_82, %get3A_83] {strides = array<i32>} : memref<320x64xf32, #tpu.memory_space<vmem>>, vector<1x16xf32>,
        %get3A_85 = vector.shape_cast %get3A_84 : vector<1x16xf32> to vector<16xf32>
        %swap3A_86 = arith.index_cast %scan3A_55 : i32 to index
        %swap3A_87 = arith.constant 48 : index
        %swap3A_88 = tpu.vector_load %arg12[%swap3A_86, %swap3A_87] {strides = array<i32>} : memref<48x128xf32, #tpu.memory_space<vmem>>, vector<1x16xf32>,
        %swap3A_89 = vector.shape_cast %swap3A_88 : vector<1x16xf32> to vector<16xf32>
        %swap3A_90 = vector.shape_cast %get3A_85 : vector<16xf32> to vector<1x16xf32>
        tpu.vector_store %arg12[%swap3A_86, %swap3A_87], %swap3A_90 {strides = array<i32>} : memref<48x128xf32, #tpu.memory_space<vmem>>, vector<1x16xf32>,
        %scan3A_91 = arith.constant 0 : i32
        scf.yield %scan3A_91 : i32
      }
      %scan3A_54 = arith.constant 16 : i32
      "tpu.region"() ({
        %run_scoped3A = tpu.sem_alloc : memref<!tpu.dma_semaphore, #tpu.memory_space<semaphore_mem>>
        %dma_start3A = arith.constant 0 : i32
        %dma_start3A_55 = arith.constant 0 : i32
        %dma_start3A_56 = tpu.memref_slice %arg12[%dma_start3A, %dma_start3A_55] : memref<48x128xf32, #tpu.memory_space<vmem>> -> memref<16x128xf32, #tpu.memory_space<vmem>>
        %dma_start3A_57 = arith.constant 9984 : i32
        %dma_start3A_58 = arith.constant 0 : i32
        %dma_start3A_59 = tpu.memref_slice %arg5[%arg0, %dma_start3A_57, %dma_start3A_58] : memref<2x10000x128xf32, #tpu.memory_space<hbm>> -> memref<1x16x128xf32, #tpu.memory_space<hbm>>
        %dma_start3A_60 = tpu.memref_squeeze %dma_start3A_59 : memref<1x16x128xf32, #tpu.memory_space<hbm>> -> memref<16x128xf32, #tpu.memory_space<hbm>>
        %dma_start3A_61 = arith.constant 9984 : i32
        %dma_start3A_62 = arith.constant 0 : i32
        %dma_start3A_63 = tpu.memref_slice %arg5[%arg0, %dma_start3A_61, %dma_start3A_62] : memref<2x10000x128xf32, #tpu.memory_space<hbm>> -> memref<1x16x128xf32, #tpu.memory_space<hbm>>
        %dma_start3A_64 = tpu.memref_squeeze %dma_start3A_63 : memref<1x16x128xf32, #tpu.memory_space<hbm>> -> memref<16x128xf32, #tpu.memory_space<hbm>>
        %dma_start3A_65 = arith.constant 0 : i32
        %dma_start3A_66 = arith.constant 0 : i32
        %dma_start3A_67 = tpu.memref_slice %arg12[%dma_start3A_65, %dma_start3A_66] : memref<48x128xf32, #tpu.memory_space<vmem>> -> memref<16x128xf32, #tpu.memory_space<vmem>>
        tpu.enqueue_dma source(%dma_start3A_67 : memref<16x128xf32, #tpu.memory_space<vmem>>) target(%dma_start3A_64 : memref<16x128xf32, #tpu.memory_space<hbm>>) target_semaphore(%run_scoped3A : memref<!tpu.dma_semaphore, #tpu.memory_space<semaphore_mem>>)
        %dma_wait3A = arith.constant 0 : i32
        %dma_wait3A_68 = arith.constant 0 : i32
        %dma_wait3A_69 = tpu.memref_slice %arg12[%dma_wait3A, %dma_wait3A_68] : memref<48x128xf32, #tpu.memory_space<vmem>> -> memref<16x128xf32, #tpu.memory_space<vmem>>
        %dma_wait3A_70 = arith.constant 9984 : i32
        %dma_wait3A_71 = arith.constant 0 : i32
        %dma_wait3A_72 = tpu.memref_slice %arg5[%arg0, %dma_wait3A_70, %dma_wait3A_71] : memref<2x10000x128xf32, #tpu.memory_space<hbm>> -> memref<1x16x128xf32, #tpu.memory_space<hbm>>
        %dma_wait3A_73 = tpu.memref_squeeze %dma_wait3A_72 : memref<1x16x128xf32, #tpu.memory_space<hbm>> -> memref<16x128xf32, #tpu.memory_space<hbm>>
        %dma_wait3A_74 = arith.constant 9984 : i32
        %dma_wait3A_75 = arith.constant 0 : i32
        %dma_wait3A_76 = tpu.memref_slice %arg5[%arg0, %dma_wait3A_74, %dma_wait3A_75] : memref<2x10000x128xf32, #tpu.memory_space<hbm>> -> memref<1x16x128xf32, #tpu.memory_space<hbm>>
        %dma_wait3A_77 = tpu.memref_squeeze %dma_wait3A_76 : memref<1x16x128xf32, #tpu.memory_space<hbm>> -> memref<16x128xf32, #tpu.memory_space<hbm>>
        %dma_wait3A_78 = arith.constant 0 : i32
        %dma_wait3A_79 = arith.constant 0 : i32
        %dma_wait3A_80 = tpu.memref_slice %arg12[%dma_wait3A_78, %dma_wait3A_79] : memref<48x128xf32, #tpu.memory_space<vmem>> -> memref<16x128xf32, #tpu.memory_space<vmem>>
        tpu.wait_dma2 semaphore(%run_scoped3A : memref<!tpu.dma_semaphore, #tpu.memory_space<semaphore_mem>>) src(%dma_wait3A_80 : memref<16x128xf32, #tpu.memory_space<vmem>>) dst(%dma_wait3A_77 : memref<16x128xf32, #tpu.memory_space<hbm>>)
        tpu.yield
      }) : () -> ()
    } else {
    }
    return
  }
}

#map = affine_map<(d0, d1) -> (0, 0)>
#map1 = affine_map<(d0, d1) -> (0, 0, 0, 0)>
#map2 = affine_map<(d0, d1) -> (0, 0, 0)>
module attributes {stable_mosaic.version = 14 : i64} {
  func.func @_agg_body(%arg0: i32, %arg1: i32, %arg2: memref<10016x128xf32, #tpu.memory_space<hbm>>, %arg3: memref<32x8x4x320xi32, #tpu.memory_space<hbm>>, %arg4: memref<32x8x4x320xi32, #tpu.memory_space<hbm>>, %arg5: memref<2x10000x128xf32, #tpu.memory_space<hbm>>, %arg6: memref<10016x64xf32, #tpu.memory_space<vmem_shared>>, %arg7: memref<10016x64xf32, #tpu.memory_space<vmem_shared>>, %arg8: memref<4x320xi32, #tpu.memory_space<vmem>>, %arg9: memref<4x320xi32, #tpu.memory_space<vmem>>, %arg10: memref<320x64xf32, #tpu.memory_space<vmem>>, %arg11: memref<320x64xf32, #tpu.memory_space<vmem>>, %arg12: memref<48x128xf32, #tpu.memory_space<vmem>>, %arg13: memref<!tpu.dma_semaphore, #tpu.memory_space<semaphore_mem>>, %arg14: memref<!tpu.dma_semaphore, #tpu.memory_space<semaphore_mem>>) attributes {dimension_semantics = [#tpu.dimension_semantics<core_parallel>, #tpu.dimension_semantics<subcore_parallel>], iteration_bounds = array<i64: 2, 16>, scalar_prefetch = 0 : i64, scratch_operands = 9 : i64, tpu.core_type = #tpu.core_type<sc_vector_subcore>, window_params = [{transform_indices = #map}, {transform_indices = #map1}, {transform_indices = #map1}, {transform_indices = #map2}]} {
    %mul3A = arith.constant 2 : i32
    %mul3A_0 = arith.muli %arg1, %mul3A : i32
    %add3A = arith.addi %mul3A_0, %arg0 : i32
    %scan3A = arith.constant 0 : i32
    %scan3A_1 = arith.constant 0 : i32
    %scan3A_2 = arith.constant 320 : i32
    %scan3A_3 = arith.addi %scan3A_1, %scan3A_2 : i32
    %scan3A_4 = arith.constant 1 : i32
    %scan3A_5 = scf.for %scan3A_48 = %scan3A_1 to %scan3A_3 step %scan3A_4 iter_args(%scan3A_49 = %scan3A) -> (i32)  : i32 {
      %broadcast_in_dim3A = arith.constant 0.000000e+00 : f32
      %broadcast_in_dim3A_50 = vector.broadcast %broadcast_in_dim3A : f32 to vector<16xf32>
      %swap3A = arith.index_cast %scan3A_48 : i32 to index
      %swap3A_51 = arith.constant 0 : index
      %swap3A_52 = tpu.vector_load %arg10[%swap3A, %swap3A_51] {strides = array<i32>} : memref<320x64xf32, #tpu.memory_space<vmem>>, vector<1x16xf32>,
      %swap3A_53 = vector.shape_cast %swap3A_52 : vector<1x16xf32> to vector<16xf32>
      %swap3A_54 = vector.shape_cast %broadcast_in_dim3A_50 : vector<16xf32> to vector<1x16xf32>
      tpu.vector_store %arg10[%swap3A, %swap3A_51], %swap3A_54 {strides = array<i32>} : memref<320x64xf32, #tpu.memory_space<vmem>>, vector<1x16xf32>,
      %broadcast_in_dim3A_55 = arith.constant 0.000000e+00 : f32
      %broadcast_in_dim3A_56 = vector.broadcast %broadcast_in_dim3A_55 : f32 to vector<16xf32>
      %swap3A_57 = arith.index_cast %scan3A_48 : i32 to index
      %swap3A_58 = arith.constant 16 : index
      %swap3A_59 = tpu.vector_load %arg10[%swap3A_57, %swap3A_58] {strides = array<i32>} : memref<320x64xf32, #tpu.memory_space<vmem>>, vector<1x16xf32>,
      %swap3A_60 = vector.shape_cast %swap3A_59 : vector<1x16xf32> to vector<16xf32>
      %swap3A_61 = vector.shape_cast %broadcast_in_dim3A_56 : vector<16xf32> to vector<1x16xf32>
      tpu.vector_store %arg10[%swap3A_57, %swap3A_58], %swap3A_61 {strides = array<i32>} : memref<320x64xf32, #tpu.memory_space<vmem>>, vector<1x16xf32>,
      %broadcast_in_dim3A_62 = arith.constant 0.000000e+00 : f32
      %broadcast_in_dim3A_63 = vector.broadcast %broadcast_in_dim3A_62 : f32 to vector<16xf32>
      %swap3A_64 = arith.index_cast %scan3A_48 : i32 to index
      %swap3A_65 = arith.constant 32 : index
      %swap3A_66 = tpu.vector_load %arg10[%swap3A_64, %swap3A_65] {strides = array<i32>} : memref<320x64xf32, #tpu.memory_space<vmem>>, vector<1x16xf32>,
      %swap3A_67 = vector.shape_cast %swap3A_66 : vector<1x16xf32> to vector<16xf32>
      %swap3A_68 = vector.shape_cast %broadcast_in_dim3A_63 : vector<16xf32> to vector<1x16xf32>
      tpu.vector_store %arg10[%swap3A_64, %swap3A_65], %swap3A_68 {strides = array<i32>} : memref<320x64xf32, #tpu.memory_space<vmem>>, vector<1x16xf32>,
      %broadcast_in_dim3A_69 = arith.constant 0.000000e+00 : f32
      %broadcast_in_dim3A_70 = vector.broadcast %broadcast_in_dim3A_69 : f32 to vector<16xf32>
      %swap3A_71 = arith.index_cast %scan3A_48 : i32 to index
      %swap3A_72 = arith.constant 48 : index
      %swap3A_73 = tpu.vector_load %arg10[%swap3A_71, %swap3A_72] {strides = array<i32>} : memref<320x64xf32, #tpu.memory_space<vmem>>, vector<1x16xf32>,
      %swap3A_74 = vector.shape_cast %swap3A_73 : vector<1x16xf32> to vector<16xf32>
      %swap3A_75 = vector.shape_cast %broadcast_in_dim3A_70 : vector<16xf32> to vector<1x16xf32>
      tpu.vector_store %arg10[%swap3A_71, %swap3A_72], %swap3A_75 {strides = array<i32>} : memref<320x64xf32, #tpu.memory_space<vmem>>, vector<1x16xf32>,
      %scan3A_76 = arith.constant 0 : i32
      scf.yield %scan3A_76 : i32
    }
    %scan3A_6 = arith.constant 320 : i32
    %mul3A_7 = arith.constant 624 : i32
    %mul3A_8 = arith.muli %arg1, %mul3A_7 : i32
    %add3A_9 = arith.constant 0 : i32
    %add3A_10 = arith.addi %mul3A_8, %add3A_9 : i32
    "tpu.region"() ({
      %run_scoped3A = tpu.sem_alloc : memref<!tpu.dma_semaphore, #tpu.memory_space<semaphore_mem>>
      %dma_start3A = arith.constant 0 : i32
      %dma_start3A_48 = tpu.memref_slice %arg7[%add3A_10, %dma_start3A] : memref<10016x64xf32, #tpu.memory_space<vmem_shared>> -> memref<320x64xf32, #tpu.memory_space<vmem_shared>>
      %dma_start3A_49 = arith.constant 0 : i32
      %dma_start3A_50 = tpu.memref_slice %arg7[%add3A_10, %dma_start3A_49] : memref<10016x64xf32, #tpu.memory_space<vmem_shared>> -> memref<320x64xf32, #tpu.memory_space<vmem_shared>>
      tpu.enqueue_dma source(%arg10 : memref<320x64xf32, #tpu.memory_space<vmem>>) target(%dma_start3A_50 : memref<320x64xf32, #tpu.memory_space<vmem_shared>>) target_semaphore(%run_scoped3A : memref<!tpu.dma_semaphore, #tpu.memory_space<semaphore_mem>>)
      %dma_wait3A = arith.constant 0 : i32
      %dma_wait3A_51 = tpu.memref_slice %arg7[%add3A_10, %dma_wait3A] : memref<10016x64xf32, #tpu.memory_space<vmem_shared>> -> memref<320x64xf32, #tpu.memory_space<vmem_shared>>
      %dma_wait3A_52 = arith.constant 0 : i32
      %dma_wait3A_53 = tpu.memref_slice %arg7[%add3A_10, %dma_wait3A_52] : memref<10016x64xf32, #tpu.memory_space<vmem_shared>> -> memref<320x64xf32, #tpu.memory_space<vmem_shared>>
      tpu.wait_dma2 semaphore(%run_scoped3A : memref<!tpu.dma_semaphore, #tpu.memory_space<semaphore_mem>>) src(%arg10 : memref<320x64xf32, #tpu.memory_space<vmem>>) dst(%dma_wait3A_53 : memref<320x64xf32, #tpu.memory_space<vmem_shared>>)
      tpu.yield
    }) : () -> ()
    %add3A_11 = arith.constant 624 : i32
    %add3A_12 = arith.addi %mul3A_8, %add3A_11 : i32
    %sub3A = arith.constant 304 : i32
    %sub3A_13 = arith.subi %add3A_12, %sub3A : i32
    "tpu.region"() ({
      %run_scoped3A = tpu.sem_alloc : memref<!tpu.dma_semaphore, #tpu.memory_space<semaphore_mem>>
      %dma_start3A = arith.constant 0 : i32
      %dma_start3A_48 = arith.constant 0 : i32
      %dma_start3A_49 = tpu.memref_slice %arg10[%dma_start3A, %dma_start3A_48] : memref<320x64xf32, #tpu.memory_space<vmem>> -> memref<304x64xf32, #tpu.memory_space<vmem>>
      %dma_start3A_50 = arith.constant 0 : i32
      %dma_start3A_51 = tpu.memref_slice %arg7[%sub3A_13, %dma_start3A_50] : memref<10016x64xf32, #tpu.memory_space<vmem_shared>> -> memref<304x64xf32, #tpu.memory_space<vmem_shared>>
      %dma_start3A_52 = arith.constant 0 : i32
      %dma_start3A_53 = tpu.memref_slice %arg7[%sub3A_13, %dma_start3A_52] : memref<10016x64xf32, #tpu.memory_space<vmem_shared>> -> memref<304x64xf32, #tpu.memory_space<vmem_shared>>
      %dma_start3A_54 = arith.constant 0 : i32
      %dma_start3A_55 = arith.constant 0 : i32
      %dma_start3A_56 = tpu.memref_slice %arg10[%dma_start3A_54, %dma_start3A_55] : memref<320x64xf32, #tpu.memory_space<vmem>> -> memref<304x64xf32, #tpu.memory_space<vmem>>
      tpu.enqueue_dma source(%dma_start3A_56 : memref<304x64xf32, #tpu.memory_space<vmem>>) target(%dma_start3A_53 : memref<304x64xf32, #tpu.memory_space<vmem_shared>>) target_semaphore(%run_scoped3A : memref<!tpu.dma_semaphore, #tpu.memory_space<semaphore_mem>>)
      %dma_wait3A = arith.constant 0 : i32
      %dma_wait3A_57 = arith.constant 0 : i32
      %dma_wait3A_58 = tpu.memref_slice %arg10[%dma_wait3A, %dma_wait3A_57] : memref<320x64xf32, #tpu.memory_space<vmem>> -> memref<304x64xf32, #tpu.memory_space<vmem>>
      %dma_wait3A_59 = arith.constant 0 : i32
      %dma_wait3A_60 = tpu.memref_slice %arg7[%sub3A_13, %dma_wait3A_59] : memref<10016x64xf32, #tpu.memory_space<vmem_shared>> -> memref<304x64xf32, #tpu.memory_space<vmem_shared>>
      %dma_wait3A_61 = arith.constant 0 : i32
      %dma_wait3A_62 = tpu.memref_slice %arg7[%sub3A_13, %dma_wait3A_61] : memref<10016x64xf32, #tpu.memory_space<vmem_shared>> -> memref<304x64xf32, #tpu.memory_space<vmem_shared>>
      %dma_wait3A_63 = arith.constant 0 : i32
      %dma_wait3A_64 = arith.constant 0 : i32
      %dma_wait3A_65 = tpu.memref_slice %arg10[%dma_wait3A_63, %dma_wait3A_64] : memref<320x64xf32, #tpu.memory_space<vmem>> -> memref<304x64xf32, #tpu.memory_space<vmem>>
      tpu.wait_dma2 semaphore(%run_scoped3A : memref<!tpu.dma_semaphore, #tpu.memory_space<semaphore_mem>>) src(%dma_wait3A_65 : memref<304x64xf32, #tpu.memory_space<vmem>>) dst(%dma_wait3A_62 : memref<304x64xf32, #tpu.memory_space<vmem_shared>>)
      tpu.yield
    }) : () -> ()
    %eq3A = arith.constant 15 : i32
    %eq3A_14 = arith.cmpi eq, %arg1, %eq3A : i32
    %convert_element_type3A = arith.extui %eq3A_14 : i1 to i32
    %cond3A = arith.constant 0 : i32
    %cond3A_15 = arith.cmpi ne, %convert_element_type3A, %cond3A : i32
    scf.if %cond3A_15 {
      "tpu.region"() ({
        %run_scoped3A = tpu.sem_alloc : memref<!tpu.dma_semaphore, #tpu.memory_space<semaphore_mem>>
        %dma_start3A = arith.constant 0 : i32
        %dma_start3A_48 = arith.constant 0 : i32
        %dma_start3A_49 = tpu.memref_slice %arg10[%dma_start3A, %dma_start3A_48] : memref<320x64xf32, #tpu.memory_space<vmem>> -> memref<16x64xf32, #tpu.memory_space<vmem>>
        %dma_start3A_50 = arith.constant 9984 : i32
        %dma_start3A_51 = arith.constant 0 : i32
        %dma_start3A_52 = tpu.memref_slice %arg7[%dma_start3A_50, %dma_start3A_51] : memref<10016x64xf32, #tpu.memory_space<vmem_shared>> -> memref<16x64xf32, #tpu.memory_space<vmem_shared>>
        %dma_start3A_53 = arith.constant 9984 : i32
        %dma_start3A_54 = arith.constant 0 : i32
        %dma_start3A_55 = tpu.memref_slice %arg7[%dma_start3A_53, %dma_start3A_54] : memref<10016x64xf32, #tpu.memory_space<vmem_shared>> -> memref<16x64xf32, #tpu.memory_space<vmem_shared>>
        %dma_start3A_56 = arith.constant 0 : i32
        %dma_start3A_57 = arith.constant 0 : i32
        %dma_start3A_58 = tpu.memref_slice %arg10[%dma_start3A_56, %dma_start3A_57] : memref<320x64xf32, #tpu.memory_space<vmem>> -> memref<16x64xf32, #tpu.memory_space<vmem>>
        tpu.enqueue_dma source(%dma_start3A_58 : memref<16x64xf32, #tpu.memory_space<vmem>>) target(%dma_start3A_55 : memref<16x64xf32, #tpu.memory_space<vmem_shared>>) target_semaphore(%run_scoped3A : memref<!tpu.dma_semaphore, #tpu.memory_space<semaphore_mem>>)
        %dma_wait3A = arith.constant 0 : i32
        %dma_wait3A_59 = arith.constant 0 : i32
        %dma_wait3A_60 = tpu.memref_slice %arg10[%dma_wait3A, %dma_wait3A_59] : memref<320x64xf32, #tpu.memory_space<vmem>> -> memref<16x64xf32, #tpu.memory_space<vmem>>
        %dma_wait3A_61 = arith.constant 9984 : i32
        %dma_wait3A_62 = arith.constant 0 : i32
        %dma_wait3A_63 = tpu.memref_slice %arg7[%dma_wait3A_61, %dma_wait3A_62] : memref<10016x64xf32, #tpu.memory_space<vmem_shared>> -> memref<16x64xf32, #tpu.memory_space<vmem_shared>>
        %dma_wait3A_64 = arith.constant 9984 : i32
        %dma_wait3A_65 = arith.constant 0 : i32
        %dma_wait3A_66 = tpu.memref_slice %arg7[%dma_wait3A_64, %dma_wait3A_65] : memref<10016x64xf32, #tpu.memory_space<vmem_shared>> -> memref<16x64xf32, #tpu.memory_space<vmem_shared>>
        %dma_wait3A_67 = arith.constant 0 : i32
        %dma_wait3A_68 = arith.constant 0 : i32
        %dma_wait3A_69 = tpu.memref_slice %arg10[%dma_wait3A_67, %dma_wait3A_68] : memref<320x64xf32, #tpu.memory_space<vmem>> -> memref<16x64xf32, #tpu.memory_space<vmem>>
        tpu.wait_dma2 semaphore(%run_scoped3A : memref<!tpu.dma_semaphore, #tpu.memory_space<semaphore_mem>>) src(%dma_wait3A_69 : memref<16x64xf32, #tpu.memory_space<vmem>>) dst(%dma_wait3A_66 : memref<16x64xf32, #tpu.memory_space<vmem_shared>>)
        tpu.yield
      }) : () -> ()
    } else {
    }
    %scan3A_16 = arith.constant 0 : i32
    %scan3A_17 = arith.constant 0 : i32
    %scan3A_18 = arith.constant 13 : i32
    %scan3A_19 = arith.addi %scan3A_17, %scan3A_18 : i32
    %scan3A_20 = arith.constant 1 : i32
    %scan3A_21 = scf.for %scan3A_48 = %scan3A_17 to %scan3A_19 step %scan3A_20 iter_args(%scan3A_49 = %scan3A_16) -> (i32)  : i32 {
      %mul3A_50 = arith.constant 48 : i32
      %mul3A_51 = arith.muli %scan3A_48, %mul3A_50 : i32
      %add3A_52 = arith.addi %mul3A_8, %mul3A_51 : i32
      "tpu.region"() ({
        %run_scoped3A = tpu.sem_alloc : memref<!tpu.dma_semaphore, #tpu.memory_space<semaphore_mem>>
        %dma_start3A = arith.constant 0 : i32
        %dma_start3A_61 = tpu.memref_slice %arg2[%add3A_52, %dma_start3A] : memref<10016x128xf32, #tpu.memory_space<hbm>> -> memref<48x128xf32, #tpu.memory_space<hbm>>
        %dma_start3A_62 = arith.constant 0 : i32
        %dma_start3A_63 = tpu.memref_slice %arg2[%add3A_52, %dma_start3A_62] : memref<10016x128xf32, #tpu.memory_space<hbm>> -> memref<48x128xf32, #tpu.memory_space<hbm>>
        tpu.enqueue_dma source(%dma_start3A_63 : memref<48x128xf32, #tpu.memory_space<hbm>>) target(%arg12 : memref<48x128xf32, #tpu.memory_space<vmem>>) target_semaphore(%run_scoped3A : memref<!tpu.dma_semaphore, #tpu.memory_space<semaphore_mem>>)
        %dma_wait3A = arith.constant 0 : i32
        %dma_wait3A_64 = tpu.memref_slice %arg2[%add3A_52, %dma_wait3A] : memref<10016x128xf32, #tpu.memory_space<hbm>> -> memref<48x128xf32, #tpu.memory_space<hbm>>
        %dma_wait3A_65 = arith.constant 0 : i32
        %dma_wait3A_66 = tpu.memref_slice %arg2[%add3A_52, %dma_wait3A_65] : memref<10016x128xf32, #tpu.memory_space<hbm>> -> memref<48x128xf32, #tpu.memory_space<hbm>>
        tpu.wait_dma2 semaphore(%run_scoped3A : memref<!tpu.dma_semaphore, #tpu.memory_space<semaphore_mem>>) src(%dma_wait3A_66 : memref<48x128xf32, #tpu.memory_space<hbm>>) dst(%arg12 : memref<48x128xf32, #tpu.memory_space<vmem>>)
        tpu.yield
      }) : () -> ()
      %scan3A_53 = arith.constant 0 : i32
      %scan3A_54 = arith.constant 0 : i32
      %scan3A_55 = arith.constant 48 : i32
      %scan3A_56 = arith.addi %scan3A_54, %scan3A_55 : i32
      %scan3A_57 = arith.constant 1 : i32
      %scan3A_58 = scf.for %scan3A_61 = %scan3A_54 to %scan3A_56 step %scan3A_57 iter_args(%scan3A_62 = %scan3A_53) -> (i32)  : i32 {
        %get3A = arith.index_cast %scan3A_61 : i32 to index
        %get3A_63 = arith.constant 0 : index
        %get3A_64 = tpu.vector_load %arg12[%get3A, %get3A_63] {strides = array<i32>} : memref<48x128xf32, #tpu.memory_space<vmem>>, vector<1x16xf32>,
        %get3A_65 = vector.shape_cast %get3A_64 : vector<1x16xf32> to vector<16xf32>
        %swap3A = arith.index_cast %scan3A_61 : i32 to index
        %swap3A_66 = arith.constant 0 : index
        %swap3A_67 = tpu.vector_load %arg11[%swap3A, %swap3A_66] {strides = array<i32>} : memref<320x64xf32, #tpu.memory_space<vmem>>, vector<1x16xf32>,
        %swap3A_68 = vector.shape_cast %swap3A_67 : vector<1x16xf32> to vector<16xf32>
        %swap3A_69 = vector.shape_cast %get3A_65 : vector<16xf32> to vector<1x16xf32>
        tpu.vector_store %arg11[%swap3A, %swap3A_66], %swap3A_69 {strides = array<i32>} : memref<320x64xf32, #tpu.memory_space<vmem>>, vector<1x16xf32>,
        %get3A_70 = arith.index_cast %scan3A_61 : i32 to index
        %get3A_71 = arith.constant 16 : index
        %get3A_72 = tpu.vector_load %arg12[%get3A_70, %get3A_71] {strides = array<i32>} : memref<48x128xf32, #tpu.memory_space<vmem>>, vector<1x16xf32>,
        %get3A_73 = vector.shape_cast %get3A_72 : vector<1x16xf32> to vector<16xf32>
        %swap3A_74 = arith.index_cast %scan3A_61 : i32 to index
        %swap3A_75 = arith.constant 16 : index
        %swap3A_76 = tpu.vector_load %arg11[%swap3A_74, %swap3A_75] {strides = array<i32>} : memref<320x64xf32, #tpu.memory_space<vmem>>, vector<1x16xf32>,
        %swap3A_77 = vector.shape_cast %swap3A_76 : vector<1x16xf32> to vector<16xf32>
        %swap3A_78 = vector.shape_cast %get3A_73 : vector<16xf32> to vector<1x16xf32>
        tpu.vector_store %arg11[%swap3A_74, %swap3A_75], %swap3A_78 {strides = array<i32>} : memref<320x64xf32, #tpu.memory_space<vmem>>, vector<1x16xf32>,
        %get3A_79 = arith.index_cast %scan3A_61 : i32 to index
        %get3A_80 = arith.constant 32 : index
        %get3A_81 = tpu.vector_load %arg12[%get3A_79, %get3A_80] {strides = array<i32>} : memref<48x128xf32, #tpu.memory_space<vmem>>, vector<1x16xf32>,
        %get3A_82 = vector.shape_cast %get3A_81 : vector<1x16xf32> to vector<16xf32>
        %swap3A_83 = arith.index_cast %scan3A_61 : i32 to index
        %swap3A_84 = arith.constant 32 : index
        %swap3A_85 = tpu.vector_load %arg11[%swap3A_83, %swap3A_84] {strides = array<i32>} : memref<320x64xf32, #tpu.memory_space<vmem>>, vector<1x16xf32>,
        %swap3A_86 = vector.shape_cast %swap3A_85 : vector<1x16xf32> to vector<16xf32>
        %swap3A_87 = vector.shape_cast %get3A_82 : vector<16xf32> to vector<1x16xf32>
        tpu.vector_store %arg11[%swap3A_83, %swap3A_84], %swap3A_87 {strides = array<i32>} : memref<320x64xf32, #tpu.memory_space<vmem>>, vector<1x16xf32>,
        %get3A_88 = arith.index_cast %scan3A_61 : i32 to index
        %get3A_89 = arith.constant 48 : index
        %get3A_90 = tpu.vector_load %arg12[%get3A_88, %get3A_89] {strides = array<i32>} : memref<48x128xf32, #tpu.memory_space<vmem>>, vector<1x16xf32>,
        %get3A_91 = vector.shape_cast %get3A_90 : vector<1x16xf32> to vector<16xf32>
        %swap3A_92 = arith.index_cast %scan3A_61 : i32 to index
        %swap3A_93 = arith.constant 48 : index
        %swap3A_94 = tpu.vector_load %arg11[%swap3A_92, %swap3A_93] {strides = array<i32>} : memref<320x64xf32, #tpu.memory_space<vmem>>, vector<1x16xf32>,
        %swap3A_95 = vector.shape_cast %swap3A_94 : vector<1x16xf32> to vector<16xf32>
        %swap3A_96 = vector.shape_cast %get3A_91 : vector<16xf32> to vector<1x16xf32>
        tpu.vector_store %arg11[%swap3A_92, %swap3A_93], %swap3A_96 {strides = array<i32>} : memref<320x64xf32, #tpu.memory_space<vmem>>, vector<1x16xf32>,
        %scan3A_97 = arith.constant 0 : i32
        scf.yield %scan3A_97 : i32
      }
      %scan3A_59 = arith.constant 48 : i32
      "tpu.region"() ({
        %run_scoped3A = tpu.sem_alloc : memref<!tpu.dma_semaphore, #tpu.memory_space<semaphore_mem>>
        %dma_start3A = arith.constant 0 : i32
        %dma_start3A_61 = arith.constant 0 : i32
        %dma_start3A_62 = tpu.memref_slice %arg11[%dma_start3A, %dma_start3A_61] : memref<320x64xf32, #tpu.memory_space<vmem>> -> memref<48x64xf32, #tpu.memory_space<vmem>>
        %dma_start3A_63 = arith.constant 0 : i32
        %dma_start3A_64 = tpu.memref_slice %arg6[%add3A_52, %dma_start3A_63] : memref<10016x64xf32, #tpu.memory_space<vmem_shared>> -> memref<48x64xf32, #tpu.memory_space<vmem_shared>>
        %dma_start3A_65 = arith.constant 0 : i32
        %dma_start3A_66 = tpu.memref_slice %arg6[%add3A_52, %dma_start3A_65] : memref<10016x64xf32, #tpu.memory_space<vmem_shared>> -> memref<48x64xf32, #tpu.memory_space<vmem_shared>>
        %dma_start3A_67 = arith.constant 0 : i32
        %dma_start3A_68 = arith.constant 0 : i32
        %dma_start3A_69 = tpu.memref_slice %arg11[%dma_start3A_67, %dma_start3A_68] : memref<320x64xf32, #tpu.memory_space<vmem>> -> memref<48x64xf32, #tpu.memory_space<vmem>>
        tpu.enqueue_dma source(%dma_start3A_69 : memref<48x64xf32, #tpu.memory_space<vmem>>) target(%dma_start3A_66 : memref<48x64xf32, #tpu.memory_space<vmem_shared>>) target_semaphore(%run_scoped3A : memref<!tpu.dma_semaphore, #tpu.memory_space<semaphore_mem>>)
        %dma_wait3A = arith.constant 0 : i32
        %dma_wait3A_70 = arith.constant 0 : i32
        %dma_wait3A_71 = tpu.memref_slice %arg11[%dma_wait3A, %dma_wait3A_70] : memref<320x64xf32, #tpu.memory_space<vmem>> -> memref<48x64xf32, #tpu.memory_space<vmem>>
        %dma_wait3A_72 = arith.constant 0 : i32
        %dma_wait3A_73 = tpu.memref_slice %arg6[%add3A_52, %dma_wait3A_72] : memref<10016x64xf32, #tpu.memory_space<vmem_shared>> -> memref<48x64xf32, #tpu.memory_space<vmem_shared>>
        %dma_wait3A_74 = arith.constant 0 : i32
        %dma_wait3A_75 = tpu.memref_slice %arg6[%add3A_52, %dma_wait3A_74] : memref<10016x64xf32, #tpu.memory_space<vmem_shared>> -> memref<48x64xf32, #tpu.memory_space<vmem_shared>>
        %dma_wait3A_76 = arith.constant 0 : i32
        %dma_wait3A_77 = arith.constant 0 : i32
        %dma_wait3A_78 = tpu.memref_slice %arg11[%dma_wait3A_76, %dma_wait3A_77] : memref<320x64xf32, #tpu.memory_space<vmem>> -> memref<48x64xf32, #tpu.memory_space<vmem>>
        tpu.wait_dma2 semaphore(%run_scoped3A : memref<!tpu.dma_semaphore, #tpu.memory_space<semaphore_mem>>) src(%dma_wait3A_78 : memref<48x64xf32, #tpu.memory_space<vmem>>) dst(%dma_wait3A_75 : memref<48x64xf32, #tpu.memory_space<vmem_shared>>)
        tpu.yield
      }) : () -> ()
      %scan3A_60 = arith.constant 0 : i32
      scf.yield %scan3A_60 : i32
    }
    %scan3A_22 = arith.constant 13 : i32
    %eq3A_23 = arith.constant 15 : i32
    %eq3A_24 = arith.cmpi eq, %arg1, %eq3A_23 : i32
    %convert_element_type3A_25 = arith.extui %eq3A_24 : i1 to i32
    %cond3A_26 = arith.constant 0 : i32
    %cond3A_27 = arith.cmpi ne, %convert_element_type3A_25, %cond3A_26 : i32
    scf.if %cond3A_27 {
      "tpu.region"() ({
        %run_scoped3A = tpu.sem_alloc : memref<!tpu.dma_semaphore, #tpu.memory_space<semaphore_mem>>
        %dma_start3A = arith.constant 0 : i32
        %dma_start3A_55 = arith.constant 0 : i32
        %dma_start3A_56 = tpu.memref_slice %arg12[%dma_start3A, %dma_start3A_55] : memref<48x128xf32, #tpu.memory_space<vmem>> -> memref<16x128xf32, #tpu.memory_space<vmem>>
        %dma_start3A_57 = arith.constant 9984 : i32
        %dma_start3A_58 = arith.constant 0 : i32
        %dma_start3A_59 = tpu.memref_slice %arg2[%dma_start3A_57, %dma_start3A_58] : memref<10016x128xf32, #tpu.memory_space<hbm>> -> memref<16x128xf32, #tpu.memory_space<hbm>>
        %dma_start3A_60 = arith.constant 0 : i32
        %dma_start3A_61 = arith.constant 0 : i32
        %dma_start3A_62 = tpu.memref_slice %arg12[%dma_start3A_60, %dma_start3A_61] : memref<48x128xf32, #tpu.memory_space<vmem>> -> memref<16x128xf32, #tpu.memory_space<vmem>>
        %dma_start3A_63 = arith.constant 9984 : i32
        %dma_start3A_64 = arith.constant 0 : i32
        %dma_start3A_65 = tpu.memref_slice %arg2[%dma_start3A_63, %dma_start3A_64] : memref<10016x128xf32, #tpu.memory_space<hbm>> -> memref<16x128xf32, #tpu.memory_space<hbm>>
        tpu.enqueue_dma source(%dma_start3A_65 : memref<16x128xf32, #tpu.memory_space<hbm>>) target(%dma_start3A_62 : memref<16x128xf32, #tpu.memory_space<vmem>>) target_semaphore(%run_scoped3A : memref<!tpu.dma_semaphore, #tpu.memory_space<semaphore_mem>>)
        %dma_wait3A = arith.constant 0 : i32
        %dma_wait3A_66 = arith.constant 0 : i32
        %dma_wait3A_67 = tpu.memref_slice %arg12[%dma_wait3A, %dma_wait3A_66] : memref<48x128xf32, #tpu.memory_space<vmem>> -> memref<16x128xf32, #tpu.memory_space<vmem>>
        %dma_wait3A_68 = arith.constant 9984 : i32
        %dma_wait3A_69 = arith.constant 0 : i32
        %dma_wait3A_70 = tpu.memref_slice %arg2[%dma_wait3A_68, %dma_wait3A_69] : memref<10016x128xf32, #tpu.memory_space<hbm>> -> memref<16x128xf32, #tpu.memory_space<hbm>>
        %dma_wait3A_71 = arith.constant 0 : i32
        %dma_wait3A_72 = arith.constant 0 : i32
        %dma_wait3A_73 = tpu.memref_slice %arg12[%dma_wait3A_71, %dma_wait3A_72] : memref<48x128xf32, #tpu.memory_space<vmem>> -> memref<16x128xf32, #tpu.memory_space<vmem>>
        %dma_wait3A_74 = arith.constant 9984 : i32
        %dma_wait3A_75 = arith.constant 0 : i32
        %dma_wait3A_76 = tpu.memref_slice %arg2[%dma_wait3A_74, %dma_wait3A_75] : memref<10016x128xf32, #tpu.memory_space<hbm>> -> memref<16x128xf32, #tpu.memory_space<hbm>>
        tpu.wait_dma2 semaphore(%run_scoped3A : memref<!tpu.dma_semaphore, #tpu.memory_space<semaphore_mem>>) src(%dma_wait3A_76 : memref<16x128xf32, #tpu.memory_space<hbm>>) dst(%dma_wait3A_73 : memref<16x128xf32, #tpu.memory_space<vmem>>)
        tpu.yield
      }) : () -> ()
      %scan3A_48 = arith.constant 0 : i32
      %scan3A_49 = arith.constant 0 : i32
      %scan3A_50 = arith.constant 16 : i32
      %scan3A_51 = arith.addi %scan3A_49, %scan3A_50 : i32
      %scan3A_52 = arith.constant 1 : i32
      %scan3A_53 = scf.for %scan3A_55 = %scan3A_49 to %scan3A_51 step %scan3A_52 iter_args(%scan3A_56 = %scan3A_48) -> (i32)  : i32 {
        %get3A = arith.index_cast %scan3A_55 : i32 to index
        %get3A_57 = arith.constant 0 : index
        %get3A_58 = tpu.vector_load %arg12[%get3A, %get3A_57] {strides = array<i32>} : memref<48x128xf32, #tpu.memory_space<vmem>>, vector<1x16xf32>,
        %get3A_59 = vector.shape_cast %get3A_58 : vector<1x16xf32> to vector<16xf32>
        %swap3A = arith.index_cast %scan3A_55 : i32 to index
        %swap3A_60 = arith.constant 0 : index
        %swap3A_61 = tpu.vector_load %arg11[%swap3A, %swap3A_60] {strides = array<i32>} : memref<320x64xf32, #tpu.memory_space<vmem>>, vector<1x16xf32>,
        %swap3A_62 = vector.shape_cast %swap3A_61 : vector<1x16xf32> to vector<16xf32>
        %swap3A_63 = vector.shape_cast %get3A_59 : vector<16xf32> to vector<1x16xf32>
        tpu.vector_store %arg11[%swap3A, %swap3A_60], %swap3A_63 {strides = array<i32>} : memref<320x64xf32, #tpu.memory_space<vmem>>, vector<1x16xf32>,
        %get3A_64 = arith.index_cast %scan3A_55 : i32 to index
        %get3A_65 = arith.constant 16 : index
        %get3A_66 = tpu.vector_load %arg12[%get3A_64, %get3A_65] {strides = array<i32>} : memref<48x128xf32, #tpu.memory_space<vmem>>, vector<1x16xf32>,
        %get3A_67 = vector.shape_cast %get3A_66 : vector<1x16xf32> to vector<16xf32>
        %swap3A_68 = arith.index_cast %scan3A_55 : i32 to index
        %swap3A_69 = arith.constant 16 : index
        %swap3A_70 = tpu.vector_load %arg11[%swap3A_68, %swap3A_69] {strides = array<i32>} : memref<320x64xf32, #tpu.memory_space<vmem>>, vector<1x16xf32>,
        %swap3A_71 = vector.shape_cast %swap3A_70 : vector<1x16xf32> to vector<16xf32>
        %swap3A_72 = vector.shape_cast %get3A_67 : vector<16xf32> to vector<1x16xf32>
        tpu.vector_store %arg11[%swap3A_68, %swap3A_69], %swap3A_72 {strides = array<i32>} : memref<320x64xf32, #tpu.memory_space<vmem>>, vector<1x16xf32>,
        %get3A_73 = arith.index_cast %scan3A_55 : i32 to index
        %get3A_74 = arith.constant 32 : index
        %get3A_75 = tpu.vector_load %arg12[%get3A_73, %get3A_74] {strides = array<i32>} : memref<48x128xf32, #tpu.memory_space<vmem>>, vector<1x16xf32>,
        %get3A_76 = vector.shape_cast %get3A_75 : vector<1x16xf32> to vector<16xf32>
        %swap3A_77 = arith.index_cast %scan3A_55 : i32 to index
        %swap3A_78 = arith.constant 32 : index
        %swap3A_79 = tpu.vector_load %arg11[%swap3A_77, %swap3A_78] {strides = array<i32>} : memref<320x64xf32, #tpu.memory_space<vmem>>, vector<1x16xf32>,
        %swap3A_80 = vector.shape_cast %swap3A_79 : vector<1x16xf32> to vector<16xf32>
        %swap3A_81 = vector.shape_cast %get3A_76 : vector<16xf32> to vector<1x16xf32>
        tpu.vector_store %arg11[%swap3A_77, %swap3A_78], %swap3A_81 {strides = array<i32>} : memref<320x64xf32, #tpu.memory_space<vmem>>, vector<1x16xf32>,
        %get3A_82 = arith.index_cast %scan3A_55 : i32 to index
        %get3A_83 = arith.constant 48 : index
        %get3A_84 = tpu.vector_load %arg12[%get3A_82, %get3A_83] {strides = array<i32>} : memref<48x128xf32, #tpu.memory_space<vmem>>, vector<1x16xf32>,
        %get3A_85 = vector.shape_cast %get3A_84 : vector<1x16xf32> to vector<16xf32>
        %swap3A_86 = arith.index_cast %scan3A_55 : i32 to index
        %swap3A_87 = arith.constant 48 : index
        %swap3A_88 = tpu.vector_load %arg11[%swap3A_86, %swap3A_87] {strides = array<i32>} : memref<320x64xf32, #tpu.memory_space<vmem>>, vector<1x16xf32>,
        %swap3A_89 = vector.shape_cast %swap3A_88 : vector<1x16xf32> to vector<16xf32>
        %swap3A_90 = vector.shape_cast %get3A_85 : vector<16xf32> to vector<1x16xf32>
        tpu.vector_store %arg11[%swap3A_86, %swap3A_87], %swap3A_90 {strides = array<i32>} : memref<320x64xf32, #tpu.memory_space<vmem>>, vector<1x16xf32>,
        %scan3A_91 = arith.constant 0 : i32
        scf.yield %scan3A_91 : i32
      }
      %scan3A_54 = arith.constant 16 : i32
      "tpu.region"() ({
        %run_scoped3A = tpu.sem_alloc : memref<!tpu.dma_semaphore, #tpu.memory_space<semaphore_mem>>
        %dma_start3A = arith.constant 0 : i32
        %dma_start3A_55 = arith.constant 0 : i32
        %dma_start3A_56 = tpu.memref_slice %arg11[%dma_start3A, %dma_start3A_55] : memref<320x64xf32, #tpu.memory_space<vmem>> -> memref<16x64xf32, #tpu.memory_space<vmem>>
        %dma_start3A_57 = arith.constant 9984 : i32
        %dma_start3A_58 = arith.constant 0 : i32
        %dma_start3A_59 = tpu.memref_slice %arg6[%dma_start3A_57, %dma_start3A_58] : memref<10016x64xf32, #tpu.memory_space<vmem_shared>> -> memref<16x64xf32, #tpu.memory_space<vmem_shared>>
        %dma_start3A_60 = arith.constant 9984 : i32
        %dma_start3A_61 = arith.constant 0 : i32
        %dma_start3A_62 = tpu.memref_slice %arg6[%dma_start3A_60, %dma_start3A_61] : memref<10016x64xf32, #tpu.memory_space<vmem_shared>> -> memref<16x64xf32, #tpu.memory_space<vmem_shared>>
        %dma_start3A_63 = arith.constant 0 : i32
        %dma_start3A_64 = arith.constant 0 : i32
        %dma_start3A_65 = tpu.memref_slice %arg11[%dma_start3A_63, %dma_start3A_64] : memref<320x64xf32, #tpu.memory_space<vmem>> -> memref<16x64xf32, #tpu.memory_space<vmem>>
        tpu.enqueue_dma source(%dma_start3A_65 : memref<16x64xf32, #tpu.memory_space<vmem>>) target(%dma_start3A_62 : memref<16x64xf32, #tpu.memory_space<vmem_shared>>) target_semaphore(%run_scoped3A : memref<!tpu.dma_semaphore, #tpu.memory_space<semaphore_mem>>)
        %dma_wait3A = arith.constant 0 : i32
        %dma_wait3A_66 = arith.constant 0 : i32
        %dma_wait3A_67 = tpu.memref_slice %arg11[%dma_wait3A, %dma_wait3A_66] : memref<320x64xf32, #tpu.memory_space<vmem>> -> memref<16x64xf32, #tpu.memory_space<vmem>>
        %dma_wait3A_68 = arith.constant 9984 : i32
        %dma_wait3A_69 = arith.constant 0 : i32
        %dma_wait3A_70 = tpu.memref_slice %arg6[%dma_wait3A_68, %dma_wait3A_69] : memref<10016x64xf32, #tpu.memory_space<vmem_shared>> -> memref<16x64xf32, #tpu.memory_space<vmem_shared>>
        %dma_wait3A_71 = arith.constant 9984 : i32
        %dma_wait3A_72 = arith.constant 0 : i32
        %dma_wait3A_73 = tpu.memref_slice %arg6[%dma_wait3A_71, %dma_wait3A_72] : memref<10016x64xf32, #tpu.memory_space<vmem_shared>> -> memref<16x64xf32, #tpu.memory_space<vmem_shared>>
        %dma_wait3A_74 = arith.constant 0 : i32
        %dma_wait3A_75 = arith.constant 0 : i32
        %dma_wait3A_76 = tpu.memref_slice %arg11[%dma_wait3A_74, %dma_wait3A_75] : memref<320x64xf32, #tpu.memory_space<vmem>> -> memref<16x64xf32, #tpu.memory_space<vmem>>
        tpu.wait_dma2 semaphore(%run_scoped3A : memref<!tpu.dma_semaphore, #tpu.memory_space<semaphore_mem>>) src(%dma_wait3A_76 : memref<16x64xf32, #tpu.memory_space<vmem>>) dst(%dma_wait3A_73 : memref<16x64xf32, #tpu.memory_space<vmem_shared>>)
        tpu.yield
      }) : () -> ()
    } else {
    }
    %barrier3A = arith.constant 0 : index
    tpu.barrier barrier_id(%barrier3A)
    %scan3A_28 = arith.constant 0 : i32
    %scan3A_29 = arith.constant 0 : i32
    %scan3A_30 = arith.constant 8 : i32
    %scan3A_31 = arith.addi %scan3A_29, %scan3A_30 : i32
    %scan3A_32 = arith.constant 1 : i32
    %scan3A_33 = scf.for %scan3A_48 = %scan3A_29 to %scan3A_31 step %scan3A_32 iter_args(%scan3A_49 = %scan3A_28) -> (i32)  : i32 {
      "tpu.region"() ({
        %run_scoped3A = tpu.sem_alloc : memref<!tpu.dma_semaphore, #tpu.memory_space<semaphore_mem>>
        %dma_start3A_71 = arith.constant 0 : i32
        %dma_start3A_72 = arith.constant 0 : i32
        %dma_start3A_73 = tpu.memref_slice %arg3[%add3A, %scan3A_48, %dma_start3A_71, %dma_start3A_72] : memref<32x8x4x320xi32, #tpu.memory_space<hbm>> -> memref<1x1x4x320xi32, #tpu.memory_space<hbm>>
        %dma_start3A_74 = tpu.memref_squeeze %dma_start3A_73 : memref<1x1x4x320xi32, #tpu.memory_space<hbm>> -> memref<4x320xi32, #tpu.memory_space<hbm>>
        %dma_start3A_75 = arith.constant 0 : i32
        %dma_start3A_76 = arith.constant 0 : i32
        %dma_start3A_77 = tpu.memref_slice %arg3[%add3A, %scan3A_48, %dma_start3A_75, %dma_start3A_76] : memref<32x8x4x320xi32, #tpu.memory_space<hbm>> -> memref<1x1x4x320xi32, #tpu.memory_space<hbm>>
        %dma_start3A_78 = tpu.memref_squeeze %dma_start3A_77 : memref<1x1x4x320xi32, #tpu.memory_space<hbm>> -> memref<4x320xi32, #tpu.memory_space<hbm>>
        tpu.enqueue_dma source(%dma_start3A_78 : memref<4x320xi32, #tpu.memory_space<hbm>>) target(%arg8 : memref<4x320xi32, #tpu.memory_space<vmem>>) target_semaphore(%run_scoped3A : memref<!tpu.dma_semaphore, #tpu.memory_space<semaphore_mem>>)
        %dma_wait3A = arith.constant 0 : i32
        %dma_wait3A_79 = arith.constant 0 : i32
        %dma_wait3A_80 = tpu.memref_slice %arg3[%add3A, %scan3A_48, %dma_wait3A, %dma_wait3A_79] : memref<32x8x4x320xi32, #tpu.memory_space<hbm>> -> memref<1x1x4x320xi32, #tpu.memory_space<hbm>>
        %dma_wait3A_81 = tpu.memref_squeeze %dma_wait3A_80 : memref<1x1x4x320xi32, #tpu.memory_space<hbm>> -> memref<4x320xi32, #tpu.memory_space<hbm>>
        %dma_wait3A_82 = arith.constant 0 : i32
        %dma_wait3A_83 = arith.constant 0 : i32
        %dma_wait3A_84 = tpu.memref_slice %arg3[%add3A, %scan3A_48, %dma_wait3A_82, %dma_wait3A_83] : memref<32x8x4x320xi32, #tpu.memory_space<hbm>> -> memref<1x1x4x320xi32, #tpu.memory_space<hbm>>
        %dma_wait3A_85 = tpu.memref_squeeze %dma_wait3A_84 : memref<1x1x4x320xi32, #tpu.memory_space<hbm>> -> memref<4x320xi32, #tpu.memory_space<hbm>>
        tpu.wait_dma2 semaphore(%run_scoped3A : memref<!tpu.dma_semaphore, #tpu.memory_space<semaphore_mem>>) src(%dma_wait3A_85 : memref<4x320xi32, #tpu.memory_space<hbm>>) dst(%arg8 : memref<4x320xi32, #tpu.memory_space<vmem>>)
        tpu.yield
      }) : () -> ()
      "tpu.region"() ({
        %run_scoped3A = tpu.sem_alloc : memref<!tpu.dma_semaphore, #tpu.memory_space<semaphore_mem>>
        %dma_start3A_71 = arith.constant 0 : i32
        %dma_start3A_72 = arith.constant 0 : i32
        %dma_start3A_73 = tpu.memref_slice %arg4[%add3A, %scan3A_48, %dma_start3A_71, %dma_start3A_72] : memref<32x8x4x320xi32, #tpu.memory_space<hbm>> -> memref<1x1x4x320xi32, #tpu.memory_space<hbm>>
        %dma_start3A_74 = tpu.memref_squeeze %dma_start3A_73 : memref<1x1x4x320xi32, #tpu.memory_space<hbm>> -> memref<4x320xi32, #tpu.memory_space<hbm>>
        %dma_start3A_75 = arith.constant 0 : i32
        %dma_start3A_76 = arith.constant 0 : i32
        %dma_start3A_77 = tpu.memref_slice %arg4[%add3A, %scan3A_48, %dma_start3A_75, %dma_start3A_76] : memref<32x8x4x320xi32, #tpu.memory_space<hbm>> -> memref<1x1x4x320xi32, #tpu.memory_space<hbm>>
        %dma_start3A_78 = tpu.memref_squeeze %dma_start3A_77 : memref<1x1x4x320xi32, #tpu.memory_space<hbm>> -> memref<4x320xi32, #tpu.memory_space<hbm>>
        tpu.enqueue_dma source(%dma_start3A_78 : memref<4x320xi32, #tpu.memory_space<hbm>>) target(%arg9 : memref<4x320xi32, #tpu.memory_space<vmem>>) target_semaphore(%run_scoped3A : memref<!tpu.dma_semaphore, #tpu.memory_space<semaphore_mem>>)
        %dma_wait3A = arith.constant 0 : i32
        %dma_wait3A_79 = arith.constant 0 : i32
        %dma_wait3A_80 = tpu.memref_slice %arg4[%add3A, %scan3A_48, %dma_wait3A, %dma_wait3A_79] : memref<32x8x4x320xi32, #tpu.memory_space<hbm>> -> memref<1x1x4x320xi32, #tpu.memory_space<hbm>>
        %dma_wait3A_81 = tpu.memref_squeeze %dma_wait3A_80 : memref<1x1x4x320xi32, #tpu.memory_space<hbm>> -> memref<4x320xi32, #tpu.memory_space<hbm>>
        %dma_wait3A_82 = arith.constant 0 : i32
        %dma_wait3A_83 = arith.constant 0 : i32
        %dma_wait3A_84 = tpu.memref_slice %arg4[%add3A, %scan3A_48, %dma_wait3A_82, %dma_wait3A_83] : memref<32x8x4x320xi32, #tpu.memory_space<hbm>> -> memref<1x1x4x320xi32, #tpu.memory_space<hbm>>
        %dma_wait3A_85 = tpu.memref_squeeze %dma_wait3A_84 : memref<1x1x4x320xi32, #tpu.memory_space<hbm>> -> memref<4x320xi32, #tpu.memory_space<hbm>>
        tpu.wait_dma2 semaphore(%run_scoped3A : memref<!tpu.dma_semaphore, #tpu.memory_space<semaphore_mem>>) src(%dma_wait3A_85 : memref<4x320xi32, #tpu.memory_space<hbm>>) dst(%arg9 : memref<4x320xi32, #tpu.memory_space<vmem>>)
        tpu.yield
      }) : () -> ()
      %dma_start3A = arith.constant 0 : i32
      %dma_start3A_50 = arith.constant 0 : i32
      %dma_start3A_51 = tpu.memref_slice %arg8[%dma_start3A, %dma_start3A_50] : memref<4x320xi32, #tpu.memory_space<vmem>> -> memref<1x320xi32, #tpu.memory_space<vmem>>
      %dma_start3A_52 = tpu.memref_squeeze %dma_start3A_51 : memref<1x320xi32, #tpu.memory_space<vmem>> -> memref<320xi32, #tpu.memory_space<vmem>>
      %dma_start3A_53 = arith.constant 0 : i32
      %dma_start3A_54 = arith.constant 0 : i32
      %dma_start3A_55 = tpu.memref_slice %arg6[%dma_start3A_53, %dma_start3A_54] : memref<10016x64xf32, #tpu.memory_space<vmem_shared>> -> memref<10016x64xf32, #tpu.memory_space<vmem_shared>>
      tpu.enqueue_indirect_dma source(%dma_start3A_55 : memref<10016x64xf32, #tpu.memory_space<vmem_shared>>) target(%arg10 : memref<320x64xf32, #tpu.memory_space<vmem>>) offsets(%dma_start3A_52 : memref<320xi32, #tpu.memory_space<vmem>>) semaphore(%arg13 : memref<!tpu.dma_semaphore, #tpu.memory_space<semaphore_mem>>)
      %dma_start3A_56 = arith.constant 1 : i32
      %dma_start3A_57 = arith.constant 0 : i32
      %dma_start3A_58 = tpu.memref_slice %arg8[%dma_start3A_56, %dma_start3A_57] : memref<4x320xi32, #tpu.memory_space<vmem>> -> memref<1x320xi32, #tpu.memory_space<vmem>>
      %dma_start3A_59 = tpu.memref_squeeze %dma_start3A_58 : memref<1x320xi32, #tpu.memory_space<vmem>> -> memref<320xi32, #tpu.memory_space<vmem>>
      %dma_start3A_60 = arith.constant 0 : i32
      %dma_start3A_61 = arith.constant 0 : i32
      %dma_start3A_62 = tpu.memref_slice %arg6[%dma_start3A_60, %dma_start3A_61] : memref<10016x64xf32, #tpu.memory_space<vmem_shared>> -> memref<10016x64xf32, #tpu.memory_space<vmem_shared>>
      tpu.enqueue_indirect_dma source(%dma_start3A_62 : memref<10016x64xf32, #tpu.memory_space<vmem_shared>>) target(%arg11 : memref<320x64xf32, #tpu.memory_space<vmem>>) offsets(%dma_start3A_59 : memref<320xi32, #tpu.memory_space<vmem>>) semaphore(%arg14 : memref<!tpu.dma_semaphore, #tpu.memory_space<semaphore_mem>>)
      %scan3A_63 = arith.constant 0 : i32
      %scan3A_64 = arith.constant 0 : i32
      %scan3A_65 = arith.constant 2 : i32
      %scan3A_66 = arith.addi %scan3A_64, %scan3A_65 : i32
      %scan3A_67 = arith.constant 1 : i32
      %scan3A_68 = scf.for %scan3A_71 = %scan3A_64 to %scan3A_66 step %scan3A_67 iter_args(%scan3A_72 = %scan3A_63) -> (i32)  : i32 {
        %dma_wait3A = arith.constant 0 : i32
        %dma_wait3A_73 = arith.constant 0 : i32
        %dma_wait3A_74 = tpu.memref_slice %arg8[%dma_wait3A, %dma_wait3A_73] : memref<4x320xi32, #tpu.memory_space<vmem>> -> memref<1x320xi32, #tpu.memory_space<vmem>>
        %dma_wait3A_75 = tpu.memref_squeeze %dma_wait3A_74 : memref<1x320xi32, #tpu.memory_space<vmem>> -> memref<320xi32, #tpu.memory_space<vmem>>
        %dma_wait3A_76 = arith.constant 0 : i32
        %dma_wait3A_77 = arith.constant 0 : i32
        %dma_wait3A_78 = tpu.memref_slice %arg6[%dma_wait3A_76, %dma_wait3A_77] : memref<10016x64xf32, #tpu.memory_space<vmem_shared>> -> memref<10016x64xf32, #tpu.memory_space<vmem_shared>>
        tpu.wait_indirect_dma semaphore(%arg13 : memref<!tpu.dma_semaphore, #tpu.memory_space<semaphore_mem>>) src(%dma_wait3A_78 : memref<10016x64xf32, #tpu.memory_space<vmem_shared>>) dst(%arg10 : memref<320x64xf32, #tpu.memory_space<vmem>>)
        %mul3A_79 = arith.constant 2 : i32
        %mul3A_80 = arith.muli %mul3A_79, %scan3A_71 : i32
        "tpu.region"() ({
          %run_scoped3A = tpu.sem_alloc : memref<!tpu.dma_semaphore, #tpu.memory_space<semaphore_mem>>
          %dma_start3A_102 = arith.constant 0 : i32
          %dma_start3A_103 = tpu.memref_slice %arg9[%mul3A_80, %dma_start3A_102] : memref<4x320xi32, #tpu.memory_space<vmem>> -> memref<1x320xi32, #tpu.memory_space<vmem>>
          %dma_start3A_104 = tpu.memref_squeeze %dma_start3A_103 : memref<1x320xi32, #tpu.memory_space<vmem>> -> memref<320xi32, #tpu.memory_space<vmem>>
          %dma_start3A_105 = arith.constant 0 : i32
          %dma_start3A_106 = arith.constant 0 : i32
          %dma_start3A_107 = tpu.memref_slice %arg7[%dma_start3A_105, %dma_start3A_106] : memref<10016x64xf32, #tpu.memory_space<vmem_shared>> -> memref<10016x64xf32, #tpu.memory_space<vmem_shared>>
          tpu.enqueue_indirect_dma source(%arg10 : memref<320x64xf32, #tpu.memory_space<vmem>>) target(%dma_start3A_107 : memref<10016x64xf32, #tpu.memory_space<vmem_shared>>) offsets(%dma_start3A_104 : memref<320xi32, #tpu.memory_space<vmem>>) semaphore(%run_scoped3A : memref<!tpu.dma_semaphore, #tpu.memory_space<semaphore_mem>>) {add = true}
          %dma_wait3A_108 = arith.constant 0 : i32
          %dma_wait3A_109 = tpu.memref_slice %arg9[%mul3A_80, %dma_wait3A_108] : memref<4x320xi32, #tpu.memory_space<vmem>> -> memref<1x320xi32, #tpu.memory_space<vmem>>
          %dma_wait3A_110 = tpu.memref_squeeze %dma_wait3A_109 : memref<1x320xi32, #tpu.memory_space<vmem>> -> memref<320xi32, #tpu.memory_space<vmem>>
          %dma_wait3A_111 = arith.constant 0 : i32
          %dma_wait3A_112 = arith.constant 0 : i32
          %dma_wait3A_113 = tpu.memref_slice %arg7[%dma_wait3A_111, %dma_wait3A_112] : memref<10016x64xf32, #tpu.memory_space<vmem_shared>> -> memref<10016x64xf32, #tpu.memory_space<vmem_shared>>
          tpu.wait_indirect_dma semaphore(%run_scoped3A : memref<!tpu.dma_semaphore, #tpu.memory_space<semaphore_mem>>) src(%arg10 : memref<320x64xf32, #tpu.memory_space<vmem>>) dst(%dma_wait3A_113 : memref<10016x64xf32, #tpu.memory_space<vmem_shared>>)
          tpu.yield
        }) : () -> ()
        %lt3A = arith.constant 1 : i32
        %lt3A_81 = arith.cmpi slt, %scan3A_71, %lt3A : i32
        %convert_element_type3A_82 = arith.extui %lt3A_81 : i1 to i32
        %cond3A_83 = arith.constant 0 : i32
        %cond3A_84 = arith.cmpi ne, %convert_element_type3A_82, %cond3A_83 : i32
        scf.if %cond3A_84 {
          %mul3A_102 = arith.constant 2 : i32
          %mul3A_103 = arith.muli %mul3A_102, %scan3A_71 : i32
          %add3A_104 = arith.constant 2 : i32
          %add3A_105 = arith.addi %mul3A_103, %add3A_104 : i32
          %dma_start3A_106 = arith.constant 0 : i32
          %dma_start3A_107 = tpu.memref_slice %arg8[%add3A_105, %dma_start3A_106] : memref<4x320xi32, #tpu.memory_space<vmem>> -> memref<1x320xi32, #tpu.memory_space<vmem>>
          %dma_start3A_108 = tpu.memref_squeeze %dma_start3A_107 : memref<1x320xi32, #tpu.memory_space<vmem>> -> memref<320xi32, #tpu.memory_space<vmem>>
          %dma_start3A_109 = arith.constant 0 : i32
          %dma_start3A_110 = arith.constant 0 : i32
          %dma_start3A_111 = tpu.memref_slice %arg6[%dma_start3A_109, %dma_start3A_110] : memref<10016x64xf32, #tpu.memory_space<vmem_shared>> -> memref<10016x64xf32, #tpu.memory_space<vmem_shared>>
          tpu.enqueue_indirect_dma source(%dma_start3A_111 : memref<10016x64xf32, #tpu.memory_space<vmem_shared>>) target(%arg10 : memref<320x64xf32, #tpu.memory_space<vmem>>) offsets(%dma_start3A_108 : memref<320xi32, #tpu.memory_space<vmem>>) semaphore(%arg13 : memref<!tpu.dma_semaphore, #tpu.memory_space<semaphore_mem>>)
        } else {
        }
        %dma_wait3A_85 = arith.constant 0 : i32
        %dma_wait3A_86 = arith.constant 0 : i32
        %dma_wait3A_87 = tpu.memref_slice %arg8[%dma_wait3A_85, %dma_wait3A_86] : memref<4x320xi32, #tpu.memory_space<vmem>> -> memref<1x320xi32, #tpu.memory_space<vmem>>
        %dma_wait3A_88 = tpu.memref_squeeze %dma_wait3A_87 : memref<1x320xi32, #tpu.memory_space<vmem>> -> memref<320xi32, #tpu.memory_space<vmem>>
        %dma_wait3A_89 = arith.constant 0 : i32
        %dma_wait3A_90 = arith.constant 0 : i32
        %dma_wait3A_91 = tpu.memref_slice %arg6[%dma_wait3A_89, %dma_wait3A_90] : memref<10016x64xf32, #tpu.memory_space<vmem_shared>> -> memref<10016x64xf32, #tpu.memory_space<vmem_shared>>
        tpu.wait_indirect_dma semaphore(%arg14 : memref<!tpu.dma_semaphore, #tpu.memory_space<semaphore_mem>>) src(%dma_wait3A_91 : memref<10016x64xf32, #tpu.memory_space<vmem_shared>>) dst(%arg11 : memref<320x64xf32, #tpu.memory_space<vmem>>)
        %mul3A_92 = arith.constant 2 : i32
        %mul3A_93 = arith.muli %mul3A_92, %scan3A_71 : i32
        %add3A_94 = arith.constant 1 : i32
        %add3A_95 = arith.addi %mul3A_93, %add3A_94 : i32
        "tpu.region"() ({
          %run_scoped3A = tpu.sem_alloc : memref<!tpu.dma_semaphore, #tpu.memory_space<semaphore_mem>>
          %dma_start3A_102 = arith.constant 0 : i32
          %dma_start3A_103 = tpu.memref_slice %arg9[%add3A_95, %dma_start3A_102] : memref<4x320xi32, #tpu.memory_space<vmem>> -> memref<1x320xi32, #tpu.memory_space<vmem>>
          %dma_start3A_104 = tpu.memref_squeeze %dma_start3A_103 : memref<1x320xi32, #tpu.memory_space<vmem>> -> memref<320xi32, #tpu.memory_space<vmem>>
          %dma_start3A_105 = arith.constant 0 : i32
          %dma_start3A_106 = arith.constant 0 : i32
          %dma_start3A_107 = tpu.memref_slice %arg7[%dma_start3A_105, %dma_start3A_106] : memref<10016x64xf32, #tpu.memory_space<vmem_shared>> -> memref<10016x64xf32, #tpu.memory_space<vmem_shared>>
          tpu.enqueue_indirect_dma source(%arg11 : memref<320x64xf32, #tpu.memory_space<vmem>>) target(%dma_start3A_107 : memref<10016x64xf32, #tpu.memory_space<vmem_shared>>) offsets(%dma_start3A_104 : memref<320xi32, #tpu.memory_space<vmem>>) semaphore(%run_scoped3A : memref<!tpu.dma_semaphore, #tpu.memory_space<semaphore_mem>>) {add = true}
          %dma_wait3A_108 = arith.constant 0 : i32
          %dma_wait3A_109 = tpu.memref_slice %arg9[%add3A_95, %dma_wait3A_108] : memref<4x320xi32, #tpu.memory_space<vmem>> -> memref<1x320xi32, #tpu.memory_space<vmem>>
          %dma_wait3A_110 = tpu.memref_squeeze %dma_wait3A_109 : memref<1x320xi32, #tpu.memory_space<vmem>> -> memref<320xi32, #tpu.memory_space<vmem>>
          %dma_wait3A_111 = arith.constant 0 : i32
          %dma_wait3A_112 = arith.constant 0 : i32
          %dma_wait3A_113 = tpu.memref_slice %arg7[%dma_wait3A_111, %dma_wait3A_112] : memref<10016x64xf32, #tpu.memory_space<vmem_shared>> -> memref<10016x64xf32, #tpu.memory_space<vmem_shared>>
          tpu.wait_indirect_dma semaphore(%run_scoped3A : memref<!tpu.dma_semaphore, #tpu.memory_space<semaphore_mem>>) src(%arg11 : memref<320x64xf32, #tpu.memory_space<vmem>>) dst(%dma_wait3A_113 : memref<10016x64xf32, #tpu.memory_space<vmem_shared>>)
          tpu.yield
        }) : () -> ()
        %lt3A_96 = arith.constant 1 : i32
        %lt3A_97 = arith.cmpi slt, %scan3A_71, %lt3A_96 : i32
        %convert_element_type3A_98 = arith.extui %lt3A_97 : i1 to i32
        %cond3A_99 = arith.constant 0 : i32
        %cond3A_100 = arith.cmpi ne, %convert_element_type3A_98, %cond3A_99 : i32
        scf.if %cond3A_100 {
          %mul3A_102 = arith.constant 2 : i32
          %mul3A_103 = arith.muli %mul3A_102, %scan3A_71 : i32
          %add3A_104 = arith.constant 3 : i32
          %add3A_105 = arith.addi %mul3A_103, %add3A_104 : i32
          %dma_start3A_106 = arith.constant 0 : i32
          %dma_start3A_107 = tpu.memref_slice %arg8[%add3A_105, %dma_start3A_106] : memref<4x320xi32, #tpu.memory_space<vmem>> -> memref<1x320xi32, #tpu.memory_space<vmem>>
          %dma_start3A_108 = tpu.memref_squeeze %dma_start3A_107 : memref<1x320xi32, #tpu.memory_space<vmem>> -> memref<320xi32, #tpu.memory_space<vmem>>
          %dma_start3A_109 = arith.constant 0 : i32
          %dma_start3A_110 = arith.constant 0 : i32
          %dma_start3A_111 = tpu.memref_slice %arg6[%dma_start3A_109, %dma_start3A_110] : memref<10016x64xf32, #tpu.memory_space<vmem_shared>> -> memref<10016x64xf32, #tpu.memory_space<vmem_shared>>
          tpu.enqueue_indirect_dma source(%dma_start3A_111 : memref<10016x64xf32, #tpu.memory_space<vmem_shared>>) target(%arg11 : memref<320x64xf32, #tpu.memory_space<vmem>>) offsets(%dma_start3A_108 : memref<320xi32, #tpu.memory_space<vmem>>) semaphore(%arg14 : memref<!tpu.dma_semaphore, #tpu.memory_space<semaphore_mem>>)
        } else {
        }
        %scan3A_101 = arith.constant 0 : i32
        scf.yield %scan3A_101 : i32
      }
      %scan3A_69 = arith.constant 2 : i32
      %scan3A_70 = arith.constant 0 : i32
      scf.yield %scan3A_70 : i32
    }
    %scan3A_34 = arith.constant 8 : i32
    %barrier3A_35 = arith.constant 0 : index
    tpu.barrier barrier_id(%barrier3A_35)
    %scan3A_36 = arith.constant 0 : i32
    %scan3A_37 = arith.constant 0 : i32
    %scan3A_38 = arith.constant 13 : i32
    %scan3A_39 = arith.addi %scan3A_37, %scan3A_38 : i32
    %scan3A_40 = arith.constant 1 : i32
    %scan3A_41 = scf.for %scan3A_48 = %scan3A_37 to %scan3A_39 step %scan3A_40 iter_args(%scan3A_49 = %scan3A_36) -> (i32)  : i32 {
      %mul3A_50 = arith.constant 48 : i32
      %mul3A_51 = arith.muli %scan3A_48, %mul3A_50 : i32
      %add3A_52 = arith.addi %mul3A_8, %mul3A_51 : i32
      "tpu.region"() ({
        %run_scoped3A = tpu.sem_alloc : memref<!tpu.dma_semaphore, #tpu.memory_space<semaphore_mem>>
        %dma_start3A = arith.constant 0 : i32
        %dma_start3A_61 = arith.constant 0 : i32
        %dma_start3A_62 = tpu.memref_slice %arg10[%dma_start3A, %dma_start3A_61] : memref<320x64xf32, #tpu.memory_space<vmem>> -> memref<48x64xf32, #tpu.memory_space<vmem>>
        %dma_start3A_63 = arith.constant 0 : i32
        %dma_start3A_64 = tpu.memref_slice %arg7[%add3A_52, %dma_start3A_63] : memref<10016x64xf32, #tpu.memory_space<vmem_shared>> -> memref<48x64xf32, #tpu.memory_space<vmem_shared>>
        %dma_start3A_65 = arith.constant 0 : i32
        %dma_start3A_66 = arith.constant 0 : i32
        %dma_start3A_67 = tpu.memref_slice %arg10[%dma_start3A_65, %dma_start3A_66] : memref<320x64xf32, #tpu.memory_space<vmem>> -> memref<48x64xf32, #tpu.memory_space<vmem>>
        %dma_start3A_68 = arith.constant 0 : i32
        %dma_start3A_69 = tpu.memref_slice %arg7[%add3A_52, %dma_start3A_68] : memref<10016x64xf32, #tpu.memory_space<vmem_shared>> -> memref<48x64xf32, #tpu.memory_space<vmem_shared>>
        tpu.enqueue_dma source(%dma_start3A_69 : memref<48x64xf32, #tpu.memory_space<vmem_shared>>) target(%dma_start3A_67 : memref<48x64xf32, #tpu.memory_space<vmem>>) target_semaphore(%run_scoped3A : memref<!tpu.dma_semaphore, #tpu.memory_space<semaphore_mem>>)
        %dma_wait3A = arith.constant 0 : i32
        %dma_wait3A_70 = arith.constant 0 : i32
        %dma_wait3A_71 = tpu.memref_slice %arg10[%dma_wait3A, %dma_wait3A_70] : memref<320x64xf32, #tpu.memory_space<vmem>> -> memref<48x64xf32, #tpu.memory_space<vmem>>
        %dma_wait3A_72 = arith.constant 0 : i32
        %dma_wait3A_73 = tpu.memref_slice %arg7[%add3A_52, %dma_wait3A_72] : memref<10016x64xf32, #tpu.memory_space<vmem_shared>> -> memref<48x64xf32, #tpu.memory_space<vmem_shared>>
        %dma_wait3A_74 = arith.constant 0 : i32
        %dma_wait3A_75 = arith.constant 0 : i32
        %dma_wait3A_76 = tpu.memref_slice %arg10[%dma_wait3A_74, %dma_wait3A_75] : memref<320x64xf32, #tpu.memory_space<vmem>> -> memref<48x64xf32, #tpu.memory_space<vmem>>
        %dma_wait3A_77 = arith.constant 0 : i32
        %dma_wait3A_78 = tpu.memref_slice %arg7[%add3A_52, %dma_wait3A_77] : memref<10016x64xf32, #tpu.memory_space<vmem_shared>> -> memref<48x64xf32, #tpu.memory_space<vmem_shared>>
        tpu.wait_dma2 semaphore(%run_scoped3A : memref<!tpu.dma_semaphore, #tpu.memory_space<semaphore_mem>>) src(%dma_wait3A_78 : memref<48x64xf32, #tpu.memory_space<vmem_shared>>) dst(%dma_wait3A_76 : memref<48x64xf32, #tpu.memory_space<vmem>>)
        tpu.yield
      }) : () -> ()
      %scan3A_53 = arith.constant 0 : i32
      %scan3A_54 = arith.constant 0 : i32
      %scan3A_55 = arith.constant 48 : i32
      %scan3A_56 = arith.addi %scan3A_54, %scan3A_55 : i32
      %scan3A_57 = arith.constant 1 : i32
      %scan3A_58 = scf.for %scan3A_61 = %scan3A_54 to %scan3A_56 step %scan3A_57 iter_args(%scan3A_62 = %scan3A_53) -> (i32)  : i32 {
        %get3A = arith.index_cast %scan3A_61 : i32 to index
        %get3A_63 = arith.constant 0 : index
        %get3A_64 = tpu.vector_load %arg10[%get3A, %get3A_63] {strides = array<i32>} : memref<320x64xf32, #tpu.memory_space<vmem>>, vector<1x16xf32>,
        %get3A_65 = vector.shape_cast %get3A_64 : vector<1x16xf32> to vector<16xf32>
        %swap3A = arith.index_cast %scan3A_61 : i32 to index
        %swap3A_66 = arith.constant 0 : index
        %swap3A_67 = tpu.vector_load %arg12[%swap3A, %swap3A_66] {strides = array<i32>} : memref<48x128xf32, #tpu.memory_space<vmem>>, vector<1x16xf32>,
        %swap3A_68 = vector.shape_cast %swap3A_67 : vector<1x16xf32> to vector<16xf32>
        %swap3A_69 = vector.shape_cast %get3A_65 : vector<16xf32> to vector<1x16xf32>
        tpu.vector_store %arg12[%swap3A, %swap3A_66], %swap3A_69 {strides = array<i32>} : memref<48x128xf32, #tpu.memory_space<vmem>>, vector<1x16xf32>,
        %get3A_70 = arith.index_cast %scan3A_61 : i32 to index
        %get3A_71 = arith.constant 16 : index
        %get3A_72 = tpu.vector_load %arg10[%get3A_70, %get3A_71] {strides = array<i32>} : memref<320x64xf32, #tpu.memory_space<vmem>>, vector<1x16xf32>,
        %get3A_73 = vector.shape_cast %get3A_72 : vector<1x16xf32> to vector<16xf32>
        %swap3A_74 = arith.index_cast %scan3A_61 : i32 to index
        %swap3A_75 = arith.constant 16 : index
        %swap3A_76 = tpu.vector_load %arg12[%swap3A_74, %swap3A_75] {strides = array<i32>} : memref<48x128xf32, #tpu.memory_space<vmem>>, vector<1x16xf32>,
        %swap3A_77 = vector.shape_cast %swap3A_76 : vector<1x16xf32> to vector<16xf32>
        %swap3A_78 = vector.shape_cast %get3A_73 : vector<16xf32> to vector<1x16xf32>
        tpu.vector_store %arg12[%swap3A_74, %swap3A_75], %swap3A_78 {strides = array<i32>} : memref<48x128xf32, #tpu.memory_space<vmem>>, vector<1x16xf32>,
        %get3A_79 = arith.index_cast %scan3A_61 : i32 to index
        %get3A_80 = arith.constant 32 : index
        %get3A_81 = tpu.vector_load %arg10[%get3A_79, %get3A_80] {strides = array<i32>} : memref<320x64xf32, #tpu.memory_space<vmem>>, vector<1x16xf32>,
        %get3A_82 = vector.shape_cast %get3A_81 : vector<1x16xf32> to vector<16xf32>
        %swap3A_83 = arith.index_cast %scan3A_61 : i32 to index
        %swap3A_84 = arith.constant 32 : index
        %swap3A_85 = tpu.vector_load %arg12[%swap3A_83, %swap3A_84] {strides = array<i32>} : memref<48x128xf32, #tpu.memory_space<vmem>>, vector<1x16xf32>,
        %swap3A_86 = vector.shape_cast %swap3A_85 : vector<1x16xf32> to vector<16xf32>
        %swap3A_87 = vector.shape_cast %get3A_82 : vector<16xf32> to vector<1x16xf32>
        tpu.vector_store %arg12[%swap3A_83, %swap3A_84], %swap3A_87 {strides = array<i32>} : memref<48x128xf32, #tpu.memory_space<vmem>>, vector<1x16xf32>,
        %get3A_88 = arith.index_cast %scan3A_61 : i32 to index
        %get3A_89 = arith.constant 48 : index
        %get3A_90 = tpu.vector_load %arg10[%get3A_88, %get3A_89] {strides = array<i32>} : memref<320x64xf32, #tpu.memory_space<vmem>>, vector<1x16xf32>,
        %get3A_91 = vector.shape_cast %get3A_90 : vector<1x16xf32> to vector<16xf32>
        %swap3A_92 = arith.index_cast %scan3A_61 : i32 to index
        %swap3A_93 = arith.constant 48 : index
        %swap3A_94 = tpu.vector_load %arg12[%swap3A_92, %swap3A_93] {strides = array<i32>} : memref<48x128xf32, #tpu.memory_space<vmem>>, vector<1x16xf32>,
        %swap3A_95 = vector.shape_cast %swap3A_94 : vector<1x16xf32> to vector<16xf32>
        %swap3A_96 = vector.shape_cast %get3A_91 : vector<16xf32> to vector<1x16xf32>
        tpu.vector_store %arg12[%swap3A_92, %swap3A_93], %swap3A_96 {strides = array<i32>} : memref<48x128xf32, #tpu.memory_space<vmem>>, vector<1x16xf32>,
        %scan3A_97 = arith.constant 0 : i32
        scf.yield %scan3A_97 : i32
      }
      %scan3A_59 = arith.constant 48 : i32
      "tpu.region"() ({
        %run_scoped3A = tpu.sem_alloc : memref<!tpu.dma_semaphore, #tpu.memory_space<semaphore_mem>>
        %dma_start3A = arith.constant 0 : i32
        %dma_start3A_61 = tpu.memref_slice %arg5[%arg0, %add3A_52, %dma_start3A] : memref<2x10000x128xf32, #tpu.memory_space<hbm>> -> memref<1x48x128xf32, #tpu.memory_space<hbm>>
        %dma_start3A_62 = tpu.memref_squeeze %dma_start3A_61 : memref<1x48x128xf32, #tpu.memory_space<hbm>> -> memref<48x128xf32, #tpu.memory_space<hbm>>
        %dma_start3A_63 = arith.constant 0 : i32
        %dma_start3A_64 = tpu.memref_slice %arg5[%arg0, %add3A_52, %dma_start3A_63] : memref<2x10000x128xf32, #tpu.memory_space<hbm>> -> memref<1x48x128xf32, #tpu.memory_space<hbm>>
        %dma_start3A_65 = tpu.memref_squeeze %dma_start3A_64 : memref<1x48x128xf32, #tpu.memory_space<hbm>> -> memref<48x128xf32, #tpu.memory_space<hbm>>
        tpu.enqueue_dma source(%arg12 : memref<48x128xf32, #tpu.memory_space<vmem>>) target(%dma_start3A_65 : memref<48x128xf32, #tpu.memory_space<hbm>>) target_semaphore(%run_scoped3A : memref<!tpu.dma_semaphore, #tpu.memory_space<semaphore_mem>>)
        %dma_wait3A = arith.constant 0 : i32
        %dma_wait3A_66 = tpu.memref_slice %arg5[%arg0, %add3A_52, %dma_wait3A] : memref<2x10000x128xf32, #tpu.memory_space<hbm>> -> memref<1x48x128xf32, #tpu.memory_space<hbm>>
        %dma_wait3A_67 = tpu.memref_squeeze %dma_wait3A_66 : memref<1x48x128xf32, #tpu.memory_space<hbm>> -> memref<48x128xf32, #tpu.memory_space<hbm>>
        %dma_wait3A_68 = arith.constant 0 : i32
        %dma_wait3A_69 = tpu.memref_slice %arg5[%arg0, %add3A_52, %dma_wait3A_68] : memref<2x10000x128xf32, #tpu.memory_space<hbm>> -> memref<1x48x128xf32, #tpu.memory_space<hbm>>
        %dma_wait3A_70 = tpu.memref_squeeze %dma_wait3A_69 : memref<1x48x128xf32, #tpu.memory_space<hbm>> -> memref<48x128xf32, #tpu.memory_space<hbm>>
        tpu.wait_dma2 semaphore(%run_scoped3A : memref<!tpu.dma_semaphore, #tpu.memory_space<semaphore_mem>>) src(%arg12 : memref<48x128xf32, #tpu.memory_space<vmem>>) dst(%dma_wait3A_70 : memref<48x128xf32, #tpu.memory_space<hbm>>)
        tpu.yield
      }) : () -> ()
      %scan3A_60 = arith.constant 0 : i32
      scf.yield %scan3A_60 : i32
    }
    %scan3A_42 = arith.constant 13 : i32
    %eq3A_43 = arith.constant 15 : i32
    %eq3A_44 = arith.cmpi eq, %arg1, %eq3A_43 : i32
    %convert_element_type3A_45 = arith.extui %eq3A_44 : i1 to i32
    %cond3A_46 = arith.constant 0 : i32
    %cond3A_47 = arith.cmpi ne, %convert_element_type3A_45, %cond3A_46 : i32
    scf.if %cond3A_47 {
      "tpu.region"() ({
        %run_scoped3A = tpu.sem_alloc : memref<!tpu.dma_semaphore, #tpu.memory_space<semaphore_mem>>
        %dma_start3A = arith.constant 0 : i32
        %dma_start3A_55 = arith.constant 0 : i32
        %dma_start3A_56 = tpu.memref_slice %arg10[%dma_start3A, %dma_start3A_55] : memref<320x64xf32, #tpu.memory_space<vmem>> -> memref<16x64xf32, #tpu.memory_space<vmem>>
        %dma_start3A_57 = arith.constant 9984 : i32
        %dma_start3A_58 = arith.constant 0 : i32
        %dma_start3A_59 = tpu.memref_slice %arg7[%dma_start3A_57, %dma_start3A_58] : memref<10016x64xf32, #tpu.memory_space<vmem_shared>> -> memref<16x64xf32, #tpu.memory_space<vmem_shared>>
        %dma_start3A_60 = arith.constant 0 : i32
        %dma_start3A_61 = arith.constant 0 : i32
        %dma_start3A_62 = tpu.memref_slice %arg10[%dma_start3A_60, %dma_start3A_61] : memref<320x64xf32, #tpu.memory_space<vmem>> -> memref<16x64xf32, #tpu.memory_space<vmem>>
        %dma_start3A_63 = arith.constant 9984 : i32
        %dma_start3A_64 = arith.constant 0 : i32
        %dma_start3A_65 = tpu.memref_slice %arg7[%dma_start3A_63, %dma_start3A_64] : memref<10016x64xf32, #tpu.memory_space<vmem_shared>> -> memref<16x64xf32, #tpu.memory_space<vmem_shared>>
        tpu.enqueue_dma source(%dma_start3A_65 : memref<16x64xf32, #tpu.memory_space<vmem_shared>>) target(%dma_start3A_62 : memref<16x64xf32, #tpu.memory_space<vmem>>) target_semaphore(%run_scoped3A : memref<!tpu.dma_semaphore, #tpu.memory_space<semaphore_mem>>)
        %dma_wait3A = arith.constant 0 : i32
        %dma_wait3A_66 = arith.constant 0 : i32
        %dma_wait3A_67 = tpu.memref_slice %arg10[%dma_wait3A, %dma_wait3A_66] : memref<320x64xf32, #tpu.memory_space<vmem>> -> memref<16x64xf32, #tpu.memory_space<vmem>>
        %dma_wait3A_68 = arith.constant 9984 : i32
        %dma_wait3A_69 = arith.constant 0 : i32
        %dma_wait3A_70 = tpu.memref_slice %arg7[%dma_wait3A_68, %dma_wait3A_69] : memref<10016x64xf32, #tpu.memory_space<vmem_shared>> -> memref<16x64xf32, #tpu.memory_space<vmem_shared>>
        %dma_wait3A_71 = arith.constant 0 : i32
        %dma_wait3A_72 = arith.constant 0 : i32
        %dma_wait3A_73 = tpu.memref_slice %arg10[%dma_wait3A_71, %dma_wait3A_72] : memref<320x64xf32, #tpu.memory_space<vmem>> -> memref<16x64xf32, #tpu.memory_space<vmem>>
        %dma_wait3A_74 = arith.constant 9984 : i32
        %dma_wait3A_75 = arith.constant 0 : i32
        %dma_wait3A_76 = tpu.memref_slice %arg7[%dma_wait3A_74, %dma_wait3A_75] : memref<10016x64xf32, #tpu.memory_space<vmem_shared>> -> memref<16x64xf32, #tpu.memory_space<vmem_shared>>
        tpu.wait_dma2 semaphore(%run_scoped3A : memref<!tpu.dma_semaphore, #tpu.memory_space<semaphore_mem>>) src(%dma_wait3A_76 : memref<16x64xf32, #tpu.memory_space<vmem_shared>>) dst(%dma_wait3A_73 : memref<16x64xf32, #tpu.memory_space<vmem>>)
        tpu.yield
      }) : () -> ()
      %scan3A_48 = arith.constant 0 : i32
      %scan3A_49 = arith.constant 0 : i32
      %scan3A_50 = arith.constant 16 : i32
      %scan3A_51 = arith.addi %scan3A_49, %scan3A_50 : i32
      %scan3A_52 = arith.constant 1 : i32
      %scan3A_53 = scf.for %scan3A_55 = %scan3A_49 to %scan3A_51 step %scan3A_52 iter_args(%scan3A_56 = %scan3A_48) -> (i32)  : i32 {
        %get3A = arith.index_cast %scan3A_55 : i32 to index
        %get3A_57 = arith.constant 0 : index
        %get3A_58 = tpu.vector_load %arg10[%get3A, %get3A_57] {strides = array<i32>} : memref<320x64xf32, #tpu.memory_space<vmem>>, vector<1x16xf32>,
        %get3A_59 = vector.shape_cast %get3A_58 : vector<1x16xf32> to vector<16xf32>
        %swap3A = arith.index_cast %scan3A_55 : i32 to index
        %swap3A_60 = arith.constant 0 : index
        %swap3A_61 = tpu.vector_load %arg12[%swap3A, %swap3A_60] {strides = array<i32>} : memref<48x128xf32, #tpu.memory_space<vmem>>, vector<1x16xf32>,
        %swap3A_62 = vector.shape_cast %swap3A_61 : vector<1x16xf32> to vector<16xf32>
        %swap3A_63 = vector.shape_cast %get3A_59 : vector<16xf32> to vector<1x16xf32>
        tpu.vector_store %arg12[%swap3A, %swap3A_60], %swap3A_63 {strides = array<i32>} : memref<48x128xf32, #tpu.memory_space<vmem>>, vector<1x16xf32>,
        %get3A_64 = arith.index_cast %scan3A_55 : i32 to index
        %get3A_65 = arith.constant 16 : index
        %get3A_66 = tpu.vector_load %arg10[%get3A_64, %get3A_65] {strides = array<i32>} : memref<320x64xf32, #tpu.memory_space<vmem>>, vector<1x16xf32>,
        %get3A_67 = vector.shape_cast %get3A_66 : vector<1x16xf32> to vector<16xf32>
        %swap3A_68 = arith.index_cast %scan3A_55 : i32 to index
        %swap3A_69 = arith.constant 16 : index
        %swap3A_70 = tpu.vector_load %arg12[%swap3A_68, %swap3A_69] {strides = array<i32>} : memref<48x128xf32, #tpu.memory_space<vmem>>, vector<1x16xf32>,
        %swap3A_71 = vector.shape_cast %swap3A_70 : vector<1x16xf32> to vector<16xf32>
        %swap3A_72 = vector.shape_cast %get3A_67 : vector<16xf32> to vector<1x16xf32>
        tpu.vector_store %arg12[%swap3A_68, %swap3A_69], %swap3A_72 {strides = array<i32>} : memref<48x128xf32, #tpu.memory_space<vmem>>, vector<1x16xf32>,
        %get3A_73 = arith.index_cast %scan3A_55 : i32 to index
        %get3A_74 = arith.constant 32 : index
        %get3A_75 = tpu.vector_load %arg10[%get3A_73, %get3A_74] {strides = array<i32>} : memref<320x64xf32, #tpu.memory_space<vmem>>, vector<1x16xf32>,
        %get3A_76 = vector.shape_cast %get3A_75 : vector<1x16xf32> to vector<16xf32>
        %swap3A_77 = arith.index_cast %scan3A_55 : i32 to index
        %swap3A_78 = arith.constant 32 : index
        %swap3A_79 = tpu.vector_load %arg12[%swap3A_77, %swap3A_78] {strides = array<i32>} : memref<48x128xf32, #tpu.memory_space<vmem>>, vector<1x16xf32>,
        %swap3A_80 = vector.shape_cast %swap3A_79 : vector<1x16xf32> to vector<16xf32>
        %swap3A_81 = vector.shape_cast %get3A_76 : vector<16xf32> to vector<1x16xf32>
        tpu.vector_store %arg12[%swap3A_77, %swap3A_78], %swap3A_81 {strides = array<i32>} : memref<48x128xf32, #tpu.memory_space<vmem>>, vector<1x16xf32>,
        %get3A_82 = arith.index_cast %scan3A_55 : i32 to index
        %get3A_83 = arith.constant 48 : index
        %get3A_84 = tpu.vector_load %arg10[%get3A_82, %get3A_83] {strides = array<i32>} : memref<320x64xf32, #tpu.memory_space<vmem>>, vector<1x16xf32>,
        %get3A_85 = vector.shape_cast %get3A_84 : vector<1x16xf32> to vector<16xf32>
        %swap3A_86 = arith.index_cast %scan3A_55 : i32 to index
        %swap3A_87 = arith.constant 48 : index
        %swap3A_88 = tpu.vector_load %arg12[%swap3A_86, %swap3A_87] {strides = array<i32>} : memref<48x128xf32, #tpu.memory_space<vmem>>, vector<1x16xf32>,
        %swap3A_89 = vector.shape_cast %swap3A_88 : vector<1x16xf32> to vector<16xf32>
        %swap3A_90 = vector.shape_cast %get3A_85 : vector<16xf32> to vector<1x16xf32>
        tpu.vector_store %arg12[%swap3A_86, %swap3A_87], %swap3A_90 {strides = array<i32>} : memref<48x128xf32, #tpu.memory_space<vmem>>, vector<1x16xf32>,
        %scan3A_91 = arith.constant 0 : i32
        scf.yield %scan3A_91 : i32
      }
      %scan3A_54 = arith.constant 16 : i32
      "tpu.region"() ({
        %run_scoped3A = tpu.sem_alloc : memref<!tpu.dma_semaphore, #tpu.memory_space<semaphore_mem>>
        %dma_start3A = arith.constant 0 : i32
        %dma_start3A_55 = arith.constant 0 : i32
        %dma_start3A_56 = tpu.memref_slice %arg12[%dma_start3A, %dma_start3A_55] : memref<48x128xf32, #tpu.memory_space<vmem>> -> memref<16x128xf32, #tpu.memory_space<vmem>>
        %dma_start3A_57 = arith.constant 9984 : i32
        %dma_start3A_58 = arith.constant 0 : i32
        %dma_start3A_59 = tpu.memref_slice %arg5[%arg0, %dma_start3A_57, %dma_start3A_58] : memref<2x10000x128xf32, #tpu.memory_space<hbm>> -> memref<1x16x128xf32, #tpu.memory_space<hbm>>
        %dma_start3A_60 = tpu.memref_squeeze %dma_start3A_59 : memref<1x16x128xf32, #tpu.memory_space<hbm>> -> memref<16x128xf32, #tpu.memory_space<hbm>>
        %dma_start3A_61 = arith.constant 9984 : i32
        %dma_start3A_62 = arith.constant 0 : i32
        %dma_start3A_63 = tpu.memref_slice %arg5[%arg0, %dma_start3A_61, %dma_start3A_62] : memref<2x10000x128xf32, #tpu.memory_space<hbm>> -> memref<1x16x128xf32, #tpu.memory_space<hbm>>
        %dma_start3A_64 = tpu.memref_squeeze %dma_start3A_63 : memref<1x16x128xf32, #tpu.memory_space<hbm>> -> memref<16x128xf32, #tpu.memory_space<hbm>>
        %dma_start3A_65 = arith.constant 0 : i32
        %dma_start3A_66 = arith.constant 0 : i32
        %dma_start3A_67 = tpu.memref_slice %arg12[%dma_start3A_65, %dma_start3A_66] : memref<48x128xf32, #tpu.memory_space<vmem>> -> memref<16x128xf32, #tpu.memory_space<vmem>>
        tpu.enqueue_dma source(%dma_start3A_67 : memref<16x128xf32, #tpu.memory_space<vmem>>) target(%dma_start3A_64 : memref<16x128xf32, #tpu.memory_space<hbm>>) target_semaphore(%run_scoped3A : memref<!tpu.dma_semaphore, #tpu.memory_space<semaphore_mem>>)
        %dma_wait3A = arith.constant 0 : i32
        %dma_wait3A_68 = arith.constant 0 : i32
        %dma_wait3A_69 = tpu.memref_slice %arg12[%dma_wait3A, %dma_wait3A_68] : memref<48x128xf32, #tpu.memory_space<vmem>> -> memref<16x128xf32, #tpu.memory_space<vmem>>
        %dma_wait3A_70 = arith.constant 9984 : i32
        %dma_wait3A_71 = arith.constant 0 : i32
        %dma_wait3A_72 = tpu.memref_slice %arg5[%arg0, %dma_wait3A_70, %dma_wait3A_71] : memref<2x10000x128xf32, #tpu.memory_space<hbm>> -> memref<1x16x128xf32, #tpu.memory_space<hbm>>
        %dma_wait3A_73 = tpu.memref_squeeze %dma_wait3A_72 : memref<1x16x128xf32, #tpu.memory_space<hbm>> -> memref<16x128xf32, #tpu.memory_space<hbm>>
        %dma_wait3A_74 = arith.constant 9984 : i32
        %dma_wait3A_75 = arith.constant 0 : i32
        %dma_wait3A_76 = tpu.memref_slice %arg5[%arg0, %dma_wait3A_74, %dma_wait3A_75] : memref<2x10000x128xf32, #tpu.memory_space<hbm>> -> memref<1x16x128xf32, #tpu.memory_space<hbm>>
        %dma_wait3A_77 = tpu.memref_squeeze %dma_wait3A_76 : memref<1x16x128xf32, #tpu.memory_space<hbm>> -> memref<16x128xf32, #tpu.memory_space<hbm>>
        %dma_wait3A_78 = arith.constant 0 : i32
        %dma_wait3A_79 = arith.constant 0 : i32
        %dma_wait3A_80 = tpu.memref_slice %arg12[%dma_wait3A_78, %dma_wait3A_79] : memref<48x128xf32, #tpu.memory_space<vmem>> -> memref<16x128xf32, #tpu.memory_space<vmem>>
        tpu.wait_dma2 semaphore(%run_scoped3A : memref<!tpu.dma_semaphore, #tpu.memory_space<semaphore_mem>>) src(%dma_wait3A_80 : memref<16x128xf32, #tpu.memory_space<vmem>>) dst(%dma_wait3A_77 : memref<16x128xf32, #tpu.memory_space<hbm>>)
        tpu.yield
      }) : () -> ()
    } else {
    }
    return
  }
}

#map = affine_map<(d0, d1) -> (0, 0)>
#map1 = affine_map<(d0, d1) -> (0, 0, 0, 0)>
#map2 = affine_map<(d0, d1) -> (0, 0, 0)>
module attributes {stable_mosaic.version = 14 : i64} {
  func.func @_agg_body(%arg0: i32, %arg1: i32, %arg2: memref<10016x128xf32, #tpu.memory_space<hbm>>, %arg3: memref<32x8x4x320xi32, #tpu.memory_space<hbm>>, %arg4: memref<32x8x4x320xi32, #tpu.memory_space<hbm>>, %arg5: memref<2x10000x128xf32, #tpu.memory_space<hbm>>, %arg6: memref<10016x64xf32, #tpu.memory_space<vmem_shared>>, %arg7: memref<10016x64xf32, #tpu.memory_space<vmem_shared>>, %arg8: memref<4x320xi32, #tpu.memory_space<vmem>>, %arg9: memref<4x320xi32, #tpu.memory_space<vmem>>, %arg10: memref<320x64xf32, #tpu.memory_space<vmem>>, %arg11: memref<320x64xf32, #tpu.memory_space<vmem>>, %arg12: memref<48x128xf32, #tpu.memory_space<vmem>>, %arg13: memref<!tpu.dma_semaphore, #tpu.memory_space<semaphore_mem>>, %arg14: memref<!tpu.dma_semaphore, #tpu.memory_space<semaphore_mem>>) attributes {dimension_semantics = [#tpu.dimension_semantics<core_parallel>, #tpu.dimension_semantics<subcore_parallel>], iteration_bounds = array<i64: 2, 16>, scalar_prefetch = 0 : i64, scratch_operands = 9 : i64, tpu.core_type = #tpu.core_type<sc_vector_subcore>, window_params = [{transform_indices = #map}, {transform_indices = #map1}, {transform_indices = #map1}, {transform_indices = #map2}]} {
    %mul3A = arith.constant 2 : i32
    %mul3A_0 = arith.muli %arg1, %mul3A : i32
    %add3A = arith.addi %mul3A_0, %arg0 : i32
    %scan3A = arith.constant 0 : i32
    %scan3A_1 = arith.constant 0 : i32
    %scan3A_2 = arith.constant 320 : i32
    %scan3A_3 = arith.addi %scan3A_1, %scan3A_2 : i32
    %scan3A_4 = arith.constant 1 : i32
    %scan3A_5 = scf.for %scan3A_48 = %scan3A_1 to %scan3A_3 step %scan3A_4 iter_args(%scan3A_49 = %scan3A) -> (i32)  : i32 {
      %broadcast_in_dim3A = arith.constant 0.000000e+00 : f32
      %broadcast_in_dim3A_50 = vector.broadcast %broadcast_in_dim3A : f32 to vector<16xf32>
      %swap3A = arith.index_cast %scan3A_48 : i32 to index
      %swap3A_51 = arith.constant 0 : index
      %swap3A_52 = tpu.vector_load %arg10[%swap3A, %swap3A_51] {strides = array<i32>} : memref<320x64xf32, #tpu.memory_space<vmem>>, vector<1x16xf32>,
      %swap3A_53 = vector.shape_cast %swap3A_52 : vector<1x16xf32> to vector<16xf32>
      %swap3A_54 = vector.shape_cast %broadcast_in_dim3A_50 : vector<16xf32> to vector<1x16xf32>
      tpu.vector_store %arg10[%swap3A, %swap3A_51], %swap3A_54 {strides = array<i32>} : memref<320x64xf32, #tpu.memory_space<vmem>>, vector<1x16xf32>,
      %broadcast_in_dim3A_55 = arith.constant 0.000000e+00 : f32
      %broadcast_in_dim3A_56 = vector.broadcast %broadcast_in_dim3A_55 : f32 to vector<16xf32>
      %swap3A_57 = arith.index_cast %scan3A_48 : i32 to index
      %swap3A_58 = arith.constant 16 : index
      %swap3A_59 = tpu.vector_load %arg10[%swap3A_57, %swap3A_58] {strides = array<i32>} : memref<320x64xf32, #tpu.memory_space<vmem>>, vector<1x16xf32>,
      %swap3A_60 = vector.shape_cast %swap3A_59 : vector<1x16xf32> to vector<16xf32>
      %swap3A_61 = vector.shape_cast %broadcast_in_dim3A_56 : vector<16xf32> to vector<1x16xf32>
      tpu.vector_store %arg10[%swap3A_57, %swap3A_58], %swap3A_61 {strides = array<i32>} : memref<320x64xf32, #tpu.memory_space<vmem>>, vector<1x16xf32>,
      %broadcast_in_dim3A_62 = arith.constant 0.000000e+00 : f32
      %broadcast_in_dim3A_63 = vector.broadcast %broadcast_in_dim3A_62 : f32 to vector<16xf32>
      %swap3A_64 = arith.index_cast %scan3A_48 : i32 to index
      %swap3A_65 = arith.constant 32 : index
      %swap3A_66 = tpu.vector_load %arg10[%swap3A_64, %swap3A_65] {strides = array<i32>} : memref<320x64xf32, #tpu.memory_space<vmem>>, vector<1x16xf32>,
      %swap3A_67 = vector.shape_cast %swap3A_66 : vector<1x16xf32> to vector<16xf32>
      %swap3A_68 = vector.shape_cast %broadcast_in_dim3A_63 : vector<16xf32> to vector<1x16xf32>
      tpu.vector_store %arg10[%swap3A_64, %swap3A_65], %swap3A_68 {strides = array<i32>} : memref<320x64xf32, #tpu.memory_space<vmem>>, vector<1x16xf32>,
      %broadcast_in_dim3A_69 = arith.constant 0.000000e+00 : f32
      %broadcast_in_dim3A_70 = vector.broadcast %broadcast_in_dim3A_69 : f32 to vector<16xf32>
      %swap3A_71 = arith.index_cast %scan3A_48 : i32 to index
      %swap3A_72 = arith.constant 48 : index
      %swap3A_73 = tpu.vector_load %arg10[%swap3A_71, %swap3A_72] {strides = array<i32>} : memref<320x64xf32, #tpu.memory_space<vmem>>, vector<1x16xf32>,
      %swap3A_74 = vector.shape_cast %swap3A_73 : vector<1x16xf32> to vector<16xf32>
      %swap3A_75 = vector.shape_cast %broadcast_in_dim3A_70 : vector<16xf32> to vector<1x16xf32>
      tpu.vector_store %arg10[%swap3A_71, %swap3A_72], %swap3A_75 {strides = array<i32>} : memref<320x64xf32, #tpu.memory_space<vmem>>, vector<1x16xf32>,
      %scan3A_76 = arith.constant 0 : i32
      scf.yield %scan3A_76 : i32
    }
    %scan3A_6 = arith.constant 320 : i32
    %mul3A_7 = arith.constant 624 : i32
    %mul3A_8 = arith.muli %arg1, %mul3A_7 : i32
    %add3A_9 = arith.constant 0 : i32
    %add3A_10 = arith.addi %mul3A_8, %add3A_9 : i32
    "tpu.region"() ({
      %run_scoped3A = tpu.sem_alloc : memref<!tpu.dma_semaphore, #tpu.memory_space<semaphore_mem>>
      %dma_start3A = arith.constant 0 : i32
      %dma_start3A_48 = tpu.memref_slice %arg7[%add3A_10, %dma_start3A] : memref<10016x64xf32, #tpu.memory_space<vmem_shared>> -> memref<320x64xf32, #tpu.memory_space<vmem_shared>>
      %dma_start3A_49 = arith.constant 0 : i32
      %dma_start3A_50 = tpu.memref_slice %arg7[%add3A_10, %dma_start3A_49] : memref<10016x64xf32, #tpu.memory_space<vmem_shared>> -> memref<320x64xf32, #tpu.memory_space<vmem_shared>>
      tpu.enqueue_dma source(%arg10 : memref<320x64xf32, #tpu.memory_space<vmem>>) target(%dma_start3A_50 : memref<320x64xf32, #tpu.memory_space<vmem_shared>>) target_semaphore(%run_scoped3A : memref<!tpu.dma_semaphore, #tpu.memory_space<semaphore_mem>>)
      %dma_wait3A = arith.constant 0 : i32
      %dma_wait3A_51 = tpu.memref_slice %arg7[%add3A_10, %dma_wait3A] : memref<10016x64xf32, #tpu.memory_space<vmem_shared>> -> memref<320x64xf32, #tpu.memory_space<vmem_shared>>
      %dma_wait3A_52 = arith.constant 0 : i32
      %dma_wait3A_53 = tpu.memref_slice %arg7[%add3A_10, %dma_wait3A_52] : memref<10016x64xf32, #tpu.memory_space<vmem_shared>> -> memref<320x64xf32, #tpu.memory_space<vmem_shared>>
      tpu.wait_dma2 semaphore(%run_scoped3A : memref<!tpu.dma_semaphore, #tpu.memory_space<semaphore_mem>>) src(%arg10 : memref<320x64xf32, #tpu.memory_space<vmem>>) dst(%dma_wait3A_53 : memref<320x64xf32, #tpu.memory_space<vmem_shared>>)
      tpu.yield
    }) : () -> ()
    %add3A_11 = arith.constant 624 : i32
    %add3A_12 = arith.addi %mul3A_8, %add3A_11 : i32
    %sub3A = arith.constant 304 : i32
    %sub3A_13 = arith.subi %add3A_12, %sub3A : i32
    "tpu.region"() ({
      %run_scoped3A = tpu.sem_alloc : memref<!tpu.dma_semaphore, #tpu.memory_space<semaphore_mem>>
      %dma_start3A = arith.constant 0 : i32
      %dma_start3A_48 = arith.constant 0 : i32
      %dma_start3A_49 = tpu.memref_slice %arg10[%dma_start3A, %dma_start3A_48] : memref<320x64xf32, #tpu.memory_space<vmem>> -> memref<304x64xf32, #tpu.memory_space<vmem>>
      %dma_start3A_50 = arith.constant 0 : i32
      %dma_start3A_51 = tpu.memref_slice %arg7[%sub3A_13, %dma_start3A_50] : memref<10016x64xf32, #tpu.memory_space<vmem_shared>> -> memref<304x64xf32, #tpu.memory_space<vmem_shared>>
      %dma_start3A_52 = arith.constant 0 : i32
      %dma_start3A_53 = tpu.memref_slice %arg7[%sub3A_13, %dma_start3A_52] : memref<10016x64xf32, #tpu.memory_space<vmem_shared>> -> memref<304x64xf32, #tpu.memory_space<vmem_shared>>
      %dma_start3A_54 = arith.constant 0 : i32
      %dma_start3A_55 = arith.constant 0 : i32
      %dma_start3A_56 = tpu.memref_slice %arg10[%dma_start3A_54, %dma_start3A_55] : memref<320x64xf32, #tpu.memory_space<vmem>> -> memref<304x64xf32, #tpu.memory_space<vmem>>
      tpu.enqueue_dma source(%dma_start3A_56 : memref<304x64xf32, #tpu.memory_space<vmem>>) target(%dma_start3A_53 : memref<304x64xf32, #tpu.memory_space<vmem_shared>>) target_semaphore(%run_scoped3A : memref<!tpu.dma_semaphore, #tpu.memory_space<semaphore_mem>>)
      %dma_wait3A = arith.constant 0 : i32
      %dma_wait3A_57 = arith.constant 0 : i32
      %dma_wait3A_58 = tpu.memref_slice %arg10[%dma_wait3A, %dma_wait3A_57] : memref<320x64xf32, #tpu.memory_space<vmem>> -> memref<304x64xf32, #tpu.memory_space<vmem>>
      %dma_wait3A_59 = arith.constant 0 : i32
      %dma_wait3A_60 = tpu.memref_slice %arg7[%sub3A_13, %dma_wait3A_59] : memref<10016x64xf32, #tpu.memory_space<vmem_shared>> -> memref<304x64xf32, #tpu.memory_space<vmem_shared>>
      %dma_wait3A_61 = arith.constant 0 : i32
      %dma_wait3A_62 = tpu.memref_slice %arg7[%sub3A_13, %dma_wait3A_61] : memref<10016x64xf32, #tpu.memory_space<vmem_shared>> -> memref<304x64xf32, #tpu.memory_space<vmem_shared>>
      %dma_wait3A_63 = arith.constant 0 : i32
      %dma_wait3A_64 = arith.constant 0 : i32
      %dma_wait3A_65 = tpu.memref_slice %arg10[%dma_wait3A_63, %dma_wait3A_64] : memref<320x64xf32, #tpu.memory_space<vmem>> -> memref<304x64xf32, #tpu.memory_space<vmem>>
      tpu.wait_dma2 semaphore(%run_scoped3A : memref<!tpu.dma_semaphore, #tpu.memory_space<semaphore_mem>>) src(%dma_wait3A_65 : memref<304x64xf32, #tpu.memory_space<vmem>>) dst(%dma_wait3A_62 : memref<304x64xf32, #tpu.memory_space<vmem_shared>>)
      tpu.yield
    }) : () -> ()
    %eq3A = arith.constant 15 : i32
    %eq3A_14 = arith.cmpi eq, %arg1, %eq3A : i32
    %convert_element_type3A = arith.extui %eq3A_14 : i1 to i32
    %cond3A = arith.constant 0 : i32
    %cond3A_15 = arith.cmpi ne, %convert_element_type3A, %cond3A : i32
    scf.if %cond3A_15 {
      "tpu.region"() ({
        %run_scoped3A = tpu.sem_alloc : memref<!tpu.dma_semaphore, #tpu.memory_space<semaphore_mem>>
        %dma_start3A = arith.constant 0 : i32
        %dma_start3A_48 = arith.constant 0 : i32
        %dma_start3A_49 = tpu.memref_slice %arg10[%dma_start3A, %dma_start3A_48] : memref<320x64xf32, #tpu.memory_space<vmem>> -> memref<16x64xf32, #tpu.memory_space<vmem>>
        %dma_start3A_50 = arith.constant 9984 : i32
        %dma_start3A_51 = arith.constant 0 : i32
        %dma_start3A_52 = tpu.memref_slice %arg7[%dma_start3A_50, %dma_start3A_51] : memref<10016x64xf32, #tpu.memory_space<vmem_shared>> -> memref<16x64xf32, #tpu.memory_space<vmem_shared>>
        %dma_start3A_53 = arith.constant 9984 : i32
        %dma_start3A_54 = arith.constant 0 : i32
        %dma_start3A_55 = tpu.memref_slice %arg7[%dma_start3A_53, %dma_start3A_54] : memref<10016x64xf32, #tpu.memory_space<vmem_shared>> -> memref<16x64xf32, #tpu.memory_space<vmem_shared>>
        %dma_start3A_56 = arith.constant 0 : i32
        %dma_start3A_57 = arith.constant 0 : i32
        %dma_start3A_58 = tpu.memref_slice %arg10[%dma_start3A_56, %dma_start3A_57] : memref<320x64xf32, #tpu.memory_space<vmem>> -> memref<16x64xf32, #tpu.memory_space<vmem>>
        tpu.enqueue_dma source(%dma_start3A_58 : memref<16x64xf32, #tpu.memory_space<vmem>>) target(%dma_start3A_55 : memref<16x64xf32, #tpu.memory_space<vmem_shared>>) target_semaphore(%run_scoped3A : memref<!tpu.dma_semaphore, #tpu.memory_space<semaphore_mem>>)
        %dma_wait3A = arith.constant 0 : i32
        %dma_wait3A_59 = arith.constant 0 : i32
        %dma_wait3A_60 = tpu.memref_slice %arg10[%dma_wait3A, %dma_wait3A_59] : memref<320x64xf32, #tpu.memory_space<vmem>> -> memref<16x64xf32, #tpu.memory_space<vmem>>
        %dma_wait3A_61 = arith.constant 9984 : i32
        %dma_wait3A_62 = arith.constant 0 : i32
        %dma_wait3A_63 = tpu.memref_slice %arg7[%dma_wait3A_61, %dma_wait3A_62] : memref<10016x64xf32, #tpu.memory_space<vmem_shared>> -> memref<16x64xf32, #tpu.memory_space<vmem_shared>>
        %dma_wait3A_64 = arith.constant 9984 : i32
        %dma_wait3A_65 = arith.constant 0 : i32
        %dma_wait3A_66 = tpu.memref_slice %arg7[%dma_wait3A_64, %dma_wait3A_65] : memref<10016x64xf32, #tpu.memory_space<vmem_shared>> -> memref<16x64xf32, #tpu.memory_space<vmem_shared>>
        %dma_wait3A_67 = arith.constant 0 : i32
        %dma_wait3A_68 = arith.constant 0 : i32
        %dma_wait3A_69 = tpu.memref_slice %arg10[%dma_wait3A_67, %dma_wait3A_68] : memref<320x64xf32, #tpu.memory_space<vmem>> -> memref<16x64xf32, #tpu.memory_space<vmem>>
        tpu.wait_dma2 semaphore(%run_scoped3A : memref<!tpu.dma_semaphore, #tpu.memory_space<semaphore_mem>>) src(%dma_wait3A_69 : memref<16x64xf32, #tpu.memory_space<vmem>>) dst(%dma_wait3A_66 : memref<16x64xf32, #tpu.memory_space<vmem_shared>>)
        tpu.yield
      }) : () -> ()
    } else {
    }
    %scan3A_16 = arith.constant 0 : i32
    %scan3A_17 = arith.constant 0 : i32
    %scan3A_18 = arith.constant 13 : i32
    %scan3A_19 = arith.addi %scan3A_17, %scan3A_18 : i32
    %scan3A_20 = arith.constant 1 : i32
    %scan3A_21 = scf.for %scan3A_48 = %scan3A_17 to %scan3A_19 step %scan3A_20 iter_args(%scan3A_49 = %scan3A_16) -> (i32)  : i32 {
      %mul3A_50 = arith.constant 48 : i32
      %mul3A_51 = arith.muli %scan3A_48, %mul3A_50 : i32
      %add3A_52 = arith.addi %mul3A_8, %mul3A_51 : i32
      "tpu.region"() ({
        %run_scoped3A = tpu.sem_alloc : memref<!tpu.dma_semaphore, #tpu.memory_space<semaphore_mem>>
        %dma_start3A = arith.constant 0 : i32
        %dma_start3A_61 = tpu.memref_slice %arg2[%add3A_52, %dma_start3A] : memref<10016x128xf32, #tpu.memory_space<hbm>> -> memref<48x128xf32, #tpu.memory_space<hbm>>
        %dma_start3A_62 = arith.constant 0 : i32
        %dma_start3A_63 = tpu.memref_slice %arg2[%add3A_52, %dma_start3A_62] : memref<10016x128xf32, #tpu.memory_space<hbm>> -> memref<48x128xf32, #tpu.memory_space<hbm>>
        tpu.enqueue_dma source(%dma_start3A_63 : memref<48x128xf32, #tpu.memory_space<hbm>>) target(%arg12 : memref<48x128xf32, #tpu.memory_space<vmem>>) target_semaphore(%run_scoped3A : memref<!tpu.dma_semaphore, #tpu.memory_space<semaphore_mem>>)
        %dma_wait3A = arith.constant 0 : i32
        %dma_wait3A_64 = tpu.memref_slice %arg2[%add3A_52, %dma_wait3A] : memref<10016x128xf32, #tpu.memory_space<hbm>> -> memref<48x128xf32, #tpu.memory_space<hbm>>
        %dma_wait3A_65 = arith.constant 0 : i32
        %dma_wait3A_66 = tpu.memref_slice %arg2[%add3A_52, %dma_wait3A_65] : memref<10016x128xf32, #tpu.memory_space<hbm>> -> memref<48x128xf32, #tpu.memory_space<hbm>>
        tpu.wait_dma2 semaphore(%run_scoped3A : memref<!tpu.dma_semaphore, #tpu.memory_space<semaphore_mem>>) src(%dma_wait3A_66 : memref<48x128xf32, #tpu.memory_space<hbm>>) dst(%arg12 : memref<48x128xf32, #tpu.memory_space<vmem>>)
        tpu.yield
      }) : () -> ()
      %scan3A_53 = arith.constant 0 : i32
      %scan3A_54 = arith.constant 0 : i32
      %scan3A_55 = arith.constant 48 : i32
      %scan3A_56 = arith.addi %scan3A_54, %scan3A_55 : i32
      %scan3A_57 = arith.constant 1 : i32
      %scan3A_58 = scf.for %scan3A_61 = %scan3A_54 to %scan3A_56 step %scan3A_57 iter_args(%scan3A_62 = %scan3A_53) -> (i32)  : i32 {
        %get3A = arith.index_cast %scan3A_61 : i32 to index
        %get3A_63 = arith.constant 0 : index
        %get3A_64 = tpu.vector_load %arg12[%get3A, %get3A_63] {strides = array<i32>} : memref<48x128xf32, #tpu.memory_space<vmem>>, vector<1x16xf32>,
        %get3A_65 = vector.shape_cast %get3A_64 : vector<1x16xf32> to vector<16xf32>
        %swap3A = arith.index_cast %scan3A_61 : i32 to index
        %swap3A_66 = arith.constant 0 : index
        %swap3A_67 = tpu.vector_load %arg11[%swap3A, %swap3A_66] {strides = array<i32>} : memref<320x64xf32, #tpu.memory_space<vmem>>, vector<1x16xf32>,
        %swap3A_68 = vector.shape_cast %swap3A_67 : vector<1x16xf32> to vector<16xf32>
        %swap3A_69 = vector.shape_cast %get3A_65 : vector<16xf32> to vector<1x16xf32>
        tpu.vector_store %arg11[%swap3A, %swap3A_66], %swap3A_69 {strides = array<i32>} : memref<320x64xf32, #tpu.memory_space<vmem>>, vector<1x16xf32>,
        %get3A_70 = arith.index_cast %scan3A_61 : i32 to index
        %get3A_71 = arith.constant 16 : index
        %get3A_72 = tpu.vector_load %arg12[%get3A_70, %get3A_71] {strides = array<i32>} : memref<48x128xf32, #tpu.memory_space<vmem>>, vector<1x16xf32>,
        %get3A_73 = vector.shape_cast %get3A_72 : vector<1x16xf32> to vector<16xf32>
        %swap3A_74 = arith.index_cast %scan3A_61 : i32 to index
        %swap3A_75 = arith.constant 16 : index
        %swap3A_76 = tpu.vector_load %arg11[%swap3A_74, %swap3A_75] {strides = array<i32>} : memref<320x64xf32, #tpu.memory_space<vmem>>, vector<1x16xf32>,
        %swap3A_77 = vector.shape_cast %swap3A_76 : vector<1x16xf32> to vector<16xf32>
        %swap3A_78 = vector.shape_cast %get3A_73 : vector<16xf32> to vector<1x16xf32>
        tpu.vector_store %arg11[%swap3A_74, %swap3A_75], %swap3A_78 {strides = array<i32>} : memref<320x64xf32, #tpu.memory_space<vmem>>, vector<1x16xf32>,
        %get3A_79 = arith.index_cast %scan3A_61 : i32 to index
        %get3A_80 = arith.constant 32 : index
        %get3A_81 = tpu.vector_load %arg12[%get3A_79, %get3A_80] {strides = array<i32>} : memref<48x128xf32, #tpu.memory_space<vmem>>, vector<1x16xf32>,
        %get3A_82 = vector.shape_cast %get3A_81 : vector<1x16xf32> to vector<16xf32>
        %swap3A_83 = arith.index_cast %scan3A_61 : i32 to index
        %swap3A_84 = arith.constant 32 : index
        %swap3A_85 = tpu.vector_load %arg11[%swap3A_83, %swap3A_84] {strides = array<i32>} : memref<320x64xf32, #tpu.memory_space<vmem>>, vector<1x16xf32>,
        %swap3A_86 = vector.shape_cast %swap3A_85 : vector<1x16xf32> to vector<16xf32>
        %swap3A_87 = vector.shape_cast %get3A_82 : vector<16xf32> to vector<1x16xf32>
        tpu.vector_store %arg11[%swap3A_83, %swap3A_84], %swap3A_87 {strides = array<i32>} : memref<320x64xf32, #tpu.memory_space<vmem>>, vector<1x16xf32>,
        %get3A_88 = arith.index_cast %scan3A_61 : i32 to index
        %get3A_89 = arith.constant 48 : index
        %get3A_90 = tpu.vector_load %arg12[%get3A_88, %get3A_89] {strides = array<i32>} : memref<48x128xf32, #tpu.memory_space<vmem>>, vector<1x16xf32>,
        %get3A_91 = vector.shape_cast %get3A_90 : vector<1x16xf32> to vector<16xf32>
        %swap3A_92 = arith.index_cast %scan3A_61 : i32 to index
        %swap3A_93 = arith.constant 48 : index
        %swap3A_94 = tpu.vector_load %arg11[%swap3A_92, %swap3A_93] {strides = array<i32>} : memref<320x64xf32, #tpu.memory_space<vmem>>, vector<1x16xf32>,
        %swap3A_95 = vector.shape_cast %swap3A_94 : vector<1x16xf32> to vector<16xf32>
        %swap3A_96 = vector.shape_cast %get3A_91 : vector<16xf32> to vector<1x16xf32>
        tpu.vector_store %arg11[%swap3A_92, %swap3A_93], %swap3A_96 {strides = array<i32>} : memref<320x64xf32, #tpu.memory_space<vmem>>, vector<1x16xf32>,
        %scan3A_97 = arith.constant 0 : i32
        scf.yield %scan3A_97 : i32
      }
      %scan3A_59 = arith.constant 48 : i32
      "tpu.region"() ({
        %run_scoped3A = tpu.sem_alloc : memref<!tpu.dma_semaphore, #tpu.memory_space<semaphore_mem>>
        %dma_start3A = arith.constant 0 : i32
        %dma_start3A_61 = arith.constant 0 : i32
        %dma_start3A_62 = tpu.memref_slice %arg11[%dma_start3A, %dma_start3A_61] : memref<320x64xf32, #tpu.memory_space<vmem>> -> memref<48x64xf32, #tpu.memory_space<vmem>>
        %dma_start3A_63 = arith.constant 0 : i32
        %dma_start3A_64 = tpu.memref_slice %arg6[%add3A_52, %dma_start3A_63] : memref<10016x64xf32, #tpu.memory_space<vmem_shared>> -> memref<48x64xf32, #tpu.memory_space<vmem_shared>>
        %dma_start3A_65 = arith.constant 0 : i32
        %dma_start3A_66 = tpu.memref_slice %arg6[%add3A_52, %dma_start3A_65] : memref<10016x64xf32, #tpu.memory_space<vmem_shared>> -> memref<48x64xf32, #tpu.memory_space<vmem_shared>>
        %dma_start3A_67 = arith.constant 0 : i32
        %dma_start3A_68 = arith.constant 0 : i32
        %dma_start3A_69 = tpu.memref_slice %arg11[%dma_start3A_67, %dma_start3A_68] : memref<320x64xf32, #tpu.memory_space<vmem>> -> memref<48x64xf32, #tpu.memory_space<vmem>>
        tpu.enqueue_dma source(%dma_start3A_69 : memref<48x64xf32, #tpu.memory_space<vmem>>) target(%dma_start3A_66 : memref<48x64xf32, #tpu.memory_space<vmem_shared>>) target_semaphore(%run_scoped3A : memref<!tpu.dma_semaphore, #tpu.memory_space<semaphore_mem>>)
        %dma_wait3A = arith.constant 0 : i32
        %dma_wait3A_70 = arith.constant 0 : i32
        %dma_wait3A_71 = tpu.memref_slice %arg11[%dma_wait3A, %dma_wait3A_70] : memref<320x64xf32, #tpu.memory_space<vmem>> -> memref<48x64xf32, #tpu.memory_space<vmem>>
        %dma_wait3A_72 = arith.constant 0 : i32
        %dma_wait3A_73 = tpu.memref_slice %arg6[%add3A_52, %dma_wait3A_72] : memref<10016x64xf32, #tpu.memory_space<vmem_shared>> -> memref<48x64xf32, #tpu.memory_space<vmem_shared>>
        %dma_wait3A_74 = arith.constant 0 : i32
        %dma_wait3A_75 = tpu.memref_slice %arg6[%add3A_52, %dma_wait3A_74] : memref<10016x64xf32, #tpu.memory_space<vmem_shared>> -> memref<48x64xf32, #tpu.memory_space<vmem_shared>>
        %dma_wait3A_76 = arith.constant 0 : i32
        %dma_wait3A_77 = arith.constant 0 : i32
        %dma_wait3A_78 = tpu.memref_slice %arg11[%dma_wait3A_76, %dma_wait3A_77] : memref<320x64xf32, #tpu.memory_space<vmem>> -> memref<48x64xf32, #tpu.memory_space<vmem>>
        tpu.wait_dma2 semaphore(%run_scoped3A : memref<!tpu.dma_semaphore, #tpu.memory_space<semaphore_mem>>) src(%dma_wait3A_78 : memref<48x64xf32, #tpu.memory_space<vmem>>) dst(%dma_wait3A_75 : memref<48x64xf32, #tpu.memory_space<vmem_shared>>)
        tpu.yield
      }) : () -> ()
      %scan3A_60 = arith.constant 0 : i32
      scf.yield %scan3A_60 : i32
    }
    %scan3A_22 = arith.constant 13 : i32
    %eq3A_23 = arith.constant 15 : i32
    %eq3A_24 = arith.cmpi eq, %arg1, %eq3A_23 : i32
    %convert_element_type3A_25 = arith.extui %eq3A_24 : i1 to i32
    %cond3A_26 = arith.constant 0 : i32
    %cond3A_27 = arith.cmpi ne, %convert_element_type3A_25, %cond3A_26 : i32
    scf.if %cond3A_27 {
      "tpu.region"() ({
        %run_scoped3A = tpu.sem_alloc : memref<!tpu.dma_semaphore, #tpu.memory_space<semaphore_mem>>
        %dma_start3A = arith.constant 0 : i32
        %dma_start3A_55 = arith.constant 0 : i32
        %dma_start3A_56 = tpu.memref_slice %arg12[%dma_start3A, %dma_start3A_55] : memref<48x128xf32, #tpu.memory_space<vmem>> -> memref<16x128xf32, #tpu.memory_space<vmem>>
        %dma_start3A_57 = arith.constant 9984 : i32
        %dma_start3A_58 = arith.constant 0 : i32
        %dma_start3A_59 = tpu.memref_slice %arg2[%dma_start3A_57, %dma_start3A_58] : memref<10016x128xf32, #tpu.memory_space<hbm>> -> memref<16x128xf32, #tpu.memory_space<hbm>>
        %dma_start3A_60 = arith.constant 0 : i32
        %dma_start3A_61 = arith.constant 0 : i32
        %dma_start3A_62 = tpu.memref_slice %arg12[%dma_start3A_60, %dma_start3A_61] : memref<48x128xf32, #tpu.memory_space<vmem>> -> memref<16x128xf32, #tpu.memory_space<vmem>>
        %dma_start3A_63 = arith.constant 9984 : i32
        %dma_start3A_64 = arith.constant 0 : i32
        %dma_start3A_65 = tpu.memref_slice %arg2[%dma_start3A_63, %dma_start3A_64] : memref<10016x128xf32, #tpu.memory_space<hbm>> -> memref<16x128xf32, #tpu.memory_space<hbm>>
        tpu.enqueue_dma source(%dma_start3A_65 : memref<16x128xf32, #tpu.memory_space<hbm>>) target(%dma_start3A_62 : memref<16x128xf32, #tpu.memory_space<vmem>>) target_semaphore(%run_scoped3A : memref<!tpu.dma_semaphore, #tpu.memory_space<semaphore_mem>>)
        %dma_wait3A = arith.constant 0 : i32
        %dma_wait3A_66 = arith.constant 0 : i32
        %dma_wait3A_67 = tpu.memref_slice %arg12[%dma_wait3A, %dma_wait3A_66] : memref<48x128xf32, #tpu.memory_space<vmem>> -> memref<16x128xf32, #tpu.memory_space<vmem>>
        %dma_wait3A_68 = arith.constant 9984 : i32
        %dma_wait3A_69 = arith.constant 0 : i32
        %dma_wait3A_70 = tpu.memref_slice %arg2[%dma_wait3A_68, %dma_wait3A_69] : memref<10016x128xf32, #tpu.memory_space<hbm>> -> memref<16x128xf32, #tpu.memory_space<hbm>>
        %dma_wait3A_71 = arith.constant 0 : i32
        %dma_wait3A_72 = arith.constant 0 : i32
        %dma_wait3A_73 = tpu.memref_slice %arg12[%dma_wait3A_71, %dma_wait3A_72] : memref<48x128xf32, #tpu.memory_space<vmem>> -> memref<16x128xf32, #tpu.memory_space<vmem>>
        %dma_wait3A_74 = arith.constant 9984 : i32
        %dma_wait3A_75 = arith.constant 0 : i32
        %dma_wait3A_76 = tpu.memref_slice %arg2[%dma_wait3A_74, %dma_wait3A_75] : memref<10016x128xf32, #tpu.memory_space<hbm>> -> memref<16x128xf32, #tpu.memory_space<hbm>>
        tpu.wait_dma2 semaphore(%run_scoped3A : memref<!tpu.dma_semaphore, #tpu.memory_space<semaphore_mem>>) src(%dma_wait3A_76 : memref<16x128xf32, #tpu.memory_space<hbm>>) dst(%dma_wait3A_73 : memref<16x128xf32, #tpu.memory_space<vmem>>)
        tpu.yield
      }) : () -> ()
      %scan3A_48 = arith.constant 0 : i32
      %scan3A_49 = arith.constant 0 : i32
      %scan3A_50 = arith.constant 16 : i32
      %scan3A_51 = arith.addi %scan3A_49, %scan3A_50 : i32
      %scan3A_52 = arith.constant 1 : i32
      %scan3A_53 = scf.for %scan3A_55 = %scan3A_49 to %scan3A_51 step %scan3A_52 iter_args(%scan3A_56 = %scan3A_48) -> (i32)  : i32 {
        %get3A = arith.index_cast %scan3A_55 : i32 to index
        %get3A_57 = arith.constant 0 : index
        %get3A_58 = tpu.vector_load %arg12[%get3A, %get3A_57] {strides = array<i32>} : memref<48x128xf32, #tpu.memory_space<vmem>>, vector<1x16xf32>,
        %get3A_59 = vector.shape_cast %get3A_58 : vector<1x16xf32> to vector<16xf32>
        %swap3A = arith.index_cast %scan3A_55 : i32 to index
        %swap3A_60 = arith.constant 0 : index
        %swap3A_61 = tpu.vector_load %arg11[%swap3A, %swap3A_60] {strides = array<i32>} : memref<320x64xf32, #tpu.memory_space<vmem>>, vector<1x16xf32>,
        %swap3A_62 = vector.shape_cast %swap3A_61 : vector<1x16xf32> to vector<16xf32>
        %swap3A_63 = vector.shape_cast %get3A_59 : vector<16xf32> to vector<1x16xf32>
        tpu.vector_store %arg11[%swap3A, %swap3A_60], %swap3A_63 {strides = array<i32>} : memref<320x64xf32, #tpu.memory_space<vmem>>, vector<1x16xf32>,
        %get3A_64 = arith.index_cast %scan3A_55 : i32 to index
        %get3A_65 = arith.constant 16 : index
        %get3A_66 = tpu.vector_load %arg12[%get3A_64, %get3A_65] {strides = array<i32>} : memref<48x128xf32, #tpu.memory_space<vmem>>, vector<1x16xf32>,
        %get3A_67 = vector.shape_cast %get3A_66 : vector<1x16xf32> to vector<16xf32>
        %swap3A_68 = arith.index_cast %scan3A_55 : i32 to index
        %swap3A_69 = arith.constant 16 : index
        %swap3A_70 = tpu.vector_load %arg11[%swap3A_68, %swap3A_69] {strides = array<i32>} : memref<320x64xf32, #tpu.memory_space<vmem>>, vector<1x16xf32>,
        %swap3A_71 = vector.shape_cast %swap3A_70 : vector<1x16xf32> to vector<16xf32>
        %swap3A_72 = vector.shape_cast %get3A_67 : vector<16xf32> to vector<1x16xf32>
        tpu.vector_store %arg11[%swap3A_68, %swap3A_69], %swap3A_72 {strides = array<i32>} : memref<320x64xf32, #tpu.memory_space<vmem>>, vector<1x16xf32>,
        %get3A_73 = arith.index_cast %scan3A_55 : i32 to index
        %get3A_74 = arith.constant 32 : index
        %get3A_75 = tpu.vector_load %arg12[%get3A_73, %get3A_74] {strides = array<i32>} : memref<48x128xf32, #tpu.memory_space<vmem>>, vector<1x16xf32>,
        %get3A_76 = vector.shape_cast %get3A_75 : vector<1x16xf32> to vector<16xf32>
        %swap3A_77 = arith.index_cast %scan3A_55 : i32 to index
        %swap3A_78 = arith.constant 32 : index
        %swap3A_79 = tpu.vector_load %arg11[%swap3A_77, %swap3A_78] {strides = array<i32>} : memref<320x64xf32, #tpu.memory_space<vmem>>, vector<1x16xf32>,
        %swap3A_80 = vector.shape_cast %swap3A_79 : vector<1x16xf32> to vector<16xf32>
        %swap3A_81 = vector.shape_cast %get3A_76 : vector<16xf32> to vector<1x16xf32>
        tpu.vector_store %arg11[%swap3A_77, %swap3A_78], %swap3A_81 {strides = array<i32>} : memref<320x64xf32, #tpu.memory_space<vmem>>, vector<1x16xf32>,
        %get3A_82 = arith.index_cast %scan3A_55 : i32 to index
        %get3A_83 = arith.constant 48 : index
        %get3A_84 = tpu.vector_load %arg12[%get3A_82, %get3A_83] {strides = array<i32>} : memref<48x128xf32, #tpu.memory_space<vmem>>, vector<1x16xf32>,
        %get3A_85 = vector.shape_cast %get3A_84 : vector<1x16xf32> to vector<16xf32>
        %swap3A_86 = arith.index_cast %scan3A_55 : i32 to index
        %swap3A_87 = arith.constant 48 : index
        %swap3A_88 = tpu.vector_load %arg11[%swap3A_86, %swap3A_87] {strides = array<i32>} : memref<320x64xf32, #tpu.memory_space<vmem>>, vector<1x16xf32>,
        %swap3A_89 = vector.shape_cast %swap3A_88 : vector<1x16xf32> to vector<16xf32>
        %swap3A_90 = vector.shape_cast %get3A_85 : vector<16xf32> to vector<1x16xf32>
        tpu.vector_store %arg11[%swap3A_86, %swap3A_87], %swap3A_90 {strides = array<i32>} : memref<320x64xf32, #tpu.memory_space<vmem>>, vector<1x16xf32>,
        %scan3A_91 = arith.constant 0 : i32
        scf.yield %scan3A_91 : i32
      }
      %scan3A_54 = arith.constant 16 : i32
      "tpu.region"() ({
        %run_scoped3A = tpu.sem_alloc : memref<!tpu.dma_semaphore, #tpu.memory_space<semaphore_mem>>
        %dma_start3A = arith.constant 0 : i32
        %dma_start3A_55 = arith.constant 0 : i32
        %dma_start3A_56 = tpu.memref_slice %arg11[%dma_start3A, %dma_start3A_55] : memref<320x64xf32, #tpu.memory_space<vmem>> -> memref<16x64xf32, #tpu.memory_space<vmem>>
        %dma_start3A_57 = arith.constant 9984 : i32
        %dma_start3A_58 = arith.constant 0 : i32
        %dma_start3A_59 = tpu.memref_slice %arg6[%dma_start3A_57, %dma_start3A_58] : memref<10016x64xf32, #tpu.memory_space<vmem_shared>> -> memref<16x64xf32, #tpu.memory_space<vmem_shared>>
        %dma_start3A_60 = arith.constant 9984 : i32
        %dma_start3A_61 = arith.constant 0 : i32
        %dma_start3A_62 = tpu.memref_slice %arg6[%dma_start3A_60, %dma_start3A_61] : memref<10016x64xf32, #tpu.memory_space<vmem_shared>> -> memref<16x64xf32, #tpu.memory_space<vmem_shared>>
        %dma_start3A_63 = arith.constant 0 : i32
        %dma_start3A_64 = arith.constant 0 : i32
        %dma_start3A_65 = tpu.memref_slice %arg11[%dma_start3A_63, %dma_start3A_64] : memref<320x64xf32, #tpu.memory_space<vmem>> -> memref<16x64xf32, #tpu.memory_space<vmem>>
        tpu.enqueue_dma source(%dma_start3A_65 : memref<16x64xf32, #tpu.memory_space<vmem>>) target(%dma_start3A_62 : memref<16x64xf32, #tpu.memory_space<vmem_shared>>) target_semaphore(%run_scoped3A : memref<!tpu.dma_semaphore, #tpu.memory_space<semaphore_mem>>)
        %dma_wait3A = arith.constant 0 : i32
        %dma_wait3A_66 = arith.constant 0 : i32
        %dma_wait3A_67 = tpu.memref_slice %arg11[%dma_wait3A, %dma_wait3A_66] : memref<320x64xf32, #tpu.memory_space<vmem>> -> memref<16x64xf32, #tpu.memory_space<vmem>>
        %dma_wait3A_68 = arith.constant 9984 : i32
        %dma_wait3A_69 = arith.constant 0 : i32
        %dma_wait3A_70 = tpu.memref_slice %arg6[%dma_wait3A_68, %dma_wait3A_69] : memref<10016x64xf32, #tpu.memory_space<vmem_shared>> -> memref<16x64xf32, #tpu.memory_space<vmem_shared>>
        %dma_wait3A_71 = arith.constant 9984 : i32
        %dma_wait3A_72 = arith.constant 0 : i32
        %dma_wait3A_73 = tpu.memref_slice %arg6[%dma_wait3A_71, %dma_wait3A_72] : memref<10016x64xf32, #tpu.memory_space<vmem_shared>> -> memref<16x64xf32, #tpu.memory_space<vmem_shared>>
        %dma_wait3A_74 = arith.constant 0 : i32
        %dma_wait3A_75 = arith.constant 0 : i32
        %dma_wait3A_76 = tpu.memref_slice %arg11[%dma_wait3A_74, %dma_wait3A_75] : memref<320x64xf32, #tpu.memory_space<vmem>> -> memref<16x64xf32, #tpu.memory_space<vmem>>
        tpu.wait_dma2 semaphore(%run_scoped3A : memref<!tpu.dma_semaphore, #tpu.memory_space<semaphore_mem>>) src(%dma_wait3A_76 : memref<16x64xf32, #tpu.memory_space<vmem>>) dst(%dma_wait3A_73 : memref<16x64xf32, #tpu.memory_space<vmem_shared>>)
        tpu.yield
      }) : () -> ()
    } else {
    }
    %barrier3A = arith.constant 0 : index
    tpu.barrier barrier_id(%barrier3A)
    %scan3A_28 = arith.constant 0 : i32
    %scan3A_29 = arith.constant 0 : i32
    %scan3A_30 = arith.constant 8 : i32
    %scan3A_31 = arith.addi %scan3A_29, %scan3A_30 : i32
    %scan3A_32 = arith.constant 1 : i32
    %scan3A_33 = scf.for %scan3A_48 = %scan3A_29 to %scan3A_31 step %scan3A_32 iter_args(%scan3A_49 = %scan3A_28) -> (i32)  : i32 {
      "tpu.region"() ({
        %run_scoped3A = tpu.sem_alloc : memref<!tpu.dma_semaphore, #tpu.memory_space<semaphore_mem>>
        %dma_start3A_71 = arith.constant 0 : i32
        %dma_start3A_72 = arith.constant 0 : i32
        %dma_start3A_73 = tpu.memref_slice %arg3[%add3A, %scan3A_48, %dma_start3A_71, %dma_start3A_72] : memref<32x8x4x320xi32, #tpu.memory_space<hbm>> -> memref<1x1x4x320xi32, #tpu.memory_space<hbm>>
        %dma_start3A_74 = tpu.memref_squeeze %dma_start3A_73 : memref<1x1x4x320xi32, #tpu.memory_space<hbm>> -> memref<4x320xi32, #tpu.memory_space<hbm>>
        %dma_start3A_75 = arith.constant 0 : i32
        %dma_start3A_76 = arith.constant 0 : i32
        %dma_start3A_77 = tpu.memref_slice %arg3[%add3A, %scan3A_48, %dma_start3A_75, %dma_start3A_76] : memref<32x8x4x320xi32, #tpu.memory_space<hbm>> -> memref<1x1x4x320xi32, #tpu.memory_space<hbm>>
        %dma_start3A_78 = tpu.memref_squeeze %dma_start3A_77 : memref<1x1x4x320xi32, #tpu.memory_space<hbm>> -> memref<4x320xi32, #tpu.memory_space<hbm>>
        tpu.enqueue_dma source(%dma_start3A_78 : memref<4x320xi32, #tpu.memory_space<hbm>>) target(%arg8 : memref<4x320xi32, #tpu.memory_space<vmem>>) target_semaphore(%run_scoped3A : memref<!tpu.dma_semaphore, #tpu.memory_space<semaphore_mem>>)
        %dma_wait3A = arith.constant 0 : i32
        %dma_wait3A_79 = arith.constant 0 : i32
        %dma_wait3A_80 = tpu.memref_slice %arg3[%add3A, %scan3A_48, %dma_wait3A, %dma_wait3A_79] : memref<32x8x4x320xi32, #tpu.memory_space<hbm>> -> memref<1x1x4x320xi32, #tpu.memory_space<hbm>>
        %dma_wait3A_81 = tpu.memref_squeeze %dma_wait3A_80 : memref<1x1x4x320xi32, #tpu.memory_space<hbm>> -> memref<4x320xi32, #tpu.memory_space<hbm>>
        %dma_wait3A_82 = arith.constant 0 : i32
        %dma_wait3A_83 = arith.constant 0 : i32
        %dma_wait3A_84 = tpu.memref_slice %arg3[%add3A, %scan3A_48, %dma_wait3A_82, %dma_wait3A_83] : memref<32x8x4x320xi32, #tpu.memory_space<hbm>> -> memref<1x1x4x320xi32, #tpu.memory_space<hbm>>
        %dma_wait3A_85 = tpu.memref_squeeze %dma_wait3A_84 : memref<1x1x4x320xi32, #tpu.memory_space<hbm>> -> memref<4x320xi32, #tpu.memory_space<hbm>>
        tpu.wait_dma2 semaphore(%run_scoped3A : memref<!tpu.dma_semaphore, #tpu.memory_space<semaphore_mem>>) src(%dma_wait3A_85 : memref<4x320xi32, #tpu.memory_space<hbm>>) dst(%arg8 : memref<4x320xi32, #tpu.memory_space<vmem>>)
        tpu.yield
      }) : () -> ()
      "tpu.region"() ({
        %run_scoped3A = tpu.sem_alloc : memref<!tpu.dma_semaphore, #tpu.memory_space<semaphore_mem>>
        %dma_start3A_71 = arith.constant 0 : i32
        %dma_start3A_72 = arith.constant 0 : i32
        %dma_start3A_73 = tpu.memref_slice %arg4[%add3A, %scan3A_48, %dma_start3A_71, %dma_start3A_72] : memref<32x8x4x320xi32, #tpu.memory_space<hbm>> -> memref<1x1x4x320xi32, #tpu.memory_space<hbm>>
        %dma_start3A_74 = tpu.memref_squeeze %dma_start3A_73 : memref<1x1x4x320xi32, #tpu.memory_space<hbm>> -> memref<4x320xi32, #tpu.memory_space<hbm>>
        %dma_start3A_75 = arith.constant 0 : i32
        %dma_start3A_76 = arith.constant 0 : i32
        %dma_start3A_77 = tpu.memref_slice %arg4[%add3A, %scan3A_48, %dma_start3A_75, %dma_start3A_76] : memref<32x8x4x320xi32, #tpu.memory_space<hbm>> -> memref<1x1x4x320xi32, #tpu.memory_space<hbm>>
        %dma_start3A_78 = tpu.memref_squeeze %dma_start3A_77 : memref<1x1x4x320xi32, #tpu.memory_space<hbm>> -> memref<4x320xi32, #tpu.memory_space<hbm>>
        tpu.enqueue_dma source(%dma_start3A_78 : memref<4x320xi32, #tpu.memory_space<hbm>>) target(%arg9 : memref<4x320xi32, #tpu.memory_space<vmem>>) target_semaphore(%run_scoped3A : memref<!tpu.dma_semaphore, #tpu.memory_space<semaphore_mem>>)
        %dma_wait3A = arith.constant 0 : i32
        %dma_wait3A_79 = arith.constant 0 : i32
        %dma_wait3A_80 = tpu.memref_slice %arg4[%add3A, %scan3A_48, %dma_wait3A, %dma_wait3A_79] : memref<32x8x4x320xi32, #tpu.memory_space<hbm>> -> memref<1x1x4x320xi32, #tpu.memory_space<hbm>>
        %dma_wait3A_81 = tpu.memref_squeeze %dma_wait3A_80 : memref<1x1x4x320xi32, #tpu.memory_space<hbm>> -> memref<4x320xi32, #tpu.memory_space<hbm>>
        %dma_wait3A_82 = arith.constant 0 : i32
        %dma_wait3A_83 = arith.constant 0 : i32
        %dma_wait3A_84 = tpu.memref_slice %arg4[%add3A, %scan3A_48, %dma_wait3A_82, %dma_wait3A_83] : memref<32x8x4x320xi32, #tpu.memory_space<hbm>> -> memref<1x1x4x320xi32, #tpu.memory_space<hbm>>
        %dma_wait3A_85 = tpu.memref_squeeze %dma_wait3A_84 : memref<1x1x4x320xi32, #tpu.memory_space<hbm>> -> memref<4x320xi32, #tpu.memory_space<hbm>>
        tpu.wait_dma2 semaphore(%run_scoped3A : memref<!tpu.dma_semaphore, #tpu.memory_space<semaphore_mem>>) src(%dma_wait3A_85 : memref<4x320xi32, #tpu.memory_space<hbm>>) dst(%arg9 : memref<4x320xi32, #tpu.memory_space<vmem>>)
        tpu.yield
      }) : () -> ()
      %dma_start3A = arith.constant 0 : i32
      %dma_start3A_50 = arith.constant 0 : i32
      %dma_start3A_51 = tpu.memref_slice %arg8[%dma_start3A, %dma_start3A_50] : memref<4x320xi32, #tpu.memory_space<vmem>> -> memref<1x320xi32, #tpu.memory_space<vmem>>
      %dma_start3A_52 = tpu.memref_squeeze %dma_start3A_51 : memref<1x320xi32, #tpu.memory_space<vmem>> -> memref<320xi32, #tpu.memory_space<vmem>>
      %dma_start3A_53 = arith.constant 0 : i32
      %dma_start3A_54 = arith.constant 0 : i32
      %dma_start3A_55 = tpu.memref_slice %arg6[%dma_start3A_53, %dma_start3A_54] : memref<10016x64xf32, #tpu.memory_space<vmem_shared>> -> memref<10016x64xf32, #tpu.memory_space<vmem_shared>>
      tpu.enqueue_indirect_dma source(%dma_start3A_55 : memref<10016x64xf32, #tpu.memory_space<vmem_shared>>) target(%arg10 : memref<320x64xf32, #tpu.memory_space<vmem>>) offsets(%dma_start3A_52 : memref<320xi32, #tpu.memory_space<vmem>>) semaphore(%arg13 : memref<!tpu.dma_semaphore, #tpu.memory_space<semaphore_mem>>)
      %dma_start3A_56 = arith.constant 1 : i32
      %dma_start3A_57 = arith.constant 0 : i32
      %dma_start3A_58 = tpu.memref_slice %arg8[%dma_start3A_56, %dma_start3A_57] : memref<4x320xi32, #tpu.memory_space<vmem>> -> memref<1x320xi32, #tpu.memory_space<vmem>>
      %dma_start3A_59 = tpu.memref_squeeze %dma_start3A_58 : memref<1x320xi32, #tpu.memory_space<vmem>> -> memref<320xi32, #tpu.memory_space<vmem>>
      %dma_start3A_60 = arith.constant 0 : i32
      %dma_start3A_61 = arith.constant 0 : i32
      %dma_start3A_62 = tpu.memref_slice %arg6[%dma_start3A_60, %dma_start3A_61] : memref<10016x64xf32, #tpu.memory_space<vmem_shared>> -> memref<10016x64xf32, #tpu.memory_space<vmem_shared>>
      tpu.enqueue_indirect_dma source(%dma_start3A_62 : memref<10016x64xf32, #tpu.memory_space<vmem_shared>>) target(%arg11 : memref<320x64xf32, #tpu.memory_space<vmem>>) offsets(%dma_start3A_59 : memref<320xi32, #tpu.memory_space<vmem>>) semaphore(%arg14 : memref<!tpu.dma_semaphore, #tpu.memory_space<semaphore_mem>>)
      %scan3A_63 = arith.constant 0 : i32
      %scan3A_64 = arith.constant 0 : i32
      %scan3A_65 = arith.constant 2 : i32
      %scan3A_66 = arith.addi %scan3A_64, %scan3A_65 : i32
      %scan3A_67 = arith.constant 1 : i32
      %scan3A_68 = scf.for %scan3A_71 = %scan3A_64 to %scan3A_66 step %scan3A_67 iter_args(%scan3A_72 = %scan3A_63) -> (i32)  : i32 {
        %dma_wait3A = arith.constant 0 : i32
        %dma_wait3A_73 = arith.constant 0 : i32
        %dma_wait3A_74 = tpu.memref_slice %arg8[%dma_wait3A, %dma_wait3A_73] : memref<4x320xi32, #tpu.memory_space<vmem>> -> memref<1x320xi32, #tpu.memory_space<vmem>>
        %dma_wait3A_75 = tpu.memref_squeeze %dma_wait3A_74 : memref<1x320xi32, #tpu.memory_space<vmem>> -> memref<320xi32, #tpu.memory_space<vmem>>
        %dma_wait3A_76 = arith.constant 0 : i32
        %dma_wait3A_77 = arith.constant 0 : i32
        %dma_wait3A_78 = tpu.memref_slice %arg6[%dma_wait3A_76, %dma_wait3A_77] : memref<10016x64xf32, #tpu.memory_space<vmem_shared>> -> memref<10016x64xf32, #tpu.memory_space<vmem_shared>>
        tpu.wait_indirect_dma semaphore(%arg13 : memref<!tpu.dma_semaphore, #tpu.memory_space<semaphore_mem>>) src(%dma_wait3A_78 : memref<10016x64xf32, #tpu.memory_space<vmem_shared>>) dst(%arg10 : memref<320x64xf32, #tpu.memory_space<vmem>>)
        %mul3A_79 = arith.constant 2 : i32
        %mul3A_80 = arith.muli %mul3A_79, %scan3A_71 : i32
        "tpu.region"() ({
          %run_scoped3A = tpu.sem_alloc : memref<!tpu.dma_semaphore, #tpu.memory_space<semaphore_mem>>
          %dma_start3A_102 = arith.constant 0 : i32
          %dma_start3A_103 = tpu.memref_slice %arg9[%mul3A_80, %dma_start3A_102] : memref<4x320xi32, #tpu.memory_space<vmem>> -> memref<1x320xi32, #tpu.memory_space<vmem>>
          %dma_start3A_104 = tpu.memref_squeeze %dma_start3A_103 : memref<1x320xi32, #tpu.memory_space<vmem>> -> memref<320xi32, #tpu.memory_space<vmem>>
          %dma_start3A_105 = arith.constant 0 : i32
          %dma_start3A_106 = arith.constant 0 : i32
          %dma_start3A_107 = tpu.memref_slice %arg7[%dma_start3A_105, %dma_start3A_106] : memref<10016x64xf32, #tpu.memory_space<vmem_shared>> -> memref<10016x64xf32, #tpu.memory_space<vmem_shared>>
          tpu.enqueue_indirect_dma source(%arg10 : memref<320x64xf32, #tpu.memory_space<vmem>>) target(%dma_start3A_107 : memref<10016x64xf32, #tpu.memory_space<vmem_shared>>) offsets(%dma_start3A_104 : memref<320xi32, #tpu.memory_space<vmem>>) semaphore(%run_scoped3A : memref<!tpu.dma_semaphore, #tpu.memory_space<semaphore_mem>>) {add = true}
          %dma_wait3A_108 = arith.constant 0 : i32
          %dma_wait3A_109 = tpu.memref_slice %arg9[%mul3A_80, %dma_wait3A_108] : memref<4x320xi32, #tpu.memory_space<vmem>> -> memref<1x320xi32, #tpu.memory_space<vmem>>
          %dma_wait3A_110 = tpu.memref_squeeze %dma_wait3A_109 : memref<1x320xi32, #tpu.memory_space<vmem>> -> memref<320xi32, #tpu.memory_space<vmem>>
          %dma_wait3A_111 = arith.constant 0 : i32
          %dma_wait3A_112 = arith.constant 0 : i32
          %dma_wait3A_113 = tpu.memref_slice %arg7[%dma_wait3A_111, %dma_wait3A_112] : memref<10016x64xf32, #tpu.memory_space<vmem_shared>> -> memref<10016x64xf32, #tpu.memory_space<vmem_shared>>
          tpu.wait_indirect_dma semaphore(%run_scoped3A : memref<!tpu.dma_semaphore, #tpu.memory_space<semaphore_mem>>) src(%arg10 : memref<320x64xf32, #tpu.memory_space<vmem>>) dst(%dma_wait3A_113 : memref<10016x64xf32, #tpu.memory_space<vmem_shared>>)
          tpu.yield
        }) : () -> ()
        %lt3A = arith.constant 1 : i32
        %lt3A_81 = arith.cmpi slt, %scan3A_71, %lt3A : i32
        %convert_element_type3A_82 = arith.extui %lt3A_81 : i1 to i32
        %cond3A_83 = arith.constant 0 : i32
        %cond3A_84 = arith.cmpi ne, %convert_element_type3A_82, %cond3A_83 : i32
        scf.if %cond3A_84 {
          %mul3A_102 = arith.constant 2 : i32
          %mul3A_103 = arith.muli %mul3A_102, %scan3A_71 : i32
          %add3A_104 = arith.constant 2 : i32
          %add3A_105 = arith.addi %mul3A_103, %add3A_104 : i32
          %dma_start3A_106 = arith.constant 0 : i32
          %dma_start3A_107 = tpu.memref_slice %arg8[%add3A_105, %dma_start3A_106] : memref<4x320xi32, #tpu.memory_space<vmem>> -> memref<1x320xi32, #tpu.memory_space<vmem>>
          %dma_start3A_108 = tpu.memref_squeeze %dma_start3A_107 : memref<1x320xi32, #tpu.memory_space<vmem>> -> memref<320xi32, #tpu.memory_space<vmem>>
          %dma_start3A_109 = arith.constant 0 : i32
          %dma_start3A_110 = arith.constant 0 : i32
          %dma_start3A_111 = tpu.memref_slice %arg6[%dma_start3A_109, %dma_start3A_110] : memref<10016x64xf32, #tpu.memory_space<vmem_shared>> -> memref<10016x64xf32, #tpu.memory_space<vmem_shared>>
          tpu.enqueue_indirect_dma source(%dma_start3A_111 : memref<10016x64xf32, #tpu.memory_space<vmem_shared>>) target(%arg10 : memref<320x64xf32, #tpu.memory_space<vmem>>) offsets(%dma_start3A_108 : memref<320xi32, #tpu.memory_space<vmem>>) semaphore(%arg13 : memref<!tpu.dma_semaphore, #tpu.memory_space<semaphore_mem>>)
        } else {
        }
        %dma_wait3A_85 = arith.constant 0 : i32
        %dma_wait3A_86 = arith.constant 0 : i32
        %dma_wait3A_87 = tpu.memref_slice %arg8[%dma_wait3A_85, %dma_wait3A_86] : memref<4x320xi32, #tpu.memory_space<vmem>> -> memref<1x320xi32, #tpu.memory_space<vmem>>
        %dma_wait3A_88 = tpu.memref_squeeze %dma_wait3A_87 : memref<1x320xi32, #tpu.memory_space<vmem>> -> memref<320xi32, #tpu.memory_space<vmem>>
        %dma_wait3A_89 = arith.constant 0 : i32
        %dma_wait3A_90 = arith.constant 0 : i32
        %dma_wait3A_91 = tpu.memref_slice %arg6[%dma_wait3A_89, %dma_wait3A_90] : memref<10016x64xf32, #tpu.memory_space<vmem_shared>> -> memref<10016x64xf32, #tpu.memory_space<vmem_shared>>
        tpu.wait_indirect_dma semaphore(%arg14 : memref<!tpu.dma_semaphore, #tpu.memory_space<semaphore_mem>>) src(%dma_wait3A_91 : memref<10016x64xf32, #tpu.memory_space<vmem_shared>>) dst(%arg11 : memref<320x64xf32, #tpu.memory_space<vmem>>)
        %mul3A_92 = arith.constant 2 : i32
        %mul3A_93 = arith.muli %mul3A_92, %scan3A_71 : i32
        %add3A_94 = arith.constant 1 : i32
        %add3A_95 = arith.addi %mul3A_93, %add3A_94 : i32
        "tpu.region"() ({
          %run_scoped3A = tpu.sem_alloc : memref<!tpu.dma_semaphore, #tpu.memory_space<semaphore_mem>>
          %dma_start3A_102 = arith.constant 0 : i32
          %dma_start3A_103 = tpu.memref_slice %arg9[%add3A_95, %dma_start3A_102] : memref<4x320xi32, #tpu.memory_space<vmem>> -> memref<1x320xi32, #tpu.memory_space<vmem>>
          %dma_start3A_104 = tpu.memref_squeeze %dma_start3A_103 : memref<1x320xi32, #tpu.memory_space<vmem>> -> memref<320xi32, #tpu.memory_space<vmem>>
          %dma_start3A_105 = arith.constant 0 : i32
          %dma_start3A_106 = arith.constant 0 : i32
          %dma_start3A_107 = tpu.memref_slice %arg7[%dma_start3A_105, %dma_start3A_106] : memref<10016x64xf32, #tpu.memory_space<vmem_shared>> -> memref<10016x64xf32, #tpu.memory_space<vmem_shared>>
          tpu.enqueue_indirect_dma source(%arg11 : memref<320x64xf32, #tpu.memory_space<vmem>>) target(%dma_start3A_107 : memref<10016x64xf32, #tpu.memory_space<vmem_shared>>) offsets(%dma_start3A_104 : memref<320xi32, #tpu.memory_space<vmem>>) semaphore(%run_scoped3A : memref<!tpu.dma_semaphore, #tpu.memory_space<semaphore_mem>>) {add = true}
          %dma_wait3A_108 = arith.constant 0 : i32
          %dma_wait3A_109 = tpu.memref_slice %arg9[%add3A_95, %dma_wait3A_108] : memref<4x320xi32, #tpu.memory_space<vmem>> -> memref<1x320xi32, #tpu.memory_space<vmem>>
          %dma_wait3A_110 = tpu.memref_squeeze %dma_wait3A_109 : memref<1x320xi32, #tpu.memory_space<vmem>> -> memref<320xi32, #tpu.memory_space<vmem>>
          %dma_wait3A_111 = arith.constant 0 : i32
          %dma_wait3A_112 = arith.constant 0 : i32
          %dma_wait3A_113 = tpu.memref_slice %arg7[%dma_wait3A_111, %dma_wait3A_112] : memref<10016x64xf32, #tpu.memory_space<vmem_shared>> -> memref<10016x64xf32, #tpu.memory_space<vmem_shared>>
          tpu.wait_indirect_dma semaphore(%run_scoped3A : memref<!tpu.dma_semaphore, #tpu.memory_space<semaphore_mem>>) src(%arg11 : memref<320x64xf32, #tpu.memory_space<vmem>>) dst(%dma_wait3A_113 : memref<10016x64xf32, #tpu.memory_space<vmem_shared>>)
          tpu.yield
        }) : () -> ()
        %lt3A_96 = arith.constant 1 : i32
        %lt3A_97 = arith.cmpi slt, %scan3A_71, %lt3A_96 : i32
        %convert_element_type3A_98 = arith.extui %lt3A_97 : i1 to i32
        %cond3A_99 = arith.constant 0 : i32
        %cond3A_100 = arith.cmpi ne, %convert_element_type3A_98, %cond3A_99 : i32
        scf.if %cond3A_100 {
          %mul3A_102 = arith.constant 2 : i32
          %mul3A_103 = arith.muli %mul3A_102, %scan3A_71 : i32
          %add3A_104 = arith.constant 3 : i32
          %add3A_105 = arith.addi %mul3A_103, %add3A_104 : i32
          %dma_start3A_106 = arith.constant 0 : i32
          %dma_start3A_107 = tpu.memref_slice %arg8[%add3A_105, %dma_start3A_106] : memref<4x320xi32, #tpu.memory_space<vmem>> -> memref<1x320xi32, #tpu.memory_space<vmem>>
          %dma_start3A_108 = tpu.memref_squeeze %dma_start3A_107 : memref<1x320xi32, #tpu.memory_space<vmem>> -> memref<320xi32, #tpu.memory_space<vmem>>
          %dma_start3A_109 = arith.constant 0 : i32
          %dma_start3A_110 = arith.constant 0 : i32
          %dma_start3A_111 = tpu.memref_slice %arg6[%dma_start3A_109, %dma_start3A_110] : memref<10016x64xf32, #tpu.memory_space<vmem_shared>> -> memref<10016x64xf32, #tpu.memory_space<vmem_shared>>
          tpu.enqueue_indirect_dma source(%dma_start3A_111 : memref<10016x64xf32, #tpu.memory_space<vmem_shared>>) target(%arg11 : memref<320x64xf32, #tpu.memory_space<vmem>>) offsets(%dma_start3A_108 : memref<320xi32, #tpu.memory_space<vmem>>) semaphore(%arg14 : memref<!tpu.dma_semaphore, #tpu.memory_space<semaphore_mem>>)
        } else {
        }
        %scan3A_101 = arith.constant 0 : i32
        scf.yield %scan3A_101 : i32
      }
      %scan3A_69 = arith.constant 2 : i32
      %scan3A_70 = arith.constant 0 : i32
      scf.yield %scan3A_70 : i32
    }
    %scan3A_34 = arith.constant 8 : i32
    %barrier3A_35 = arith.constant 0 : index
    tpu.barrier barrier_id(%barrier3A_35)
    %scan3A_36 = arith.constant 0 : i32
    %scan3A_37 = arith.constant 0 : i32
    %scan3A_38 = arith.constant 13 : i32
    %scan3A_39 = arith.addi %scan3A_37, %scan3A_38 : i32
    %scan3A_40 = arith.constant 1 : i32
    %scan3A_41 = scf.for %scan3A_48 = %scan3A_37 to %scan3A_39 step %scan3A_40 iter_args(%scan3A_49 = %scan3A_36) -> (i32)  : i32 {
      %mul3A_50 = arith.constant 48 : i32
      %mul3A_51 = arith.muli %scan3A_48, %mul3A_50 : i32
      %add3A_52 = arith.addi %mul3A_8, %mul3A_51 : i32
      "tpu.region"() ({
        %run_scoped3A = tpu.sem_alloc : memref<!tpu.dma_semaphore, #tpu.memory_space<semaphore_mem>>
        %dma_start3A = arith.constant 0 : i32
        %dma_start3A_61 = arith.constant 0 : i32
        %dma_start3A_62 = tpu.memref_slice %arg10[%dma_start3A, %dma_start3A_61] : memref<320x64xf32, #tpu.memory_space<vmem>> -> memref<48x64xf32, #tpu.memory_space<vmem>>
        %dma_start3A_63 = arith.constant 0 : i32
        %dma_start3A_64 = tpu.memref_slice %arg7[%add3A_52, %dma_start3A_63] : memref<10016x64xf32, #tpu.memory_space<vmem_shared>> -> memref<48x64xf32, #tpu.memory_space<vmem_shared>>
        %dma_start3A_65 = arith.constant 0 : i32
        %dma_start3A_66 = arith.constant 0 : i32
        %dma_start3A_67 = tpu.memref_slice %arg10[%dma_start3A_65, %dma_start3A_66] : memref<320x64xf32, #tpu.memory_space<vmem>> -> memref<48x64xf32, #tpu.memory_space<vmem>>
        %dma_start3A_68 = arith.constant 0 : i32
        %dma_start3A_69 = tpu.memref_slice %arg7[%add3A_52, %dma_start3A_68] : memref<10016x64xf32, #tpu.memory_space<vmem_shared>> -> memref<48x64xf32, #tpu.memory_space<vmem_shared>>
        tpu.enqueue_dma source(%dma_start3A_69 : memref<48x64xf32, #tpu.memory_space<vmem_shared>>) target(%dma_start3A_67 : memref<48x64xf32, #tpu.memory_space<vmem>>) target_semaphore(%run_scoped3A : memref<!tpu.dma_semaphore, #tpu.memory_space<semaphore_mem>>)
        %dma_wait3A = arith.constant 0 : i32
        %dma_wait3A_70 = arith.constant 0 : i32
        %dma_wait3A_71 = tpu.memref_slice %arg10[%dma_wait3A, %dma_wait3A_70] : memref<320x64xf32, #tpu.memory_space<vmem>> -> memref<48x64xf32, #tpu.memory_space<vmem>>
        %dma_wait3A_72 = arith.constant 0 : i32
        %dma_wait3A_73 = tpu.memref_slice %arg7[%add3A_52, %dma_wait3A_72] : memref<10016x64xf32, #tpu.memory_space<vmem_shared>> -> memref<48x64xf32, #tpu.memory_space<vmem_shared>>
        %dma_wait3A_74 = arith.constant 0 : i32
        %dma_wait3A_75 = arith.constant 0 : i32
        %dma_wait3A_76 = tpu.memref_slice %arg10[%dma_wait3A_74, %dma_wait3A_75] : memref<320x64xf32, #tpu.memory_space<vmem>> -> memref<48x64xf32, #tpu.memory_space<vmem>>
        %dma_wait3A_77 = arith.constant 0 : i32
        %dma_wait3A_78 = tpu.memref_slice %arg7[%add3A_52, %dma_wait3A_77] : memref<10016x64xf32, #tpu.memory_space<vmem_shared>> -> memref<48x64xf32, #tpu.memory_space<vmem_shared>>
        tpu.wait_dma2 semaphore(%run_scoped3A : memref<!tpu.dma_semaphore, #tpu.memory_space<semaphore_mem>>) src(%dma_wait3A_78 : memref<48x64xf32, #tpu.memory_space<vmem_shared>>) dst(%dma_wait3A_76 : memref<48x64xf32, #tpu.memory_space<vmem>>)
        tpu.yield
      }) : () -> ()
      %scan3A_53 = arith.constant 0 : i32
      %scan3A_54 = arith.constant 0 : i32
      %scan3A_55 = arith.constant 48 : i32
      %scan3A_56 = arith.addi %scan3A_54, %scan3A_55 : i32
      %scan3A_57 = arith.constant 1 : i32
      %scan3A_58 = scf.for %scan3A_61 = %scan3A_54 to %scan3A_56 step %scan3A_57 iter_args(%scan3A_62 = %scan3A_53) -> (i32)  : i32 {
        %get3A = arith.index_cast %scan3A_61 : i32 to index
        %get3A_63 = arith.constant 0 : index
        %get3A_64 = tpu.vector_load %arg10[%get3A, %get3A_63] {strides = array<i32>} : memref<320x64xf32, #tpu.memory_space<vmem>>, vector<1x16xf32>,
        %get3A_65 = vector.shape_cast %get3A_64 : vector<1x16xf32> to vector<16xf32>
        %swap3A = arith.index_cast %scan3A_61 : i32 to index
        %swap3A_66 = arith.constant 0 : index
        %swap3A_67 = tpu.vector_load %arg12[%swap3A, %swap3A_66] {strides = array<i32>} : memref<48x128xf32, #tpu.memory_space<vmem>>, vector<1x16xf32>,
        %swap3A_68 = vector.shape_cast %swap3A_67 : vector<1x16xf32> to vector<16xf32>
        %swap3A_69 = vector.shape_cast %get3A_65 : vector<16xf32> to vector<1x16xf32>
        tpu.vector_store %arg12[%swap3A, %swap3A_66], %swap3A_69 {strides = array<i32>} : memref<48x128xf32, #tpu.memory_space<vmem>>, vector<1x16xf32>,
        %get3A_70 = arith.index_cast %scan3A_61 : i32 to index
        %get3A_71 = arith.constant 16 : index
        %get3A_72 = tpu.vector_load %arg10[%get3A_70, %get3A_71] {strides = array<i32>} : memref<320x64xf32, #tpu.memory_space<vmem>>, vector<1x16xf32>,
        %get3A_73 = vector.shape_cast %get3A_72 : vector<1x16xf32> to vector<16xf32>
        %swap3A_74 = arith.index_cast %scan3A_61 : i32 to index
        %swap3A_75 = arith.constant 16 : index
        %swap3A_76 = tpu.vector_load %arg12[%swap3A_74, %swap3A_75] {strides = array<i32>} : memref<48x128xf32, #tpu.memory_space<vmem>>, vector<1x16xf32>,
        %swap3A_77 = vector.shape_cast %swap3A_76 : vector<1x16xf32> to vector<16xf32>
        %swap3A_78 = vector.shape_cast %get3A_73 : vector<16xf32> to vector<1x16xf32>
        tpu.vector_store %arg12[%swap3A_74, %swap3A_75], %swap3A_78 {strides = array<i32>} : memref<48x128xf32, #tpu.memory_space<vmem>>, vector<1x16xf32>,
        %get3A_79 = arith.index_cast %scan3A_61 : i32 to index
        %get3A_80 = arith.constant 32 : index
        %get3A_81 = tpu.vector_load %arg10[%get3A_79, %get3A_80] {strides = array<i32>} : memref<320x64xf32, #tpu.memory_space<vmem>>, vector<1x16xf32>,
        %get3A_82 = vector.shape_cast %get3A_81 : vector<1x16xf32> to vector<16xf32>
        %swap3A_83 = arith.index_cast %scan3A_61 : i32 to index
        %swap3A_84 = arith.constant 32 : index
        %swap3A_85 = tpu.vector_load %arg12[%swap3A_83, %swap3A_84] {strides = array<i32>} : memref<48x128xf32, #tpu.memory_space<vmem>>, vector<1x16xf32>,
        %swap3A_86 = vector.shape_cast %swap3A_85 : vector<1x16xf32> to vector<16xf32>
        %swap3A_87 = vector.shape_cast %get3A_82 : vector<16xf32> to vector<1x16xf32>
        tpu.vector_store %arg12[%swap3A_83, %swap3A_84], %swap3A_87 {strides = array<i32>} : memref<48x128xf32, #tpu.memory_space<vmem>>, vector<1x16xf32>,
        %get3A_88 = arith.index_cast %scan3A_61 : i32 to index
        %get3A_89 = arith.constant 48 : index
        %get3A_90 = tpu.vector_load %arg10[%get3A_88, %get3A_89] {strides = array<i32>} : memref<320x64xf32, #tpu.memory_space<vmem>>, vector<1x16xf32>,
        %get3A_91 = vector.shape_cast %get3A_90 : vector<1x16xf32> to vector<16xf32>
        %swap3A_92 = arith.index_cast %scan3A_61 : i32 to index
        %swap3A_93 = arith.constant 48 : index
        %swap3A_94 = tpu.vector_load %arg12[%swap3A_92, %swap3A_93] {strides = array<i32>} : memref<48x128xf32, #tpu.memory_space<vmem>>, vector<1x16xf32>,
        %swap3A_95 = vector.shape_cast %swap3A_94 : vector<1x16xf32> to vector<16xf32>
        %swap3A_96 = vector.shape_cast %get3A_91 : vector<16xf32> to vector<1x16xf32>
        tpu.vector_store %arg12[%swap3A_92, %swap3A_93], %swap3A_96 {strides = array<i32>} : memref<48x128xf32, #tpu.memory_space<vmem>>, vector<1x16xf32>,
        %scan3A_97 = arith.constant 0 : i32
        scf.yield %scan3A_97 : i32
      }
      %scan3A_59 = arith.constant 48 : i32
      "tpu.region"() ({
        %run_scoped3A = tpu.sem_alloc : memref<!tpu.dma_semaphore, #tpu.memory_space<semaphore_mem>>
        %dma_start3A = arith.constant 0 : i32
        %dma_start3A_61 = tpu.memref_slice %arg5[%arg0, %add3A_52, %dma_start3A] : memref<2x10000x128xf32, #tpu.memory_space<hbm>> -> memref<1x48x128xf32, #tpu.memory_space<hbm>>
        %dma_start3A_62 = tpu.memref_squeeze %dma_start3A_61 : memref<1x48x128xf32, #tpu.memory_space<hbm>> -> memref<48x128xf32, #tpu.memory_space<hbm>>
        %dma_start3A_63 = arith.constant 0 : i32
        %dma_start3A_64 = tpu.memref_slice %arg5[%arg0, %add3A_52, %dma_start3A_63] : memref<2x10000x128xf32, #tpu.memory_space<hbm>> -> memref<1x48x128xf32, #tpu.memory_space<hbm>>
        %dma_start3A_65 = tpu.memref_squeeze %dma_start3A_64 : memref<1x48x128xf32, #tpu.memory_space<hbm>> -> memref<48x128xf32, #tpu.memory_space<hbm>>
        tpu.enqueue_dma source(%arg12 : memref<48x128xf32, #tpu.memory_space<vmem>>) target(%dma_start3A_65 : memref<48x128xf32, #tpu.memory_space<hbm>>) target_semaphore(%run_scoped3A : memref<!tpu.dma_semaphore, #tpu.memory_space<semaphore_mem>>)
        %dma_wait3A = arith.constant 0 : i32
        %dma_wait3A_66 = tpu.memref_slice %arg5[%arg0, %add3A_52, %dma_wait3A] : memref<2x10000x128xf32, #tpu.memory_space<hbm>> -> memref<1x48x128xf32, #tpu.memory_space<hbm>>
        %dma_wait3A_67 = tpu.memref_squeeze %dma_wait3A_66 : memref<1x48x128xf32, #tpu.memory_space<hbm>> -> memref<48x128xf32, #tpu.memory_space<hbm>>
        %dma_wait3A_68 = arith.constant 0 : i32
        %dma_wait3A_69 = tpu.memref_slice %arg5[%arg0, %add3A_52, %dma_wait3A_68] : memref<2x10000x128xf32, #tpu.memory_space<hbm>> -> memref<1x48x128xf32, #tpu.memory_space<hbm>>
        %dma_wait3A_70 = tpu.memref_squeeze %dma_wait3A_69 : memref<1x48x128xf32, #tpu.memory_space<hbm>> -> memref<48x128xf32, #tpu.memory_space<hbm>>
        tpu.wait_dma2 semaphore(%run_scoped3A : memref<!tpu.dma_semaphore, #tpu.memory_space<semaphore_mem>>) src(%arg12 : memref<48x128xf32, #tpu.memory_space<vmem>>) dst(%dma_wait3A_70 : memref<48x128xf32, #tpu.memory_space<hbm>>)
        tpu.yield
      }) : () -> ()
      %scan3A_60 = arith.constant 0 : i32
      scf.yield %scan3A_60 : i32
    }
    %scan3A_42 = arith.constant 13 : i32
    %eq3A_43 = arith.constant 15 : i32
    %eq3A_44 = arith.cmpi eq, %arg1, %eq3A_43 : i32
    %convert_element_type3A_45 = arith.extui %eq3A_44 : i1 to i32
    %cond3A_46 = arith.constant 0 : i32
    %cond3A_47 = arith.cmpi ne, %convert_element_type3A_45, %cond3A_46 : i32
    scf.if %cond3A_47 {
      "tpu.region"() ({
        %run_scoped3A = tpu.sem_alloc : memref<!tpu.dma_semaphore, #tpu.memory_space<semaphore_mem>>
        %dma_start3A = arith.constant 0 : i32
        %dma_start3A_55 = arith.constant 0 : i32
        %dma_start3A_56 = tpu.memref_slice %arg10[%dma_start3A, %dma_start3A_55] : memref<320x64xf32, #tpu.memory_space<vmem>> -> memref<16x64xf32, #tpu.memory_space<vmem>>
        %dma_start3A_57 = arith.constant 9984 : i32
        %dma_start3A_58 = arith.constant 0 : i32
        %dma_start3A_59 = tpu.memref_slice %arg7[%dma_start3A_57, %dma_start3A_58] : memref<10016x64xf32, #tpu.memory_space<vmem_shared>> -> memref<16x64xf32, #tpu.memory_space<vmem_shared>>
        %dma_start3A_60 = arith.constant 0 : i32
        %dma_start3A_61 = arith.constant 0 : i32
        %dma_start3A_62 = tpu.memref_slice %arg10[%dma_start3A_60, %dma_start3A_61] : memref<320x64xf32, #tpu.memory_space<vmem>> -> memref<16x64xf32, #tpu.memory_space<vmem>>
        %dma_start3A_63 = arith.constant 9984 : i32
        %dma_start3A_64 = arith.constant 0 : i32
        %dma_start3A_65 = tpu.memref_slice %arg7[%dma_start3A_63, %dma_start3A_64] : memref<10016x64xf32, #tpu.memory_space<vmem_shared>> -> memref<16x64xf32, #tpu.memory_space<vmem_shared>>
        tpu.enqueue_dma source(%dma_start3A_65 : memref<16x64xf32, #tpu.memory_space<vmem_shared>>) target(%dma_start3A_62 : memref<16x64xf32, #tpu.memory_space<vmem>>) target_semaphore(%run_scoped3A : memref<!tpu.dma_semaphore, #tpu.memory_space<semaphore_mem>>)
        %dma_wait3A = arith.constant 0 : i32
        %dma_wait3A_66 = arith.constant 0 : i32
        %dma_wait3A_67 = tpu.memref_slice %arg10[%dma_wait3A, %dma_wait3A_66] : memref<320x64xf32, #tpu.memory_space<vmem>> -> memref<16x64xf32, #tpu.memory_space<vmem>>
        %dma_wait3A_68 = arith.constant 9984 : i32
        %dma_wait3A_69 = arith.constant 0 : i32
        %dma_wait3A_70 = tpu.memref_slice %arg7[%dma_wait3A_68, %dma_wait3A_69] : memref<10016x64xf32, #tpu.memory_space<vmem_shared>> -> memref<16x64xf32, #tpu.memory_space<vmem_shared>>
        %dma_wait3A_71 = arith.constant 0 : i32
        %dma_wait3A_72 = arith.constant 0 : i32
        %dma_wait3A_73 = tpu.memref_slice %arg10[%dma_wait3A_71, %dma_wait3A_72] : memref<320x64xf32, #tpu.memory_space<vmem>> -> memref<16x64xf32, #tpu.memory_space<vmem>>
        %dma_wait3A_74 = arith.constant 9984 : i32
        %dma_wait3A_75 = arith.constant 0 : i32
        %dma_wait3A_76 = tpu.memref_slice %arg7[%dma_wait3A_74, %dma_wait3A_75] : memref<10016x64xf32, #tpu.memory_space<vmem_shared>> -> memref<16x64xf32, #tpu.memory_space<vmem_shared>>
        tpu.wait_dma2 semaphore(%run_scoped3A : memref<!tpu.dma_semaphore, #tpu.memory_space<semaphore_mem>>) src(%dma_wait3A_76 : memref<16x64xf32, #tpu.memory_space<vmem_shared>>) dst(%dma_wait3A_73 : memref<16x64xf32, #tpu.memory_space<vmem>>)
        tpu.yield
      }) : () -> ()
      %scan3A_48 = arith.constant 0 : i32
      %scan3A_49 = arith.constant 0 : i32
      %scan3A_50 = arith.constant 16 : i32
      %scan3A_51 = arith.addi %scan3A_49, %scan3A_50 : i32
      %scan3A_52 = arith.constant 1 : i32
      %scan3A_53 = scf.for %scan3A_55 = %scan3A_49 to %scan3A_51 step %scan3A_52 iter_args(%scan3A_56 = %scan3A_48) -> (i32)  : i32 {
        %get3A = arith.index_cast %scan3A_55 : i32 to index
        %get3A_57 = arith.constant 0 : index
        %get3A_58 = tpu.vector_load %arg10[%get3A, %get3A_57] {strides = array<i32>} : memref<320x64xf32, #tpu.memory_space<vmem>>, vector<1x16xf32>,
        %get3A_59 = vector.shape_cast %get3A_58 : vector<1x16xf32> to vector<16xf32>
        %swap3A = arith.index_cast %scan3A_55 : i32 to index
        %swap3A_60 = arith.constant 0 : index
        %swap3A_61 = tpu.vector_load %arg12[%swap3A, %swap3A_60] {strides = array<i32>} : memref<48x128xf32, #tpu.memory_space<vmem>>, vector<1x16xf32>,
        %swap3A_62 = vector.shape_cast %swap3A_61 : vector<1x16xf32> to vector<16xf32>
        %swap3A_63 = vector.shape_cast %get3A_59 : vector<16xf32> to vector<1x16xf32>
        tpu.vector_store %arg12[%swap3A, %swap3A_60], %swap3A_63 {strides = array<i32>} : memref<48x128xf32, #tpu.memory_space<vmem>>, vector<1x16xf32>,
        %get3A_64 = arith.index_cast %scan3A_55 : i32 to index
        %get3A_65 = arith.constant 16 : index
        %get3A_66 = tpu.vector_load %arg10[%get3A_64, %get3A_65] {strides = array<i32>} : memref<320x64xf32, #tpu.memory_space<vmem>>, vector<1x16xf32>,
        %get3A_67 = vector.shape_cast %get3A_66 : vector<1x16xf32> to vector<16xf32>
        %swap3A_68 = arith.index_cast %scan3A_55 : i32 to index
        %swap3A_69 = arith.constant 16 : index
        %swap3A_70 = tpu.vector_load %arg12[%swap3A_68, %swap3A_69] {strides = array<i32>} : memref<48x128xf32, #tpu.memory_space<vmem>>, vector<1x16xf32>,
        %swap3A_71 = vector.shape_cast %swap3A_70 : vector<1x16xf32> to vector<16xf32>
        %swap3A_72 = vector.shape_cast %get3A_67 : vector<16xf32> to vector<1x16xf32>
        tpu.vector_store %arg12[%swap3A_68, %swap3A_69], %swap3A_72 {strides = array<i32>} : memref<48x128xf32, #tpu.memory_space<vmem>>, vector<1x16xf32>,
        %get3A_73 = arith.index_cast %scan3A_55 : i32 to index
        %get3A_74 = arith.constant 32 : index
        %get3A_75 = tpu.vector_load %arg10[%get3A_73, %get3A_74] {strides = array<i32>} : memref<320x64xf32, #tpu.memory_space<vmem>>, vector<1x16xf32>,
        %get3A_76 = vector.shape_cast %get3A_75 : vector<1x16xf32> to vector<16xf32>
        %swap3A_77 = arith.index_cast %scan3A_55 : i32 to index
        %swap3A_78 = arith.constant 32 : index
        %swap3A_79 = tpu.vector_load %arg12[%swap3A_77, %swap3A_78] {strides = array<i32>} : memref<48x128xf32, #tpu.memory_space<vmem>>, vector<1x16xf32>,
        %swap3A_80 = vector.shape_cast %swap3A_79 : vector<1x16xf32> to vector<16xf32>
        %swap3A_81 = vector.shape_cast %get3A_76 : vector<16xf32> to vector<1x16xf32>
        tpu.vector_store %arg12[%swap3A_77, %swap3A_78], %swap3A_81 {strides = array<i32>} : memref<48x128xf32, #tpu.memory_space<vmem>>, vector<1x16xf32>,
        %get3A_82 = arith.index_cast %scan3A_55 : i32 to index
        %get3A_83 = arith.constant 48 : index
        %get3A_84 = tpu.vector_load %arg10[%get3A_82, %get3A_83] {strides = array<i32>} : memref<320x64xf32, #tpu.memory_space<vmem>>, vector<1x16xf32>,
        %get3A_85 = vector.shape_cast %get3A_84 : vector<1x16xf32> to vector<16xf32>
        %swap3A_86 = arith.index_cast %scan3A_55 : i32 to index
        %swap3A_87 = arith.constant 48 : index
        %swap3A_88 = tpu.vector_load %arg12[%swap3A_86, %swap3A_87] {strides = array<i32>} : memref<48x128xf32, #tpu.memory_space<vmem>>, vector<1x16xf32>,
        %swap3A_89 = vector.shape_cast %swap3A_88 : vector<1x16xf32> to vector<16xf32>
        %swap3A_90 = vector.shape_cast %get3A_85 : vector<16xf32> to vector<1x16xf32>
        tpu.vector_store %arg12[%swap3A_86, %swap3A_87], %swap3A_90 {strides = array<i32>} : memref<48x128xf32, #tpu.memory_space<vmem>>, vector<1x16xf32>,
        %scan3A_91 = arith.constant 0 : i32
        scf.yield %scan3A_91 : i32
      }
      %scan3A_54 = arith.constant 16 : i32
      "tpu.region"() ({
        %run_scoped3A = tpu.sem_alloc : memref<!tpu.dma_semaphore, #tpu.memory_space<semaphore_mem>>
        %dma_start3A = arith.constant 0 : i32
        %dma_start3A_55 = arith.constant 0 : i32
        %dma_start3A_56 = tpu.memref_slice %arg12[%dma_start3A, %dma_start3A_55] : memref<48x128xf32, #tpu.memory_space<vmem>> -> memref<16x128xf32, #tpu.memory_space<vmem>>
        %dma_start3A_57 = arith.constant 9984 : i32
        %dma_start3A_58 = arith.constant 0 : i32
        %dma_start3A_59 = tpu.memref_slice %arg5[%arg0, %dma_start3A_57, %dma_start3A_58] : memref<2x10000x128xf32, #tpu.memory_space<hbm>> -> memref<1x16x128xf32, #tpu.memory_space<hbm>>
        %dma_start3A_60 = tpu.memref_squeeze %dma_start3A_59 : memref<1x16x128xf32, #tpu.memory_space<hbm>> -> memref<16x128xf32, #tpu.memory_space<hbm>>
        %dma_start3A_61 = arith.constant 9984 : i32
        %dma_start3A_62 = arith.constant 0 : i32
        %dma_start3A_63 = tpu.memref_slice %arg5[%arg0, %dma_start3A_61, %dma_start3A_62] : memref<2x10000x128xf32, #tpu.memory_space<hbm>> -> memref<1x16x128xf32, #tpu.memory_space<hbm>>
        %dma_start3A_64 = tpu.memref_squeeze %dma_start3A_63 : memref<1x16x128xf32, #tpu.memory_space<hbm>> -> memref<16x128xf32, #tpu.memory_space<hbm>>
        %dma_start3A_65 = arith.constant 0 : i32
        %dma_start3A_66 = arith.constant 0 : i32
        %dma_start3A_67 = tpu.memref_slice %arg12[%dma_start3A_65, %dma_start3A_66] : memref<48x128xf32, #tpu.memory_space<vmem>> -> memref<16x128xf32, #tpu.memory_space<vmem>>
        tpu.enqueue_dma source(%dma_start3A_67 : memref<16x128xf32, #tpu.memory_space<vmem>>) target(%dma_start3A_64 : memref<16x128xf32, #tpu.memory_space<hbm>>) target_semaphore(%run_scoped3A : memref<!tpu.dma_semaphore, #tpu.memory_space<semaphore_mem>>)
        %dma_wait3A = arith.constant 0 : i32
        %dma_wait3A_68 = arith.constant 0 : i32
        %dma_wait3A_69 = tpu.memref_slice %arg12[%dma_wait3A, %dma_wait3A_68] : memref<48x128xf32, #tpu.memory_space<vmem>> -> memref<16x128xf32, #tpu.memory_space<vmem>>
        %dma_wait3A_70 = arith.constant 9984 : i32
        %dma_wait3A_71 = arith.constant 0 : i32
        %dma_wait3A_72 = tpu.memref_slice %arg5[%arg0, %dma_wait3A_70, %dma_wait3A_71] : memref<2x10000x128xf32, #tpu.memory_space<hbm>> -> memref<1x16x128xf32, #tpu.memory_space<hbm>>
        %dma_wait3A_73 = tpu.memref_squeeze %dma_wait3A_72 : memref<1x16x128xf32, #tpu.memory_space<hbm>> -> memref<16x128xf32, #tpu.memory_space<hbm>>
        %dma_wait3A_74 = arith.constant 9984 : i32
        %dma_wait3A_75 = arith.constant 0 : i32
        %dma_wait3A_76 = tpu.memref_slice %arg5[%arg0, %dma_wait3A_74, %dma_wait3A_75] : memref<2x10000x128xf32, #tpu.memory_space<hbm>> -> memref<1x16x128xf32, #tpu.memory_space<hbm>>
        %dma_wait3A_77 = tpu.memref_squeeze %dma_wait3A_76 : memref<1x16x128xf32, #tpu.memory_space<hbm>> -> memref<16x128xf32, #tpu.memory_space<hbm>>
        %dma_wait3A_78 = arith.constant 0 : i32
        %dma_wait3A_79 = arith.constant 0 : i32
        %dma_wait3A_80 = tpu.memref_slice %arg12[%dma_wait3A_78, %dma_wait3A_79] : memref<48x128xf32, #tpu.memory_space<vmem>> -> memref<16x128xf32, #tpu.memory_space<vmem>>
        tpu.wait_dma2 semaphore(%run_scoped3A : memref<!tpu.dma_semaphore, #tpu.memory_space<semaphore_mem>>) src(%dma_wait3A_80 : memref<16x128xf32, #tpu.memory_space<vmem>>) dst(%dma_wait3A_77 : memref<16x128xf32, #tpu.memory_space<hbm>>)
        tpu.yield
      }) : () -> ()
    } else {
    }
    return
  }
}

module attributes {stable_mosaic.version = 14 : i64} {
  func.func @_tc1_body(%arg0: memref<10000x2xf32, #tpu.memory_space<vmem>>, %arg1: memref<10000x128xf32, #tpu.memory_space<vmem>>, %arg2: memref<128x128xf32, #tpu.memory_space<vmem>>, %arg3: memref<10016x128xf32, #tpu.memory_space<vmem>>, %arg4: memref<10000x1xf32, #tpu.memory_space<vmem>>) attributes {dimension_semantics = [], scalar_prefetch = 0 : i64, scratch_operands = 0 : i64, tpu.core_type = #tpu.core_type<tc>} {
    %get3A = arith.constant 0 : index
    %get3A_0 = arith.constant 0 : index
    %get3A_1 = vector.load %arg0[%get3A, %get3A_0] : memref<10000x2xf32, #tpu.memory_space<vmem>>, vector<10000x1xf32>
    %get3A_2 = arith.constant 0 : index
    %get3A_3 = arith.constant 1 : index
    %get3A_4 = vector.load %arg0[%get3A_2, %get3A_3] : memref<10000x2xf32, #tpu.memory_space<vmem>>, vector<10000x1xf32>
    %add3A = arith.addf %get3A_1, %get3A_4 : vector<10000x1xf32>
    %add3A_5 = arith.constant 1.000000e+00 : f32
    %add3A_6 = vector.broadcast %add3A_5 : f32 to vector<10000x1xf32>
    %add3A_7 = arith.addf %add3A, %add3A_6 : vector<10000x1xf32>
    %sqrt3A = math.sqrt %add3A_7 : vector<10000x1xf32>
    %div3A = arith.constant 1.000000e+00 : f32
    %div3A_8 = vector.broadcast %div3A : f32 to vector<10000x1xf32>
    %div3A_9 = arith.divf %div3A_8, %sqrt3A : vector<10000x1xf32>
    %get3A_10 = arith.constant 0 : index
    %get3A_11 = arith.constant 0 : index
    %get3A_12 = vector.load %arg1[%get3A_10, %get3A_11] : memref<10000x128xf32, #tpu.memory_space<vmem>>, vector<10000x128xf32>
    %get3A_13 = arith.constant 0 : index
    %get3A_14 = arith.constant 0 : index
    %get3A_15 = vector.load %arg2[%get3A_13, %get3A_14] : memref<128x128xf32, #tpu.memory_space<vmem>>, vector<128x128xf32>
    %dot_general3A = arith.constant dense<0.000000e+00> : vector<10000x128xf32>
    %dot_general3A_16 = tpu.matmul %get3A_12, %get3A_15, %dot_general3A {dimension_numbers = #tpu.dot_dimension_numbers<[1], [0], [0], [1], [0, 0, 1, 1], [], []>, transpose_lhs_hint = false} : vector<10000x128xf32>, vector<128x128xf32>, vector<10000x128xf32> -> vector<10000x128xf32>
    %mul3A = vector.broadcast %div3A_9 : vector<10000x1xf32> to vector<10000x128xf32>
    %mul3A_17 = arith.mulf %mul3A, %dot_general3A_16 : vector<10000x128xf32>
    %swap3A = arith.constant 0 : index
    %swap3A_18 = arith.constant 0 : index
    %swap3A_19 = vector.load %arg3[%swap3A, %swap3A_18] : memref<10016x128xf32, #tpu.memory_space<vmem>>, vector<10000x128xf32>
    tpu.vector_store %arg3[%swap3A, %swap3A_18], %mul3A_17 {strides = array<i32>} : memref<10016x128xf32, #tpu.memory_space<vmem>>, vector<10000x128xf32>,
    %broadcast_in_dim3A = arith.constant 0.000000e+00 : f32
    %broadcast_in_dim3A_20 = vector.broadcast %broadcast_in_dim3A : f32 to vector<16x128xf32>
    %swap3A_21 = arith.constant 10000 : index
    %swap3A_22 = arith.constant 0 : index
    %swap3A_23 = vector.load %arg3[%swap3A_21, %swap3A_22] : memref<10016x128xf32, #tpu.memory_space<vmem>>, vector<16x128xf32>
    tpu.vector_store %arg3[%swap3A_21, %swap3A_22], %broadcast_in_dim3A_20 {strides = array<i32>} : memref<10016x128xf32, #tpu.memory_space<vmem>>, vector<16x128xf32>,
    %swap3A_24 = arith.constant 0 : index
    %swap3A_25 = arith.constant 0 : index
    %swap3A_26 = vector.load %arg4[%swap3A_24, %swap3A_25] : memref<10000x1xf32, #tpu.memory_space<vmem>>, vector<10000x1xf32>
    tpu.vector_store %arg4[%swap3A_24, %swap3A_25], %div3A_9 {strides = array<i32>} : memref<10000x1xf32, #tpu.memory_space<vmem>>, vector<10000x1xf32>,
    return
  }
}

module attributes {stable_mosaic.version = 14 : i64} {
  func.func @_tc_mid_body(%arg0: memref<2x10000x128xf32, #tpu.memory_space<vmem>>, %arg1: memref<10016x128xf32, #tpu.memory_space<vmem>>, %arg2: memref<10000x1xf32, #tpu.memory_space<vmem>>, %arg3: memref<1x64xf32, #tpu.memory_space<vmem>>, %arg4: memref<64x128xf32, #tpu.memory_space<vmem>>, %arg5: memref<10016x128xf32, #tpu.memory_space<vmem>>) attributes {dimension_semantics = [], scalar_prefetch = 0 : i64, scratch_operands = 0 : i64, tpu.core_type = #tpu.core_type<tc>} {
    %get3A = arith.constant 0 : index
    %get3A_0 = arith.constant 0 : index
    %get3A_1 = arith.constant 0 : index
    %get3A_2 = vector.load %arg0[%get3A, %get3A_0, %get3A_1] : memref<2x10000x128xf32, #tpu.memory_space<vmem>>, vector<1x10000x128xf32>
    %get3A_3 = vector.shape_cast %get3A_2 : vector<1x10000x128xf32> to vector<10000x128xf32>
    %get3A_4 = arith.constant 1 : index
    %get3A_5 = arith.constant 0 : index
    %get3A_6 = arith.constant 0 : index
    %get3A_7 = vector.load %arg0[%get3A_4, %get3A_5, %get3A_6] : memref<2x10000x128xf32, #tpu.memory_space<vmem>>, vector<1x10000x128xf32>
    %get3A_8 = vector.shape_cast %get3A_7 : vector<1x10000x128xf32> to vector<10000x128xf32>
    %add3A = arith.addf %get3A_3, %get3A_8 : vector<10000x128xf32>
    %get3A_9 = arith.constant 0 : index
    %get3A_10 = arith.constant 0 : index
    %get3A_11 = vector.load %arg1[%get3A_9, %get3A_10] : memref<10016x128xf32, #tpu.memory_space<vmem>>, vector<10000x128xf32>
    %add3A_12 = arith.addf %add3A, %get3A_11 : vector<10000x128xf32>
    %get3A_13 = arith.constant 0 : index
    %get3A_14 = arith.constant 0 : index
    %get3A_15 = vector.load %arg2[%get3A_13, %get3A_14] : memref<10000x1xf32, #tpu.memory_space<vmem>>, vector<10000x1xf32>
    %slice3A = vector.extract_strided_slice %add3A_12 {offsets = [0, 0], sizes = [10000, 64], strides = [1, 1]} : vector<10000x128xf32> to vector<10000x64xf32>
    %mul3A = vector.broadcast %get3A_15 : vector<10000x1xf32> to vector<10000x64xf32>
    %mul3A_16 = arith.mulf %mul3A, %slice3A : vector<10000x64xf32>
    %get3A_17 = arith.constant 0 : index
    %get3A_18 = arith.constant 0 : index
    %get3A_19 = vector.load %arg3[%get3A_17, %get3A_18] : memref<1x64xf32, #tpu.memory_space<vmem>>, vector<1x64xf32>
    %add3A_20 = vector.broadcast %get3A_19 : vector<1x64xf32> to vector<10000x64xf32>
    %add3A_21 = arith.addf %mul3A_16, %add3A_20 : vector<10000x64xf32>
    %max3A = arith.constant 0.000000e+00 : f32
    %max3A_22 = vector.broadcast %max3A : f32 to vector<10000x64xf32>
    %max3A_23 = arith.maximumf %add3A_21, %max3A_22 : vector<10000x64xf32>
    %get3A_24 = arith.constant 0 : index
    %get3A_25 = arith.constant 0 : index
    %get3A_26 = vector.load %arg2[%get3A_24, %get3A_25] : memref<10000x1xf32, #tpu.memory_space<vmem>>, vector<10000x1xf32>
    %get3A_27 = arith.constant 0 : index
    %get3A_28 = arith.constant 0 : index
    %get3A_29 = vector.load %arg4[%get3A_27, %get3A_28] : memref<64x128xf32, #tpu.memory_space<vmem>>, vector<64x128xf32>
    %dot_general3A = arith.constant dense<0.000000e+00> : vector<10000x128xf32>
    %dot_general3A_30 = tpu.matmul %max3A_23, %get3A_29, %dot_general3A {dimension_numbers = #tpu.dot_dimension_numbers<[1], [0], [0], [1], [0, 0, 1, 1], [], []>, transpose_lhs_hint = false} : vector<10000x64xf32>, vector<64x128xf32>, vector<10000x128xf32> -> vector<10000x128xf32>
    %mul3A_31 = vector.broadcast %get3A_26 : vector<10000x1xf32> to vector<10000x128xf32>
    %mul3A_32 = arith.mulf %mul3A_31, %dot_general3A_30 : vector<10000x128xf32>
    %swap3A = arith.constant 0 : index
    %swap3A_33 = arith.constant 0 : index
    %swap3A_34 = vector.load %arg5[%swap3A, %swap3A_33] : memref<10016x128xf32, #tpu.memory_space<vmem>>, vector<10000x128xf32>
    tpu.vector_store %arg5[%swap3A, %swap3A_33], %mul3A_32 {strides = array<i32>} : memref<10016x128xf32, #tpu.memory_space<vmem>>, vector<10000x128xf32>,
    %broadcast_in_dim3A = arith.constant 0.000000e+00 : f32
    %broadcast_in_dim3A_35 = vector.broadcast %broadcast_in_dim3A : f32 to vector<16x128xf32>
    %swap3A_36 = arith.constant 10000 : index
    %swap3A_37 = arith.constant 0 : index
    %swap3A_38 = vector.load %arg5[%swap3A_36, %swap3A_37] : memref<10016x128xf32, #tpu.memory_space<vmem>>, vector<16x128xf32>
    tpu.vector_store %arg5[%swap3A_36, %swap3A_37], %broadcast_in_dim3A_35 {strides = array<i32>} : memref<10016x128xf32, #tpu.memory_space<vmem>>, vector<16x128xf32>,
    return
  }
}

module attributes {stable_mosaic.version = 14 : i64} {
  func.func @_tc_final_body(%arg0: memref<2x10000x128xf32, #tpu.memory_space<vmem>>, %arg1: memref<10016x128xf32, #tpu.memory_space<vmem>>, %arg2: memref<10000x1xf32, #tpu.memory_space<vmem>>, %arg3: memref<1x64xf32, #tpu.memory_space<vmem>>, %arg4: memref<64x3xf32, #tpu.memory_space<vmem>>, %arg5: memref<1x3xf32, #tpu.memory_space<vmem>>, %arg6: memref<10000x3xf32, #tpu.memory_space<vmem>>) attributes {dimension_semantics = [], scalar_prefetch = 0 : i64, scratch_operands = 0 : i64, tpu.core_type = #tpu.core_type<tc>} {
    %get3A = arith.constant 0 : index
    %get3A_0 = arith.constant 0 : index
    %get3A_1 = arith.constant 0 : index
    %get3A_2 = vector.load %arg0[%get3A, %get3A_0, %get3A_1] : memref<2x10000x128xf32, #tpu.memory_space<vmem>>, vector<1x10000x128xf32>
    %get3A_3 = vector.shape_cast %get3A_2 : vector<1x10000x128xf32> to vector<10000x128xf32>
    %get3A_4 = arith.constant 1 : index
    %get3A_5 = arith.constant 0 : index
    %get3A_6 = arith.constant 0 : index
    %get3A_7 = vector.load %arg0[%get3A_4, %get3A_5, %get3A_6] : memref<2x10000x128xf32, #tpu.memory_space<vmem>>, vector<1x10000x128xf32>
    %get3A_8 = vector.shape_cast %get3A_7 : vector<1x10000x128xf32> to vector<10000x128xf32>
    %add3A = arith.addf %get3A_3, %get3A_8 : vector<10000x128xf32>
    %get3A_9 = arith.constant 0 : index
    %get3A_10 = arith.constant 0 : index
    %get3A_11 = vector.load %arg1[%get3A_9, %get3A_10] : memref<10016x128xf32, #tpu.memory_space<vmem>>, vector<10000x128xf32>
    %add3A_12 = arith.addf %add3A, %get3A_11 : vector<10000x128xf32>
    %get3A_13 = arith.constant 0 : index
    %get3A_14 = arith.constant 0 : index
    %get3A_15 = vector.load %arg2[%get3A_13, %get3A_14] : memref<10000x1xf32, #tpu.memory_space<vmem>>, vector<10000x1xf32>
    %slice3A = vector.extract_strided_slice %add3A_12 {offsets = [0, 0], sizes = [10000, 64], strides = [1, 1]} : vector<10000x128xf32> to vector<10000x64xf32>
    %mul3A = vector.broadcast %get3A_15 : vector<10000x1xf32> to vector<10000x64xf32>
    %mul3A_16 = arith.mulf %mul3A, %slice3A : vector<10000x64xf32>
    %get3A_17 = arith.constant 0 : index
    %get3A_18 = arith.constant 0 : index
    %get3A_19 = vector.load %arg3[%get3A_17, %get3A_18] : memref<1x64xf32, #tpu.memory_space<vmem>>, vector<1x64xf32>
    %add3A_20 = vector.broadcast %get3A_19 : vector<1x64xf32> to vector<10000x64xf32>
    %add3A_21 = arith.addf %mul3A_16, %add3A_20 : vector<10000x64xf32>
    %max3A = arith.constant 0.000000e+00 : f32
    %max3A_22 = vector.broadcast %max3A : f32 to vector<10000x64xf32>
    %max3A_23 = arith.maximumf %add3A_21, %max3A_22 : vector<10000x64xf32>
    %get3A_24 = arith.constant 0 : index
    %get3A_25 = arith.constant 0 : index
    %get3A_26 = vector.load %arg4[%get3A_24, %get3A_25] : memref<64x3xf32, #tpu.memory_space<vmem>>, vector<64x3xf32>
    %dot_general3A = arith.constant dense<0.000000e+00> : vector<10000x3xf32>
    %dot_general3A_27 = tpu.matmul %max3A_23, %get3A_26, %dot_general3A {dimension_numbers = #tpu.dot_dimension_numbers<[1], [0], [0], [1], [0, 0, 1, 1], [], []>, transpose_lhs_hint = false} : vector<10000x64xf32>, vector<64x3xf32>, vector<10000x3xf32> -> vector<10000x3xf32>
    %get3A_28 = arith.constant 0 : index
    %get3A_29 = arith.constant 0 : index
    %get3A_30 = vector.load %arg5[%get3A_28, %get3A_29] : memref<1x3xf32, #tpu.memory_space<vmem>>, vector<1x3xf32>
    %add3A_31 = vector.broadcast %get3A_30 : vector<1x3xf32> to vector<10000x3xf32>
    %add3A_32 = arith.addf %dot_general3A_27, %add3A_31 : vector<10000x3xf32>
    %swap3A = arith.constant 0 : index
    %swap3A_33 = arith.constant 0 : index
    %swap3A_34 = vector.load %arg6[%swap3A, %swap3A_33] : memref<10000x3xf32, #tpu.memory_space<vmem>>, vector<10000x3xf32>
    tpu.vector_store %arg6[%swap3A, %swap3A_33], %add3A_32 {strides = array<i32>} : memref<10000x3xf32, #tpu.memory_space<vmem>>, vector<10000x3xf32>,
    return
  }
}

</mosaic_0001>

<sc_bundles>
// kernel: kernel.10.cloned.1.call-start
scs
__scs_entry_jumppad:
0x0: {  	(pc) =	sbr.rel $0x88, $3  }
0x1: {  	(tag) =	ssettag $0x0;
	lr =	simm.s32 $0x1  }
0x2: {  	[smem:$0x3F97] =	sst lr;
	_ =	strace $0xD0000000  }
0x3: {  	_ = 	snop  }
0x4: {  	_ = 	snop  }
0x5: {  	_ = 	snop  }
0x6: {  	_ = 	snop  }
0x7: {  	_ = 	snop  }
__scs_overlays_trampoline_lowered:
0x8: {  	[smem:$0x3FA6] =	sst s0  }
0x9: {  	[smem:$0x3FA7] =	sst s1  }
0xa: {  	[smem:$0x3FA8] =	sst s2  }
0xb: {  	[smem:$0x3FA9] =	sst s3  }
0xc: {  	[smem:$0x3FAA] =	sst s4  }
0xd: {  	[smem:$0x3FAB] =	sst s5  }
0xe: {  	[smem:$0x3FAC] =	sst s6  }
0xf: {  	[smem:$0x3FAD] =	sst s7  }
0x10: {  	[smem:$0x3FAE] =	sst s8  }
0x11: {  	[smem:$0x3FAF] =	sst s9;
	s0 =	simm.s32 @!p0 $0x0  }
0x12: {  	s1 =	sld [smem:$0x3F95];
	s0 =	simm.s32 @p0 $0x1  }
0x13: {  	[smem:$0x3FB0] =	sst s0;
	s0 =	simm.s32 @!p1 $0x0  }
0x14: {  	s2 =	sld [smem:$0x3F94];
	s0 =	simm.s32 @p1 $0x1  }
0x15: {  	[smem:$0x3FB1] =	sst s0;
	s0 =	simm.s32 @!p2 $0x0  }
0x16: {  	s3 =	sld [smem:$0x3FDB];
	s0 =	simm.s32 @p2 $0x1  }
0x17: {  	s4 =	simm.s32 $0x1BF5;
	[smem:$0x3FB3] =	sst s0  }
0x18: {  	s0 =	sld [smem:$0x3F96];
	_ =	swait.ge [sflag:s4], $0x0  }
0x19: {  	s7 =	sld [smem:$0x3F97]  }
0x1a: {  	s8 =	sadd.s32 $0xFFFFE003, lr  }
0x1b: {  	s9 =	sadd.s32 $0xFFFFFEF7, lr;
	s5 =	simm.s32 $0xFFFFFFFF;
	p2 =	slt.u32 s8, $0xFFFFF086  }
0x1c: {  	p1 =	slt.u32 s9, $0xF7A;
	s5 =	simm.s32 @!p2 $0x0  }
0x1d: {  	s5 =	simm.s32 @p1 $0x1;
	p0 =	seq.s32 s7, s2  }
0x1e: {  	s7 =	smul.u32 @!p0 $0xF7A, s2;
	p2 =	seq.s32 @!p0 s5, $0x0  }
0x1f: {  	s9 =	smul.u32 $0xF7A, s1;
	s8 =	simm.s32 @!p0 $0x1BF5;
	p2 =	por !p2, p0  }
0x20: {  	[sflag:s8] =	ssyncset.s32 @!p0 $0xFFFFF086;
	s6 =	sadd.s32 @!p0 s3, s7;
	s7 =	simm.s32 @!p0 $0x108  }
0x21: {  	s3 =	sadd.s32 s3, s9;
	s6 =	sadd.s32 @!p0 $0x88, s6;
	s7 =	simm.s32 @p2 $0x1082  }
0x22: {  	[simem:s7], [sflag:s8] =	dma.local @!p0 [hbm:s6], $0xF7A  }
0x23: {  	s9 =	sor.u32 $0xD0000000, s2;
	s6 =	simm.s32 $0x108;
	_ =	swait.ge @!p0 [sflag:s8], $0x0  }
0x24: {  	s3 =	sadd.s32 $0x88, s3;
	s6 =	simm.s32 @!p1 $0x1082;
	[sflag:s4] =	ssyncset.s32 $0xFFFFF086  }
0x25: {  	[simem:s6], [sflag:s4] =	dma.local [hbm:s3], $0xF7A  }
0x26: {  	[smem:$0x3F97] =	sst s1;
	(tag) =	ssettag s2;
	_ =	strace s9  }
0x27: {  	s1 =	sld [smem:$0x3FA7]  }
0x28: {  	s2 =	sld [smem:$0x3FA8]  }
0x29: {  	s4 =	sld [smem:$0x3FAA]  }
0x2a: {  	p0 =	seq.s32 s5, $0x0;
	s5 =	sld [smem:$0x3FAB]  }
0x2b: {  	s6 =	sld [smem:$0x3FAC]  }
0x2c: {  	s7 =	sld [smem:$0x3FAD]  }
0x2d: {  	s3 =	simm.s32 $0x108;
	s8 =	sld [smem:$0x3FAE]  }
0x2e: {  	s3 =	simm.s32 @!p0 $0x1082;
	s9 =	sld [smem:$0x3FAF]  }
0x2f: {  	lr =	sadd.s32 s0, s3;
	s0 =	sld [smem:$0x3FA6]  }
0x30: {  	s3 =	sld [smem:$0x3FA9]  }
0x31: {  	[smem:$0x3FB2] =	sst s10  }
0x32: {  	s10 =	sld [smem:$0x3FB0];
	_ =	sdelay $0x3  }
0x33: {  	p0 =	seq.s32 s10, $0x1;
	s10 =	sld [smem:$0x3FB2];
	_ =	sdelay $0x3  }
0x34: {  	[smem:$0x3FB2] =	sst s10  }
0x35: {  	s10 =	sld [smem:$0x3FB1];
	_ =	sdelay $0x3  }
0x36: {  	p1 =	seq.s32 s10, $0x1;
	s10 =	sld [smem:$0x3FB2];
	_ =	sdelay $0x3  }
0x37: {  	[smem:$0x3FB2] =	sst s10  }
0x38: {  	s10 =	sld [smem:$0x3FB3]  }
0x39: {  	_ = 	snop;
	(pc) =	sbr.ind lr, $3  }
0x3a: {  	_ = 	snop  }
0x3b: {  	_ = 	snop  }
0x3c: {  	p2 =	seq.s32 s10, $0x1;
	s10 =	sld [smem:$0x3FB2]  }
0x3d: {  	_ =	shalt  }
0x3e: {  	_ =	shalt  }
0x3f: {  	_ =	shalt  }
0x40: {  	_ =	shalt  }
0x41: {  	_ =	shalt  }
0x42: {  	_ =	shalt  }
0x43: {  	_ =	shalt  }
0x44: {  	_ =	shalt  }
0x45: {  	_ =	shalt  }
0x46: {  	_ =	shalt  }
0x47: {  	_ =	shalt  }
0x48: {  	_ =	shalt  }
0x49: {  	_ =	shalt  }
0x4a: {  	_ =	shalt  }
0x4b: {  	_ =	shalt  }
0x4c: {  	_ =	shalt  }
0x4d: {  	_ =	shalt  }
0x4e: {  	_ =	shalt  }
0x4f: {  	_ =	shalt  }
0x50: {  	_ =	shalt  }
0x51: {  	_ =	shalt  }
0x52: {  	_ =	shalt  }
0x53: {  	_ =	shalt  }
0x54: {  	_ =	shalt  }
0x55: {  	_ =	shalt  }
0x56: {  	_ =	shalt  }
0x57: {  	_ =	shalt  }
0x58: {  	_ =	shalt  }
0x59: {  	_ =	shalt  }
0x5a: {  	_ =	shalt  }
0x5b: {  	_ =	shalt  }
0x5c: {  	_ =	shalt  }
0x5d: {  	_ =	shalt  }
0x5e: {  	_ =	shalt  }
0x5f: {  	_ =	shalt  }
0x60: {  	_ =	shalt  }
0x61: {  	_ =	shalt  }
0x62: {  	_ =	shalt  }
0x63: {  	_ =	shalt  }
0x64: {  	_ =	shalt  }
0x65: {  	_ =	shalt  }
0x66: {  	_ =	shalt  }
0x67: {  	_ =	shalt  }
0x68: {  	_ =	shalt  }
0x69: {  	_ =	shalt  }
0x6a: {  	_ =	shalt  }
0x6b: {  	_ =	shalt  }
0x6c: {  	_ =	shalt  }
0x6d: {  	_ =	shalt  }
0x6e: {  	_ =	shalt  }
0x6f: {  	_ =	shalt  }
0x70: {  	_ =	shalt  }
0x71: {  	_ =	shalt  }
0x72: {  	_ =	shalt  }
0x73: {  	_ =	shalt  }
0x74: {  	_ =	shalt  }
0x75: {  	_ =	shalt  }
0x76: {  	_ =	shalt  }
0x77: {  	_ =	shalt  }
0x78: {  	_ =	shalt  }
0x79: {  	_ =	shalt  }
0x7a: {  	_ =	shalt  }
0x7b: {  	_ =	shalt  }
0x7c: {  	_ =	shalt  }
0x7d: {  	_ =	shalt  }
0x7e: {  	_ =	shalt  }
0x7f: {  	_ =	shalt  }
0x80: {  	_ =	shalt  }
0x81: {  	_ =	shalt  }
0x82: {  	_ =	shalt  }
0x83: {  	_ =	shalt  }
0x84: {  	_ =	shalt  }
0x85: {  	_ =	shalt  }
0x86: {  	_ =	shalt  }
0x87: {  	_ =	shalt  }
.Lfunc_end0:
.L_simem_size_0:
called_computation_lowered:
.L_overlay_start_0:
0x88: {  	s2 =	sld [smem:$0x3FD9]  }
0x89: {  	s3 =	sld [smem:$0x3FFE];
	_ =	sdelay $0x1  }
0x8a: {  	s1 =	srdreg.scid  }
0x8b: {  	s0 =	sand.u32 $0x1, s1  }
0x8c: {  	s17 =	sshll.u32 s0, $0xA;
	s2 =	sadd.s32 s3, s2  }
0x8d: {  	s2 =	sadd.s32 s2, s17  }
0x8e: {  	[smem:$0x3FBE] =	sst s2  }
0x8f: {  	_ = 	snop  }
0x90: {  	s2 =	sld [smem:$0x3FD0];
	(tm) =	ssettm $0x1  }
0x91: {  	s18 =	sld [smem:$0x3FFB];
	_ =	sdelay $0x3  }
0x92: {  	_ =	strace s18  }
0x93: {  	s3 =	sld [smem:$0x3FFC];
	_ =	sdelay $0x3  }
0x94: {  	_ =	strace s3  }
0x95: {  	s3 =	sld [smem:$0x3FFD];
	_ =	sdelay $0x3  }
0x96: {  	_ =	strace s3  }
0x97: {  	_ =	strace $0x8FFFFFFF  }
0x98: {  	s19 =	sld [smem:$0x3FDB];
	_ =	sdelay $0x1  }
0x99: {  	s4 =	simm.s32 $_scs_section_size  }
0x9a: {  	s5 =	simm.s32 $_size__tile_overlayer_lowered;
	s6 =	simm.s32 $_tile_overlayer_lowered  }
0x9b: {  	s22 =	simm.s32 $0x1BFF;
	s21 =	sshll.u32 s6, $0x1;
	s3 =	sadd.s32 s4, s19  }
0x9c: {  	s7 =	simm.s32 $0x0;
	s20 =	sshll.u32 s5, $0x1;
	s5 =	sadd.s32 s21, s3  }
0x9d: {  	[timem:s7], [sflag:s22] =	dma.local [hbm:s5], s20  }
0x9e: {  	_ =	swait.ge [sflag:s22], s20  }
0x9f: {  	s4 =	ssub.s32 $0x0, s20;
	[sflag:s22] =	ssyncset.done $0x0  }
0xa0: {  	[sflag:s22] =	ssyncadd.s32 s4;
	_ =	sdelay $0x1  }
0xa1: {  	s23 =	simm.s32 $0x1B8B  }
0xa2: {  	_ =	swait.ge [sflag:s23], $0x1  }
0xa3: {  	[sflag:s23] =	ssyncset.done $0x0  }
0xa4: {  	s25 =	simm.s32 $0x1B8E;
	s24 =	sld [smem:$0x3FFE];
	[sflag:s23] =	ssyncadd.s32 $0xFFFFFFFF  }
0xa5: {  	s26 =	simm.s32 $execute0_lowered;
	[smem:$0x3FD2] =	sst s25  }
0xa6: {  	s5 =	sshll.u32 s26, $0x1;
	_ =	strace $0x80000046;
	[dreg:$0x1] =	wrdreg $0xFFFFFFFF  }
0xa7: {  	s28 =	simm.s32 $_size_execute0_lowered;
	s3 =	sadd.s32 s3, s5;
	[dreg:$0x0] =	wrdreg $0x0  }
0xa8: {  	s5 =	sshll.u32 s28, $0x1;
	[dreg:$0x2] =	wrdreg s3  }
0xa9: {  	[dreg:$0x3] =	wrdreg s5  }
0xaa: {  	[dreg:$0x4] =	wrdreg $0xC0  }
0xab: {  	_ =	task [dreg:s7], $0x5FFFF  }
0xac: {  	[dreg:$0x1] =	wrdreg $0xFFFFFFFF  }
0xad: {  	[dreg:$0x0] =	wrdreg $0x60  }
0xae: {  	[dreg:$0x2] =	wrdreg s24  }
0xaf: {  	[dreg:$0x3] =	wrdreg s2  }
0xb0: {  	[dreg:$0x4] =	wrdreg $0x0  }
0xb1: {  	[dreg:$0x5] =	wrdreg $0x9  }
0xb2: {  	_ =	task.clear_ibuf [dreg:s7], $0x6FFFF;
	_ =	strace $0x90000046  }
0xb3: {  	s29 =	simm.s32 $0x9;
	_ =	strace $0x80000048  }
0xb4: {  	_ =	swait.ge [sflag:s29], $0x1  }
0xb5: {  	[sflag:s29] =	ssyncadd.s32 $0xFFFFFFFF  }
0xb6: {  	_ =	strace $0x90000048  }
0xb7: {  	_ =	sfence  }
0xb8: {  	s30 =	sld [smem:$0x0];
	_ =	sdelay $0x2  }
0xb9: {  	s31 =	sshll.u32 s1, $0xD;
	s1 =	sshrl.u32 s1, $0x2  }
0xba: {  	s3 =	sand.u32 $0x4000, s31;
	s1 =	sadd.s32 s1, s30  }
0xbb: {  	s0 =	sor.u32 s3, s0;
	s1 =	sshll.u32 s1, $0x11  }
0xbc: {  	s0 =	sor.u32 s1, s0  }
0xbd: {  	s0 =	sadd.s32 $0x8F2B, s0  }
0xbe: {  	[sflag:s0] =	ssyncadd.remote.s32 $0x1  }
0xbf: {  	_ =	sfence.sel $0xFFFF  }
0xc0: {  	[dreg:$0x0] =	wrdreg $0xFFFFFFFF;
	(pc) =	sbr.abs _section_cstart, $3  }
0xc1: {  	[dreg:$0x1] =	wrdreg $0xFFFFFFFF  }
0xc2: {  	_ =	task.clear_ibuf [dreg:s7], $0x2FFFF;
	_ =	strace $0x9FFFFFFF  }
0xc3: {  	(tm) =	ssettm $0x7FFFFFFF  }
tec
execute0_lowered:
.L_overlay_start_1:
0x0: {  	(tag) =	ssettag $0x1  }
0x1: {  	s4 =	rddreg [dreg:$0x0]  }
0x2: {  	s8 =	rddreg [dreg:$0x1]  }
0x3: {  	s1 =	rddreg [dreg:$0x2]  }
0x4: {  	s2 =	srdreg.scid;
	s0 =	rddreg [dreg:$0x3];
	s3 =	simm.s32 $0x0  }
0x5: {  	s11 =	simm.s32 $0x1;
	s12 =	simm.s32 $0x42F8;
	s13 =	simm.s32 $0x50  }
0x6: {  	s14 =	simm.s32 $0x4278;
	s15 =	simm.s32 $0x0;
	s5 =	sand.u32 $0x1, s2  }
0x7: {  	s2 =	stileid.u32;
	[smem:$0x7FF] =	sst s3;
	s6 =	sshll.u32 s5, $0xB  }
0x8: {  	s28 =	smul.u32 $0x270, s2;
	s7 =	ssub.s32 $0x2, s5;
	s9 =	sshll.u32 s2, $0xC  }
0x9: {  	s10 =	smul.u32 $0x2710, s5;
	_ =	strace $0x80000047;
	p0 =	sne.s32 s2, $0xF  }
0xa: {  	s4 =	sadd.s32 s6, s4;
	s29 =	sshrl.u32 s7, $0x1;
	s6 =	sadd.s32 $0x2700, s1  }
0xb: {  	s4 =	sadd.s32 s9, s4;
	s30 =	ssub.s32 s7, s29;
	s31 =	sadd.s32 s28, s10  }
0xc: {  	s5 =	sadd.s32 s28, s1;
	s10 =	sshrl.u32 s10, $0x3;
	s7 =	sshrl.u32 s31, $0x3  }
0xd: {  	s4 =	sadd.s32 $0x4200, s4;
	s7 =	sadd.s32 s8, s7;
	s8 =	sadd.s32 s8, s10  }
0xe: {  	v0 =	vimm.f32 $0.0e+00;
	v1 =	vimm.f32 $1.000000000e+00;
	s9 =	smax.u32 s30, $0x1;
	s10 =	simm.s32 $0x278;
	s8 =	sadd.s32 $0x4E0, s8  }
.LBB2_1:
0xf: {  	[tilespmem:s10], [sflag:$0x1] =	stream.linear.gather [hbm4b:s4+s3], $0x3E80, $0x38;
	[tilespmem:$0x4578] =	vst v63  }
0x10: {  	_ =	swait.ge [sflag:s11], $0x3E80  }
0x11: {  	[sflag:s11] =	ssyncset.done $0x0  }
0x12: {  	[sflag:s11] =	ssyncadd.s32 $0xFFFFC180  }
0x13: {  	[tilespmem:$0x42F8] =	vst v0  }
0x14: {  	[tilespmem:$0x4308] =	vst v0  }
0x15: {  	[tilespmem:$0x4318] =	vst v0  }
0x16: {  	[tilespmem:$0x4328] =	vst v0  }
0x17: {  	[tilespmem:$0x4338] =	vst v0  }
0x18: {  	[tilespmem:$0x4348] =	vst v0  }
0x19: {  	[tilespmem:$0x4358] =	vst v0  }
0x1a: {  	[tilespmem:$0x4368] =	vst v0  }
0x1b: {  	[tilespmem:$0x4378] =	vst v0  }
0x1c: {  	[tilespmem:$0x4388] =	vst v0  }
0x1d: {  	[tilespmem:$0x4398] =	vst v0  }
0x1e: {  	[tilespmem:$0x43A8] =	vst v0  }
0x1f: {  	[tilespmem:$0x43B8] =	vst v0  }
0x20: {  	[tilespmem:$0x43C8] =	vst v0  }
0x21: {  	[tilespmem:$0x43D8] =	vst v0  }
0x22: {  	[tilespmem:$0x43E8] =	vst v0  }
0x23: {  	[tilespmem:$0x43F8] =	vst v0  }
0x24: {  	[tilespmem:$0x4408] =	vst v0  }
0x25: {  	[tilespmem:$0x4418] =	vst v0  }
0x26: {  	[tilespmem:$0x4428] =	vst v0  }
0x27: {  	[tilespmem:$0x4438] =	vst v0  }
0x28: {  	[tilespmem:$0x4448] =	vst v0  }
0x29: {  	[tilespmem:$0x4458] =	vst v0  }
0x2a: {  	[tilespmem:$0x4468] =	vst v0  }
0x2b: {  	[tilespmem:$0x4478] =	vst v0  }
0x2c: {  	[tilespmem:$0x4488] =	vst v0  }
0x2d: {  	[tilespmem:$0x4498] =	vst v0  }
0x2e: {  	[tilespmem:$0x44A8] =	vst v0  }
0x2f: {  	[tilespmem:$0x44B8] =	vst v0  }
0x30: {  	[tilespmem:$0x44C8] =	vst v0  }
0x31: {  	[tilespmem:$0x44D8] =	vst v0  }
0x32: {  	[tilespmem:$0x44E8] =	vst v0  }
0x33: {  	[tilespmem:$0x44F8] =	vst v0  }
0x34: {  	[tilespmem:$0x4508] =	vst v0  }
0x35: {  	[tilespmem:$0x4518] =	vst v0  }
0x36: {  	[tilespmem:$0x4528] =	vst v0  }
0x37: {  	[tilespmem:$0x4538] =	vst v0  }
0x38: {  	[tilespmem:$0x4548] =	vst v0  }
0x39: {  	[tilespmem:$0x4558] =	vst v0  }
0x3a: {  	[tilespmem:$0x4278] =	vst v1  }
0x3b: {  	[tilespmem:$0x4288] =	vst v1  }
0x3c: {  	[tilespmem:$0x4298] =	vst v1  }
0x3d: {  	[tilespmem:$0x42A8] =	vst v1  }
0x3e: {  	[tilespmem:$0x42B8] =	vst v1  }
0x3f: {  	[spmem:s5] =	stream.linear.scatter [tilespmem:s12], [sflag:$0x1], $0x270, $0x38;
	[tilespmem:$0x4578] =	vst v63  }
0x40: {  	_ =	swait.ge [sflag:s11], $0x270  }
0x41: {  	[sflag:s11] =	ssyncset.done $0x0  }
0x42: {  	s16 =	simm.s32 @!p0 $0x42F8;
	[sflag:s11] =	ssyncadd.s32 $0xFFFFFD90  }
0x43: {  	[spmem:s6] =	stream.linear.scatter @!p0 [tilespmem:s16], [sflag:$0x1], $0x10, $0x38;
	[tilespmem:$0x4578] =	vst v63  }
0x44: {  	s16 =	simm.s32 @!p0 $0x1  }
0x45: {  	_ =	swait.ge @!p0 [sflag:s16], $0x10  }
0x46: {  	[sflag:s16] =	ssyncset.done @!p0 $0x0  }
0x47: {  	[sflag:s16] =	ssyncadd.s32 @!p0 $0xFFFFFFF0  }
0x48: {  	s31 =	simm.s32 $0x278;
	[bflag:$0x0] =	sbarrier.arrive $0xFFFF  }
0x49: {  	[spmem:s1] =	stream.indirect.scatter.add.f32 [tilespmem:s14], [sflag:$0x1], $0x1, s31, s13, $0xb8;
	[tilespmem:$0x4578] =	vst v63  }
0x4a: {  	s16 =	simm.s32 $0x200;
	_ =	swait.ge [sflag:s11], $0x50  }
.LBB2_2:
0x4b: {  	s17 =	sshra.s32 s16, $0x2;
	[sflag:s11] =	ssyncset.done $0x0;
	p1 =	sne.s32 s16, $0xF800  }
.Ltmp0:
0x4c: {  	s17 =	sadd.s32 $0x278, s17;
	[sflag:s11] =	ssyncadd.s32 $0xFFFFFFB0;
	(pc) =	sbr.rel @p1 .LBB2_2-.Ltmp0, $3  }
0x4d: {  	[spmem:s1] =	stream.indirect.scatter.add.f32 [tilespmem:s14], [sflag:$0x1], $0x1, s17, s13, $0xb8;
	[tilespmem:$0x4578] =	vst v63  }
0x4e: {  	s16 =	sadd.s32 $0x200, s16;
	_ =	sdelay $0x1  }
0x4f: {  	_ =	swait.ge [sflag:s11], $0x50  }
0x50: {  	[sflag:s11] =	ssyncset.done $0x0  }
0x51: {  	[sflag:s11] =	ssyncadd.s32 $0xFFFFFFB0  }
0x52: {  	[bflag:$0x0] =	sbarrier.arrive $0xFFFF  }
0x53: {  	[tilespmem:s12], [sflag:$0x1] =	stream.linear.gather [spmem:s5], $0x270, $0x38;
	[tilespmem:$0x4578] =	vst v63  }
0x54: {  	_ =	swait.ge [sflag:s11], $0x270  }
0x55: {  	[sflag:s11] =	ssyncset.done $0x0  }
0x56: {  	[sflag:s11] =	ssyncadd.s32 $0xFFFFFD90  }
0x57: {  	[hbm4b:s7+s3] =	stream.linear.scatter [tilespmem:s12], [sflag:$0x1], $0x270, $0x38;
	[tilespmem:$0x4578] =	vst v63  }
0x58: {  	_ =	swait.ge [sflag:s11], $0x270  }
0x59: {  	[sflag:s11] =	ssyncset.done $0x0  }
0x5a: {  	s16 =	simm.s32 @!p0 $0x42F8;
	s17 =	simm.s32 @!p0 $0x1;
	[sflag:s11] =	ssyncadd.s32 $0xFFFFFD90  }
0x5b: {  	[tilespmem:s16], [sflag:$0x1] =	stream.linear.gather @!p0 [spmem:s6], $0x10, $0x38;
	[tilespmem:$0x4578] =	vst v63  }
0x5c: {  	s15 =	sadd.s32 $0x1, s15;
	_ =	swait.ge @!p0 [sflag:s17], $0x10  }
0x5d: {  	p1 =	sne.s32 s15, s9;
	[sflag:s17] =	ssyncset.done @!p0 $0x0  }
.Ltmp1:
0x5e: {  	s18 =	simm.s32 @!p0 $0x0;
	[sflag:s17] =	ssyncadd.s32 @!p0 $0xFFFFFFF0;
	(pc) =	sbr.rel @p1 .LBB2_1-.Ltmp1, $4  }
0x5f: {  	[hbm4b:s8+s18] =	stream.linear.scatter @!p0 [tilespmem:s16], [sflag:$0x1], $0x10, $0x38;
	[tilespmem:$0x4578] =	vst v63  }
0x60: {  	_ =	swait.ge @!p0 [sflag:s17], $0x10  }
0x61: {  	[sflag:s17] =	ssyncset.done @!p0 $0x0  }
0x62: {  	[sflag:s17] =	ssyncadd.s32 @!p0 $0xFFFFFFF0  }
0x63: {  	_ =	sfence.sel $0x180000  }
0x64: {  	[bflag:$0x0] =	sbarrier.arrive $0xFFFF  }
0x65: {  	p0 =	sne.s32 s2, $0x0;
	_ =	strace $0x90000047  }
0x66: {  	s0 =	sadd.s32 @!p0 $0x100000, s0;
	[bflag:$0x2] =	sbarrier.arrive $0xFFFF  }
0x67: {  	[sflag:s0] =	ssyncadd.tile.s32 @!p0 $0x1;
	_ =	shalt  }
.Lfunc_end2:
_tile_overlayer_lowered:
.L_overlay_start_2:
0x68: {  	(tag) =	ssettag $0x2  }
0x69: {  	s0 =	rddreg [dreg:$0x0];
	s2 =	stileid.u32  }
0x6a: {  	s1 =	rddreg [dreg:$0x1];
	p0 =	sne.s32 s2, $0x0  }
0x6b: {  	s3 =	rddreg [dreg:$0x2];
	[bflag:$0x3] =	sbarrier.arrive $0xFFFF;
	s2 =	simm.s32 @!p0 $0x1C01  }
0x6c: {  	[timem:s3], [sflag:s2] =	dma.local @!p0 [hbm:s0], s1  }
0x6d: {  	s0 =	simm.s32 @!p0 $0x1  }
0x6e: {  	_ =	swait.ge @!p0 [sflag:s0], s1  }
0x6f: {  	s1 =	ssub.s32 @!p0 $0x0, s1;
	[sflag:s0] =	ssyncset.done @!p0 $0x0  }
0x70: {  	[sflag:s0] =	ssyncadd.s32 @!p0 s1  }
0x71: {  	[bflag:$0x3] =	sbarrier.arrive $0xFFFF  }
0x72: {  	_ =	shalt  }

// kernel: kernel.13.cloned.1.call-start
scs
__scs_entry_jumppad:
0x0: {  	(pc) =	sbr.rel $0x88, $3  }
0x1: {  	(tag) =	ssettag $0x0;
	lr =	simm.s32 $0x1  }
0x2: {  	[smem:$0x3F97] =	sst lr;
	_ =	strace $0xD0000000  }
0x3: {  	_ = 	snop  }
0x4: {  	_ = 	snop  }
0x5: {  	_ = 	snop  }
0x6: {  	_ = 	snop  }
0x7: {  	_ = 	snop  }
__scs_overlays_trampoline_lowered:
0x8: {  	[smem:$0x3FA6] =	sst s0  }
0x9: {  	[smem:$0x3FA7] =	sst s1  }
0xa: {  	[smem:$0x3FA8] =	sst s2  }
0xb: {  	[smem:$0x3FA9] =	sst s3  }
0xc: {  	[smem:$0x3FAA] =	sst s4  }
0xd: {  	[smem:$0x3FAB] =	sst s5  }
0xe: {  	[smem:$0x3FAC] =	sst s6  }
0xf: {  	[smem:$0x3FAD] =	sst s7  }
0x10: {  	[smem:$0x3FAE] =	sst s8  }
0x11: {  	[smem:$0x3FAF] =	sst s9;
	s0 =	simm.s32 @!p0 $0x0  }
0x12: {  	s1 =	sld [smem:$0x3F95];
	s0 =	simm.s32 @p0 $0x1  }
0x13: {  	[smem:$0x3FB0] =	sst s0;
	s0 =	simm.s32 @!p1 $0x0  }
0x14: {  	s2 =	sld [smem:$0x3F94];
	s0 =	simm.s32 @p1 $0x1  }
0x15: {  	[smem:$0x3FB1] =	sst s0;
	s0 =	simm.s32 @!p2 $0x0  }
0x16: {  	s3 =	sld [smem:$0x3FDB];
	s0 =	simm.s32 @p2 $0x1  }
0x17: {  	s4 =	simm.s32 $0x1BF5;
	[smem:$0x3FB3] =	sst s0  }
0x18: {  	s0 =	sld [smem:$0x3F96];
	_ =	swait.ge [sflag:s4], $0x0  }
0x19: {  	s7 =	sld [smem:$0x3F97]  }
0x1a: {  	s8 =	sadd.s32 $0xFFFFE003, lr  }
0x1b: {  	s9 =	sadd.s32 $0xFFFFFEF7, lr;
	s5 =	simm.s32 $0xFFFFFFFF;
	p2 =	slt.u32 s8, $0xFFFFF086  }
0x1c: {  	p1 =	slt.u32 s9, $0xF7A;
	s5 =	simm.s32 @!p2 $0x0  }
0x1d: {  	s5 =	simm.s32 @p1 $0x1;
	p0 =	seq.s32 s7, s2  }
0x1e: {  	s7 =	smul.u32 @!p0 $0xF7A, s2;
	p2 =	seq.s32 @!p0 s5, $0x0  }
0x1f: {  	s9 =	smul.u32 $0xF7A, s1;
	s8 =	simm.s32 @!p0 $0x1BF5;
	p2 =	por !p2, p0  }
0x20: {  	[sflag:s8] =	ssyncset.s32 @!p0 $0xFFFFF086;
	s6 =	sadd.s32 @!p0 s3, s7;
	s7 =	simm.s32 @!p0 $0x108  }
0x21: {  	s3 =	sadd.s32 s3, s9;
	s6 =	sadd.s32 @!p0 $0x88, s6;
	s7 =	simm.s32 @p2 $0x1082  }
0x22: {  	[simem:s7], [sflag:s8] =	dma.local @!p0 [hbm:s6], $0xF7A  }
0x23: {  	s9 =	sor.u32 $0xD0000000, s2;
	s6 =	simm.s32 $0x108;
	_ =	swait.ge @!p0 [sflag:s8], $0x0  }
0x24: {  	s3 =	sadd.s32 $0x88, s3;
	s6 =	simm.s32 @!p1 $0x1082;
	[sflag:s4] =	ssyncset.s32 $0xFFFFF086  }
0x25: {  	[simem:s6], [sflag:s4] =	dma.local [hbm:s3], $0xF7A  }
0x26: {  	[smem:$0x3F97] =	sst s1;
	(tag) =	ssettag s2;
	_ =	strace s9  }
0x27: {  	s1 =	sld [smem:$0x3FA7]  }
0x28: {  	s2 =	sld [smem:$0x3FA8]  }
0x29: {  	s4 =	sld [smem:$0x3FAA]  }
0x2a: {  	p0 =	seq.s32 s5, $0x0;
	s5 =	sld [smem:$0x3FAB]  }
0x2b: {  	s6 =	sld [smem:$0x3FAC]  }
0x2c: {  	s7 =	sld [smem:$0x3FAD]  }
0x2d: {  	s3 =	simm.s32 $0x108;
	s8 =	sld [smem:$0x3FAE]  }
0x2e: {  	s3 =	simm.s32 @!p0 $0x1082;
	s9 =	sld [smem:$0x3FAF]  }
0x2f: {  	lr =	sadd.s32 s0, s3;
	s0 =	sld [smem:$0x3FA6]  }
0x30: {  	s3 =	sld [smem:$0x3FA9]  }
0x31: {  	[smem:$0x3FB2] =	sst s10  }
0x32: {  	s10 =	sld [smem:$0x3FB0];
	_ =	sdelay $0x3  }
0x33: {  	p0 =	seq.s32 s10, $0x1;
	s10 =	sld [smem:$0x3FB2];
	_ =	sdelay $0x3  }
0x34: {  	[smem:$0x3FB2] =	sst s10  }
0x35: {  	s10 =	sld [smem:$0x3FB1];
	_ =	sdelay $0x3  }
0x36: {  	p1 =	seq.s32 s10, $0x1;
	s10 =	sld [smem:$0x3FB2];
	_ =	sdelay $0x3  }
0x37: {  	[smem:$0x3FB2] =	sst s10  }
0x38: {  	s10 =	sld [smem:$0x3FB3]  }
0x39: {  	_ = 	snop;
	(pc) =	sbr.ind lr, $3  }
0x3a: {  	_ = 	snop  }
0x3b: {  	_ = 	snop  }
0x3c: {  	p2 =	seq.s32 s10, $0x1;
	s10 =	sld [smem:$0x3FB2]  }
0x3d: {  	_ =	shalt  }
0x3e: {  	_ =	shalt  }
0x3f: {  	_ =	shalt  }
0x40: {  	_ =	shalt  }
0x41: {  	_ =	shalt  }
0x42: {  	_ =	shalt  }
0x43: {  	_ =	shalt  }
0x44: {  	_ =	shalt  }
0x45: {  	_ =	shalt  }
0x46: {  	_ =	shalt  }
0x47: {  	_ =	shalt  }
0x48: {  	_ =	shalt  }
0x49: {  	_ =	shalt  }
0x4a: {  	_ =	shalt  }
0x4b: {  	_ =	shalt  }
0x4c: {  	_ =	shalt  }
0x4d: {  	_ =	shalt  }
0x4e: {  	_ =	shalt  }
0x4f: {  	_ =	shalt  }
0x50: {  	_ =	shalt  }
0x51: {  	_ =	shalt  }
0x52: {  	_ =	shalt  }
0x53: {  	_ =	shalt  }
0x54: {  	_ =	shalt  }
0x55: {  	_ =	shalt  }
0x56: {  	_ =	shalt  }
0x57: {  	_ =	shalt  }
0x58: {  	_ =	shalt  }
0x59: {  	_ =	shalt  }
0x5a: {  	_ =	shalt  }
0x5b: {  	_ =	shalt  }
0x5c: {  	_ =	shalt  }
0x5d: {  	_ =	shalt  }
0x5e: {  	_ =	shalt  }
0x5f: {  	_ =	shalt  }
0x60: {  	_ =	shalt  }
0x61: {  	_ =	shalt  }
0x62: {  	_ =	shalt  }
0x63: {  	_ =	shalt  }
0x64: {  	_ =	shalt  }
0x65: {  	_ =	shalt  }
0x66: {  	_ =	shalt  }
0x67: {  	_ =	shalt  }
0x68: {  	_ =	shalt  }
0x69: {  	_ =	shalt  }
0x6a: {  	_ =	shalt  }
0x6b: {  	_ =	shalt  }
0x6c: {  	_ =	shalt  }
0x6d: {  	_ =	shalt  }
0x6e: {  	_ =	shalt  }
0x6f: {  	_ =	shalt  }
0x70: {  	_ =	shalt  }
0x71: {  	_ =	shalt  }
0x72: {  	_ =	shalt  }
0x73: {  	_ =	shalt  }
0x74: {  	_ =	shalt  }
0x75: {  	_ =	shalt  }
0x76: {  	_ =	shalt  }
0x77: {  	_ =	shalt  }
0x78: {  	_ =	shalt  }
0x79: {  	_ =	shalt  }
0x7a: {  	_ =	shalt  }
0x7b: {  	_ =	shalt  }
0x7c: {  	_ =	shalt  }
0x7d: {  	_ =	shalt  }
0x7e: {  	_ =	shalt  }
0x7f: {  	_ =	shalt  }
0x80: {  	_ =	shalt  }
0x81: {  	_ =	shalt  }
0x82: {  	_ =	shalt  }
0x83: {  	_ =	shalt  }
0x84: {  	_ =	shalt  }
0x85: {  	_ =	shalt  }
0x86: {  	_ =	shalt  }
0x87: {  	_ =	shalt  }
.Lfunc_end0:
.L_simem_size_0:
called_computation.1_lowered:
.L_overlay_start_0:
0x88: {  	s2 =	sld [smem:$0x3FD9]  }
0x89: {  	s3 =	sld [smem:$0x3FFE];
	_ =	sdelay $0x1  }
0x8a: {  	s1 =	srdreg.scid  }
0x8b: {  	s0 =	sand.u32 $0x1, s1  }
0x8c: {  	s16 =	sshll.u32 s0, $0xA;
	s2 =	sadd.s32 s3, s2  }
0x8d: {  	s2 =	sadd.s32 s2, s16  }
0x8e: {  	[smem:$0x3FBE] =	sst s2  }
0x8f: {  	_ = 	snop  }
0x90: {  	(tm) =	ssettm $0x1  }
0x91: {  	s17 =	sld [smem:$0x3FFB];
	_ =	sdelay $0x3  }
0x92: {  	_ =	strace s17  }
0x93: {  	s2 =	sld [smem:$0x3FFC];
	_ =	sdelay $0x3  }
0x94: {  	_ =	strace s2  }
0x95: {  	s2 =	sld [smem:$0x3FFD];
	_ =	sdelay $0x3  }
0x96: {  	_ =	strace s2  }
0x97: {  	_ =	strace $0x8FFFFFFF  }
0x98: {  	s18 =	sld [smem:$0x3FDB];
	_ =	sdelay $0x1  }
0x99: {  	s19 =	simm.s32 $_scs_section_size  }
0x9a: {  	s4 =	simm.s32 $_size__tile_overlayer_lowered;
	s5 =	simm.s32 $_tile_overlayer_lowered  }
0x9b: {  	s22 =	simm.s32 $0x1BFF;
	s21 =	sshll.u32 s5, $0x1;
	s2 =	sadd.s32 s19, s18  }
0x9c: {  	s6 =	simm.s32 $0x0;
	s20 =	sshll.u32 s4, $0x1;
	s4 =	sadd.s32 s21, s2  }
0x9d: {  	[timem:s6], [sflag:s22] =	dma.local [hbm:s4], s20  }
0x9e: {  	_ =	swait.ge [sflag:s22], s20  }
0x9f: {  	s3 =	ssub.s32 $0x0, s20;
	[sflag:s22] =	ssyncset.done $0x0  }
0xa0: {  	[sflag:s22] =	ssyncadd.s32 s3;
	_ =	sdelay $0x1  }
0xa1: {  	s23 =	simm.s32 $0x1B8B  }
0xa2: {  	_ =	swait.ge [sflag:s23], $0x1  }
0xa3: {  	[sflag:s23] =	ssyncset.done $0x0  }
0xa4: {  	s25 =	simm.s32 $0x1B8E;
	s24 =	sld [smem:$0x3FFE];
	[sflag:s23] =	ssyncadd.s32 $0xFFFFFFFF  }
0xa5: {  	s26 =	simm.s32 $execute0_lowered;
	[smem:$0x3FD2] =	sst s25  }
0xa6: {  	s4 =	sshll.u32 s26, $0x1;
	_ =	strace $0x80000049;
	[dreg:$0x1] =	wrdreg $0xFFFFFFFF  }
0xa7: {  	s28 =	simm.s32 $_size_execute0_lowered;
	s2 =	sadd.s32 s2, s4;
	[dreg:$0x0] =	wrdreg $0x0  }
0xa8: {  	s4 =	sshll.u32 s28, $0x1;
	[dreg:$0x2] =	wrdreg s2  }
0xa9: {  	[dreg:$0x3] =	wrdreg s4  }
0xaa: {  	[dreg:$0x4] =	wrdreg $0xC0  }
0xab: {  	_ =	task [dreg:s6], $0x5FFFF  }
0xac: {  	[dreg:$0x1] =	wrdreg $0xFFFFFFFF  }
0xad: {  	[dreg:$0x0] =	wrdreg $0x60  }
0xae: {  	[dreg:$0x2] =	wrdreg s24  }
0xaf: {  	[dreg:$0x3] =	wrdreg $0x9C800  }
0xb0: {  	[dreg:$0x4] =	wrdreg $0x0  }
0xb1: {  	[dreg:$0x5] =	wrdreg $0x9  }
0xb2: {  	_ =	task.clear_ibuf [dreg:s6], $0x6FFFF;
	_ =	strace $0x90000049  }
0xb3: {  	s29 =	simm.s32 $0x9;
	_ =	strace $0x8000004B  }
0xb4: {  	_ =	swait.ge [sflag:s29], $0x1  }
0xb5: {  	[sflag:s29] =	ssyncadd.s32 $0xFFFFFFFF  }
0xb6: {  	_ =	strace $0x9000004B  }
0xb7: {  	_ =	sfence  }
0xb8: {  	s30 =	sld [smem:$0x0];
	_ =	sdelay $0x2  }
0xb9: {  	s31 =	sshll.u32 s1, $0xD;
	s1 =	sshrl.u32 s1, $0x2  }
0xba: {  	s3 =	sand.u32 $0x4000, s31;
	s1 =	sadd.s32 s1, s30  }
0xbb: {  	s0 =	sor.u32 s3, s0;
	s1 =	sshll.u32 s1, $0x11  }
0xbc: {  	s0 =	sor.u32 s1, s0  }
0xbd: {  	s0 =	sadd.s32 $0x8F2B, s0  }
0xbe: {  	[sflag:s0] =	ssyncadd.remote.s32 $0x1  }
0xbf: {  	_ =	sfence.sel $0xFFFF  }
0xc0: {  	[dreg:$0x0] =	wrdreg $0xFFFFFFFF;
	(pc) =	sbr.abs _section_cstart, $3  }
0xc1: {  	[dreg:$0x1] =	wrdreg $0xFFFFFFFF  }
0xc2: {  	_ =	task.clear_ibuf [dreg:s6], $0x2FFFF;
	_ =	strace $0x9FFFFFFF  }
0xc3: {  	(tm) =	ssettm $0x7FFFFFFF  }
tec
execute0_lowered:
.L_overlay_start_1:
0x0: {  	(tag) =	ssettag $0x1  }
0x1: {  	s0 =	rddreg [dreg:$0x0]  }
0x2: {  	s2 =	rddreg [dreg:$0x1];
	s1 =	srdreg.scid  }
0x3: {  	s12 =	stileid.u32;
	s3 =	rddreg [dreg:$0x2]  }
0x4: {  	s4 =	simm.s32 $0x0;
	s18 =	simm.s32 $0x14300;
	s19 =	simm.s32 $0x3  }
0x5: {  	s28 =	simm.s32 $0x13B80;
	s29 =	simm.s32 $0x2;
	s30 =	simm.s32 $0x13F40  }
0x6: {  	s31 =	simm.s32 $0x13CC0;
	s1 =	sand.u32 $0x1, s1;
	s5 =	smul.u32 $0x5000, s12  }
0x7: {  	[smem:$0x7FF] =	sst s4;
	s7 =	smul.u32 $0x27000, s12;
	s22 =	sadd.s32 $0x9C000, s2  }
0x8: {  	s24 =	sadd.s32 $0x9C000, s3;
	p0 =	sne.s32 s12, $0xF;
	s6 =	smul.u32 $0x2800, s1  }
0x9: {  	_ =	strace $0x8000004A;
	s8 =	ssub.s32 $0x2, s1;
	[dreg:$0x6] =	wrdreg s22  }
0xa: {  	[dreg:$0x8] =	wrdreg s24;
	s22 =	simm.s32 $0x13900;
	s24 =	simm.s32 $0x140  }
0xb: {  	s10 =	sshrl.u32 s8, $0x1;
	s11 =	sshrl.u32 s7, $0x2;
	s7 =	smul.u32 $0x138800, s1  }
0xc: {  	s1 =	simm.s32 $0x14080;
	s6 =	sadd.s32 s6, s5;
	s5 =	sadd.s32 $0x28200, s0  }
0xd: {  	s20 =	ssub.s32 s8, s10;
	s8 =	smul.u32 $0x270, s12;
	s21 =	sadd.s32 s11, s2  }
0xe: {  	s12 =	simm.s32 $0x0;
	s6 =	sshrl.u32 s6, $0x3;
	[dreg:$0x4] =	wrdreg s21  }
0xf: {  	s10 =	sadd.s32 $0x5000, s21;
	s23 =	sshrl.u32 s7, $0x3;
	s26 =	smax.u32 s20, $0x1  }
0x10: {  	s20 =	simm.s32 $0x1E300;
	s21 =	simm.s32 $0x19300;
	s9 =	sadd.s32 s6, s0  }
.Ltmp0:
0x11: {  	s6 =	sadd.s32 $0x4F400, s0;
	[dreg:$0x5] =	wrdreg s10;
	(pc) =	sbr.rel .LBB2_1-.Ltmp0, $4  }
0x12: {  	s0 =	sadd.s32 $0x4F200, s0;
	[dreg:$0xa] =	wrdreg s26;
	s26 =	simm.s32 $0x1  }
0x13: {  	[dreg:$0x7] =	wrdreg s0;
	s25 =	sadd.s32 s6, s23;
	s16 =	sadd.s32 $0x1E200, s9  }
0x14: {  	s17 =	sadd.s32 $0x14200, s9;
	s23 =	simm.s32 $0x13E00;
	s0 =	sadd.s32 $0x27000, s25  }
0x15: {  	v0 =	vimm.f32 $0.0e+00;
	s25 =	simm.s32 $0x13A40;
	[dreg:$0x9] =	wrdreg s0;
	s0 =	simm.s32 $0x141C0  }
.LBB2_21:
0x16: {  	s12 =	sadd.s32 $0x1, s12;
	s9 =	rddreg [dreg:$0xa]  }
0x17: {  	p1 =	sne.s32 s12, s9  }
.Ltmp1:
0x18: {  	_ = 	snop;
	(pc) =	sbr.rel @!p1 .LBB2_22-.Ltmp1, $1  }
0x19: {  	_ =	sdelay $0x3  }
.LBB2_1:
0x1a: {  	s10 =	simm.s32 $0x100;
	s9 =	simm.s32 $0x0  }
.LBB2_2:
0x1b: {  	p1 =	sne.s32 s10, $0x13F00;
	[tilespmem:s9+$0x14330] =	vst v0;
	s11 =	smov.u32 s10;
	s10 =	sadd.s32 $0x100, s10  }
.Ltmp2:
0x1c: {  	[tilespmem:s9+$0x14320] =	vst v0;
	(pc) =	sbr.rel @p1 .LBB2_2-.Ltmp2, $3  }
0x1d: {  	[tilespmem:s9+$0x14300] =	vst v0  }
0x1e: {  	[tilespmem:s9+$0x14310] =	vst v0;
	_ =	sdelay $0x1  }
0x1f: {  	s9 =	sshra.s32 s11, $0x2  }
0x20: {  	[tilespmem:s9+$0x14330] =	vst v0  }
0x21: {  	[tilespmem:s9+$0x14320] =	vst v0  }
0x22: {  	[tilespmem:s9+$0x14300] =	vst v0  }
0x23: {  	[tilespmem:s9+$0x14310] =	vst v0;
	s14 =	rddreg [dreg:$0x4]  }
0x24: {  	[spmem:s14] =	stream.linear.scatter [tilespmem:s18], [sflag:$0x3], $0x5000, $0x38;
	[tilespmem:$0x1FB00] =	vst v63  }
0x25: {  	_ =	swait.ge [sflag:s19], $0x5000  }
0x26: {  	[sflag:s19] =	ssyncset.done $0x0  }
0x27: {  	s15 =	rddreg [dreg:$0x5];
	[sflag:s19] =	ssyncadd.s32 $0xFFFFB000  }
0x28: {  	[spmem:s15] =	stream.linear.scatter [tilespmem:s18], [sflag:$0x3], $0x4C00, $0x38;
	[tilespmem:$0x1FB00] =	vst v63  }
0x29: {  	_ =	swait.ge [sflag:s19], $0x4C00  }
0x2a: {  	[sflag:s19] =	ssyncset.done $0x0  }
0x2b: {  	s9 =	simm.s32 @!p0 $0x14300;
	s10 =	rddreg [dreg:$0x6];
	[sflag:s19] =	ssyncadd.s32 $0xFFFFB400  }
0x2c: {  	[spmem:s10] =	stream.linear.scatter @!p0 [tilespmem:s9], [sflag:$0x3], $0x400, $0x38;
	[tilespmem:$0x1FB00] =	vst v63  }
0x2d: {  	s9 =	simm.s32 @!p0 $0x3  }
0x2e: {  	_ =	swait.ge @!p0 [sflag:s9], $0x400  }
0x2f: {  	[sflag:s9] =	ssyncset.done @!p0 $0x0  }
0x30: {  	s13 =	simm.s32 $0x0;
	s14 =	simm.s32 $0x0;
	[sflag:s9] =	ssyncadd.s32 @!p0 $0xFFFFFC00  }
.LBB2_4:
0x31: {  	s9 =	smul.u32 $0x30, s14;
	_ =	sdelay $0x1  }
0x32: {  	s10 =	sadd.s32 s8, s9  }
0x33: {  	s9 =	sshll.u32 s10, $0x4  }
0x34: {  	s9 =	sadd.s32 s5, s9  }
0x35: {  	[tilespmem:s20], [sflag:$0x3] =	stream.linear.gather [hbm4b:s9+s13], $0x1800, $0x38;
	[tilespmem:$0x1FB00] =	vst v63  }
0x36: {  	_ =	swait.ge [sflag:s19], $0x1800  }
0x37: {  	[sflag:s19] =	ssyncset.done $0x0  }
0x38: {  	s11 =	simm.s32 $0x0;
	[sflag:s19] =	ssyncadd.s32 $0xFFFFE800  }
0x39: {  	v1 =	vld [tilespmem:s11+$0x1E300];
	_ =	sdelay $0x3  }
0x3a: {  	s15 =	simm.s32 $0x19320  }
0x3b: {  	[tilespmem:s15+$0xFFFFFFE0] =	vst v1  }
0x3c: {  	v1 =	vld [tilespmem:s11+$0x1E310];
	_ =	sdelay $0x4  }
0x3d: {  	[tilespmem:s15+$0xFFFFFFF0] =	vst v1  }
0x3e: {  	v1 =	vld [tilespmem:s11+$0x1E320];
	_ =	sdelay $0x4  }
0x3f: {  	[tilespmem:s15+$0x0] =	vst v1  }
0x40: {  	v1 =	vld [tilespmem:s11+$0x1E330];
	_ =	sdelay $0x4  }
0x41: {  	s9 =	simm.s32 $0x80;
	s11 =	simm.s32 $0x400;
	[tilespmem:s15+$0x10] =	vst v1  }
.LBB2_5:
0x42: {  	p1 =	sne.s32 s11, $0x5E00;
	v1 =	vld [tilespmem:s9+$0x1E300];
	_ =	sdelay $0x3  }
0x43: {  	s15 =	sadd.s32 $0x40, s15  }
0x44: {  	[tilespmem:s15+$0xFFFFFFE0] =	vst v1  }
0x45: {  	v1 =	vld [tilespmem:s9+$0x1E310];
	_ =	sdelay $0x4  }
0x46: {  	[tilespmem:s15+$0xFFFFFFF0] =	vst v1  }
0x47: {  	v1 =	vld [tilespmem:s9+$0x1E320];
	_ =	sdelay $0x4  }
0x48: {  	[tilespmem:s15+$0x0] =	vst v1  }
0x49: {  	v1 =	vld [tilespmem:s9+$0x1E330]  }
.Ltmp3:
0x4a: {  	(pc) =	sbr.rel @p1 .LBB2_5-.Ltmp3, $2  }
0x4b: {  	_ =	sdelay $0x2  }
0x4c: {  	s9 =	sshra.s32 s11, $0x2;
	s11 =	sadd.s32 $0x200, s11;
	[tilespmem:s15+$0x10] =	vst v1  }
0x4d: {  	v1 =	vld [tilespmem:s9+$0x1E300];
	_ =	sdelay $0x3  }
0x4e: {  	s11 =	sadd.s32 $0x40, s15  }
0x4f: {  	[tilespmem:s11+$0xFFFFFFE0] =	vst v1  }
0x50: {  	v1 =	vld [tilespmem:s9+$0x1E310];
	_ =	sdelay $0x4  }
0x51: {  	[tilespmem:s11+$0xFFFFFFF0] =	vst v1  }
0x52: {  	v1 =	vld [tilespmem:s9+$0x1E320];
	_ =	sdelay $0x4  }
0x53: {  	[tilespmem:s11+$0x0] =	vst v1  }
0x54: {  	v1 =	vld [tilespmem:s9+$0x1E330];
	_ =	sdelay $0x2  }
0x55: {  	s15 =	sshll.u32 s10, $0x6;
	s14 =	sadd.s32 $0x1, s14  }
0x56: {  	p1 =	sne.s32 s14, $0xD;
	s9 =	sand.u32 $0x3FFFFFC0, s15  }
.Ltmp4:
0x57: {  	s9 =	sadd.s32 s9, s3;
	[tilespmem:s11+$0x10] =	vst v1;
	(pc) =	sbr.rel @p1 .LBB2_4-.Ltmp4, $4  }
0x58: {  	[spmem:s9] =	stream.linear.scatter [tilespmem:s21], [sflag:$0x3], $0xC00, $0x38;
	[tilespmem:$0x1FB00] =	vst v63  }
0x59: {  	_ =	swait.ge [sflag:s19], $0xC00  }
0x5a: {  	[sflag:s19] =	ssyncset.done $0x0  }
0x5b: {  	[sflag:s19] =	ssyncadd.s32 $0xFFFFF400  }
.Ltmp5:
0x5c: {  	(pc) =	sbr.rel @p0 .LBB2_11-.Ltmp5, $1  }
0x5d: {  	_ =	sdelay $0x3  }
0x5e: {  	s9 =	simm.s32 $0x0;
	s10 =	rddreg [dreg:$0x7]  }
0x5f: {  	[tilespmem:s20], [sflag:$0x3] =	stream.linear.gather [hbm4b:s10+s9], $0x800, $0x38;
	[tilespmem:$0x1FB00] =	vst v63  }
0x60: {  	_ =	swait.ge [sflag:s19], $0x800  }
0x61: {  	[sflag:s19] =	ssyncset.done $0x0  }
0x62: {  	s15 =	simm.s32 $0x0;
	[sflag:s19] =	ssyncadd.s32 $0xFFFFF800  }
0x63: {  	v1 =	vld [tilespmem:s15+$0x1E300];
	_ =	sdelay $0x3  }
0x64: {  	s10 =	simm.s32 $0x19320  }
0x65: {  	[tilespmem:s10+$0xFFFFFFE0] =	vst v1  }
0x66: {  	v1 =	vld [tilespmem:s15+$0x1E310];
	_ =	sdelay $0x4  }
0x67: {  	[tilespmem:s10+$0xFFFFFFF0] =	vst v1  }
0x68: {  	v1 =	vld [tilespmem:s15+$0x1E320];
	_ =	sdelay $0x4  }
0x69: {  	[tilespmem:s10+$0x0] =	vst v1  }
0x6a: {  	v1 =	vld [tilespmem:s15+$0x1E330];
	_ =	sdelay $0x4  }
0x6b: {  	s11 =	simm.s32 $0x400;
	s9 =	simm.s32 $0x80;
	[tilespmem:s10+$0x10] =	vst v1  }
.LBB2_9:
0x6c: {  	p1 =	sne.s32 s11, $0x1E00;
	v1 =	vld [tilespmem:s9+$0x1E300];
	_ =	sdelay $0x3  }
0x6d: {  	s10 =	sadd.s32 $0x40, s10  }
0x6e: {  	[tilespmem:s10+$0xFFFFFFE0] =	vst v1  }
0x6f: {  	v1 =	vld [tilespmem:s9+$0x1E310];
	_ =	sdelay $0x4  }
0x70: {  	[tilespmem:s10+$0xFFFFFFF0] =	vst v1  }
0x71: {  	v1 =	vld [tilespmem:s9+$0x1E320];
	_ =	sdelay $0x4  }
0x72: {  	[tilespmem:s10+$0x0] =	vst v1  }
0x73: {  	v1 =	vld [tilespmem:s9+$0x1E330]  }
.Ltmp6:
0x74: {  	(pc) =	sbr.rel @p1 .LBB2_9-.Ltmp6, $2  }
0x75: {  	_ =	sdelay $0x2  }
0x76: {  	s9 =	sshra.s32 s11, $0x2;
	s11 =	sadd.s32 $0x200, s11;
	[tilespmem:s10+$0x10] =	vst v1  }
0x77: {  	v1 =	vld [tilespmem:s9+$0x1E300];
	_ =	sdelay $0x3  }
0x78: {  	s10 =	sadd.s32 $0x40, s10  }
0x79: {  	[tilespmem:s10+$0xFFFFFFE0] =	vst v1  }
0x7a: {  	v1 =	vld [tilespmem:s9+$0x1E310];
	_ =	sdelay $0x4  }
0x7b: {  	[tilespmem:s10+$0xFFFFFFF0] =	vst v1  }
0x7c: {  	v1 =	vld [tilespmem:s9+$0x1E320];
	_ =	sdelay $0x4  }
0x7d: {  	[tilespmem:s10+$0x0] =	vst v1  }
0x7e: {  	v1 =	vld [tilespmem:s9+$0x1E330];
	_ =	sdelay $0x4  }
0x7f: {  	s15 =	rddreg [dreg:$0x8];
	[tilespmem:s10+$0x10] =	vst v1  }
0x80: {  	[spmem:s15] =	stream.linear.scatter [tilespmem:s21], [sflag:$0x3], $0x400, $0x38;
	[tilespmem:$0x1FB00] =	vst v63  }
0x81: {  	_ =	swait.ge [sflag:s19], $0x400  }
0x82: {  	[sflag:s19] =	ssyncset.done $0x0  }
0x83: {  	[sflag:s19] =	ssyncadd.s32 $0xFFFFFC00  }
.LBB2_11:
0x84: {  	[bflag:$0x0] =	sbarrier.arrive $0xFFFF;
	s9 =	sadd.s32 $0x0, s17  }
0x85: {  	[tilespmem:s22], [sflag:$0x3] =	stream.linear.gather [hbm4b:s9+s4], $0x500, $0x38;
	[tilespmem:$0x1FB00] =	vst v63  }
0x86: {  	_ =	swait.ge [sflag:s19], $0x500  }
0x87: {  	[sflag:s19] =	ssyncset.done $0x0  }
0x88: {  	s15 =	sadd.s32 $0x0, s16;
	[sflag:s19] =	ssyncadd.s32 $0xFFFFFB00  }
0x89: {  	[tilespmem:s23], [sflag:$0x3] =	stream.linear.gather [hbm4b:s15+s4], $0x500, $0x38;
	[tilespmem:$0x1FB00] =	vst v63  }
0x8a: {  	_ =	swait.ge [sflag:s19], $0x500  }
0x8b: {  	[sflag:s19] =	ssyncset.done $0x0  }
0x8c: {  	[sflag:s19] =	ssyncadd.s32 $0xFFFFFB00  }
0x8d: {  	[tilespmem:s18], [sflag:$0x1] =	stream.indirect.gather [spmem:s3], $0x40, s22, s24, $0xb8;
	[tilespmem:$0x1FB00] =	vst v63  }
0x8e: {  	_ = 	snop  }
0x8f: {  	[tilespmem:s21], [sflag:$0x2] =	stream.indirect.gather [spmem:s3], $0x40, s25, s24, $0xb8;
	[tilespmem:$0x1FB00] =	vst v63  }
0x90: {  	_ =	swait.ge [sflag:s26], $0x5000  }
0x91: {  	[sflag:s26] =	ssyncset.done $0x0  }
0x92: {  	[sflag:s26] =	ssyncadd.s32 $0xFFFFB000  }
0x93: {  	[spmem:s2] =	stream.indirect.scatter.add.f32 [tilespmem:s18], [sflag:$0x3], $0x40, s23, s24, $0xb8;
	[tilespmem:$0x1FB00] =	vst v63  }
0x94: {  	_ =	swait.ge [sflag:s19], $0x5000  }
0x95: {  	[sflag:s19] =	ssyncset.done $0x0  }
0x96: {  	[sflag:s19] =	ssyncadd.s32 $0xFFFFB000  }
0x97: {  	[tilespmem:s18], [sflag:$0x1] =	stream.indirect.gather [spmem:s3], $0x40, s28, s24, $0xb8;
	[tilespmem:$0x1FB00] =	vst v63  }
0x98: {  	_ =	swait.ge [sflag:s29], $0x5000  }
0x99: {  	[sflag:s29] =	ssyncset.done $0x0  }
0x9a: {  	[sflag:s29] =	ssyncadd.s32 $0xFFFFB000  }
0x9b: {  	[spmem:s2] =	stream.indirect.scatter.add.f32 [tilespmem:s21], [sflag:$0x3], $0x40, s30, s24, $0xb8;
	[tilespmem:$0x1FB00] =	vst v63  }
0x9c: {  	_ =	swait.ge [sflag:s19], $0x5000  }
0x9d: {  	[sflag:s19] =	ssyncset.done $0x0  }
0x9e: {  	[sflag:s19] =	ssyncadd.s32 $0xFFFFB000  }
0x9f: {  	[tilespmem:s21], [sflag:$0x2] =	stream.indirect.gather [spmem:s3], $0x40, s31, s24, $0xb8;
	[tilespmem:$0x1FB00] =	vst v63  }
0xa0: {  	_ =	swait.ge [sflag:s26], $0x5000  }
0xa1: {  	[sflag:s26] =	ssyncset.done $0x0  }
0xa2: {  	[sflag:s26] =	ssyncadd.s32 $0xFFFFB000  }
0xa3: {  	[spmem:s2] =	stream.indirect.scatter.add.f32 [tilespmem:s18], [sflag:$0x3], $0x40, s1, s24, $0xb8;
	[tilespmem:$0x1FB00] =	vst v63  }
0xa4: {  	_ =	swait.ge [sflag:s19], $0x5000  }
0xa5: {  	[sflag:s19] =	ssyncset.done $0x0  }
0xa6: {  	[sflag:s19] =	ssyncadd.s32 $0xFFFFB000  }
0xa7: {  	_ =	swait.ge [sflag:s29], $0x5000  }
0xa8: {  	[sflag:s29] =	ssyncset.done $0x0  }
0xa9: {  	[sflag:s29] =	ssyncadd.s32 $0xFFFFB000  }
0xaa: {  	[spmem:s2] =	stream.indirect.scatter.add.f32 [tilespmem:s21], [sflag:$0x3], $0x40, s0, s24, $0xb8;
	[tilespmem:$0x1FB00] =	vst v63  }
0xab: {  	_ =	swait.ge [sflag:s19], $0x5000  }
0xac: {  	s13 =	simm.s32 $0xA0;
	s9 =	simm.s32 $0x140;
	[sflag:s19] =	ssyncset.done $0x0  }
.LBB2_12:
0xad: {  	s10 =	sadd.s32 s13, s17  }
0xae: {  	[sflag:s19] =	ssyncadd.s32 $0xFFFFB000;
	s11 =	smov.u32 s9;
	s14 =	sadd.s32 $0xA0, s9  }
0xaf: {  	[tilespmem:s22], [sflag:$0x3] =	stream.linear.gather [hbm4b:s10+s4], $0x500, $0x38;
	[tilespmem:$0x1FB00] =	vst v63  }
0xb0: {  	p1 =	sne.s32 s9, $0x460;
	_ =	swait.ge [sflag:s19], $0x500  }
0xb1: {  	[sflag:s19] =	ssyncset.done $0x0  }
0xb2: {  	s9 =	sadd.s32 s13, s16;
	s13 =	smov.u32 s11;
	[sflag:s19] =	ssyncadd.s32 $0xFFFFFB00  }
0xb3: {  	[tilespmem:s23], [sflag:$0x3] =	stream.linear.gather [hbm4b:s9+s4], $0x500, $0x38;
	[tilespmem:$0x1FB00] =	vst v63  }
0xb4: {  	_ =	swait.ge [sflag:s19], $0x500  }
0xb5: {  	[sflag:s19] =	ssyncset.done $0x0  }
0xb6: {  	[sflag:s19] =	ssyncadd.s32 $0xFFFFFB00  }
0xb7: {  	[tilespmem:s18], [sflag:$0x1] =	stream.indirect.gather [spmem:s3], $0x40, s22, s24, $0xb8;
	[tilespmem:$0x1FB00] =	vst v63  }
0xb8: {  	_ = 	snop  }
0xb9: {  	[tilespmem:s21], [sflag:$0x2] =	stream.indirect.gather [spmem:s3], $0x40, s25, s24, $0xb8;
	[tilespmem:$0x1FB00] =	vst v63  }
0xba: {  	_ =	swait.ge [sflag:s26], $0x5000  }
0xbb: {  	[sflag:s26] =	ssyncset.done $0x0  }
0xbc: {  	[sflag:s26] =	ssyncadd.s32 $0xFFFFB000  }
0xbd: {  	[spmem:s2] =	stream.indirect.scatter.add.f32 [tilespmem:s18], [sflag:$0x3], $0x40, s23, s24, $0xb8;
	[tilespmem:$0x1FB00] =	vst v63  }
0xbe: {  	_ =	swait.ge [sflag:s19], $0x5000  }
0xbf: {  	[sflag:s19] =	ssyncset.done $0x0  }
0xc0: {  	[sflag:s19] =	ssyncadd.s32 $0xFFFFB000  }
0xc1: {  	[tilespmem:s18], [sflag:$0x1] =	stream.indirect.gather [spmem:s3], $0x40, s28, s24, $0xb8;
	[tilespmem:$0x1FB00] =	vst v63  }
0xc2: {  	_ =	swait.ge [sflag:s29], $0x5000  }
0xc3: {  	[sflag:s29] =	ssyncset.done $0x0  }
0xc4: {  	[sflag:s29] =	ssyncadd.s32 $0xFFFFB000  }
0xc5: {  	[spmem:s2] =	stream.indirect.scatter.add.f32 [tilespmem:s21], [sflag:$0x3], $0x40, s30, s24, $0xb8;
	[tilespmem:$0x1FB00] =	vst v63  }
0xc6: {  	_ =	swait.ge [sflag:s19], $0x5000  }
0xc7: {  	[sflag:s19] =	ssyncset.done $0x0  }
0xc8: {  	[sflag:s19] =	ssyncadd.s32 $0xFFFFB000  }
0xc9: {  	[tilespmem:s21], [sflag:$0x2] =	stream.indirect.gather [spmem:s3], $0x40, s31, s24, $0xb8;
	[tilespmem:$0x1FB00] =	vst v63  }
0xca: {  	_ =	swait.ge [sflag:s26], $0x5000  }
0xcb: {  	[sflag:s26] =	ssyncset.done $0x0  }
0xcc: {  	[sflag:s26] =	ssyncadd.s32 $0xFFFFB000  }
0xcd: {  	[spmem:s2] =	stream.indirect.scatter.add.f32 [tilespmem:s18], [sflag:$0x3], $0x40, s1, s24, $0xb8;
	[tilespmem:$0x1FB00] =	vst v63  }
0xce: {  	_ =	swait.ge [sflag:s19], $0x5000  }
0xcf: {  	[sflag:s19] =	ssyncset.done $0x0  }
0xd0: {  	[sflag:s19] =	ssyncadd.s32 $0xFFFFB000  }
0xd1: {  	_ =	swait.ge [sflag:s29], $0x5000  }
.Ltmp7:
0xd2: {  	[sflag:s29] =	ssyncset.done $0x0;
	(pc) =	sbr.rel @p1 .LBB2_12-.Ltmp7, $4  }
0xd3: {  	[sflag:s29] =	ssyncadd.s32 $0xFFFFB000  }
0xd4: {  	[spmem:s2] =	stream.indirect.scatter.add.f32 [tilespmem:s21], [sflag:$0x3], $0x40, s0, s24, $0xb8;
	[tilespmem:$0x1FB00] =	vst v63  }
0xd5: {  	_ =	swait.ge [sflag:s19], $0x5000  }
0xd6: {  	s9 =	smov.u32 s14;
	[sflag:s19] =	ssyncset.done $0x0  }
0xd7: {  	s9 =	sadd.s32 s13, s17;
	[sflag:s19] =	ssyncadd.s32 $0xFFFFB000  }
0xd8: {  	[tilespmem:s22], [sflag:$0x3] =	stream.linear.gather [hbm4b:s9+s4], $0x500, $0x38;
	[tilespmem:$0x1FB00] =	vst v63  }
0xd9: {  	_ =	swait.ge [sflag:s19], $0x500  }
0xda: {  	[sflag:s19] =	ssyncset.done $0x0  }
0xdb: {  	s15 =	sadd.s32 s13, s16;
	[sflag:s19] =	ssyncadd.s32 $0xFFFFFB00  }
0xdc: {  	[tilespmem:s23], [sflag:$0x3] =	stream.linear.gather [hbm4b:s15+s4], $0x500, $0x38;
	[tilespmem:$0x1FB00] =	vst v63  }
0xdd: {  	_ =	swait.ge [sflag:s19], $0x500  }
0xde: {  	[sflag:s19] =	ssyncset.done $0x0  }
0xdf: {  	[sflag:s19] =	ssyncadd.s32 $0xFFFFFB00  }
0xe0: {  	[tilespmem:s18], [sflag:$0x1] =	stream.indirect.gather [spmem:s3], $0x40, s22, s24, $0xb8;
	[tilespmem:$0x1FB00] =	vst v63  }
0xe1: {  	_ = 	snop  }
0xe2: {  	[tilespmem:s21], [sflag:$0x2] =	stream.indirect.gather [spmem:s3], $0x40, s25, s24, $0xb8;
	[tilespmem:$0x1FB00] =	vst v63  }
0xe3: {  	_ =	swait.ge [sflag:s26], $0x5000  }
0xe4: {  	[sflag:s26] =	ssyncset.done $0x0  }
0xe5: {  	[sflag:s26] =	ssyncadd.s32 $0xFFFFB000  }
0xe6: {  	[spmem:s2] =	stream.indirect.scatter.add.f32 [tilespmem:s18], [sflag:$0x3], $0x40, s23, s24, $0xb8;
	[tilespmem:$0x1FB00] =	vst v63  }
0xe7: {  	_ =	swait.ge [sflag:s19], $0x5000  }
0xe8: {  	[sflag:s19] =	ssyncset.done $0x0  }
0xe9: {  	[sflag:s19] =	ssyncadd.s32 $0xFFFFB000  }
0xea: {  	[tilespmem:s18], [sflag:$0x1] =	stream.indirect.gather [spmem:s3], $0x40, s28, s24, $0xb8;
	[tilespmem:$0x1FB00] =	vst v63  }
0xeb: {  	_ =	swait.ge [sflag:s29], $0x5000  }
0xec: {  	[sflag:s29] =	ssyncset.done $0x0  }
0xed: {  	[sflag:s29] =	ssyncadd.s32 $0xFFFFB000  }
0xee: {  	[spmem:s2] =	stream.indirect.scatter.add.f32 [tilespmem:s21], [sflag:$0x3], $0x40, s30, s24, $0xb8;
	[tilespmem:$0x1FB00] =	vst v63  }
0xef: {  	_ =	swait.ge [sflag:s19], $0x5000  }
0xf0: {  	[sflag:s19] =	ssyncset.done $0x0  }
0xf1: {  	[sflag:s19] =	ssyncadd.s32 $0xFFFFB000  }
0xf2: {  	[tilespmem:s21], [sflag:$0x2] =	stream.indirect.gather [spmem:s3], $0x40, s31, s24, $0xb8;
	[tilespmem:$0x1FB00] =	vst v63  }
0xf3: {  	_ =	swait.ge [sflag:s26], $0x5000  }
0xf4: {  	[sflag:s26] =	ssyncset.done $0x0  }
0xf5: {  	[sflag:s26] =	ssyncadd.s32 $0xFFFFB000  }
0xf6: {  	[spmem:s2] =	stream.indirect.scatter.add.f32 [tilespmem:s18], [sflag:$0x3], $0x40, s1, s24, $0xb8;
	[tilespmem:$0x1FB00] =	vst v63  }
0xf7: {  	_ =	swait.ge [sflag:s19], $0x5000  }
0xf8: {  	[sflag:s19] =	ssyncset.done $0x0  }
0xf9: {  	[sflag:s19] =	ssyncadd.s32 $0xFFFFB000  }
0xfa: {  	_ =	swait.ge [sflag:s29], $0x5000  }
0xfb: {  	[sflag:s29] =	ssyncset.done $0x0  }
0xfc: {  	[sflag:s29] =	ssyncadd.s32 $0xFFFFB000  }
0xfd: {  	[spmem:s2] =	stream.indirect.scatter.add.f32 [tilespmem:s21], [sflag:$0x3], $0x40, s0, s24, $0xb8;
	[tilespmem:$0x1FB00] =	vst v63  }
0xfe: {  	_ =	swait.ge [sflag:s19], $0x5000  }
0xff: {  	[sflag:s19] =	ssyncset.done $0x0  }
0x100: {  	[sflag:s19] =	ssyncadd.s32 $0xFFFFB000  }
0x101: {  	s13 =	simm.s32 $0x0;
	[bflag:$0x0] =	sbarrier.arrive $0xFFFF  }
.LBB2_14:
0x102: {  	s9 =	smul.u32 $0x30, s13;
	_ =	sdelay $0x1  }
0x103: {  	s14 =	sadd.s32 s8, s9  }
0x104: {  	s9 =	sshll.u32 s14, $0x6  }
0x105: {  	s9 =	sand.u32 $0x3FFFFFC0, s9  }
0x106: {  	s9 =	sadd.s32 s9, s2  }
0x107: {  	[tilespmem:s18], [sflag:$0x3] =	stream.linear.gather [spmem:s9], $0xC00, $0x38;
	[tilespmem:$0x1FB00] =	vst v63  }
0x108: {  	_ =	swait.ge [sflag:s19], $0xC00  }
0x109: {  	[sflag:s19] =	ssyncset.done $0x0  }
0x10a: {  	s15 =	simm.s32 $0x0;
	[sflag:s19] =	ssyncadd.s32 $0xFFFFF400  }
0x10b: {  	v1 =	vld [tilespmem:s15+$0x14300];
	_ =	sdelay $0x3  }
0x10c: {  	s10 =	simm.s32 $0x1E320  }
0x10d: {  	[tilespmem:s10+$0xFFFFFFE0] =	vst v1  }
0x10e: {  	v1 =	vld [tilespmem:s15+$0x14310];
	_ =	sdelay $0x4  }
0x10f: {  	[tilespmem:s10+$0xFFFFFFF0] =	vst v1  }
0x110: {  	v1 =	vld [tilespmem:s15+$0x14320];
	_ =	sdelay $0x4  }
0x111: {  	[tilespmem:s10+$0x0] =	vst v1  }
0x112: {  	v1 =	vld [tilespmem:s15+$0x14330];
	_ =	sdelay $0x4  }
0x113: {  	s11 =	simm.s32 $0x200;
	s9 =	simm.s32 $0x40;
	[tilespmem:s10+$0x10] =	vst v1  }
.LBB2_15:
0x114: {  	p1 =	sne.s32 s11, $0x2F00;
	v1 =	vld [tilespmem:s9+$0x14300];
	_ =	sdelay $0x3  }
0x115: {  	s10 =	sadd.s32 $0x80, s10  }
0x116: {  	[tilespmem:s10+$0xFFFFFFE0] =	vst v1  }
0x117: {  	v1 =	vld [tilespmem:s9+$0x14310];
	_ =	sdelay $0x4  }
0x118: {  	[tilespmem:s10+$0xFFFFFFF0] =	vst v1  }
0x119: {  	v1 =	vld [tilespmem:s9+$0x14320];
	_ =	sdelay $0x4  }
0x11a: {  	[tilespmem:s10+$0x0] =	vst v1  }
0x11b: {  	v1 =	vld [tilespmem:s9+$0x14330]  }
.Ltmp8:
0x11c: {  	(pc) =	sbr.rel @p1 .LBB2_15-.Ltmp8, $2  }
0x11d: {  	_ =	sdelay $0x2  }
0x11e: {  	s9 =	sshra.s32 s11, $0x2;
	s11 =	sadd.s32 $0x100, s11;
	[tilespmem:s10+$0x10] =	vst v1  }
0x11f: {  	v1 =	vld [tilespmem:s9+$0x14300];
	_ =	sdelay $0x3  }
0x120: {  	s10 =	sadd.s32 $0x80, s10  }
0x121: {  	[tilespmem:s10+$0xFFFFFFE0] =	vst v1  }
0x122: {  	v1 =	vld [tilespmem:s9+$0x14310];
	_ =	sdelay $0x4  }
0x123: {  	[tilespmem:s10+$0xFFFFFFF0] =	vst v1  }
0x124: {  	v1 =	vld [tilespmem:s9+$0x14320];
	_ =	sdelay $0x4  }
0x125: {  	[tilespmem:s10+$0x0] =	vst v1  }
0x126: {  	v1 =	vld [tilespmem:s9+$0x14330];
	_ =	sdelay $0x1  }
0x127: {  	s15 =	sshll.u32 s14, $0x7  }
0x128: {  	s13 =	sadd.s32 $0x1, s13;
	s9 =	sadd.s32 s7, s15  }
0x129: {  	p1 =	sne.s32 s13, $0xD;
	s9 =	sshrl.u32 s9, $0x3  }
.Ltmp9:
0x12a: {  	s9 =	sadd.s32 s6, s9;
	[tilespmem:s10+$0x10] =	vst v1;
	(pc) =	sbr.rel @p1 .LBB2_14-.Ltmp9, $4  }
0x12b: {  	[hbm4b:s9+s4] =	stream.linear.scatter [tilespmem:s20], [sflag:$0x3], $0x1800, $0x38;
	[tilespmem:$0x1FB00] =	vst v63  }
0x12c: {  	_ =	swait.ge [sflag:s19], $0x1800  }
0x12d: {  	[sflag:s19] =	ssyncset.done $0x0  }
0x12e: {  	[sflag:s19] =	ssyncadd.s32 $0xFFFFE800  }
.Ltmp10:
0x12f: {  	(pc) =	sbr.rel @p0 .LBB2_21-.Ltmp10, $1  }
0x130: {  	_ =	sdelay $0x3  }
0x131: {  	s9 =	rddreg [dreg:$0x6]  }
0x132: {  	[tilespmem:s18], [sflag:$0x3] =	stream.linear.gather [spmem:s9], $0x400, $0x38;
	[tilespmem:$0x1FB00] =	vst v63  }
0x133: {  	_ =	swait.ge [sflag:s19], $0x400  }
0x134: {  	[sflag:s19] =	ssyncset.done $0x0  }
0x135: {  	s15 =	simm.s32 $0x0;
	[sflag:s19] =	ssyncadd.s32 $0xFFFFFC00  }
0x136: {  	v1 =	vld [tilespmem:s15+$0x14300];
	_ =	sdelay $0x3  }
0x137: {  	s10 =	simm.s32 $0x1E320  }
0x138: {  	[tilespmem:s10+$0xFFFFFFE0] =	vst v1  }
0x139: {  	v1 =	vld [tilespmem:s15+$0x14310];
	_ =	sdelay $0x4  }
0x13a: {  	[tilespmem:s10+$0xFFFFFFF0] =	vst v1  }
0x13b: {  	v1 =	vld [tilespmem:s15+$0x14320];
	_ =	sdelay $0x4  }
0x13c: {  	[tilespmem:s10+$0x0] =	vst v1  }
0x13d: {  	v1 =	vld [tilespmem:s15+$0x14330];
	_ =	sdelay $0x4  }
0x13e: {  	s11 =	simm.s32 $0x200;
	s9 =	simm.s32 $0x40;
	[tilespmem:s10+$0x10] =	vst v1  }
.LBB2_19:
0x13f: {  	p1 =	sne.s32 s11, $0xF00;
	v1 =	vld [tilespmem:s9+$0x14300];
	_ =	sdelay $0x3  }
0x140: {  	s10 =	sadd.s32 $0x80, s10  }
0x141: {  	[tilespmem:s10+$0xFFFFFFE0] =	vst v1  }
0x142: {  	v1 =	vld [tilespmem:s9+$0x14310];
	_ =	sdelay $0x4  }
0x143: {  	[tilespmem:s10+$0xFFFFFFF0] =	vst v1  }
0x144: {  	v1 =	vld [tilespmem:s9+$0x14320];
	_ =	sdelay $0x4  }
0x145: {  	[tilespmem:s10+$0x0] =	vst v1  }
0x146: {  	v1 =	vld [tilespmem:s9+$0x14330]  }
.Ltmp11:
0x147: {  	(pc) =	sbr.rel @p1 .LBB2_19-.Ltmp11, $2  }
0x148: {  	_ =	sdelay $0x2  }
0x149: {  	s9 =	sshra.s32 s11, $0x2;
	s11 =	sadd.s32 $0x100, s11;
	[tilespmem:s10+$0x10] =	vst v1  }
0x14a: {  	v1 =	vld [tilespmem:s9+$0x14300];
	_ =	sdelay $0x3  }
0x14b: {  	s10 =	sadd.s32 $0x80, s10  }
0x14c: {  	[tilespmem:s10+$0xFFFFFFE0] =	vst v1  }
0x14d: {  	v1 =	vld [tilespmem:s9+$0x14310];
	_ =	sdelay $0x4  }
0x14e: {  	[tilespmem:s10+$0xFFFFFFF0] =	vst v1  }
0x14f: {  	v1 =	vld [tilespmem:s9+$0x14320];
	_ =	sdelay $0x4  }
0x150: {  	[tilespmem:s10+$0x0] =	vst v1  }
0x151: {  	v1 =	vld [tilespmem:s9+$0x14330];
	_ =	sdelay $0x4  }
.Ltmp12:
0x152: {  	s15 =	rddreg [dreg:$0x9];
	[tilespmem:s10+$0x10] =	vst v1;
	(pc) =	sbr.rel .LBB2_21-.Ltmp12, $4  }
0x153: {  	[hbm4b:s15+s4] =	stream.linear.scatter [tilespmem:s20], [sflag:$0x3], $0x800, $0x38;
	[tilespmem:$0x1FB00] =	vst v63  }
0x154: {  	_ =	swait.ge [sflag:s19], $0x800  }
0x155: {  	[sflag:s19] =	ssyncset.done $0x0  }
0x156: {  	[sflag:s19] =	ssyncadd.s32 $0xFFFFF800  }
.LBB2_22:
0x157: {  	_ =	sfence.sel $0x180000  }
0x158: {  	[bflag:$0x0] =	sbarrier.arrive $0xFFFF  }
0x159: {  	_ =	strace $0x9000004A  }
0x15a: {  	s0 =	stileid.u32;
	[bflag:$0x2] =	sbarrier.arrive $0xFFFF  }
0x15b: {  	p0 =	sne.s32 s0, $0x0;
	s0 =	rddreg [dreg:$0x3]  }
0x15c: {  	s0 =	sadd.s32 @!p0 $0x100000, s0  }
0x15d: {  	[sflag:s0] =	ssyncadd.tile.s32 @!p0 $0x1;
	_ =	shalt  }
.Lfunc_end2:
_tile_overlayer_lowered:
.L_overlay_start_2:
0x15e: {  	(tag) =	ssettag $0x2  }
0x15f: {  	s0 =	rddreg [dreg:$0x0];
	s2 =	stileid.u32  }
0x160: {  	s1 =	rddreg [dreg:$0x1];
	p0 =	sne.s32 s2, $0x0  }
0x161: {  	s3 =	rddreg [dreg:$0x2];
	[bflag:$0x3] =	sbarrier.arrive $0xFFFF;
	s2 =	simm.s32 @!p0 $0x1C03  }
0x162: {  	[timem:s3], [sflag:s2] =	dma.local @!p0 [hbm:s0], s1  }
0x163: {  	s0 =	simm.s32 @!p0 $0x3  }
0x164: {  	_ =	swait.ge @!p0 [sflag:s0], s1  }
0x165: {  	s1 =	ssub.s32 @!p0 $0x0, s1;
	[sflag:s0] =	ssyncset.done @!p0 $0x0  }
0x166: {  	[sflag:s0] =	ssyncadd.s32 @!p0 s1  }
0x167: {  	[bflag:$0x3] =	sbarrier.arrive $0xFFFF  }
0x168: {  	_ =	shalt  }

// kernel: kernel.16.cloned.1.call-start
scs
__scs_entry_jumppad:
0x0: {  	(pc) =	sbr.rel $0x88, $3  }
0x1: {  	(tag) =	ssettag $0x0;
	lr =	simm.s32 $0x1  }
0x2: {  	[smem:$0x3F97] =	sst lr;
	_ =	strace $0xD0000000  }
0x3: {  	_ = 	snop  }
0x4: {  	_ = 	snop  }
0x5: {  	_ = 	snop  }
0x6: {  	_ = 	snop  }
0x7: {  	_ = 	snop  }
__scs_overlays_trampoline_lowered:
0x8: {  	[smem:$0x3FA6] =	sst s0  }
0x9: {  	[smem:$0x3FA7] =	sst s1  }
0xa: {  	[smem:$0x3FA8] =	sst s2  }
0xb: {  	[smem:$0x3FA9] =	sst s3  }
0xc: {  	[smem:$0x3FAA] =	sst s4  }
0xd: {  	[smem:$0x3FAB] =	sst s5  }
0xe: {  	[smem:$0x3FAC] =	sst s6  }
0xf: {  	[smem:$0x3FAD] =	sst s7  }
0x10: {  	[smem:$0x3FAE] =	sst s8  }
0x11: {  	[smem:$0x3FAF] =	sst s9;
	s0 =	simm.s32 @!p0 $0x0  }
0x12: {  	s1 =	sld [smem:$0x3F95];
	s0 =	simm.s32 @p0 $0x1  }
0x13: {  	[smem:$0x3FB0] =	sst s0;
	s0 =	simm.s32 @!p1 $0x0  }
0x14: {  	s2 =	sld [smem:$0x3F94];
	s0 =	simm.s32 @p1 $0x1  }
0x15: {  	[smem:$0x3FB1] =	sst s0;
	s0 =	simm.s32 @!p2 $0x0  }
0x16: {  	s3 =	sld [smem:$0x3FDB];
	s0 =	simm.s32 @p2 $0x1  }
0x17: {  	s4 =	simm.s32 $0x1BF5;
	[smem:$0x3FB3] =	sst s0  }
0x18: {  	s0 =	sld [smem:$0x3F96];
	_ =	swait.ge [sflag:s4], $0x0  }
0x19: {  	s7 =	sld [smem:$0x3F97]  }
0x1a: {  	s8 =	sadd.s32 $0xFFFFE003, lr  }
0x1b: {  	s9 =	sadd.s32 $0xFFFFFEF7, lr;
	s5 =	simm.s32 $0xFFFFFFFF;
	p2 =	slt.u32 s8, $0xFFFFF086  }
0x1c: {  	p1 =	slt.u32 s9, $0xF7A;
	s5 =	simm.s32 @!p2 $0x0  }
0x1d: {  	s5 =	simm.s32 @p1 $0x1;
	p0 =	seq.s32 s7, s2  }
0x1e: {  	s7 =	smul.u32 @!p0 $0xF7A, s2;
	p2 =	seq.s32 @!p0 s5, $0x0  }
0x1f: {  	s9 =	smul.u32 $0xF7A, s1;
	s8 =	simm.s32 @!p0 $0x1BF5;
	p2 =	por !p2, p0  }
0x20: {  	[sflag:s8] =	ssyncset.s32 @!p0 $0xFFFFF086;
	s6 =	sadd.s32 @!p0 s3, s7;
	s7 =	simm.s32 @!p0 $0x108  }
0x21: {  	s3 =	sadd.s32 s3, s9;
	s6 =	sadd.s32 @!p0 $0x88, s6;
	s7 =	simm.s32 @p2 $0x1082  }
0x22: {  	[simem:s7], [sflag:s8] =	dma.local @!p0 [hbm:s6], $0xF7A  }
0x23: {  	s9 =	sor.u32 $0xD0000000, s2;
	s6 =	simm.s32 $0x108;
	_ =	swait.ge @!p0 [sflag:s8], $0x0  }
0x24: {  	s3 =	sadd.s32 $0x88, s3;
	s6 =	simm.s32 @!p1 $0x1082;
	[sflag:s4] =	ssyncset.s32 $0xFFFFF086  }
0x25: {  	[simem:s6], [sflag:s4] =	dma.local [hbm:s3], $0xF7A  }
0x26: {  	[smem:$0x3F97] =	sst s1;
	(tag) =	ssettag s2;
	_ =	strace s9  }
0x27: {  	s1 =	sld [smem:$0x3FA7]  }
0x28: {  	s2 =	sld [smem:$0x3FA8]  }
0x29: {  	s4 =	sld [smem:$0x3FAA]  }
0x2a: {  	p0 =	seq.s32 s5, $0x0;
	s5 =	sld [smem:$0x3FAB]  }
0x2b: {  	s6 =	sld [smem:$0x3FAC]  }
0x2c: {  	s7 =	sld [smem:$0x3FAD]  }
0x2d: {  	s3 =	simm.s32 $0x108;
	s8 =	sld [smem:$0x3FAE]  }
0x2e: {  	s3 =	simm.s32 @!p0 $0x1082;
	s9 =	sld [smem:$0x3FAF]  }
0x2f: {  	lr =	sadd.s32 s0, s3;
	s0 =	sld [smem:$0x3FA6]  }
0x30: {  	s3 =	sld [smem:$0x3FA9]  }
0x31: {  	[smem:$0x3FB2] =	sst s10  }
0x32: {  	s10 =	sld [smem:$0x3FB0];
	_ =	sdelay $0x3  }
0x33: {  	p0 =	seq.s32 s10, $0x1;
	s10 =	sld [smem:$0x3FB2];
	_ =	sdelay $0x3  }
0x34: {  	[smem:$0x3FB2] =	sst s10  }
0x35: {  	s10 =	sld [smem:$0x3FB1];
	_ =	sdelay $0x3  }
0x36: {  	p1 =	seq.s32 s10, $0x1;
	s10 =	sld [smem:$0x3FB2];
	_ =	sdelay $0x3  }
0x37: {  	[smem:$0x3FB2] =	sst s10  }
0x38: {  	s10 =	sld [smem:$0x3FB3]  }
0x39: {  	_ = 	snop;
	(pc) =	sbr.ind lr, $3  }
0x3a: {  	_ = 	snop  }
0x3b: {  	_ = 	snop  }
0x3c: {  	p2 =	seq.s32 s10, $0x1;
	s10 =	sld [smem:$0x3FB2]  }
0x3d: {  	_ =	shalt  }
0x3e: {  	_ =	shalt  }
0x3f: {  	_ =	shalt  }
0x40: {  	_ =	shalt  }
0x41: {  	_ =	shalt  }
0x42: {  	_ =	shalt  }
0x43: {  	_ =	shalt  }
0x44: {  	_ =	shalt  }
0x45: {  	_ =	shalt  }
0x46: {  	_ =	shalt  }
0x47: {  	_ =	shalt  }
0x48: {  	_ =	shalt  }
0x49: {  	_ =	shalt  }
0x4a: {  	_ =	shalt  }
0x4b: {  	_ =	shalt  }
0x4c: {  	_ =	shalt  }
0x4d: {  	_ =	shalt  }
0x4e: {  	_ =	shalt  }
0x4f: {  	_ =	shalt  }
0x50: {  	_ =	shalt  }
0x51: {  	_ =	shalt  }
0x52: {  	_ =	shalt  }
0x53: {  	_ =	shalt  }
0x54: {  	_ =	shalt  }
0x55: {  	_ =	shalt  }
0x56: {  	_ =	shalt  }
0x57: {  	_ =	shalt  }
0x58: {  	_ =	shalt  }
0x59: {  	_ =	shalt  }
0x5a: {  	_ =	shalt  }
0x5b: {  	_ =	shalt  }
0x5c: {  	_ =	shalt  }
0x5d: {  	_ =	shalt  }
0x5e: {  	_ =	shalt  }
0x5f: {  	_ =	shalt  }
0x60: {  	_ =	shalt  }
0x61: {  	_ =	shalt  }
0x62: {  	_ =	shalt  }
0x63: {  	_ =	shalt  }
0x64: {  	_ =	shalt  }
0x65: {  	_ =	shalt  }
0x66: {  	_ =	shalt  }
0x67: {  	_ =	shalt  }
0x68: {  	_ =	shalt  }
0x69: {  	_ =	shalt  }
0x6a: {  	_ =	shalt  }
0x6b: {  	_ =	shalt  }
0x6c: {  	_ =	shalt  }
0x6d: {  	_ =	shalt  }
0x6e: {  	_ =	shalt  }
0x6f: {  	_ =	shalt  }
0x70: {  	_ =	shalt  }
0x71: {  	_ =	shalt  }
0x72: {  	_ =	shalt  }
0x73: {  	_ =	shalt  }
0x74: {  	_ =	shalt  }
0x75: {  	_ =	shalt  }
0x76: {  	_ =	shalt  }
0x77: {  	_ =	shalt  }
0x78: {  	_ =	shalt  }
0x79: {  	_ =	shalt  }
0x7a: {  	_ =	shalt  }
0x7b: {  	_ =	shalt  }
0x7c: {  	_ =	shalt  }
0x7d: {  	_ =	shalt  }
0x7e: {  	_ =	shalt  }
0x7f: {  	_ =	shalt  }
0x80: {  	_ =	shalt  }
0x81: {  	_ =	shalt  }
0x82: {  	_ =	shalt  }
0x83: {  	_ =	shalt  }
0x84: {  	_ =	shalt  }
0x85: {  	_ =	shalt  }
0x86: {  	_ =	shalt  }
0x87: {  	_ =	shalt  }
.Lfunc_end0:
.L_simem_size_0:
called_computation.2_lowered:
.L_overlay_start_0:
0x88: {  	s2 =	sld [smem:$0x3FD9]  }
0x89: {  	s3 =	sld [smem:$0x3FFE];
	_ =	sdelay $0x1  }
0x8a: {  	s1 =	srdreg.scid  }
0x8b: {  	s0 =	sand.u32 $0x1, s1  }
0x8c: {  	s16 =	sshll.u32 s0, $0xA;
	s2 =	sadd.s32 s3, s2  }
0x8d: {  	s2 =	sadd.s32 s2, s16  }
0x8e: {  	[smem:$0x3FBE] =	sst s2  }
0x8f: {  	_ = 	snop  }
0x90: {  	(tm) =	ssettm $0x1  }
0x91: {  	s17 =	sld [smem:$0x3FFB];
	_ =	sdelay $0x3  }
0x92: {  	_ =	strace s17  }
0x93: {  	s2 =	sld [smem:$0x3FFC];
	_ =	sdelay $0x3  }
0x94: {  	_ =	strace s2  }
0x95: {  	s2 =	sld [smem:$0x3FFD];
	_ =	sdelay $0x3  }
0x96: {  	_ =	strace s2  }
0x97: {  	_ =	strace $0x8FFFFFFF  }
0x98: {  	s18 =	sld [smem:$0x3FDB];
	_ =	sdelay $0x1  }
0x99: {  	s19 =	simm.s32 $_scs_section_size  }
0x9a: {  	s4 =	simm.s32 $_size__tile_overlayer_lowered;
	s5 =	simm.s32 $_tile_overlayer_lowered  }
0x9b: {  	s22 =	simm.s32 $0x1BFF;
	s21 =	sshll.u32 s5, $0x1;
	s2 =	sadd.s32 s19, s18  }
0x9c: {  	s6 =	simm.s32 $0x0;
	s20 =	sshll.u32 s4, $0x1;
	s4 =	sadd.s32 s21, s2  }
0x9d: {  	[timem:s6], [sflag:s22] =	dma.local [hbm:s4], s20  }
0x9e: {  	_ =	swait.ge [sflag:s22], s20  }
0x9f: {  	s3 =	ssub.s32 $0x0, s20;
	[sflag:s22] =	ssyncset.done $0x0  }
0xa0: {  	[sflag:s22] =	ssyncadd.s32 s3;
	_ =	sdelay $0x1  }
0xa1: {  	s23 =	simm.s32 $0x1B8B  }
0xa2: {  	_ =	swait.ge [sflag:s23], $0x1  }
0xa3: {  	[sflag:s23] =	ssyncset.done $0x0  }
0xa4: {  	s25 =	simm.s32 $0x1B8E;
	s24 =	sld [smem:$0x3FFE];
	[sflag:s23] =	ssyncadd.s32 $0xFFFFFFFF  }
0xa5: {  	s26 =	simm.s32 $execute0_lowered;
	[smem:$0x3FD2] =	sst s25  }
0xa6: {  	s4 =	sshll.u32 s26, $0x1;
	_ =	strace $0x8000004C;
	[dreg:$0x1] =	wrdreg $0xFFFFFFFF  }
0xa7: {  	s28 =	simm.s32 $_size_execute0_lowered;
	s2 =	sadd.s32 s2, s4;
	[dreg:$0x0] =	wrdreg $0x0  }
0xa8: {  	s4 =	sshll.u32 s28, $0x1;
	[dreg:$0x2] =	wrdreg s2  }
0xa9: {  	[dreg:$0x3] =	wrdreg s4  }
0xaa: {  	[dreg:$0x4] =	wrdreg $0xC0  }
0xab: {  	_ =	task [dreg:s6], $0x5FFFF  }
0xac: {  	[dreg:$0x1] =	wrdreg $0xFFFFFFFF  }
0xad: {  	[dreg:$0x0] =	wrdreg $0x60  }
0xae: {  	[dreg:$0x2] =	wrdreg s24  }
0xaf: {  	[dreg:$0x3] =	wrdreg $0x9C800  }
0xb0: {  	[dreg:$0x4] =	wrdreg $0x0  }
0xb1: {  	[dreg:$0x5] =	wrdreg $0x9  }
0xb2: {  	_ =	task.clear_ibuf [dreg:s6], $0x6FFFF;
	_ =	strace $0x9000004C  }
0xb3: {  	s29 =	simm.s32 $0x9;
	_ =	strace $0x8000004E  }
0xb4: {  	_ =	swait.ge [sflag:s29], $0x1  }
0xb5: {  	[sflag:s29] =	ssyncadd.s32 $0xFFFFFFFF  }
0xb6: {  	_ =	strace $0x9000004E  }
0xb7: {  	_ =	sfence  }
0xb8: {  	s30 =	sld [smem:$0x0];
	_ =	sdelay $0x2  }
0xb9: {  	s31 =	sshll.u32 s1, $0xD;
	s1 =	sshrl.u32 s1, $0x2  }
0xba: {  	s3 =	sand.u32 $0x4000, s31;
	s1 =	sadd.s32 s1, s30  }
0xbb: {  	s0 =	sor.u32 s3, s0;
	s1 =	sshll.u32 s1, $0x11  }
0xbc: {  	s0 =	sor.u32 s1, s0  }
0xbd: {  	s0 =	sadd.s32 $0x8F2B, s0  }
0xbe: {  	[sflag:s0] =	ssyncadd.remote.s32 $0x1  }
0xbf: {  	_ =	sfence.sel $0xFFFF  }
0xc0: {  	[dreg:$0x0] =	wrdreg $0xFFFFFFFF;
	(pc) =	sbr.abs _section_cstart, $3  }
0xc1: {  	[dreg:$0x1] =	wrdreg $0xFFFFFFFF  }
0xc2: {  	_ =	task.clear_ibuf [dreg:s6], $0x2FFFF;
	_ =	strace $0x9FFFFFFF  }
0xc3: {  	(tm) =	ssettm $0x7FFFFFFF  }
tec
execute0_lowered:
.L_overlay_start_1:
0x0: {  	(tag) =	ssettag $0x1  }
0x1: {  	s0 =	rddreg [dreg:$0x0]  }
0x2: {  	s2 =	rddreg [dreg:$0x1];
	s1 =	srdreg.scid  }
0x3: {  	s12 =	stileid.u32;
	s3 =	rddreg [dreg:$0x2]  }
0x4: {  	s4 =	simm.s32 $0x0;
	s18 =	simm.s32 $0x14300;
	s19 =	simm.s32 $0x3  }
0x5: {  	s28 =	simm.s32 $0x13B80;
	s29 =	simm.s32 $0x2;
	s30 =	simm.s32 $0x13F40  }
0x6: {  	s31 =	simm.s32 $0x13CC0;
	s1 =	sand.u32 $0x1, s1;
	s5 =	smul.u32 $0x5000, s12  }
0x7: {  	[smem:$0x7FF] =	sst s4;
	s7 =	smul.u32 $0x27000, s12;
	s22 =	sadd.s32 $0x9C000, s2  }
0x8: {  	s24 =	sadd.s32 $0x9C000, s3;
	p0 =	sne.s32 s12, $0xF;
	s6 =	smul.u32 $0x2800, s1  }
0x9: {  	_ =	strace $0x8000004D;
	s8 =	ssub.s32 $0x2, s1;
	[dreg:$0x6] =	wrdreg s22  }
0xa: {  	[dreg:$0x8] =	wrdreg s24;
	s22 =	simm.s32 $0x13900;
	s24 =	simm.s32 $0x140  }
0xb: {  	s10 =	sshrl.u32 s8, $0x1;
	s11 =	sshrl.u32 s7, $0x2;
	s7 =	smul.u32 $0x138800, s1  }
0xc: {  	s1 =	simm.s32 $0x14080;
	s6 =	sadd.s32 s6, s5;
	s5 =	sadd.s32 $0x28200, s0  }
0xd: {  	s20 =	ssub.s32 s8, s10;
	s8 =	smul.u32 $0x270, s12;
	s21 =	sadd.s32 s11, s2  }
0xe: {  	s12 =	simm.s32 $0x0;
	s6 =	sshrl.u32 s6, $0x3;
	[dreg:$0x4] =	wrdreg s21  }
0xf: {  	s10 =	sadd.s32 $0x5000, s21;
	s23 =	sshrl.u32 s7, $0x3;
	s26 =	smax.u32 s20, $0x1  }
0x10: {  	s20 =	simm.s32 $0x1E300;
	s21 =	simm.s32 $0x19300;
	s9 =	sadd.s32 s6, s0  }
.Ltmp0:
0x11: {  	s6 =	sadd.s32 $0x4F400, s0;
	[dreg:$0x5] =	wrdreg s10;
	(pc) =	sbr.rel .LBB2_1-.Ltmp0, $4  }
0x12: {  	s0 =	sadd.s32 $0x4F200, s0;
	[dreg:$0xa] =	wrdreg s26;
	s26 =	simm.s32 $0x1  }
0x13: {  	[dreg:$0x7] =	wrdreg s0;
	s25 =	sadd.s32 s6, s23;
	s16 =	sadd.s32 $0x1E200, s9  }
0x14: {  	s17 =	sadd.s32 $0x14200, s9;
	s23 =	simm.s32 $0x13E00;
	s0 =	sadd.s32 $0x27000, s25  }
0x15: {  	v0 =	vimm.f32 $0.0e+00;
	s25 =	simm.s32 $0x13A40;
	[dreg:$0x9] =	wrdreg s0;
	s0 =	simm.s32 $0x141C0  }
.LBB2_21:
0x16: {  	s12 =	sadd.s32 $0x1, s12;
	s9 =	rddreg [dreg:$0xa]  }
0x17: {  	p1 =	sne.s32 s12, s9  }
.Ltmp1:
0x18: {  	_ = 	snop;
	(pc) =	sbr.rel @!p1 .LBB2_22-.Ltmp1, $1  }
0x19: {  	_ =	sdelay $0x3  }
.LBB2_1:
0x1a: {  	s10 =	simm.s32 $0x100;
	s9 =	simm.s32 $0x0  }
.LBB2_2:
0x1b: {  	p1 =	sne.s32 s10, $0x13F00;
	[tilespmem:s9+$0x14330] =	vst v0;
	s11 =	smov.u32 s10;
	s10 =	sadd.s32 $0x100, s10  }
.Ltmp2:
0x1c: {  	[tilespmem:s9+$0x14320] =	vst v0;
	(pc) =	sbr.rel @p1 .LBB2_2-.Ltmp2, $3  }
0x1d: {  	[tilespmem:s9+$0x14300] =	vst v0  }
0x1e: {  	[tilespmem:s9+$0x14310] =	vst v0;
	_ =	sdelay $0x1  }
0x1f: {  	s9 =	sshra.s32 s11, $0x2  }
0x20: {  	[tilespmem:s9+$0x14330] =	vst v0  }
0x21: {  	[tilespmem:s9+$0x14320] =	vst v0  }
0x22: {  	[tilespmem:s9+$0x14300] =	vst v0  }
0x23: {  	[tilespmem:s9+$0x14310] =	vst v0;
	s14 =	rddreg [dreg:$0x4]  }
0x24: {  	[spmem:s14] =	stream.linear.scatter [tilespmem:s18], [sflag:$0x3], $0x5000, $0x38;
	[tilespmem:$0x1FB00] =	vst v63  }
0x25: {  	_ =	swait.ge [sflag:s19], $0x5000  }
0x26: {  	[sflag:s19] =	ssyncset.done $0x0  }
0x27: {  	s15 =	rddreg [dreg:$0x5];
	[sflag:s19] =	ssyncadd.s32 $0xFFFFB000  }
0x28: {  	[spmem:s15] =	stream.linear.scatter [tilespmem:s18], [sflag:$0x3], $0x4C00, $0x38;
	[tilespmem:$0x1FB00] =	vst v63  }
0x29: {  	_ =	swait.ge [sflag:s19], $0x4C00  }
0x2a: {  	[sflag:s19] =	ssyncset.done $0x0  }
0x2b: {  	s9 =	simm.s32 @!p0 $0x14300;
	s10 =	rddreg [dreg:$0x6];
	[sflag:s19] =	ssyncadd.s32 $0xFFFFB400  }
0x2c: {  	[spmem:s10] =	stream.linear.scatter @!p0 [tilespmem:s9], [sflag:$0x3], $0x400, $0x38;
	[tilespmem:$0x1FB00] =	vst v63  }
0x2d: {  	s9 =	simm.s32 @!p0 $0x3  }
0x2e: {  	_ =	swait.ge @!p0 [sflag:s9], $0x400  }
0x2f: {  	[sflag:s9] =	ssyncset.done @!p0 $0x0  }
0x30: {  	s13 =	simm.s32 $0x0;
	s14 =	simm.s32 $0x0;
	[sflag:s9] =	ssyncadd.s32 @!p0 $0xFFFFFC00  }
.LBB2_4:
0x31: {  	s9 =	smul.u32 $0x30, s14;
	_ =	sdelay $0x1  }
0x32: {  	s10 =	sadd.s32 s8, s9  }
0x33: {  	s9 =	sshll.u32 s10, $0x4  }
0x34: {  	s9 =	sadd.s32 s5, s9  }
0x35: {  	[tilespmem:s20], [sflag:$0x3] =	stream.linear.gather [hbm4b:s9+s13], $0x1800, $0x38;
	[tilespmem:$0x1FB00] =	vst v63  }
0x36: {  	_ =	swait.ge [sflag:s19], $0x1800  }
0x37: {  	[sflag:s19] =	ssyncset.done $0x0  }
0x38: {  	s11 =	simm.s32 $0x0;
	[sflag:s19] =	ssyncadd.s32 $0xFFFFE800  }
0x39: {  	v1 =	vld [tilespmem:s11+$0x1E300];
	_ =	sdelay $0x3  }
0x3a: {  	s15 =	simm.s32 $0x19320  }
0x3b: {  	[tilespmem:s15+$0xFFFFFFE0] =	vst v1  }
0x3c: {  	v1 =	vld [tilespmem:s11+$0x1E310];
	_ =	sdelay $0x4  }
0x3d: {  	[tilespmem:s15+$0xFFFFFFF0] =	vst v1  }
0x3e: {  	v1 =	vld [tilespmem:s11+$0x1E320];
	_ =	sdelay $0x4  }
0x3f: {  	[tilespmem:s15+$0x0] =	vst v1  }
0x40: {  	v1 =	vld [tilespmem:s11+$0x1E330];
	_ =	sdelay $0x4  }
0x41: {  	s9 =	simm.s32 $0x80;
	s11 =	simm.s32 $0x400;
	[tilespmem:s15+$0x10] =	vst v1  }
.LBB2_5:
0x42: {  	p1 =	sne.s32 s11, $0x5E00;
	v1 =	vld [tilespmem:s9+$0x1E300];
	_ =	sdelay $0x3  }
0x43: {  	s15 =	sadd.s32 $0x40, s15  }
0x44: {  	[tilespmem:s15+$0xFFFFFFE0] =	vst v1  }
0x45: {  	v1 =	vld [tilespmem:s9+$0x1E310];
	_ =	sdelay $0x4  }
0x46: {  	[tilespmem:s15+$0xFFFFFFF0] =	vst v1  }
0x47: {  	v1 =	vld [tilespmem:s9+$0x1E320];
	_ =	sdelay $0x4  }
0x48: {  	[tilespmem:s15+$0x0] =	vst v1  }
0x49: {  	v1 =	vld [tilespmem:s9+$0x1E330]  }
.Ltmp3:
0x4a: {  	(pc) =	sbr.rel @p1 .LBB2_5-.Ltmp3, $2  }
0x4b: {  	_ =	sdelay $0x2  }
0x4c: {  	s9 =	sshra.s32 s11, $0x2;
	s11 =	sadd.s32 $0x200, s11;
	[tilespmem:s15+$0x10] =	vst v1  }
0x4d: {  	v1 =	vld [tilespmem:s9+$0x1E300];
	_ =	sdelay $0x3  }
0x4e: {  	s11 =	sadd.s32 $0x40, s15  }
0x4f: {  	[tilespmem:s11+$0xFFFFFFE0] =	vst v1  }
0x50: {  	v1 =	vld [tilespmem:s9+$0x1E310];
	_ =	sdelay $0x4  }
0x51: {  	[tilespmem:s11+$0xFFFFFFF0] =	vst v1  }
0x52: {  	v1 =	vld [tilespmem:s9+$0x1E320];
	_ =	sdelay $0x4  }
0x53: {  	[tilespmem:s11+$0x0] =	vst v1  }
0x54: {  	v1 =	vld [tilespmem:s9+$0x1E330];
	_ =	sdelay $0x2  }
0x55: {  	s15 =	sshll.u32 s10, $0x6;
	s14 =	sadd.s32 $0x1, s14  }
0x56: {  	p1 =	sne.s32 s14, $0xD;
	s9 =	sand.u32 $0x3FFFFFC0, s15  }
.Ltmp4:
0x57: {  	s9 =	sadd.s32 s9, s3;
	[tilespmem:s11+$0x10] =	vst v1;
	(pc) =	sbr.rel @p1 .LBB2_4-.Ltmp4, $4  }
0x58: {  	[spmem:s9] =	stream.linear.scatter [tilespmem:s21], [sflag:$0x3], $0xC00, $0x38;
	[tilespmem:$0x1FB00] =	vst v63  }
0x59: {  	_ =	swait.ge [sflag:s19], $0xC00  }
0x5a: {  	[sflag:s19] =	ssyncset.done $0x0  }
0x5b: {  	[sflag:s19] =	ssyncadd.s32 $0xFFFFF400  }
.Ltmp5:
0x5c: {  	(pc) =	sbr.rel @p0 .LBB2_11-.Ltmp5, $1  }
0x5d: {  	_ =	sdelay $0x3  }
0x5e: {  	s9 =	simm.s32 $0x0;
	s10 =	rddreg [dreg:$0x7]  }
0x5f: {  	[tilespmem:s20], [sflag:$0x3] =	stream.linear.gather [hbm4b:s10+s9], $0x800, $0x38;
	[tilespmem:$0x1FB00] =	vst v63  }
0x60: {  	_ =	swait.ge [sflag:s19], $0x800  }
0x61: {  	[sflag:s19] =	ssyncset.done $0x0  }
0x62: {  	s15 =	simm.s32 $0x0;
	[sflag:s19] =	ssyncadd.s32 $0xFFFFF800  }
0x63: {  	v1 =	vld [tilespmem:s15+$0x1E300];
	_ =	sdelay $0x3  }
0x64: {  	s10 =	simm.s32 $0x19320  }
0x65: {  	[tilespmem:s10+$0xFFFFFFE0] =	vst v1  }
0x66: {  	v1 =	vld [tilespmem:s15+$0x1E310];
	_ =	sdelay $0x4  }
0x67: {  	[tilespmem:s10+$0xFFFFFFF0] =	vst v1  }
0x68: {  	v1 =	vld [tilespmem:s15+$0x1E320];
	_ =	sdelay $0x4  }
0x69: {  	[tilespmem:s10+$0x0] =	vst v1  }
0x6a: {  	v1 =	vld [tilespmem:s15+$0x1E330];
	_ =	sdelay $0x4  }
0x6b: {  	s11 =	simm.s32 $0x400;
	s9 =	simm.s32 $0x80;
	[tilespmem:s10+$0x10] =	vst v1  }
.LBB2_9:
0x6c: {  	p1 =	sne.s32 s11, $0x1E00;
	v1 =	vld [tilespmem:s9+$0x1E300];
	_ =	sdelay $0x3  }
0x6d: {  	s10 =	sadd.s32 $0x40, s10  }
0x6e: {  	[tilespmem:s10+$0xFFFFFFE0] =	vst v1  }
0x6f: {  	v1 =	vld [tilespmem:s9+$0x1E310];
	_ =	sdelay $0x4  }
0x70: {  	[tilespmem:s10+$0xFFFFFFF0] =	vst v1  }
0x71: {  	v1 =	vld [tilespmem:s9+$0x1E320];
	_ =	sdelay $0x4  }
0x72: {  	[tilespmem:s10+$0x0] =	vst v1  }
0x73: {  	v1 =	vld [tilespmem:s9+$0x1E330]  }
.Ltmp6:
0x74: {  	(pc) =	sbr.rel @p1 .LBB2_9-.Ltmp6, $2  }
0x75: {  	_ =	sdelay $0x2  }
0x76: {  	s9 =	sshra.s32 s11, $0x2;
	s11 =	sadd.s32 $0x200, s11;
	[tilespmem:s10+$0x10] =	vst v1  }
0x77: {  	v1 =	vld [tilespmem:s9+$0x1E300];
	_ =	sdelay $0x3  }
0x78: {  	s10 =	sadd.s32 $0x40, s10  }
0x79: {  	[tilespmem:s10+$0xFFFFFFE0] =	vst v1  }
0x7a: {  	v1 =	vld [tilespmem:s9+$0x1E310];
	_ =	sdelay $0x4  }
0x7b: {  	[tilespmem:s10+$0xFFFFFFF0] =	vst v1  }
0x7c: {  	v1 =	vld [tilespmem:s9+$0x1E320];
	_ =	sdelay $0x4  }
0x7d: {  	[tilespmem:s10+$0x0] =	vst v1  }
0x7e: {  	v1 =	vld [tilespmem:s9+$0x1E330];
	_ =	sdelay $0x4  }
0x7f: {  	s15 =	rddreg [dreg:$0x8];
	[tilespmem:s10+$0x10] =	vst v1  }
0x80: {  	[spmem:s15] =	stream.linear.scatter [tilespmem:s21], [sflag:$0x3], $0x400, $0x38;
	[tilespmem:$0x1FB00] =	vst v63  }
0x81: {  	_ =	swait.ge [sflag:s19], $0x400  }
0x82: {  	[sflag:s19] =	ssyncset.done $0x0  }
0x83: {  	[sflag:s19] =	ssyncadd.s32 $0xFFFFFC00  }
.LBB2_11:
0x84: {  	[bflag:$0x0] =	sbarrier.arrive $0xFFFF;
	s9 =	sadd.s32 $0x0, s17  }
0x85: {  	[tilespmem:s22], [sflag:$0x3] =	stream.linear.gather [hbm4b:s9+s4], $0x500, $0x38;
	[tilespmem:$0x1FB00] =	vst v63  }
0x86: {  	_ =	swait.ge [sflag:s19], $0x500  }
0x87: {  	[sflag:s19] =	ssyncset.done $0x0  }
0x88: {  	s15 =	sadd.s32 $0x0, s16;
	[sflag:s19] =	ssyncadd.s32 $0xFFFFFB00  }
0x89: {  	[tilespmem:s23], [sflag:$0x3] =	stream.linear.gather [hbm4b:s15+s4], $0x500, $0x38;
	[tilespmem:$0x1FB00] =	vst v63  }
0x8a: {  	_ =	swait.ge [sflag:s19], $0x500  }
0x8b: {  	[sflag:s19] =	ssyncset.done $0x0  }
0x8c: {  	[sflag:s19] =	ssyncadd.s32 $0xFFFFFB00  }
0x8d: {  	[tilespmem:s18], [sflag:$0x1] =	stream.indirect.gather [spmem:s3], $0x40, s22, s24, $0xb8;
	[tilespmem:$0x1FB00] =	vst v63  }
0x8e: {  	_ = 	snop  }
0x8f: {  	[tilespmem:s21], [sflag:$0x2] =	stream.indirect.gather [spmem:s3], $0x40, s25, s24, $0xb8;
	[tilespmem:$0x1FB00] =	vst v63  }
0x90: {  	_ =	swait.ge [sflag:s26], $0x5000  }
0x91: {  	[sflag:s26] =	ssyncset.done $0x0  }
0x92: {  	[sflag:s26] =	ssyncadd.s32 $0xFFFFB000  }
0x93: {  	[spmem:s2] =	stream.indirect.scatter.add.f32 [tilespmem:s18], [sflag:$0x3], $0x40, s23, s24, $0xb8;
	[tilespmem:$0x1FB00] =	vst v63  }
0x94: {  	_ =	swait.ge [sflag:s19], $0x5000  }
0x95: {  	[sflag:s19] =	ssyncset.done $0x0  }
0x96: {  	[sflag:s19] =	ssyncadd.s32 $0xFFFFB000  }
0x97: {  	[tilespmem:s18], [sflag:$0x1] =	stream.indirect.gather [spmem:s3], $0x40, s28, s24, $0xb8;
	[tilespmem:$0x1FB00] =	vst v63  }
0x98: {  	_ =	swait.ge [sflag:s29], $0x5000  }
0x99: {  	[sflag:s29] =	ssyncset.done $0x0  }
0x9a: {  	[sflag:s29] =	ssyncadd.s32 $0xFFFFB000  }
0x9b: {  	[spmem:s2] =	stream.indirect.scatter.add.f32 [tilespmem:s21], [sflag:$0x3], $0x40, s30, s24, $0xb8;
	[tilespmem:$0x1FB00] =	vst v63  }
0x9c: {  	_ =	swait.ge [sflag:s19], $0x5000  }
0x9d: {  	[sflag:s19] =	ssyncset.done $0x0  }
0x9e: {  	[sflag:s19] =	ssyncadd.s32 $0xFFFFB000  }
0x9f: {  	[tilespmem:s21], [sflag:$0x2] =	stream.indirect.gather [spmem:s3], $0x40, s31, s24, $0xb8;
	[tilespmem:$0x1FB00] =	vst v63  }
0xa0: {  	_ =	swait.ge [sflag:s26], $0x5000  }
0xa1: {  	[sflag:s26] =	ssyncset.done $0x0  }
0xa2: {  	[sflag:s26] =	ssyncadd.s32 $0xFFFFB000  }
0xa3: {  	[spmem:s2] =	stream.indirect.scatter.add.f32 [tilespmem:s18], [sflag:$0x3], $0x40, s1, s24, $0xb8;
	[tilespmem:$0x1FB00] =	vst v63  }
0xa4: {  	_ =	swait.ge [sflag:s19], $0x5000  }
0xa5: {  	[sflag:s19] =	ssyncset.done $0x0  }
0xa6: {  	[sflag:s19] =	ssyncadd.s32 $0xFFFFB000  }
0xa7: {  	_ =	swait.ge [sflag:s29], $0x5000  }
0xa8: {  	[sflag:s29] =	ssyncset.done $0x0  }
0xa9: {  	[sflag:s29] =	ssyncadd.s32 $0xFFFFB000  }
0xaa: {  	[spmem:s2] =	stream.indirect.scatter.add.f32 [tilespmem:s21], [sflag:$0x3], $0x40, s0, s24, $0xb8;
	[tilespmem:$0x1FB00] =	vst v63  }
0xab: {  	_ =	swait.ge [sflag:s19], $0x5000  }
0xac: {  	s13 =	simm.s32 $0xA0;
	s9 =	simm.s32 $0x140;
	[sflag:s19] =	ssyncset.done $0x0  }
.LBB2_12:
0xad: {  	s10 =	sadd.s32 s13, s17  }
0xae: {  	[sflag:s19] =	ssyncadd.s32 $0xFFFFB000;
	s11 =	smov.u32 s9;
	s14 =	sadd.s32 $0xA0, s9  }
0xaf: {  	[tilespmem:s22], [sflag:$0x3] =	stream.linear.gather [hbm4b:s10+s4], $0x500, $0x38;
	[tilespmem:$0x1FB00] =	vst v63  }
0xb0: {  	p1 =	sne.s32 s9, $0x460;
	_ =	swait.ge [sflag:s19], $0x500  }
0xb1: {  	[sflag:s19] =	ssyncset.done $0x0  }
0xb2: {  	s9 =	sadd.s32 s13, s16;
	s13 =	smov.u32 s11;
	[sflag:s19] =	ssyncadd.s32 $0xFFFFFB00  }
0xb3: {  	[tilespmem:s23], [sflag:$0x3] =	stream.linear.gather [hbm4b:s9+s4], $0x500, $0x38;
	[tilespmem:$0x1FB00] =	vst v63  }
0xb4: {  	_ =	swait.ge [sflag:s19], $0x500  }
0xb5: {  	[sflag:s19] =	ssyncset.done $0x0  }
0xb6: {  	[sflag:s19] =	ssyncadd.s32 $0xFFFFFB00  }
0xb7: {  	[tilespmem:s18], [sflag:$0x1] =	stream.indirect.gather [spmem:s3], $0x40, s22, s24, $0xb8;
	[tilespmem:$0x1FB00] =	vst v63  }
0xb8: {  	_ = 	snop  }
0xb9: {  	[tilespmem:s21], [sflag:$0x2] =	stream.indirect.gather [spmem:s3], $0x40, s25, s24, $0xb8;
	[tilespmem:$0x1FB00] =	vst v63  }
0xba: {  	_ =	swait.ge [sflag:s26], $0x5000  }
0xbb: {  	[sflag:s26] =	ssyncset.done $0x0  }
0xbc: {  	[sflag:s26] =	ssyncadd.s32 $0xFFFFB000  }
0xbd: {  	[spmem:s2] =	stream.indirect.scatter.add.f32 [tilespmem:s18], [sflag:$0x3], $0x40, s23, s24, $0xb8;
	[tilespmem:$0x1FB00] =	vst v63  }
0xbe: {  	_ =	swait.ge [sflag:s19], $0x5000  }
0xbf: {  	[sflag:s19] =	ssyncset.done $0x0  }
0xc0: {  	[sflag:s19] =	ssyncadd.s32 $0xFFFFB000  }
0xc1: {  	[tilespmem:s18], [sflag:$0x1] =	stream.indirect.gather [spmem:s3], $0x40, s28, s24, $0xb8;
	[tilespmem:$0x1FB00] =	vst v63  }
0xc2: {  	_ =	swait.ge [sflag:s29], $0x5000  }
0xc3: {  	[sflag:s29] =	ssyncset.done $0x0  }
0xc4: {  	[sflag:s29] =	ssyncadd.s32 $0xFFFFB000  }
0xc5: {  	[spmem:s2] =	stream.indirect.scatter.add.f32 [tilespmem:s21], [sflag:$0x3], $0x40, s30, s24, $0xb8;
	[tilespmem:$0x1FB00] =	vst v63  }
0xc6: {  	_ =	swait.ge [sflag:s19], $0x5000  }
0xc7: {  	[sflag:s19] =	ssyncset.done $0x0  }
0xc8: {  	[sflag:s19] =	ssyncadd.s32 $0xFFFFB000  }
0xc9: {  	[tilespmem:s21], [sflag:$0x2] =	stream.indirect.gather [spmem:s3], $0x40, s31, s24, $0xb8;
	[tilespmem:$0x1FB00] =	vst v63  }
0xca: {  	_ =	swait.ge [sflag:s26], $0x5000  }
0xcb: {  	[sflag:s26] =	ssyncset.done $0x0  }
0xcc: {  	[sflag:s26] =	ssyncadd.s32 $0xFFFFB000  }
0xcd: {  	[spmem:s2] =	stream.indirect.scatter.add.f32 [tilespmem:s18], [sflag:$0x3], $0x40, s1, s24, $0xb8;
	[tilespmem:$0x1FB00] =	vst v63  }
0xce: {  	_ =	swait.ge [sflag:s19], $0x5000  }
0xcf: {  	[sflag:s19] =	ssyncset.done $0x0  }
0xd0: {  	[sflag:s19] =	ssyncadd.s32 $0xFFFFB000  }
0xd1: {  	_ =	swait.ge [sflag:s29], $0x5000  }
.Ltmp7:
0xd2: {  	[sflag:s29] =	ssyncset.done $0x0;
	(pc) =	sbr.rel @p1 .LBB2_12-.Ltmp7, $4  }
0xd3: {  	[sflag:s29] =	ssyncadd.s32 $0xFFFFB000  }
0xd4: {  	[spmem:s2] =	stream.indirect.scatter.add.f32 [tilespmem:s21], [sflag:$0x3], $0x40, s0, s24, $0xb8;
	[tilespmem:$0x1FB00] =	vst v63  }
0xd5: {  	_ =	swait.ge [sflag:s19], $0x5000  }
0xd6: {  	s9 =	smov.u32 s14;
	[sflag:s19] =	ssyncset.done $0x0  }
0xd7: {  	s9 =	sadd.s32 s13, s17;
	[sflag:s19] =	ssyncadd.s32 $0xFFFFB000  }
0xd8: {  	[tilespmem:s22], [sflag:$0x3] =	stream.linear.gather [hbm4b:s9+s4], $0x500, $0x38;
	[tilespmem:$0x1FB00] =	vst v63  }
0xd9: {  	_ =	swait.ge [sflag:s19], $0x500  }
0xda: {  	[sflag:s19] =	ssyncset.done $0x0  }
0xdb: {  	s15 =	sadd.s32 s13, s16;
	[sflag:s19] =	ssyncadd.s32 $0xFFFFFB00  }
0xdc: {  	[tilespmem:s23], [sflag:$0x3] =	stream.linear.gather [hbm4b:s15+s4], $0x500, $0x38;
	[tilespmem:$0x1FB00] =	vst v63  }
0xdd: {  	_ =	swait.ge [sflag:s19], $0x500  }
0xde: {  	[sflag:s19] =	ssyncset.done $0x0  }
0xdf: {  	[sflag:s19] =	ssyncadd.s32 $0xFFFFFB00  }
0xe0: {  	[tilespmem:s18], [sflag:$0x1] =	stream.indirect.gather [spmem:s3], $0x40, s22, s24, $0xb8;
	[tilespmem:$0x1FB00] =	vst v63  }
0xe1: {  	_ = 	snop  }
0xe2: {  	[tilespmem:s21], [sflag:$0x2] =	stream.indirect.gather [spmem:s3], $0x40, s25, s24, $0xb8;
	[tilespmem:$0x1FB00] =	vst v63  }
0xe3: {  	_ =	swait.ge [sflag:s26], $0x5000  }
0xe4: {  	[sflag:s26] =	ssyncset.done $0x0  }
0xe5: {  	[sflag:s26] =	ssyncadd.s32 $0xFFFFB000  }
0xe6: {  	[spmem:s2] =	stream.indirect.scatter.add.f32 [tilespmem:s18], [sflag:$0x3], $0x40, s23, s24, $0xb8;
	[tilespmem:$0x1FB00] =	vst v63  }
0xe7: {  	_ =	swait.ge [sflag:s19], $0x5000  }
0xe8: {  	[sflag:s19] =	ssyncset.done $0x0  }
0xe9: {  	[sflag:s19] =	ssyncadd.s32 $0xFFFFB000  }
0xea: {  	[tilespmem:s18], [sflag:$0x1] =	stream.indirect.gather [spmem:s3], $0x40, s28, s24, $0xb8;
	[tilespmem:$0x1FB00] =	vst v63  }
0xeb: {  	_ =	swait.ge [sflag:s29], $0x5000  }
0xec: {  	[sflag:s29] =	ssyncset.done $0x0  }
0xed: {  	[sflag:s29] =	ssyncadd.s32 $0xFFFFB000  }
0xee: {  	[spmem:s2] =	stream.indirect.scatter.add.f32 [tilespmem:s21], [sflag:$0x3], $0x40, s30, s24, $0xb8;
	[tilespmem:$0x1FB00] =	vst v63  }
0xef: {  	_ =	swait.ge [sflag:s19], $0x5000  }
0xf0: {  	[sflag:s19] =	ssyncset.done $0x0  }
0xf1: {  	[sflag:s19] =	ssyncadd.s32 $0xFFFFB000  }
0xf2: {  	[tilespmem:s21], [sflag:$0x2] =	stream.indirect.gather [spmem:s3], $0x40, s31, s24, $0xb8;
	[tilespmem:$0x1FB00] =	vst v63  }
0xf3: {  	_ =	swait.ge [sflag:s26], $0x5000  }
0xf4: {  	[sflag:s26] =	ssyncset.done $0x0  }
0xf5: {  	[sflag:s26] =	ssyncadd.s32 $0xFFFFB000  }
0xf6: {  	[spmem:s2] =	stream.indirect.scatter.add.f32 [tilespmem:s18], [sflag:$0x3], $0x40, s1, s24, $0xb8;
	[tilespmem:$0x1FB00] =	vst v63  }
0xf7: {  	_ =	swait.ge [sflag:s19], $0x5000  }
0xf8: {  	[sflag:s19] =	ssyncset.done $0x0  }
0xf9: {  	[sflag:s19] =	ssyncadd.s32 $0xFFFFB000  }
0xfa: {  	_ =	swait.ge [sflag:s29], $0x5000  }
0xfb: {  	[sflag:s29] =	ssyncset.done $0x0  }
0xfc: {  	[sflag:s29] =	ssyncadd.s32 $0xFFFFB000  }
0xfd: {  	[spmem:s2] =	stream.indirect.scatter.add.f32 [tilespmem:s21], [sflag:$0x3], $0x40, s0, s24, $0xb8;
	[tilespmem:$0x1FB00] =	vst v63  }
0xfe: {  	_ =	swait.ge [sflag:s19], $0x5000  }
0xff: {  	[sflag:s19] =	ssyncset.done $0x0  }
0x100: {  	[sflag:s19] =	ssyncadd.s32 $0xFFFFB000  }
0x101: {  	s13 =	simm.s32 $0x0;
	[bflag:$0x0] =	sbarrier.arrive $0xFFFF  }
.LBB2_14:
0x102: {  	s9 =	smul.u32 $0x30, s13;
	_ =	sdelay $0x1  }
0x103: {  	s14 =	sadd.s32 s8, s9  }
0x104: {  	s9 =	sshll.u32 s14, $0x6  }
0x105: {  	s9 =	sand.u32 $0x3FFFFFC0, s9  }
0x106: {  	s9 =	sadd.s32 s9, s2  }
0x107: {  	[tilespmem:s18], [sflag:$0x3] =	stream.linear.gather [spmem:s9], $0xC00, $0x38;
	[tilespmem:$0x1FB00] =	vst v63  }
0x108: {  	_ =	swait.ge [sflag:s19], $0xC00  }
0x109: {  	[sflag:s19] =	ssyncset.done $0x0  }
0x10a: {  	s15 =	simm.s32 $0x0;
	[sflag:s19] =	ssyncadd.s32 $0xFFFFF400  }
0x10b: {  	v1 =	vld [tilespmem:s15+$0x14300];
	_ =	sdelay $0x3  }
0x10c: {  	s10 =	simm.s32 $0x1E320  }
0x10d: {  	[tilespmem:s10+$0xFFFFFFE0] =	vst v1  }
0x10e: {  	v1 =	vld [tilespmem:s15+$0x14310];
	_ =	sdelay $0x4  }
0x10f: {  	[tilespmem:s10+$0xFFFFFFF0] =	vst v1  }
0x110: {  	v1 =	vld [tilespmem:s15+$0x14320];
	_ =	sdelay $0x4  }
0x111: {  	[tilespmem:s10+$0x0] =	vst v1  }
0x112: {  	v1 =	vld [tilespmem:s15+$0x14330];
	_ =	sdelay $0x4  }
0x113: {  	s11 =	simm.s32 $0x200;
	s9 =	simm.s32 $0x40;
	[tilespmem:s10+$0x10] =	vst v1  }
.LBB2_15:
0x114: {  	p1 =	sne.s32 s11, $0x2F00;
	v1 =	vld [tilespmem:s9+$0x14300];
	_ =	sdelay $0x3  }
0x115: {  	s10 =	sadd.s32 $0x80, s10  }
0x116: {  	[tilespmem:s10+$0xFFFFFFE0] =	vst v1  }
0x117: {  	v1 =	vld [tilespmem:s9+$0x14310];
	_ =	sdelay $0x4  }
0x118: {  	[tilespmem:s10+$0xFFFFFFF0] =	vst v1  }
0x119: {  	v1 =	vld [tilespmem:s9+$0x14320];
	_ =	sdelay $0x4  }
0x11a: {  	[tilespmem:s10+$0x0] =	vst v1  }
0x11b: {  	v1 =	vld [tilespmem:s9+$0x14330]  }
.Ltmp8:
0x11c: {  	(pc) =	sbr.rel @p1 .LBB2_15-.Ltmp8, $2  }
0x11d: {  	_ =	sdelay $0x2  }
0x11e: {  	s9 =	sshra.s32 s11, $0x2;
	s11 =	sadd.s32 $0x100, s11;
	[tilespmem:s10+$0x10] =	vst v1  }
0x11f: {  	v1 =	vld [tilespmem:s9+$0x14300];
	_ =	sdelay $0x3  }
0x120: {  	s10 =	sadd.s32 $0x80, s10  }
0x121: {  	[tilespmem:s10+$0xFFFFFFE0] =	vst v1  }
0x122: {  	v1 =	vld [tilespmem:s9+$0x14310];
	_ =	sdelay $0x4  }
0x123: {  	[tilespmem:s10+$0xFFFFFFF0] =	vst v1  }
0x124: {  	v1 =	vld [tilespmem:s9+$0x14320];
	_ =	sdelay $0x4  }
0x125: {  	[tilespmem:s10+$0x0] =	vst v1  }
0x126: {  	v1 =	vld [tilespmem:s9+$0x14330];
	_ =	sdelay $0x1  }
0x127: {  	s15 =	sshll.u32 s14, $0x7  }
0x128: {  	s13 =	sadd.s32 $0x1, s13;
	s9 =	sadd.s32 s7, s15  }
0x129: {  	p1 =	sne.s32 s13, $0xD;
	s9 =	sshrl.u32 s9, $0x3  }
.Ltmp9:
0x12a: {  	s9 =	sadd.s32 s6, s9;
	[tilespmem:s10+$0x10] =	vst v1;
	(pc) =	sbr.rel @p1 .LBB2_14-.Ltmp9, $4  }
0x12b: {  	[hbm4b:s9+s4] =	stream.linear.scatter [tilespmem:s20], [sflag:$0x3], $0x1800, $0x38;
	[tilespmem:$0x1FB00] =	vst v63  }
0x12c: {  	_ =	swait.ge [sflag:s19], $0x1800  }
0x12d: {  	[sflag:s19] =	ssyncset.done $0x0  }
0x12e: {  	[sflag:s19] =	ssyncadd.s32 $0xFFFFE800  }
.Ltmp10:
0x12f: {  	(pc) =	sbr.rel @p0 .LBB2_21-.Ltmp10, $1  }
0x130: {  	_ =	sdelay $0x3  }
0x131: {  	s9 =	rddreg [dreg:$0x6]  }
0x132: {  	[tilespmem:s18], [sflag:$0x3] =	stream.linear.gather [spmem:s9], $0x400, $0x38;
	[tilespmem:$0x1FB00] =	vst v63  }
0x133: {  	_ =	swait.ge [sflag:s19], $0x400  }
0x134: {  	[sflag:s19] =	ssyncset.done $0x0  }
0x135: {  	s15 =	simm.s32 $0x0;
	[sflag:s19] =	ssyncadd.s32 $0xFFFFFC00  }
0x136: {  	v1 =	vld [tilespmem:s15+$0x14300];
	_ =	sdelay $0x3  }
0x137: {  	s10 =	simm.s32 $0x1E320  }
0x138: {  	[tilespmem:s10+$0xFFFFFFE0] =	vst v1  }
0x139: {  	v1 =	vld [tilespmem:s15+$0x14310];
	_ =	sdelay $0x4  }
0x13a: {  	[tilespmem:s10+$0xFFFFFFF0] =	vst v1  }
0x13b: {  	v1 =	vld [tilespmem:s15+$0x14320];
	_ =	sdelay $0x4  }
0x13c: {  	[tilespmem:s10+$0x0] =	vst v1  }
0x13d: {  	v1 =	vld [tilespmem:s15+$0x14330];
	_ =	sdelay $0x4  }
0x13e: {  	s11 =	simm.s32 $0x200;
	s9 =	simm.s32 $0x40;
	[tilespmem:s10+$0x10] =	vst v1  }
.LBB2_19:
0x13f: {  	p1 =	sne.s32 s11, $0xF00;
	v1 =	vld [tilespmem:s9+$0x14300];
	_ =	sdelay $0x3  }
0x140: {  	s10 =	sadd.s32 $0x80, s10  }
0x141: {  	[tilespmem:s10+$0xFFFFFFE0] =	vst v1  }
0x142: {  	v1 =	vld [tilespmem:s9+$0x14310];
	_ =	sdelay $0x4  }
0x143: {  	[tilespmem:s10+$0xFFFFFFF0] =	vst v1  }
0x144: {  	v1 =	vld [tilespmem:s9+$0x14320];
	_ =	sdelay $0x4  }
0x145: {  	[tilespmem:s10+$0x0] =	vst v1  }
0x146: {  	v1 =	vld [tilespmem:s9+$0x14330]  }
.Ltmp11:
0x147: {  	(pc) =	sbr.rel @p1 .LBB2_19-.Ltmp11, $2  }
0x148: {  	_ =	sdelay $0x2  }
0x149: {  	s9 =	sshra.s32 s11, $0x2;
	s11 =	sadd.s32 $0x100, s11;
	[tilespmem:s10+$0x10] =	vst v1  }
0x14a: {  	v1 =	vld [tilespmem:s9+$0x14300];
	_ =	sdelay $0x3  }
0x14b: {  	s10 =	sadd.s32 $0x80, s10  }
0x14c: {  	[tilespmem:s10+$0xFFFFFFE0] =	vst v1  }
0x14d: {  	v1 =	vld [tilespmem:s9+$0x14310];
	_ =	sdelay $0x4  }
0x14e: {  	[tilespmem:s10+$0xFFFFFFF0] =	vst v1  }
0x14f: {  	v1 =	vld [tilespmem:s9+$0x14320];
	_ =	sdelay $0x4  }
0x150: {  	[tilespmem:s10+$0x0] =	vst v1  }
0x151: {  	v1 =	vld [tilespmem:s9+$0x14330];
	_ =	sdelay $0x4  }
.Ltmp12:
0x152: {  	s15 =	rddreg [dreg:$0x9];
	[tilespmem:s10+$0x10] =	vst v1;
	(pc) =	sbr.rel .LBB2_21-.Ltmp12, $4  }
0x153: {  	[hbm4b:s15+s4] =	stream.linear.scatter [tilespmem:s20], [sflag:$0x3], $0x800, $0x38;
	[tilespmem:$0x1FB00] =	vst v63  }
0x154: {  	_ =	swait.ge [sflag:s19], $0x800  }
0x155: {  	[sflag:s19] =	ssyncset.done $0x0  }
0x156: {  	[sflag:s19] =	ssyncadd.s32 $0xFFFFF800  }
.LBB2_22:
0x157: {  	_ =	sfence.sel $0x180000  }
0x158: {  	[bflag:$0x0] =	sbarrier.arrive $0xFFFF  }
0x159: {  	_ =	strace $0x9000004D  }
0x15a: {  	s0 =	stileid.u32;
	[bflag:$0x2] =	sbarrier.arrive $0xFFFF  }
0x15b: {  	p0 =	sne.s32 s0, $0x0;
	s0 =	rddreg [dreg:$0x3]  }
0x15c: {  	s0 =	sadd.s32 @!p0 $0x100000, s0  }
0x15d: {  	[sflag:s0] =	ssyncadd.tile.s32 @!p0 $0x1;
	_ =	shalt  }
.Lfunc_end2:
_tile_overlayer_lowered:
.L_overlay_start_2:
0x15e: {  	(tag) =	ssettag $0x2  }
0x15f: {  	s0 =	rddreg [dreg:$0x0];
	s2 =	stileid.u32  }
0x160: {  	s1 =	rddreg [dreg:$0x1];
	p0 =	sne.s32 s2, $0x0  }
0x161: {  	s3 =	rddreg [dreg:$0x2];
	[bflag:$0x3] =	sbarrier.arrive $0xFFFF;
	s2 =	simm.s32 @!p0 $0x1C03  }
0x162: {  	[timem:s3], [sflag:s2] =	dma.local @!p0 [hbm:s0], s1  }
0x163: {  	s0 =	simm.s32 @!p0 $0x3  }
0x164: {  	_ =	swait.ge @!p0 [sflag:s0], s1  }
0x165: {  	s1 =	ssub.s32 @!p0 $0x0, s1;
	[sflag:s0] =	ssyncset.done @!p0 $0x0  }
0x166: {  	[sflag:s0] =	ssyncadd.s32 @!p0 s1  }
0x167: {  	[bflag:$0x3] =	sbarrier.arrive $0xFFFF  }
0x168: {  	_ =	shalt  }

// kernel: kernel.19.cloned.1.call-start
scs
__scs_entry_jumppad:
0x0: {  	(pc) =	sbr.rel $0x88, $3  }
0x1: {  	(tag) =	ssettag $0x0;
	lr =	simm.s32 $0x1  }
0x2: {  	[smem:$0x3F97] =	sst lr;
	_ =	strace $0xD0000000  }
0x3: {  	_ = 	snop  }
0x4: {  	_ = 	snop  }
0x5: {  	_ = 	snop  }
0x6: {  	_ = 	snop  }
0x7: {  	_ = 	snop  }
__scs_overlays_trampoline_lowered:
0x8: {  	[smem:$0x3FA6] =	sst s0  }
0x9: {  	[smem:$0x3FA7] =	sst s1  }
0xa: {  	[smem:$0x3FA8] =	sst s2  }
0xb: {  	[smem:$0x3FA9] =	sst s3  }
0xc: {  	[smem:$0x3FAA] =	sst s4  }
0xd: {  	[smem:$0x3FAB] =	sst s5  }
0xe: {  	[smem:$0x3FAC] =	sst s6  }
0xf: {  	[smem:$0x3FAD] =	sst s7  }
0x10: {  	[smem:$0x3FAE] =	sst s8  }
0x11: {  	[smem:$0x3FAF] =	sst s9;
	s0 =	simm.s32 @!p0 $0x0  }
0x12: {  	s1 =	sld [smem:$0x3F95];
	s0 =	simm.s32 @p0 $0x1  }
0x13: {  	[smem:$0x3FB0] =	sst s0;
	s0 =	simm.s32 @!p1 $0x0  }
0x14: {  	s2 =	sld [smem:$0x3F94];
	s0 =	simm.s32 @p1 $0x1  }
0x15: {  	[smem:$0x3FB1] =	sst s0;
	s0 =	simm.s32 @!p2 $0x0  }
0x16: {  	s3 =	sld [smem:$0x3FDB];
	s0 =	simm.s32 @p2 $0x1  }
0x17: {  	s4 =	simm.s32 $0x1BF5;
	[smem:$0x3FB3] =	sst s0  }
0x18: {  	s0 =	sld [smem:$0x3F96];
	_ =	swait.ge [sflag:s4], $0x0  }
0x19: {  	s7 =	sld [smem:$0x3F97]  }
0x1a: {  	s8 =	sadd.s32 $0xFFFFE003, lr  }
0x1b: {  	s9 =	sadd.s32 $0xFFFFFEF7, lr;
	s5 =	simm.s32 $0xFFFFFFFF;
	p2 =	slt.u32 s8, $0xFFFFF086  }
0x1c: {  	p1 =	slt.u32 s9, $0xF7A;
	s5 =	simm.s32 @!p2 $0x0  }
0x1d: {  	s5 =	simm.s32 @p1 $0x1;
	p0 =	seq.s32 s7, s2  }
0x1e: {  	s7 =	smul.u32 @!p0 $0xF7A, s2;
	p2 =	seq.s32 @!p0 s5, $0x0  }
0x1f: {  	s9 =	smul.u32 $0xF7A, s1;
	s8 =	simm.s32 @!p0 $0x1BF5;
	p2 =	por !p2, p0  }
0x20: {  	[sflag:s8] =	ssyncset.s32 @!p0 $0xFFFFF086;
	s6 =	sadd.s32 @!p0 s3, s7;
	s7 =	simm.s32 @!p0 $0x108  }
0x21: {  	s3 =	sadd.s32 s3, s9;
	s6 =	sadd.s32 @!p0 $0x88, s6;
	s7 =	simm.s32 @p2 $0x1082  }
0x22: {  	[simem:s7], [sflag:s8] =	dma.local @!p0 [hbm:s6], $0xF7A  }
0x23: {  	s9 =	sor.u32 $0xD0000000, s2;
	s6 =	simm.s32 $0x108;
	_ =	swait.ge @!p0 [sflag:s8], $0x0  }
0x24: {  	s3 =	sadd.s32 $0x88, s3;
	s6 =	simm.s32 @!p1 $0x1082;
	[sflag:s4] =	ssyncset.s32 $0xFFFFF086  }
0x25: {  	[simem:s6], [sflag:s4] =	dma.local [hbm:s3], $0xF7A  }
0x26: {  	[smem:$0x3F97] =	sst s1;
	(tag) =	ssettag s2;
	_ =	strace s9  }
0x27: {  	s1 =	sld [smem:$0x3FA7]  }
0x28: {  	s2 =	sld [smem:$0x3FA8]  }
0x29: {  	s4 =	sld [smem:$0x3FAA]  }
0x2a: {  	p0 =	seq.s32 s5, $0x0;
	s5 =	sld [smem:$0x3FAB]  }
0x2b: {  	s6 =	sld [smem:$0x3FAC]  }
0x2c: {  	s7 =	sld [smem:$0x3FAD]  }
0x2d: {  	s3 =	simm.s32 $0x108;
	s8 =	sld [smem:$0x3FAE]  }
0x2e: {  	s3 =	simm.s32 @!p0 $0x1082;
	s9 =	sld [smem:$0x3FAF]  }
0x2f: {  	lr =	sadd.s32 s0, s3;
	s0 =	sld [smem:$0x3FA6]  }
0x30: {  	s3 =	sld [smem:$0x3FA9]  }
0x31: {  	[smem:$0x3FB2] =	sst s10  }
0x32: {  	s10 =	sld [smem:$0x3FB0];
	_ =	sdelay $0x3  }
0x33: {  	p0 =	seq.s32 s10, $0x1;
	s10 =	sld [smem:$0x3FB2];
	_ =	sdelay $0x3  }
0x34: {  	[smem:$0x3FB2] =	sst s10  }
0x35: {  	s10 =	sld [smem:$0x3FB1];
	_ =	sdelay $0x3  }
0x36: {  	p1 =	seq.s32 s10, $0x1;
	s10 =	sld [smem:$0x3FB2];
	_ =	sdelay $0x3  }
0x37: {  	[smem:$0x3FB2] =	sst s10  }
0x38: {  	s10 =	sld [smem:$0x3FB3]  }
0x39: {  	_ = 	snop;
	(pc) =	sbr.ind lr, $3  }
0x3a: {  	_ = 	snop  }
0x3b: {  	_ = 	snop  }
0x3c: {  	p2 =	seq.s32 s10, $0x1;
	s10 =	sld [smem:$0x3FB2]  }
0x3d: {  	_ =	shalt  }
0x3e: {  	_ =	shalt  }
0x3f: {  	_ =	shalt  }
0x40: {  	_ =	shalt  }
0x41: {  	_ =	shalt  }
0x42: {  	_ =	shalt  }
0x43: {  	_ =	shalt  }
0x44: {  	_ =	shalt  }
0x45: {  	_ =	shalt  }
0x46: {  	_ =	shalt  }
0x47: {  	_ =	shalt  }
0x48: {  	_ =	shalt  }
0x49: {  	_ =	shalt  }
0x4a: {  	_ =	shalt  }
0x4b: {  	_ =	shalt  }
0x4c: {  	_ =	shalt  }
0x4d: {  	_ =	shalt  }
0x4e: {  	_ =	shalt  }
0x4f: {  	_ =	shalt  }
0x50: {  	_ =	shalt  }
0x51: {  	_ =	shalt  }
0x52: {  	_ =	shalt  }
0x53: {  	_ =	shalt  }
0x54: {  	_ =	shalt  }
0x55: {  	_ =	shalt  }
0x56: {  	_ =	shalt  }
0x57: {  	_ =	shalt  }
0x58: {  	_ =	shalt  }
0x59: {  	_ =	shalt  }
0x5a: {  	_ =	shalt  }
0x5b: {  	_ =	shalt  }
0x5c: {  	_ =	shalt  }
0x5d: {  	_ =	shalt  }
0x5e: {  	_ =	shalt  }
0x5f: {  	_ =	shalt  }
0x60: {  	_ =	shalt  }
0x61: {  	_ =	shalt  }
0x62: {  	_ =	shalt  }
0x63: {  	_ =	shalt  }
0x64: {  	_ =	shalt  }
0x65: {  	_ =	shalt  }
0x66: {  	_ =	shalt  }
0x67: {  	_ =	shalt  }
0x68: {  	_ =	shalt  }
0x69: {  	_ =	shalt  }
0x6a: {  	_ =	shalt  }
0x6b: {  	_ =	shalt  }
0x6c: {  	_ =	shalt  }
0x6d: {  	_ =	shalt  }
0x6e: {  	_ =	shalt  }
0x6f: {  	_ =	shalt  }
0x70: {  	_ =	shalt  }
0x71: {  	_ =	shalt  }
0x72: {  	_ =	shalt  }
0x73: {  	_ =	shalt  }
0x74: {  	_ =	shalt  }
0x75: {  	_ =	shalt  }
0x76: {  	_ =	shalt  }
0x77: {  	_ =	shalt  }
0x78: {  	_ =	shalt  }
0x79: {  	_ =	shalt  }
0x7a: {  	_ =	shalt  }
0x7b: {  	_ =	shalt  }
0x7c: {  	_ =	shalt  }
0x7d: {  	_ =	shalt  }
0x7e: {  	_ =	shalt  }
0x7f: {  	_ =	shalt  }
0x80: {  	_ =	shalt  }
0x81: {  	_ =	shalt  }
0x82: {  	_ =	shalt  }
0x83: {  	_ =	shalt  }
0x84: {  	_ =	shalt  }
0x85: {  	_ =	shalt  }
0x86: {  	_ =	shalt  }
0x87: {  	_ =	shalt  }
.Lfunc_end0:
.L_simem_size_0:
called_computation.3_lowered:
.L_overlay_start_0:
0x88: {  	s2 =	sld [smem:$0x3FD9]  }
0x89: {  	s3 =	sld [smem:$0x3FFE];
	_ =	sdelay $0x1  }
0x8a: {  	s1 =	srdreg.scid  }
0x8b: {  	s0 =	sand.u32 $0x1, s1  }
0x8c: {  	s16 =	sshll.u32 s0, $0xA;
	s2 =	sadd.s32 s3, s2  }
0x8d: {  	s2 =	sadd.s32 s2, s16  }
0x8e: {  	[smem:$0x3FBE] =	sst s2  }
0x8f: {  	_ = 	snop  }
0x90: {  	(tm) =	ssettm $0x1  }
0x91: {  	s17 =	sld [smem:$0x3FFB];
	_ =	sdelay $0x3  }
0x92: {  	_ =	strace s17  }
0x93: {  	s2 =	sld [smem:$0x3FFC];
	_ =	sdelay $0x3  }
0x94: {  	_ =	strace s2  }
0x95: {  	s2 =	sld [smem:$0x3FFD];
	_ =	sdelay $0x3  }
0x96: {  	_ =	strace s2  }
0x97: {  	_ =	strace $0x8FFFFFFF  }
0x98: {  	s18 =	sld [smem:$0x3FDB];
	_ =	sdelay $0x1  }
0x99: {  	s19 =	simm.s32 $_scs_section_size  }
0x9a: {  	s4 =	simm.s32 $_size__tile_overlayer_lowered;
	s5 =	simm.s32 $_tile_overlayer_lowered  }
0x9b: {  	s22 =	simm.s32 $0x1BFF;
	s21 =	sshll.u32 s5, $0x1;
	s2 =	sadd.s32 s19, s18  }
0x9c: {  	s6 =	simm.s32 $0x0;
	s20 =	sshll.u32 s4, $0x1;
	s4 =	sadd.s32 s21, s2  }
0x9d: {  	[timem:s6], [sflag:s22] =	dma.local [hbm:s4], s20  }
0x9e: {  	_ =	swait.ge [sflag:s22], s20  }
0x9f: {  	s3 =	ssub.s32 $0x0, s20;
	[sflag:s22] =	ssyncset.done $0x0  }
0xa0: {  	[sflag:s22] =	ssyncadd.s32 s3;
	_ =	sdelay $0x1  }
0xa1: {  	s23 =	simm.s32 $0x1B8B  }
0xa2: {  	_ =	swait.ge [sflag:s23], $0x1  }
0xa3: {  	[sflag:s23] =	ssyncset.done $0x0  }
0xa4: {  	s25 =	simm.s32 $0x1B8E;
	s24 =	sld [smem:$0x3FFE];
	[sflag:s23] =	ssyncadd.s32 $0xFFFFFFFF  }
0xa5: {  	s26 =	simm.s32 $execute0_lowered;
	[smem:$0x3FD2] =	sst s25  }
0xa6: {  	s4 =	sshll.u32 s26, $0x1;
	_ =	strace $0x8000004F;
	[dreg:$0x1] =	wrdreg $0xFFFFFFFF  }
0xa7: {  	s28 =	simm.s32 $_size_execute0_lowered;
	s2 =	sadd.s32 s2, s4;
	[dreg:$0x0] =	wrdreg $0x0  }
0xa8: {  	s4 =	sshll.u32 s28, $0x1;
	[dreg:$0x2] =	wrdreg s2  }
0xa9: {  	[dreg:$0x3] =	wrdreg s4  }
0xaa: {  	[dreg:$0x4] =	wrdreg $0xC0  }
0xab: {  	_ =	task [dreg:s6], $0x5FFFF  }
0xac: {  	[dreg:$0x1] =	wrdreg $0xFFFFFFFF  }
0xad: {  	[dreg:$0x0] =	wrdreg $0x60  }
0xae: {  	[dreg:$0x2] =	wrdreg s24  }
0xaf: {  	[dreg:$0x3] =	wrdreg $0x9C800  }
0xb0: {  	[dreg:$0x4] =	wrdreg $0x0  }
0xb1: {  	[dreg:$0x5] =	wrdreg $0x9  }
0xb2: {  	_ =	task.clear_ibuf [dreg:s6], $0x6FFFF;
	_ =	strace $0x9000004F  }
0xb3: {  	s29 =	simm.s32 $0x9;
	_ =	strace $0x80000051  }
0xb4: {  	_ =	swait.ge [sflag:s29], $0x1  }
0xb5: {  	[sflag:s29] =	ssyncadd.s32 $0xFFFFFFFF  }
0xb6: {  	_ =	strace $0x90000051  }
0xb7: {  	_ =	sfence  }
0xb8: {  	s30 =	sld [smem:$0x0];
	_ =	sdelay $0x2  }
0xb9: {  	s31 =	sshll.u32 s1, $0xD;
	s1 =	sshrl.u32 s1, $0x2  }
0xba: {  	s3 =	sand.u32 $0x4000, s31;
	s1 =	sadd.s32 s1, s30  }
0xbb: {  	s0 =	sor.u32 s3, s0;
	s1 =	sshll.u32 s1, $0x11  }
0xbc: {  	s0 =	sor.u32 s1, s0  }
0xbd: {  	s0 =	sadd.s32 $0x8F2B, s0  }
0xbe: {  	[sflag:s0] =	ssyncadd.remote.s32 $0x1  }
0xbf: {  	_ =	sfence.sel $0xFFFF  }
0xc0: {  	[dreg:$0x0] =	wrdreg $0xFFFFFFFF;
	(pc) =	sbr.abs _section_cstart, $3  }
0xc1: {  	[dreg:$0x1] =	wrdreg $0xFFFFFFFF  }
0xc2: {  	_ =	task.clear_ibuf [dreg:s6], $0x2FFFF;
	_ =	strace $0x9FFFFFFF  }
0xc3: {  	(tm) =	ssettm $0x7FFFFFFF  }
tec
execute0_lowered:
.L_overlay_start_1:
0x0: {  	(tag) =	ssettag $0x1  }
0x1: {  	s0 =	rddreg [dreg:$0x0]  }
0x2: {  	s2 =	rddreg [dreg:$0x1];
	s1 =	srdreg.scid  }
0x3: {  	s12 =	stileid.u32;
	s3 =	rddreg [dreg:$0x2]  }
0x4: {  	s4 =	simm.s32 $0x0;
	s18 =	simm.s32 $0x14300;
	s19 =	simm.s32 $0x3  }
0x5: {  	s28 =	simm.s32 $0x13B80;
	s29 =	simm.s32 $0x2;
	s30 =	simm.s32 $0x13F40  }
0x6: {  	s31 =	simm.s32 $0x13CC0;
	s1 =	sand.u32 $0x1, s1;
	s5 =	smul.u32 $0x5000, s12  }
0x7: {  	[smem:$0x7FF] =	sst s4;
	s7 =	smul.u32 $0x27000, s12;
	s22 =	sadd.s32 $0x9C000, s2  }
0x8: {  	s24 =	sadd.s32 $0x9C000, s3;
	p0 =	sne.s32 s12, $0xF;
	s6 =	smul.u32 $0x2800, s1  }
0x9: {  	_ =	strace $0x80000050;
	s8 =	ssub.s32 $0x2, s1;
	[dreg:$0x6] =	wrdreg s22  }
0xa: {  	[dreg:$0x8] =	wrdreg s24;
	s22 =	simm.s32 $0x13900;
	s24 =	simm.s32 $0x140  }
0xb: {  	s10 =	sshrl.u32 s8, $0x1;
	s11 =	sshrl.u32 s7, $0x2;
	s7 =	smul.u32 $0x138800, s1  }
0xc: {  	s1 =	simm.s32 $0x14080;
	s6 =	sadd.s32 s6, s5;
	s5 =	sadd.s32 $0x28200, s0  }
0xd: {  	s20 =	ssub.s32 s8, s10;
	s8 =	smul.u32 $0x270, s12;
	s21 =	sadd.s32 s11, s2  }
0xe: {  	s12 =	simm.s32 $0x0;
	s6 =	sshrl.u32 s6, $0x3;
	[dreg:$0x4] =	wrdreg s21  }
0xf: {  	s10 =	sadd.s32 $0x5000, s21;
	s23 =	sshrl.u32 s7, $0x3;
	s26 =	smax.u32 s20, $0x1  }
0x10: {  	s20 =	simm.s32 $0x1E300;
	s21 =	simm.s32 $0x19300;
	s9 =	sadd.s32 s6, s0  }
.Ltmp0:
0x11: {  	s6 =	sadd.s32 $0x4F400, s0;
	[dreg:$0x5] =	wrdreg s10;
	(pc) =	sbr.rel .LBB2_1-.Ltmp0, $4  }
0x12: {  	s0 =	sadd.s32 $0x4F200, s0;
	[dreg:$0xa] =	wrdreg s26;
	s26 =	simm.s32 $0x1  }
0x13: {  	[dreg:$0x7] =	wrdreg s0;
	s25 =	sadd.s32 s6, s23;
	s16 =	sadd.s32 $0x1E200, s9  }
0x14: {  	s17 =	sadd.s32 $0x14200, s9;
	s23 =	simm.s32 $0x13E00;
	s0 =	sadd.s32 $0x27000, s25  }
0x15: {  	v0 =	vimm.f32 $0.0e+00;
	s25 =	simm.s32 $0x13A40;
	[dreg:$0x9] =	wrdreg s0;
	s0 =	simm.s32 $0x141C0  }
.LBB2_21:
0x16: {  	s12 =	sadd.s32 $0x1, s12;
	s9 =	rddreg [dreg:$0xa]  }
0x17: {  	p1 =	sne.s32 s12, s9  }
.Ltmp1:
0x18: {  	_ = 	snop;
	(pc) =	sbr.rel @!p1 .LBB2_22-.Ltmp1, $1  }
0x19: {  	_ =	sdelay $0x3  }
.LBB2_1:
0x1a: {  	s10 =	simm.s32 $0x100;
	s9 =	simm.s32 $0x0  }
.LBB2_2:
0x1b: {  	p1 =	sne.s32 s10, $0x13F00;
	[tilespmem:s9+$0x14330] =	vst v0;
	s11 =	smov.u32 s10;
	s10 =	sadd.s32 $0x100, s10  }
.Ltmp2:
0x1c: {  	[tilespmem:s9+$0x14320] =	vst v0;
	(pc) =	sbr.rel @p1 .LBB2_2-.Ltmp2, $3  }
0x1d: {  	[tilespmem:s9+$0x14300] =	vst v0  }
0x1e: {  	[tilespmem:s9+$0x14310] =	vst v0;
	_ =	sdelay $0x1  }
0x1f: {  	s9 =	sshra.s32 s11, $0x2  }
0x20: {  	[tilespmem:s9+$0x14330] =	vst v0  }
0x21: {  	[tilespmem:s9+$0x14320] =	vst v0  }
0x22: {  	[tilespmem:s9+$0x14300] =	vst v0  }
0x23: {  	[tilespmem:s9+$0x14310] =	vst v0;
	s14 =	rddreg [dreg:$0x4]  }
0x24: {  	[spmem:s14] =	stream.linear.scatter [tilespmem:s18], [sflag:$0x3], $0x5000, $0x38;
	[tilespmem:$0x1FB00] =	vst v63  }
0x25: {  	_ =	swait.ge [sflag:s19], $0x5000  }
0x26: {  	[sflag:s19] =	ssyncset.done $0x0  }
0x27: {  	s15 =	rddreg [dreg:$0x5];
	[sflag:s19] =	ssyncadd.s32 $0xFFFFB000  }
0x28: {  	[spmem:s15] =	stream.linear.scatter [tilespmem:s18], [sflag:$0x3], $0x4C00, $0x38;
	[tilespmem:$0x1FB00] =	vst v63  }
0x29: {  	_ =	swait.ge [sflag:s19], $0x4C00  }
0x2a: {  	[sflag:s19] =	ssyncset.done $0x0  }
0x2b: {  	s9 =	simm.s32 @!p0 $0x14300;
	s10 =	rddreg [dreg:$0x6];
	[sflag:s19] =	ssyncadd.s32 $0xFFFFB400  }
0x2c: {  	[spmem:s10] =	stream.linear.scatter @!p0 [tilespmem:s9], [sflag:$0x3], $0x400, $0x38;
	[tilespmem:$0x1FB00] =	vst v63  }
0x2d: {  	s9 =	simm.s32 @!p0 $0x3  }
0x2e: {  	_ =	swait.ge @!p0 [sflag:s9], $0x400  }
0x2f: {  	[sflag:s9] =	ssyncset.done @!p0 $0x0  }
0x30: {  	s13 =	simm.s32 $0x0;
	s14 =	simm.s32 $0x0;
	[sflag:s9] =	ssyncadd.s32 @!p0 $0xFFFFFC00  }
.LBB2_4:
0x31: {  	s9 =	smul.u32 $0x30, s14;
	_ =	sdelay $0x1  }
0x32: {  	s10 =	sadd.s32 s8, s9  }
0x33: {  	s9 =	sshll.u32 s10, $0x4  }
0x34: {  	s9 =	sadd.s32 s5, s9  }
0x35: {  	[tilespmem:s20], [sflag:$0x3] =	stream.linear.gather [hbm4b:s9+s13], $0x1800, $0x38;
	[tilespmem:$0x1FB00] =	vst v63  }
0x36: {  	_ =	swait.ge [sflag:s19], $0x1800  }
0x37: {  	[sflag:s19] =	ssyncset.done $0x0  }
0x38: {  	s11 =	simm.s32 $0x0;
	[sflag:s19] =	ssyncadd.s32 $0xFFFFE800  }
0x39: {  	v1 =	vld [tilespmem:s11+$0x1E300];
	_ =	sdelay $0x3  }
0x3a: {  	s15 =	simm.s32 $0x19320  }
0x3b: {  	[tilespmem:s15+$0xFFFFFFE0] =	vst v1  }
0x3c: {  	v1 =	vld [tilespmem:s11+$0x1E310];
	_ =	sdelay $0x4  }
0x3d: {  	[tilespmem:s15+$0xFFFFFFF0] =	vst v1  }
0x3e: {  	v1 =	vld [tilespmem:s11+$0x1E320];
	_ =	sdelay $0x4  }
0x3f: {  	[tilespmem:s15+$0x0] =	vst v1  }
0x40: {  	v1 =	vld [tilespmem:s11+$0x1E330];
	_ =	sdelay $0x4  }
0x41: {  	s9 =	simm.s32 $0x80;
	s11 =	simm.s32 $0x400;
	[tilespmem:s15+$0x10] =	vst v1  }
.LBB2_5:
0x42: {  	p1 =	sne.s32 s11, $0x5E00;
	v1 =	vld [tilespmem:s9+$0x1E300];
	_ =	sdelay $0x3  }
0x43: {  	s15 =	sadd.s32 $0x40, s15  }
0x44: {  	[tilespmem:s15+$0xFFFFFFE0] =	vst v1  }
0x45: {  	v1 =	vld [tilespmem:s9+$0x1E310];
	_ =	sdelay $0x4  }
0x46: {  	[tilespmem:s15+$0xFFFFFFF0] =	vst v1  }
0x47: {  	v1 =	vld [tilespmem:s9+$0x1E320];
	_ =	sdelay $0x4  }
0x48: {  	[tilespmem:s15+$0x0] =	vst v1  }
0x49: {  	v1 =	vld [tilespmem:s9+$0x1E330]  }
.Ltmp3:
0x4a: {  	(pc) =	sbr.rel @p1 .LBB2_5-.Ltmp3, $2  }
0x4b: {  	_ =	sdelay $0x2  }
0x4c: {  	s9 =	sshra.s32 s11, $0x2;
	s11 =	sadd.s32 $0x200, s11;
	[tilespmem:s15+$0x10] =	vst v1  }
0x4d: {  	v1 =	vld [tilespmem:s9+$0x1E300];
	_ =	sdelay $0x3  }
0x4e: {  	s11 =	sadd.s32 $0x40, s15  }
0x4f: {  	[tilespmem:s11+$0xFFFFFFE0] =	vst v1  }
0x50: {  	v1 =	vld [tilespmem:s9+$0x1E310];
	_ =	sdelay $0x4  }
0x51: {  	[tilespmem:s11+$0xFFFFFFF0] =	vst v1  }
0x52: {  	v1 =	vld [tilespmem:s9+$0x1E320];
	_ =	sdelay $0x4  }
0x53: {  	[tilespmem:s11+$0x0] =	vst v1  }
0x54: {  	v1 =	vld [tilespmem:s9+$0x1E330];
	_ =	sdelay $0x2  }
0x55: {  	s15 =	sshll.u32 s10, $0x6;
	s14 =	sadd.s32 $0x1, s14  }
0x56: {  	p1 =	sne.s32 s14, $0xD;
	s9 =	sand.u32 $0x3FFFFFC0, s15  }
.Ltmp4:
0x57: {  	s9 =	sadd.s32 s9, s3;
	[tilespmem:s11+$0x10] =	vst v1;
	(pc) =	sbr.rel @p1 .LBB2_4-.Ltmp4, $4  }
0x58: {  	[spmem:s9] =	stream.linear.scatter [tilespmem:s21], [sflag:$0x3], $0xC00, $0x38;
	[tilespmem:$0x1FB00] =	vst v63  }
0x59: {  	_ =	swait.ge [sflag:s19], $0xC00  }
0x5a: {  	[sflag:s19] =	ssyncset.done $0x0  }
0x5b: {  	[sflag:s19] =	ssyncadd.s32 $0xFFFFF400  }
.Ltmp5:
0x5c: {  	(pc) =	sbr.rel @p0 .LBB2_11-.Ltmp5, $1  }
0x5d: {  	_ =	sdelay $0x3  }
0x5e: {  	s9 =	simm.s32 $0x0;
	s10 =	rddreg [dreg:$0x7]  }
0x5f: {  	[tilespmem:s20], [sflag:$0x3] =	stream.linear.gather [hbm4b:s10+s9], $0x800, $0x38;
	[tilespmem:$0x1FB00] =	vst v63  }
0x60: {  	_ =	swait.ge [sflag:s19], $0x800  }
0x61: {  	[sflag:s19] =	ssyncset.done $0x0  }
0x62: {  	s15 =	simm.s32 $0x0;
	[sflag:s19] =	ssyncadd.s32 $0xFFFFF800  }
0x63: {  	v1 =	vld [tilespmem:s15+$0x1E300];
	_ =	sdelay $0x3  }
0x64: {  	s10 =	simm.s32 $0x19320  }
0x65: {  	[tilespmem:s10+$0xFFFFFFE0] =	vst v1  }
0x66: {  	v1 =	vld [tilespmem:s15+$0x1E310];
	_ =	sdelay $0x4  }
0x67: {  	[tilespmem:s10+$0xFFFFFFF0] =	vst v1  }
0x68: {  	v1 =	vld [tilespmem:s15+$0x1E320];
	_ =	sdelay $0x4  }
0x69: {  	[tilespmem:s10+$0x0] =	vst v1  }
0x6a: {  	v1 =	vld [tilespmem:s15+$0x1E330];
	_ =	sdelay $0x4  }
0x6b: {  	s11 =	simm.s32 $0x400;
	s9 =	simm.s32 $0x80;
	[tilespmem:s10+$0x10] =	vst v1  }
.LBB2_9:
0x6c: {  	p1 =	sne.s32 s11, $0x1E00;
	v1 =	vld [tilespmem:s9+$0x1E300];
	_ =	sdelay $0x3  }
0x6d: {  	s10 =	sadd.s32 $0x40, s10  }
0x6e: {  	[tilespmem:s10+$0xFFFFFFE0] =	vst v1  }
0x6f: {  	v1 =	vld [tilespmem:s9+$0x1E310];
	_ =	sdelay $0x4  }
0x70: {  	[tilespmem:s10+$0xFFFFFFF0] =	vst v1  }
0x71: {  	v1 =	vld [tilespmem:s9+$0x1E320];
	_ =	sdelay $0x4  }
0x72: {  	[tilespmem:s10+$0x0] =	vst v1  }
0x73: {  	v1 =	vld [tilespmem:s9+$0x1E330]  }
.Ltmp6:
0x74: {  	(pc) =	sbr.rel @p1 .LBB2_9-.Ltmp6, $2  }
0x75: {  	_ =	sdelay $0x2  }
0x76: {  	s9 =	sshra.s32 s11, $0x2;
	s11 =	sadd.s32 $0x200, s11;
	[tilespmem:s10+$0x10] =	vst v1  }
0x77: {  	v1 =	vld [tilespmem:s9+$0x1E300];
	_ =	sdelay $0x3  }
0x78: {  	s10 =	sadd.s32 $0x40, s10  }
0x79: {  	[tilespmem:s10+$0xFFFFFFE0] =	vst v1  }
0x7a: {  	v1 =	vld [tilespmem:s9+$0x1E310];
	_ =	sdelay $0x4  }
0x7b: {  	[tilespmem:s10+$0xFFFFFFF0] =	vst v1  }
0x7c: {  	v1 =	vld [tilespmem:s9+$0x1E320];
	_ =	sdelay $0x4  }
0x7d: {  	[tilespmem:s10+$0x0] =	vst v1  }
0x7e: {  	v1 =	vld [tilespmem:s9+$0x1E330];
	_ =	sdelay $0x4  }
0x7f: {  	s15 =	rddreg [dreg:$0x8];
	[tilespmem:s10+$0x10] =	vst v1  }
0x80: {  	[spmem:s15] =	stream.linear.scatter [tilespmem:s21], [sflag:$0x3], $0x400, $0x38;
	[tilespmem:$0x1FB00] =	vst v63  }
0x81: {  	_ =	swait.ge [sflag:s19], $0x400  }
0x82: {  	[sflag:s19] =	ssyncset.done $0x0  }
0x83: {  	[sflag:s19] =	ssyncadd.s32 $0xFFFFFC00  }
.LBB2_11:
0x84: {  	[bflag:$0x0] =	sbarrier.arrive $0xFFFF;
	s9 =	sadd.s32 $0x0, s17  }
0x85: {  	[tilespmem:s22], [sflag:$0x3] =	stream.linear.gather [hbm4b:s9+s4], $0x500, $0x38;
	[tilespmem:$0x1FB00] =	vst v63  }
0x86: {  	_ =	swait.ge [sflag:s19], $0x500  }
0x87: {  	[sflag:s19] =	ssyncset.done $0x0  }
0x88: {  	s15 =	sadd.s32 $0x0, s16;
	[sflag:s19] =	ssyncadd.s32 $0xFFFFFB00  }
0x89: {  	[tilespmem:s23], [sflag:$0x3] =	stream.linear.gather [hbm4b:s15+s4], $0x500, $0x38;
	[tilespmem:$0x1FB00] =	vst v63  }
0x8a: {  	_ =	swait.ge [sflag:s19], $0x500  }
0x8b: {  	[sflag:s19] =	ssyncset.done $0x0  }
0x8c: {  	[sflag:s19] =	ssyncadd.s32 $0xFFFFFB00  }
0x8d: {  	[tilespmem:s18], [sflag:$0x1] =	stream.indirect.gather [spmem:s3], $0x40, s22, s24, $0xb8;
	[tilespmem:$0x1FB00] =	vst v63  }
0x8e: {  	_ = 	snop  }
0x8f: {  	[tilespmem:s21], [sflag:$0x2] =	stream.indirect.gather [spmem:s3], $0x40, s25, s24, $0xb8;
	[tilespmem:$0x1FB00] =	vst v63  }
0x90: {  	_ =	swait.ge [sflag:s26], $0x5000  }
0x91: {  	[sflag:s26] =	ssyncset.done $0x0  }
0x92: {  	[sflag:s26] =	ssyncadd.s32 $0xFFFFB000  }
0x93: {  	[spmem:s2] =	stream.indirect.scatter.add.f32 [tilespmem:s18], [sflag:$0x3], $0x40, s23, s24, $0xb8;
	[tilespmem:$0x1FB00] =	vst v63  }
0x94: {  	_ =	swait.ge [sflag:s19], $0x5000  }
0x95: {  	[sflag:s19] =	ssyncset.done $0x0  }
0x96: {  	[sflag:s19] =	ssyncadd.s32 $0xFFFFB000  }
0x97: {  	[tilespmem:s18], [sflag:$0x1] =	stream.indirect.gather [spmem:s3], $0x40, s28, s24, $0xb8;
	[tilespmem:$0x1FB00] =	vst v63  }
0x98: {  	_ =	swait.ge [sflag:s29], $0x5000  }
0x99: {  	[sflag:s29] =	ssyncset.done $0x0  }
0x9a: {  	[sflag:s29] =	ssyncadd.s32 $0xFFFFB000  }
0x9b: {  	[spmem:s2] =	stream.indirect.scatter.add.f32 [tilespmem:s21], [sflag:$0x3], $0x40, s30, s24, $0xb8;
	[tilespmem:$0x1FB00] =	vst v63  }
0x9c: {  	_ =	swait.ge [sflag:s19], $0x5000  }
0x9d: {  	[sflag:s19] =	ssyncset.done $0x0  }
0x9e: {  	[sflag:s19] =	ssyncadd.s32 $0xFFFFB000  }
0x9f: {  	[tilespmem:s21], [sflag:$0x2] =	stream.indirect.gather [spmem:s3], $0x40, s31, s24, $0xb8;
	[tilespmem:$0x1FB00] =	vst v63  }
0xa0: {  	_ =	swait.ge [sflag:s26], $0x5000  }
0xa1: {  	[sflag:s26] =	ssyncset.done $0x0  }
0xa2: {  	[sflag:s26] =	ssyncadd.s32 $0xFFFFB000  }
0xa3: {  	[spmem:s2] =	stream.indirect.scatter.add.f32 [tilespmem:s18], [sflag:$0x3], $0x40, s1, s24, $0xb8;
	[tilespmem:$0x1FB00] =	vst v63  }
0xa4: {  	_ =	swait.ge [sflag:s19], $0x5000  }
0xa5: {  	[sflag:s19] =	ssyncset.done $0x0  }
0xa6: {  	[sflag:s19] =	ssyncadd.s32 $0xFFFFB000  }
0xa7: {  	_ =	swait.ge [sflag:s29], $0x5000  }
0xa8: {  	[sflag:s29] =	ssyncset.done $0x0  }
0xa9: {  	[sflag:s29] =	ssyncadd.s32 $0xFFFFB000  }
0xaa: {  	[spmem:s2] =	stream.indirect.scatter.add.f32 [tilespmem:s21], [sflag:$0x3], $0x40, s0, s24, $0xb8;
	[tilespmem:$0x1FB00] =	vst v63  }
0xab: {  	_ =	swait.ge [sflag:s19], $0x5000  }
0xac: {  	s13 =	simm.s32 $0xA0;
	s9 =	simm.s32 $0x140;
	[sflag:s19] =	ssyncset.done $0x0  }
.LBB2_12:
0xad: {  	s10 =	sadd.s32 s13, s17  }
0xae: {  	[sflag:s19] =	ssyncadd.s32 $0xFFFFB000;
	s11 =	smov.u32 s9;
	s14 =	sadd.s32 $0xA0, s9  }
0xaf: {  	[tilespmem:s22], [sflag:$0x3] =	stream.linear.gather [hbm4b:s10+s4], $0x500, $0x38;
	[tilespmem:$0x1FB00] =	vst v63  }
0xb0: {  	p1 =	sne.s32 s9, $0x460;
	_ =	swait.ge [sflag:s19], $0x500  }
0xb1: {  	[sflag:s19] =	ssyncset.done $0x0  }
0xb2: {  	s9 =	sadd.s32 s13, s16;
	s13 =	smov.u32 s11;
	[sflag:s19] =	ssyncadd.s32 $0xFFFFFB00  }
0xb3: {  	[tilespmem:s23], [sflag:$0x3] =	stream.linear.gather [hbm4b:s9+s4], $0x500, $0x38;
	[tilespmem:$0x1FB00] =	vst v63  }
0xb4: {  	_ =	swait.ge [sflag:s19], $0x500  }
0xb5: {  	[sflag:s19] =	ssyncset.done $0x0  }
0xb6: {  	[sflag:s19] =	ssyncadd.s32 $0xFFFFFB00  }
0xb7: {  	[tilespmem:s18], [sflag:$0x1] =	stream.indirect.gather [spmem:s3], $0x40, s22, s24, $0xb8;
	[tilespmem:$0x1FB00] =	vst v63  }
0xb8: {  	_ = 	snop  }
0xb9: {  	[tilespmem:s21], [sflag:$0x2] =	stream.indirect.gather [spmem:s3], $0x40, s25, s24, $0xb8;
	[tilespmem:$0x1FB00] =	vst v63  }
0xba: {  	_ =	swait.ge [sflag:s26], $0x5000  }
0xbb: {  	[sflag:s26] =	ssyncset.done $0x0  }
0xbc: {  	[sflag:s26] =	ssyncadd.s32 $0xFFFFB000  }
0xbd: {  	[spmem:s2] =	stream.indirect.scatter.add.f32 [tilespmem:s18], [sflag:$0x3], $0x40, s23, s24, $0xb8;
	[tilespmem:$0x1FB00] =	vst v63  }
0xbe: {  	_ =	swait.ge [sflag:s19], $0x5000  }
0xbf: {  	[sflag:s19] =	ssyncset.done $0x0  }
0xc0: {  	[sflag:s19] =	ssyncadd.s32 $0xFFFFB000  }
0xc1: {  	[tilespmem:s18], [sflag:$0x1] =	stream.indirect.gather [spmem:s3], $0x40, s28, s24, $0xb8;
	[tilespmem:$0x1FB00] =	vst v63  }
0xc2: {  	_ =	swait.ge [sflag:s29], $0x5000  }
0xc3: {  	[sflag:s29] =	ssyncset.done $0x0  }
0xc4: {  	[sflag:s29] =	ssyncadd.s32 $0xFFFFB000  }
0xc5: {  	[spmem:s2] =	stream.indirect.scatter.add.f32 [tilespmem:s21], [sflag:$0x3], $0x40, s30, s24, $0xb8;
	[tilespmem:$0x1FB00] =	vst v63  }
0xc6: {  	_ =	swait.ge [sflag:s19], $0x5000  }
0xc7: {  	[sflag:s19] =	ssyncset.done $0x0  }
0xc8: {  	[sflag:s19] =	ssyncadd.s32 $0xFFFFB000  }
0xc9: {  	[tilespmem:s21], [sflag:$0x2] =	stream.indirect.gather [spmem:s3], $0x40, s31, s24, $0xb8;
	[tilespmem:$0x1FB00] =	vst v63  }
0xca: {  	_ =	swait.ge [sflag:s26], $0x5000  }
0xcb: {  	[sflag:s26] =	ssyncset.done $0x0  }
0xcc: {  	[sflag:s26] =	ssyncadd.s32 $0xFFFFB000  }
0xcd: {  	[spmem:s2] =	stream.indirect.scatter.add.f32 [tilespmem:s18], [sflag:$0x3], $0x40, s1, s24, $0xb8;
	[tilespmem:$0x1FB00] =	vst v63  }
0xce: {  	_ =	swait.ge [sflag:s19], $0x5000  }
0xcf: {  	[sflag:s19] =	ssyncset.done $0x0  }
0xd0: {  	[sflag:s19] =	ssyncadd.s32 $0xFFFFB000  }
0xd1: {  	_ =	swait.ge [sflag:s29], $0x5000  }
.Ltmp7:
0xd2: {  	[sflag:s29] =	ssyncset.done $0x0;
	(pc) =	sbr.rel @p1 .LBB2_12-.Ltmp7, $4  }
0xd3: {  	[sflag:s29] =	ssyncadd.s32 $0xFFFFB000  }
0xd4: {  	[spmem:s2] =	stream.indirect.scatter.add.f32 [tilespmem:s21], [sflag:$0x3], $0x40, s0, s24, $0xb8;
	[tilespmem:$0x1FB00] =	vst v63  }
0xd5: {  	_ =	swait.ge [sflag:s19], $0x5000  }
0xd6: {  	s9 =	smov.u32 s14;
	[sflag:s19] =	ssyncset.done $0x0  }
0xd7: {  	s9 =	sadd.s32 s13, s17;
	[sflag:s19] =	ssyncadd.s32 $0xFFFFB000  }
0xd8: {  	[tilespmem:s22], [sflag:$0x3] =	stream.linear.gather [hbm4b:s9+s4], $0x500, $0x38;
	[tilespmem:$0x1FB00] =	vst v63  }
0xd9: {  	_ =	swait.ge [sflag:s19], $0x500  }
0xda: {  	[sflag:s19] =	ssyncset.done $0x0  }
0xdb: {  	s15 =	sadd.s32 s13, s16;
	[sflag:s19] =	ssyncadd.s32 $0xFFFFFB00  }
0xdc: {  	[tilespmem:s23], [sflag:$0x3] =	stream.linear.gather [hbm4b:s15+s4], $0x500, $0x38;
	[tilespmem:$0x1FB00] =	vst v63  }
0xdd: {  	_ =	swait.ge [sflag:s19], $0x500  }
0xde: {  	[sflag:s19] =	ssyncset.done $0x0  }
0xdf: {  	[sflag:s19] =	ssyncadd.s32 $0xFFFFFB00  }
0xe0: {  	[tilespmem:s18], [sflag:$0x1] =	stream.indirect.gather [spmem:s3], $0x40, s22, s24, $0xb8;
	[tilespmem:$0x1FB00] =	vst v63  }
0xe1: {  	_ = 	snop  }
0xe2: {  	[tilespmem:s21], [sflag:$0x2] =	stream.indirect.gather [spmem:s3], $0x40, s25, s24, $0xb8;
	[tilespmem:$0x1FB00] =	vst v63  }
0xe3: {  	_ =	swait.ge [sflag:s26], $0x5000  }
0xe4: {  	[sflag:s26] =	ssyncset.done $0x0  }
0xe5: {  	[sflag:s26] =	ssyncadd.s32 $0xFFFFB000  }
0xe6: {  	[spmem:s2] =	stream.indirect.scatter.add.f32 [tilespmem:s18], [sflag:$0x3], $0x40, s23, s24, $0xb8;
	[tilespmem:$0x1FB00] =	vst v63  }
0xe7: {  	_ =	swait.ge [sflag:s19], $0x5000  }
0xe8: {  	[sflag:s19] =	ssyncset.done $0x0  }
0xe9: {  	[sflag:s19] =	ssyncadd.s32 $0xFFFFB000  }
0xea: {  	[tilespmem:s18], [sflag:$0x1] =	stream.indirect.gather [spmem:s3], $0x40, s28, s24, $0xb8;
	[tilespmem:$0x1FB00] =	vst v63  }
0xeb: {  	_ =	swait.ge [sflag:s29], $0x5000  }
0xec: {  	[sflag:s29] =	ssyncset.done $0x0  }
0xed: {  	[sflag:s29] =	ssyncadd.s32 $0xFFFFB000  }
0xee: {  	[spmem:s2] =	stream.indirect.scatter.add.f32 [tilespmem:s21], [sflag:$0x3], $0x40, s30, s24, $0xb8;
	[tilespmem:$0x1FB00] =	vst v63  }
0xef: {  	_ =	swait.ge [sflag:s19], $0x5000  }
0xf0: {  	[sflag:s19] =	ssyncset.done $0x0  }
0xf1: {  	[sflag:s19] =	ssyncadd.s32 $0xFFFFB000  }
0xf2: {  	[tilespmem:s21], [sflag:$0x2] =	stream.indirect.gather [spmem:s3], $0x40, s31, s24, $0xb8;
	[tilespmem:$0x1FB00] =	vst v63  }
0xf3: {  	_ =	swait.ge [sflag:s26], $0x5000  }
0xf4: {  	[sflag:s26] =	ssyncset.done $0x0  }
0xf5: {  	[sflag:s26] =	ssyncadd.s32 $0xFFFFB000  }
0xf6: {  	[spmem:s2] =	stream.indirect.scatter.add.f32 [tilespmem:s18], [sflag:$0x3], $0x40, s1, s24, $0xb8;
	[tilespmem:$0x1FB00] =	vst v63  }
0xf7: {  	_ =	swait.ge [sflag:s19], $0x5000  }
0xf8: {  	[sflag:s19] =	ssyncset.done $0x0  }
0xf9: {  	[sflag:s19] =	ssyncadd.s32 $0xFFFFB000  }
0xfa: {  	_ =	swait.ge [sflag:s29], $0x5000  }
0xfb: {  	[sflag:s29] =	ssyncset.done $0x0  }
0xfc: {  	[sflag:s29] =	ssyncadd.s32 $0xFFFFB000  }
0xfd: {  	[spmem:s2] =	stream.indirect.scatter.add.f32 [tilespmem:s21], [sflag:$0x3], $0x40, s0, s24, $0xb8;
	[tilespmem:$0x1FB00] =	vst v63  }
0xfe: {  	_ =	swait.ge [sflag:s19], $0x5000  }
0xff: {  	[sflag:s19] =	ssyncset.done $0x0  }
0x100: {  	[sflag:s19] =	ssyncadd.s32 $0xFFFFB000  }
0x101: {  	s13 =	simm.s32 $0x0;
	[bflag:$0x0] =	sbarrier.arrive $0xFFFF  }
.LBB2_14:
0x102: {  	s9 =	smul.u32 $0x30, s13;
	_ =	sdelay $0x1  }
0x103: {  	s14 =	sadd.s32 s8, s9  }
0x104: {  	s9 =	sshll.u32 s14, $0x6  }
0x105: {  	s9 =	sand.u32 $0x3FFFFFC0, s9  }
0x106: {  	s9 =	sadd.s32 s9, s2  }
0x107: {  	[tilespmem:s18], [sflag:$0x3] =	stream.linear.gather [spmem:s9], $0xC00, $0x38;
	[tilespmem:$0x1FB00] =	vst v63  }
0x108: {  	_ =	swait.ge [sflag:s19], $0xC00  }
0x109: {  	[sflag:s19] =	ssyncset.done $0x0  }
0x10a: {  	s15 =	simm.s32 $0x0;
	[sflag:s19] =	ssyncadd.s32 $0xFFFFF400  }
0x10b: {  	v1 =	vld [tilespmem:s15+$0x14300];
	_ =	sdelay $0x3  }
0x10c: {  	s10 =	simm.s32 $0x1E320  }
0x10d: {  	[tilespmem:s10+$0xFFFFFFE0] =	vst v1  }
0x10e: {  	v1 =	vld [tilespmem:s15+$0x14310];
	_ =	sdelay $0x4  }
0x10f: {  	[tilespmem:s10+$0xFFFFFFF0] =	vst v1  }
0x110: {  	v1 =	vld [tilespmem:s15+$0x14320];
	_ =	sdelay $0x4  }
0x111: {  	[tilespmem:s10+$0x0] =	vst v1  }
0x112: {  	v1 =	vld [tilespmem:s15+$0x14330];
	_ =	sdelay $0x4  }
0x113: {  	s11 =	simm.s32 $0x200;
	s9 =	simm.s32 $0x40;
	[tilespmem:s10+$0x10] =	vst v1  }
.LBB2_15:
0x114: {  	p1 =	sne.s32 s11, $0x2F00;
	v1 =	vld [tilespmem:s9+$0x14300];
	_ =	sdelay $0x3  }
0x115: {  	s10 =	sadd.s32 $0x80, s10  }
0x116: {  	[tilespmem:s10+$0xFFFFFFE0] =	vst v1  }
0x117: {  	v1 =	vld [tilespmem:s9+$0x14310];
	_ =	sdelay $0x4  }
0x118: {  	[tilespmem:s10+$0xFFFFFFF0] =	vst v1  }
0x119: {  	v1 =	vld [tilespmem:s9+$0x14320];
	_ =	sdelay $0x4  }
0x11a: {  	[tilespmem:s10+$0x0] =	vst v1  }
0x11b: {  	v1 =	vld [tilespmem:s9+$0x14330]  }
.Ltmp8:
0x11c: {  	(pc) =	sbr.rel @p1 .LBB2_15-.Ltmp8, $2  }
0x11d: {  	_ =	sdelay $0x2  }
0x11e: {  	s9 =	sshra.s32 s11, $0x2;
	s11 =	sadd.s32 $0x100, s11;
	[tilespmem:s10+$0x10] =	vst v1  }
0x11f: {  	v1 =	vld [tilespmem:s9+$0x14300];
	_ =	sdelay $0x3  }
0x120: {  	s10 =	sadd.s32 $0x80, s10  }
0x121: {  	[tilespmem:s10+$0xFFFFFFE0] =	vst v1  }
0x122: {  	v1 =	vld [tilespmem:s9+$0x14310];
	_ =	sdelay $0x4  }
0x123: {  	[tilespmem:s10+$0xFFFFFFF0] =	vst v1  }
0x124: {  	v1 =	vld [tilespmem:s9+$0x14320];
	_ =	sdelay $0x4  }
0x125: {  	[tilespmem:s10+$0x0] =	vst v1  }
0x126: {  	v1 =	vld [tilespmem:s9+$0x14330];
	_ =	sdelay $0x1  }
0x127: {  	s15 =	sshll.u32 s14, $0x7  }
0x128: {  	s13 =	sadd.s32 $0x1, s13;
	s9 =	sadd.s32 s7, s15  }
0x129: {  	p1 =	sne.s32 s13, $0xD;
	s9 =	sshrl.u32 s9, $0x3  }
.Ltmp9:
0x12a: {  	s9 =	sadd.s32 s6, s9;
	[tilespmem:s10+$0x10] =	vst v1;
	(pc) =	sbr.rel @p1 .LBB2_14-.Ltmp9, $4  }
0x12b: {  	[hbm4b:s9+s4] =	stream.linear.scatter [tilespmem:s20], [sflag:$0x3], $0x1800, $0x38;
	[tilespmem:$0x1FB00] =	vst v63  }
0x12c: {  	_ =	swait.ge [sflag:s19], $0x1800  }
0x12d: {  	[sflag:s19] =	ssyncset.done $0x0  }
0x12e: {  	[sflag:s19] =	ssyncadd.s32 $0xFFFFE800  }
.Ltmp10:
0x12f: {  	(pc) =	sbr.rel @p0 .LBB2_21-.Ltmp10, $1  }
0x130: {  	_ =	sdelay $0x3  }
0x131: {  	s9 =	rddreg [dreg:$0x6]  }
0x132: {  	[tilespmem:s18], [sflag:$0x3] =	stream.linear.gather [spmem:s9], $0x400, $0x38;
	[tilespmem:$0x1FB00] =	vst v63  }
0x133: {  	_ =	swait.ge [sflag:s19], $0x400  }
0x134: {  	[sflag:s19] =	ssyncset.done $0x0  }
0x135: {  	s15 =	simm.s32 $0x0;
	[sflag:s19] =	ssyncadd.s32 $0xFFFFFC00  }
0x136: {  	v1 =	vld [tilespmem:s15+$0x14300];
	_ =	sdelay $0x3  }
0x137: {  	s10 =	simm.s32 $0x1E320  }
0x138: {  	[tilespmem:s10+$0xFFFFFFE0] =	vst v1  }
0x139: {  	v1 =	vld [tilespmem:s15+$0x14310];
	_ =	sdelay $0x4  }
0x13a: {  	[tilespmem:s10+$0xFFFFFFF0] =	vst v1  }
0x13b: {  	v1 =	vld [tilespmem:s15+$0x14320];
	_ =	sdelay $0x4  }
0x13c: {  	[tilespmem:s10+$0x0] =	vst v1  }
0x13d: {  	v1 =	vld [tilespmem:s15+$0x14330];
	_ =	sdelay $0x4  }
0x13e: {  	s11 =	simm.s32 $0x200;
	s9 =	simm.s32 $0x40;
	[tilespmem:s10+$0x10] =	vst v1  }
.LBB2_19:
0x13f: {  	p1 =	sne.s32 s11, $0xF00;
	v1 =	vld [tilespmem:s9+$0x14300];
	_ =	sdelay $0x3  }
0x140: {  	s10 =	sadd.s32 $0x80, s10  }
0x141: {  	[tilespmem:s10+$0xFFFFFFE0] =	vst v1  }
0x142: {  	v1 =	vld [tilespmem:s9+$0x14310];
	_ =	sdelay $0x4  }
0x143: {  	[tilespmem:s10+$0xFFFFFFF0] =	vst v1  }
0x144: {  	v1 =	vld [tilespmem:s9+$0x14320];
	_ =	sdelay $0x4  }
0x145: {  	[tilespmem:s10+$0x0] =	vst v1  }
0x146: {  	v1 =	vld [tilespmem:s9+$0x14330]  }
.Ltmp11:
0x147: {  	(pc) =	sbr.rel @p1 .LBB2_19-.Ltmp11, $2  }
0x148: {  	_ =	sdelay $0x2  }
0x149: {  	s9 =	sshra.s32 s11, $0x2;
	s11 =	sadd.s32 $0x100, s11;
	[tilespmem:s10+$0x10] =	vst v1  }
0x14a: {  	v1 =	vld [tilespmem:s9+$0x14300];
	_ =	sdelay $0x3  }
0x14b: {  	s10 =	sadd.s32 $0x80, s10  }
0x14c: {  	[tilespmem:s10+$0xFFFFFFE0] =	vst v1  }
0x14d: {  	v1 =	vld [tilespmem:s9+$0x14310];
	_ =	sdelay $0x4  }
0x14e: {  	[tilespmem:s10+$0xFFFFFFF0] =	vst v1  }
0x14f: {  	v1 =	vld [tilespmem:s9+$0x14320];
	_ =	sdelay $0x4  }
0x150: {  	[tilespmem:s10+$0x0] =	vst v1  }
0x151: {  	v1 =	vld [tilespmem:s9+$0x14330];
	_ =	sdelay $0x4  }
.Ltmp12:
0x152: {  	s15 =	rddreg [dreg:$0x9];
	[tilespmem:s10+$0x10] =	vst v1;
	(pc) =	sbr.rel .LBB2_21-.Ltmp12, $4  }
0x153: {  	[hbm4b:s15+s4] =	stream.linear.scatter [tilespmem:s20], [sflag:$0x3], $0x800, $0x38;
	[tilespmem:$0x1FB00] =	vst v63  }
0x154: {  	_ =	swait.ge [sflag:s19], $0x800  }
0x155: {  	[sflag:s19] =	ssyncset.done $0x0  }
0x156: {  	[sflag:s19] =	ssyncadd.s32 $0xFFFFF800  }
.LBB2_22:
0x157: {  	_ =	sfence.sel $0x180000  }
0x158: {  	[bflag:$0x0] =	sbarrier.arrive $0xFFFF  }
0x159: {  	_ =	strace $0x90000050  }
0x15a: {  	s0 =	stileid.u32;
	[bflag:$0x2] =	sbarrier.arrive $0xFFFF  }
0x15b: {  	p0 =	sne.s32 s0, $0x0;
	s0 =	rddreg [dreg:$0x3]  }
0x15c: {  	s0 =	sadd.s32 @!p0 $0x100000, s0  }
0x15d: {  	[sflag:s0] =	ssyncadd.tile.s32 @!p0 $0x1;
	_ =	shalt  }
.Lfunc_end2:
_tile_overlayer_lowered:
.L_overlay_start_2:
0x15e: {  	(tag) =	ssettag $0x2  }
0x15f: {  	s0 =	rddreg [dreg:$0x0];
	s2 =	stileid.u32  }
0x160: {  	s1 =	rddreg [dreg:$0x1];
	p0 =	sne.s32 s2, $0x0  }
0x161: {  	s3 =	rddreg [dreg:$0x2];
	[bflag:$0x3] =	sbarrier.arrive $0xFFFF;
	s2 =	simm.s32 @!p0 $0x1C03  }
0x162: {  	[timem:s3], [sflag:s2] =	dma.local @!p0 [hbm:s0], s1  }
0x163: {  	s0 =	simm.s32 @!p0 $0x3  }
0x164: {  	_ =	swait.ge @!p0 [sflag:s0], s1  }
0x165: {  	s1 =	ssub.s32 @!p0 $0x0, s1;
	[sflag:s0] =	ssyncset.done @!p0 $0x0  }
0x166: {  	[sflag:s0] =	ssyncadd.s32 @!p0 s1  }
0x167: {  	[bflag:$0x3] =	sbarrier.arrive $0xFFFF  }
0x168: {  	_ =	shalt  }

</sc_bundles>
